<compile_context>
chip_gen: v7x
topology: tpu7x:2x2x1
jax: 0.10.2.dev20260603
libtpu: 0.0.44.dev20260713+nightly
codegen_flags: <defaults>
</compile_context>

<pallas_src>
import functools

import jax
import jax.numpy as jnp
from jax import lax
from jax.experimental import pallas as pl
from jax.experimental.pallas import tpu as pltpu
from jax.experimental.pallas import tpu_sc as plsc

N = 10000
NPAD = 10240
E = 320000
D = 128
L = 100000
LPAD = 100352
NW = 32
EPW = E // NW
NPW = NPAD // NW
LPW = LPAD // NW
LANES = 16

f32 = jnp.float32
i32 = jnp.int32


_PREC = jax.lax.Precision.HIGHEST
_DN = (((1,), (1,)), ((), ()))


def _dense8_body(xd, xp, wldp, wlpd, wrdp, wrpd, wlin, bdp, bpd, blin, t8):
    w1 = wlin[0:D, 0]
    w2 = wlin[D:2 * D, 0]
    v_dp = jnp.sum(wldp[...] * w2[None, :], axis=1)
    v_pd = jnp.sum(wlpd[...] * w1[None, :], axis=1)
    u_pd = jnp.sum(wrpd[...] * w1[None, :], axis=1)
    u_dp = jnp.sum(wrdp[...] * w2[None, :], axis=1)
    z1 = jnp.zeros((1, D), f32)
    z4 = jnp.zeros((4, D), f32)
    a = jnp.concatenate([v_dp[None, :], z1, u_pd[None, :], z1, z4], axis=0)
    b = jnp.concatenate([z1, v_pd[None, :], z1, u_dp[None, :], z4], axis=0)
    r = (lax.dot_general(a, xd[...], _DN, precision=_PREC)
         + lax.dot_general(b, xp[...], _DN, precision=_PREC))
    c_drug = jnp.sum(bpd[...] * w1) + jnp.sum(blin[...])
    c_prot = jnp.sum(bdp[...] * w2)
    rowid = lax.broadcasted_iota(i32, (8, 1), 0)
    bias = (jnp.where(rowid == 2, c_drug, 0.0)
            + jnp.where(rowid == 3, c_prot, 0.0))
    t8[...] = r + bias


_dense8 = pl.pallas_call(
    _dense8_body,
    out_shape=jax.ShapeDtypeStruct((8, N), f32),
)


_MESH = plsc.VectorSubcoreMesh(core_axis_name="c", subcore_axis_name="s",
                               num_cores=2, num_subcores=16)
_SC_PARAMS = pltpu.CompilerParams(needs_layout_passes=False,
                                  use_tc_tiling_on_sc=False)


def _wid():
    return lax.axis_index("s") * 2 + lax.axis_index("c")


@functools.partial(
    pl.kernel,
    out_type=[jax.ShapeDtypeStruct((NW, NPAD), f32)] * 4,
    mesh=_MESH,
    compiler_params=_SC_PARAMS,
    scratch_types=[
        pltpu.VMEM((EPW,), i32),
        pltpu.VMEM((EPW,), i32),
        pltpu.VMEM((EPW,), i32),
        pltpu.VMEM((EPW,), i32),
        pltpu.VMEM((N,), f32),
        pltpu.VMEM((N,), f32),
        pltpu.VMEM((NPAD,), f32),
        pltpu.VMEM((NPAD,), f32),
        pltpu.VMEM((NPAD,), f32),
        pltpu.VMEM((NPAD,), f32),
        pltpu.SemaphoreType.DMA,
    ],
)
def _segsum(ei_dp, ei_pd, t8,
            acc_dp_o, cnt_dp_o, acc_pd_o, cnt_pd_o,
            src1_v, dst1_v, src2_v, dst2_v, t1_v, t2_v,
            acc1_v, cnt1_v, acc2_v, cnt2_v, sem):
    w = _wid()
    eb = pl.ds(w * EPW, EPW)
    zeros = jnp.zeros((LANES,), f32)
    ones = jnp.full((LANES,), 1.0, f32)

    copies = [
        pltpu.async_copy(t8.at[0], t1_v, sem),
        pltpu.async_copy(t8.at[1], t2_v, sem),
        pltpu.async_copy(ei_dp.at[0, eb], src1_v, sem),
        pltpu.async_copy(ei_dp.at[1, eb], dst1_v, sem),
        pltpu.async_copy(ei_pd.at[0, eb], src2_v, sem),
        pltpu.async_copy(ei_pd.at[1, eb], dst2_v, sem),
    ]

    def zero_body(i, _):
        sl = pl.ds(i * LANES, LANES)
        acc1_v[sl] = zeros
        cnt1_v[sl] = zeros
        acc2_v[sl] = zeros
        cnt2_v[sl] = zeros
        return 0
    lax.fori_loop(0, NPAD // LANES, zero_body, 0)
    for c in copies:
        c.wait()

    def relation(src_v, dst_v, t_v, acc_v, cnt_v):
        @plsc.parallel_loop(0, EPW // LANES, unroll=5)
        def _(i):
            sl = pl.ds(i * LANES, LANES)
            d16 = dst_v[sl]
            vals = plsc.load_gather(t_v, [src_v[sl]])
            plsc.addupdate_scatter(acc_v, [d16], vals)
            plsc.addupdate_scatter(cnt_v, [d16], ones)

    relation(src1_v, dst1_v, t1_v, acc1_v, cnt1_v)
    relation(src2_v, dst2_v, t2_v, acc2_v, cnt2_v)

    outs = [
        pltpu.async_copy(acc1_v, acc_dp_o.at[w], sem),
        pltpu.async_copy(cnt1_v, cnt_dp_o.at[w], sem),
        pltpu.async_copy(acc2_v, acc_pd_o.at[w], sem),
        pltpu.async_copy(cnt2_v, cnt_pd_o.at[w], sem),
    ]
    for c in outs:
        c.wait()


@functools.partial(
    pl.kernel,
    out_type=[jax.ShapeDtypeStruct((NPAD,), f32)] * 2,
    mesh=_MESH,
    compiler_params=_SC_PARAMS,
    scratch_types=[
        pltpu.VMEM((NW, NPW), f32),
        pltpu.VMEM((NW, NPW), f32),
        pltpu.VMEM((NW, NPW), f32),
        pltpu.VMEM((NW, NPW), f32),
        pltpu.VMEM((NPW,), f32),
        pltpu.VMEM((NPW,), f32),
        pltpu.VMEM((NPW,), f32),
        pltpu.VMEM((NPW,), f32),
        pltpu.SemaphoreType.DMA,
    ],
)
def _finalize(acc_dp, cnt_dp, acc_pd, cnt_pd, t8,
              s_prot_o, s_drug_o,
              acc1_v, cnt1_v, acc2_v, cnt2_v, self1_v, self2_v,
              out1_v, out2_v, sem):
    w = _wid()
    nb = w * NPW
    nsl = pl.ds(nb, NPW)
    zeros = jnp.zeros((LANES,), f32)

    copies = [
        pltpu.async_copy(acc_dp.at[:, nsl], acc1_v, sem),
        pltpu.async_copy(cnt_dp.at[:, nsl], cnt1_v, sem),
        pltpu.async_copy(acc_pd.at[:, nsl], acc2_v, sem),
        pltpu.async_copy(cnt_pd.at[:, nsl], cnt2_v, sem),
        pltpu.async_copy(t8.at[3, nsl], self1_v, sem),
        pltpu.async_copy(t8.at[2, nsl], self2_v, sem),
    ]
    for c in copies:
        c.wait()

    def side(acc_v, cnt_v, self_v, out_v):
        @plsc.parallel_loop(0, NPW // LANES, unroll=4)
        def _(c):
            sl = pl.ds(c * LANES, LANES)
            sv = zeros
            cv = zeros
            for r in range(NW):
                sv = sv + acc_v[r, sl]
                cv = cv + cnt_v[r, sl]
            out_v[sl] = sv / jnp.maximum(cv, 1.0) + self_v[sl]

    side(acc1_v, cnt1_v, self1_v, out1_v)
    side(acc2_v, cnt2_v, self2_v, out2_v)
    o1 = pltpu.async_copy(out1_v, s_prot_o.at[nsl], sem)
    o2 = pltpu.async_copy(out2_v, s_drug_o.at[nsl], sem)
    o1.wait()
    o2.wait()


LTAIL = L - 31 * LPW


@functools.partial(
    pl.kernel,
    out_type=jax.ShapeDtypeStruct((L,), f32),
    mesh=_MESH,
    compiler_params=_SC_PARAMS,
    scratch_types=[
        pltpu.VMEM((NPAD,), f32),
        pltpu.VMEM((NPAD,), f32),
        pltpu.VMEM((LPW,), i32),
        pltpu.VMEM((LPW,), i32),
        pltpu.VMEM((LPW,), f32),
        pltpu.SemaphoreType.DMA,
    ],
)
def _edge_gather(s_drug, s_prot, eli, out_o,
                 sd_v, sp_v, e0_v, e1_v, o_v, sem):
    w = _wid()
    lb = w * LPW

    def run(n):
        copies = [
            pltpu.async_copy(s_drug, sd_v, sem),
            pltpu.async_copy(s_prot, sp_v, sem),
            pltpu.async_copy(eli.at[0, pl.ds(lb, n)], e0_v.at[pl.ds(0, n)], sem),
            pltpu.async_copy(eli.at[1, pl.ds(lb, n)], e1_v.at[pl.ds(0, n)], sem),
        ]
        for c in copies:
            c.wait()

        @plsc.parallel_loop(0, n // LANES, unroll=2)
        def _(i):
            sl = pl.ds(i * LANES, LANES)
            o_v[sl] = (plsc.load_gather(sd_v, [e0_v[sl]])
                       + plsc.load_gather(sp_v, [e1_v[sl]]))
        pltpu.sync_copy(o_v.at[pl.ds(0, n)], out_o.at[pl.ds(lb, n)])

    @pl.when(w < NW - 1)
    def _():
        run(LPW)

    @pl.when(w == NW - 1)
    def _():
        run(LTAIL)


def kernel(x_drug, x_prot, edge_index_dp, edge_index_pd, edge_label_index,
           Wl_dp, Wr_dp, b_dp, Wl_pd, Wr_pd, b_pd, W_lin, b_lin):
    t8 = _dense8(x_drug, x_prot, Wl_dp, Wl_pd, Wr_dp, Wr_pd, W_lin,
                 b_dp, b_pd, b_lin)

    acc_dp, cnt_dp, acc_pd, cnt_pd = _segsum(
        edge_index_dp.astype(i32), edge_index_pd.astype(i32), t8)
    s_prot, s_drug = _finalize(acc_dp, cnt_dp, acc_pd, cnt_pd, t8)
    out = _edge_gather(s_drug, s_prot, edge_label_index.astype(i32))
    return out[:, None]

# --- scband reference (transcript-rebuilt; emitter-appended) ---
"""Pipeline reference for scband-hetero-gnn-33303176413369 (READ-ONLY COPY).

The authoritative reference and input builder live on the scoring server;
editing this copy changes nothing except your own understanding.
"""

import jax, jax.numpy as jnp
import numpy as np

N_DRUG = 10000
N_PROT = 10000
E = 320000
D = 128
H = 128
OUT = 1
L = 100000

def setup_inputs(seed: int = 0):
    key = jax.random.key(seed)
    ks = jax.random.split(key, 12)
    return {
        "x_drug": jax.random.normal(ks[0], (N_DRUG, D), jnp.float32),
        "x_prot": jax.random.normal(ks[1], (N_PROT, D), jnp.float32),
        "edge_index_dp": jax.random.randint(ks[2], (2, E), 0, N_PROT),
        "edge_index_pd": jax.random.randint(ks[3], (2, E), 0, N_DRUG),
        "edge_label_index": jax.random.randint(ks[4], (2, L), 0, N_DRUG),
        "Wl_dp": jax.random.normal(ks[5], (D, H), jnp.float32) * 0.05,
        "Wr_dp": jax.random.normal(ks[6], (D, H), jnp.float32) * 0.05,
        "b_dp": jnp.zeros((H,), jnp.float32),
        "Wl_pd": jax.random.normal(ks[7], (D, H), jnp.float32) * 0.05,
        "Wr_pd": jax.random.normal(ks[8], (D, H), jnp.float32) * 0.05,
        "b_pd": jnp.zeros((H,), jnp.float32),
        "W_lin": jax.random.normal(ks[9], (2 * H, OUT), jnp.float32) * 0.05,
        "b_lin": jnp.zeros((OUT,), jnp.float32),
    }

def _sage(x_src, x_dst, ei, Wl, Wr, b, n_dst):
    # PyG SAGEConv with mean aggregation: lin_l(mean_neighbors) + lin_r(x_dst)
    src = ei[0]
    dst = ei[1]
    msg = x_src[src]
    s = jax.ops.segment_sum(msg, dst, num_segments=n_dst)
    cnt = jax.ops.segment_sum(jnp.ones((ei.shape[1],), jnp.float32), dst, num_segments=n_dst)
    mean = s / jnp.clip(cnt, 1.0)[:, None]
    return mean @ Wl + x_dst @ Wr + b

def reference(x_drug, x_prot, edge_index_dp, edge_index_pd, edge_label_index, Wl_dp, Wr_dp, b_dp, Wl_pd, Wr_pd, b_pd, W_lin, b_lin):
    # HeteroConv: each node type receives messages from exactly one relation,
    # so aggr='mean' across relations is identity.
    h_prot = _sage(x_drug, x_prot, edge_index_dp, Wl_dp, Wr_dp, b_dp, N_PROT)
    h_drug = _sage(x_prot, x_drug, edge_index_pd, Wl_pd, Wr_pd, b_pd, N_DRUG)
    drug_emb = h_drug[edge_label_index[0]]
    prot_emb = h_prot[edge_label_index[1]]
    edge_emb = jnp.concatenate([drug_emb, prot_emb], axis=1)
    return edge_emb @ W_lin + b_lin

if __name__ == "__main__":
    import jax
    _d = setup_inputs()
    print(jax.jit(kernel)(*tuple(_d.values())))

</pallas_src>

<mosaic_0001>
#map = affine_map<(d0, d1) -> (0)>
#map1 = affine_map<(d0, d1) -> (0, 0)>
module attributes {stable_mosaic.version = 14 : i64} {
  func.func @_edge_gather(%arg0: i32, %arg1: i32, %arg2: memref<10240xf32, #tpu.memory_space<hbm>>, %arg3: memref<10240xf32, #tpu.memory_space<hbm>>, %arg4: memref<2x100000xi32, #tpu.memory_space<hbm>>, %arg5: memref<100000xf32, #tpu.memory_space<hbm>>, %arg6: memref<10240xf32, #tpu.memory_space<vmem>>, %arg7: memref<10240xf32, #tpu.memory_space<vmem>>, %arg8: memref<3136xi32, #tpu.memory_space<vmem>>, %arg9: memref<3136xi32, #tpu.memory_space<vmem>>, %arg10: memref<3136xf32, #tpu.memory_space<vmem>>, %arg11: memref<!tpu.dma_semaphore, #tpu.memory_space<semaphore_mem>>) attributes {dimension_semantics = [#tpu.dimension_semantics<core_parallel>, #tpu.dimension_semantics<subcore_parallel>], iteration_bounds = array<i64: 2, 16>, scalar_prefetch = 0 : i64, scratch_operands = 6 : i64, tpu.core_type = #tpu.core_type<sc_vector_subcore>, window_params = [{transform_indices = #map}, {transform_indices = #map}, {transform_indices = #map1}, {transform_indices = #map}]} {
    %mul3A = arith.constant 2 : i32
    %mul3A_0 = arith.muli %arg1, %mul3A : i32
    %add3A = arith.addi %mul3A_0, %arg0 : i32
    %mul3A_1 = arith.constant 3136 : i32
    %mul3A_2 = arith.muli %add3A, %mul3A_1 : i32
    %lt3A = arith.constant 31 : i32
    %lt3A_3 = arith.cmpi slt, %add3A, %lt3A : i32
    %convert_element_type3A = arith.extui %lt3A_3 : i1 to i32
    %cond3A = arith.constant 0 : i32
    %cond3A_4 = arith.cmpi ne, %convert_element_type3A, %cond3A : i32
    scf.if %cond3A_4 {
      tpu.enqueue_dma source(%arg2 : memref<10240xf32, #tpu.memory_space<hbm>>) target(%arg6 : memref<10240xf32, #tpu.memory_space<vmem>>) target_semaphore(%arg11 : memref<!tpu.dma_semaphore, #tpu.memory_space<semaphore_mem>>)
      tpu.enqueue_dma source(%arg3 : memref<10240xf32, #tpu.memory_space<hbm>>) target(%arg7 : memref<10240xf32, #tpu.memory_space<vmem>>) target_semaphore(%arg11 : memref<!tpu.dma_semaphore, #tpu.memory_space<semaphore_mem>>)
      %dma_start3A = arith.constant 0 : i32
      %dma_start3A_9 = arith.constant 0 : i32
      %dma_start3A_10 = tpu.memref_slice %arg8[%dma_start3A_9] : memref<3136xi32, #tpu.memory_space<vmem>> -> memref<3136xi32, #tpu.memory_space<vmem>>
      %dma_start3A_11 = tpu.memref_slice %arg4[%dma_start3A, %mul3A_2] : memref<2x100000xi32, #tpu.memory_space<hbm>> -> memref<1x3136xi32, #tpu.memory_space<hbm>>
      %dma_start3A_12 = tpu.memref_squeeze %dma_start3A_11 : memref<1x3136xi32, #tpu.memory_space<hbm>> -> memref<3136xi32, #tpu.memory_space<hbm>>
      %dma_start3A_13 = arith.constant 0 : i32
      %dma_start3A_14 = tpu.memref_slice %arg8[%dma_start3A_13] : memref<3136xi32, #tpu.memory_space<vmem>> -> memref<3136xi32, #tpu.memory_space<vmem>>
      %dma_start3A_15 = tpu.memref_slice %arg4[%dma_start3A, %mul3A_2] : memref<2x100000xi32, #tpu.memory_space<hbm>> -> memref<1x3136xi32, #tpu.memory_space<hbm>>
      %dma_start3A_16 = tpu.memref_squeeze %dma_start3A_15 : memref<1x3136xi32, #tpu.memory_space<hbm>> -> memref<3136xi32, #tpu.memory_space<hbm>>
      tpu.enqueue_dma source(%dma_start3A_16 : memref<3136xi32, #tpu.memory_space<hbm>>) target(%dma_start3A_14 : memref<3136xi32, #tpu.memory_space<vmem>>) target_semaphore(%arg11 : memref<!tpu.dma_semaphore, #tpu.memory_space<semaphore_mem>>)
      %dma_start3A_17 = arith.constant 1 : i32
      %dma_start3A_18 = arith.constant 0 : i32
      %dma_start3A_19 = tpu.memref_slice %arg9[%dma_start3A_18] : memref<3136xi32, #tpu.memory_space<vmem>> -> memref<3136xi32, #tpu.memory_space<vmem>>
      %dma_start3A_20 = tpu.memref_slice %arg4[%dma_start3A_17, %mul3A_2] : memref<2x100000xi32, #tpu.memory_space<hbm>> -> memref<1x3136xi32, #tpu.memory_space<hbm>>
      %dma_start3A_21 = tpu.memref_squeeze %dma_start3A_20 : memref<1x3136xi32, #tpu.memory_space<hbm>> -> memref<3136xi32, #tpu.memory_space<hbm>>
      %dma_start3A_22 = arith.constant 0 : i32
      %dma_start3A_23 = tpu.memref_slice %arg9[%dma_start3A_22] : memref<3136xi32, #tpu.memory_space<vmem>> -> memref<3136xi32, #tpu.memory_space<vmem>>
      %dma_start3A_24 = tpu.memref_slice %arg4[%dma_start3A_17, %mul3A_2] : memref<2x100000xi32, #tpu.memory_space<hbm>> -> memref<1x3136xi32, #tpu.memory_space<hbm>>
      %dma_start3A_25 = tpu.memref_squeeze %dma_start3A_24 : memref<1x3136xi32, #tpu.memory_space<hbm>> -> memref<3136xi32, #tpu.memory_space<hbm>>
      tpu.enqueue_dma source(%dma_start3A_25 : memref<3136xi32, #tpu.memory_space<hbm>>) target(%dma_start3A_23 : memref<3136xi32, #tpu.memory_space<vmem>>) target_semaphore(%arg11 : memref<!tpu.dma_semaphore, #tpu.memory_space<semaphore_mem>>)
      tpu.wait_dma2 semaphore(%arg11 : memref<!tpu.dma_semaphore, #tpu.memory_space<semaphore_mem>>) src(%arg2 : memref<10240xf32, #tpu.memory_space<hbm>>) dst(%arg6 : memref<10240xf32, #tpu.memory_space<vmem>>)
      tpu.wait_dma2 semaphore(%arg11 : memref<!tpu.dma_semaphore, #tpu.memory_space<semaphore_mem>>) src(%arg3 : memref<10240xf32, #tpu.memory_space<hbm>>) dst(%arg7 : memref<10240xf32, #tpu.memory_space<vmem>>)
      %dma_wait3A = arith.constant 0 : i32
      %dma_wait3A_26 = arith.constant 0 : i32
      %dma_wait3A_27 = tpu.memref_slice %arg8[%dma_wait3A_26] : memref<3136xi32, #tpu.memory_space<vmem>> -> memref<3136xi32, #tpu.memory_space<vmem>>
      %dma_wait3A_28 = tpu.memref_slice %arg4[%dma_wait3A, %mul3A_2] : memref<2x100000xi32, #tpu.memory_space<hbm>> -> memref<1x3136xi32, #tpu.memory_space<hbm>>
      %dma_wait3A_29 = tpu.memref_squeeze %dma_wait3A_28 : memref<1x3136xi32, #tpu.memory_space<hbm>> -> memref<3136xi32, #tpu.memory_space<hbm>>
      %dma_wait3A_30 = arith.constant 0 : i32
      %dma_wait3A_31 = tpu.memref_slice %arg8[%dma_wait3A_30] : memref<3136xi32, #tpu.memory_space<vmem>> -> memref<3136xi32, #tpu.memory_space<vmem>>
      %dma_wait3A_32 = tpu.memref_slice %arg4[%dma_wait3A, %mul3A_2] : memref<2x100000xi32, #tpu.memory_space<hbm>> -> memref<1x3136xi32, #tpu.memory_space<hbm>>
      %dma_wait3A_33 = tpu.memref_squeeze %dma_wait3A_32 : memref<1x3136xi32, #tpu.memory_space<hbm>> -> memref<3136xi32, #tpu.memory_space<hbm>>
      tpu.wait_dma2 semaphore(%arg11 : memref<!tpu.dma_semaphore, #tpu.memory_space<semaphore_mem>>) src(%dma_wait3A_33 : memref<3136xi32, #tpu.memory_space<hbm>>) dst(%dma_wait3A_31 : memref<3136xi32, #tpu.memory_space<vmem>>)
      %dma_wait3A_34 = arith.constant 1 : i32
      %dma_wait3A_35 = arith.constant 0 : i32
      %dma_wait3A_36 = tpu.memref_slice %arg9[%dma_wait3A_35] : memref<3136xi32, #tpu.memory_space<vmem>> -> memref<3136xi32, #tpu.memory_space<vmem>>
      %dma_wait3A_37 = tpu.memref_slice %arg4[%dma_wait3A_34, %mul3A_2] : memref<2x100000xi32, #tpu.memory_space<hbm>> -> memref<1x3136xi32, #tpu.memory_space<hbm>>
      %dma_wait3A_38 = tpu.memref_squeeze %dma_wait3A_37 : memref<1x3136xi32, #tpu.memory_space<hbm>> -> memref<3136xi32, #tpu.memory_space<hbm>>
      %dma_wait3A_39 = arith.constant 0 : i32
      %dma_wait3A_40 = tpu.memref_slice %arg9[%dma_wait3A_39] : memref<3136xi32, #tpu.memory_space<vmem>> -> memref<3136xi32, #tpu.memory_space<vmem>>
      %dma_wait3A_41 = tpu.memref_slice %arg4[%dma_wait3A_34, %mul3A_2] : memref<2x100000xi32, #tpu.memory_space<hbm>> -> memref<1x3136xi32, #tpu.memory_space<hbm>>
      %dma_wait3A_42 = tpu.memref_squeeze %dma_wait3A_41 : memref<1x3136xi32, #tpu.memory_space<hbm>> -> memref<3136xi32, #tpu.memory_space<hbm>>
      tpu.wait_dma2 semaphore(%arg11 : memref<!tpu.dma_semaphore, #tpu.memory_space<semaphore_mem>>) src(%dma_wait3A_42 : memref<3136xi32, #tpu.memory_space<hbm>>) dst(%dma_wait3A_40 : memref<3136xi32, #tpu.memory_space<vmem>>)
      %parallel_loop3A = arith.constant 0 : i32
      %parallel_loop3A_43 = arith.constant 196 : i32
      %parallel_loop3A_44 = arith.constant 1 : i32
      scf.for %parallel_loop3A_45 = %parallel_loop3A to %parallel_loop3A_43 step %parallel_loop3A_44  : i32 {
        %parallel_loop3A_46 = arith.constant 16 : i32
        %parallel_loop3A_47 = arith.muli %parallel_loop3A_45, %parallel_loop3A_46 : i32
        %parallel_loop3A_48 = arith.index_cast %parallel_loop3A_47 : i32 to index
        %parallel_loop3A_49 = tpu.vector_load %arg8[%parallel_loop3A_48] {strides = array<i32>} : memref<3136xi32, #tpu.memory_space<vmem>>, vector<16xi32>,
        %parallel_loop3A_50 = tpu.vector_load_idx %arg6[%parallel_loop3A_49] : memref<10240xf32, #tpu.memory_space<vmem>>[vector<16xi32>], vector<16xf32>,
        %parallel_loop3A_51 = arith.index_cast %parallel_loop3A_47 : i32 to index
        %parallel_loop3A_52 = tpu.vector_load %arg9[%parallel_loop3A_51] {strides = array<i32>} : memref<3136xi32, #tpu.memory_space<vmem>>, vector<16xi32>,
        %parallel_loop3A_53 = tpu.vector_load_idx %arg7[%parallel_loop3A_52] : memref<10240xf32, #tpu.memory_space<vmem>>[vector<16xi32>], vector<16xf32>,
        %parallel_loop3A_54 = arith.addf %parallel_loop3A_50, %parallel_loop3A_53 : vector<16xf32>
        %parallel_loop3A_55 = arith.index_cast %parallel_loop3A_47 : i32 to index
        %parallel_loop3A_56 = tpu.vector_load %arg10[%parallel_loop3A_55] {strides = array<i32>} : memref<3136xf32, #tpu.memory_space<vmem>>, vector<16xf32>,
        tpu.vector_store %arg10[%parallel_loop3A_55], %parallel_loop3A_54 {strides = array<i32>} : memref<3136xf32, #tpu.memory_space<vmem>>, vector<16xf32>,
      } {sc.loop_unroll_factor = 2 : i64, sc.parallel_access}
      "tpu.region"() ({
        %run_scoped3A = tpu.sem_alloc : memref<!tpu.dma_semaphore, #tpu.memory_space<semaphore_mem>>
        %dma_start3A_45 = arith.constant 0 : i32
        %dma_start3A_46 = tpu.memref_slice %arg10[%dma_start3A_45] : memref<3136xf32, #tpu.memory_space<vmem>> -> memref<3136xf32, #tpu.memory_space<vmem>>
        %dma_start3A_47 = tpu.memref_slice %arg5[%mul3A_2] : memref<100000xf32, #tpu.memory_space<hbm>> -> memref<3136xf32, #tpu.memory_space<hbm>>
        %dma_start3A_48 = tpu.memref_slice %arg5[%mul3A_2] : memref<100000xf32, #tpu.memory_space<hbm>> -> memref<3136xf32, #tpu.memory_space<hbm>>
        %dma_start3A_49 = arith.constant 0 : i32
        %dma_start3A_50 = tpu.memref_slice %arg10[%dma_start3A_49] : memref<3136xf32, #tpu.memory_space<vmem>> -> memref<3136xf32, #tpu.memory_space<vmem>>
        tpu.enqueue_dma source(%dma_start3A_50 : memref<3136xf32, #tpu.memory_space<vmem>>) target(%dma_start3A_48 : memref<3136xf32, #tpu.memory_space<hbm>>) target_semaphore(%run_scoped3A : memref<!tpu.dma_semaphore, #tpu.memory_space<semaphore_mem>>)
        %dma_wait3A_51 = arith.constant 0 : i32
        %dma_wait3A_52 = tpu.memref_slice %arg10[%dma_wait3A_51] : memref<3136xf32, #tpu.memory_space<vmem>> -> memref<3136xf32, #tpu.memory_space<vmem>>
        %dma_wait3A_53 = tpu.memref_slice %arg5[%mul3A_2] : memref<100000xf32, #tpu.memory_space<hbm>> -> memref<3136xf32, #tpu.memory_space<hbm>>
        %dma_wait3A_54 = tpu.memref_slice %arg5[%mul3A_2] : memref<100000xf32, #tpu.memory_space<hbm>> -> memref<3136xf32, #tpu.memory_space<hbm>>
        %dma_wait3A_55 = arith.constant 0 : i32
        %dma_wait3A_56 = tpu.memref_slice %arg10[%dma_wait3A_55] : memref<3136xf32, #tpu.memory_space<vmem>> -> memref<3136xf32, #tpu.memory_space<vmem>>
        tpu.wait_dma2 semaphore(%run_scoped3A : memref<!tpu.dma_semaphore, #tpu.memory_space<semaphore_mem>>) src(%dma_wait3A_56 : memref<3136xf32, #tpu.memory_space<vmem>>) dst(%dma_wait3A_54 : memref<3136xf32, #tpu.memory_space<hbm>>)
        tpu.yield
      }) : () -> ()
    } else {
    }
    %eq3A = arith.constant 31 : i32
    %eq3A_5 = arith.cmpi eq, %add3A, %eq3A : i32
    %convert_element_type3A_6 = arith.extui %eq3A_5 : i1 to i32
    %cond3A_7 = arith.constant 0 : i32
    %cond3A_8 = arith.cmpi ne, %convert_element_type3A_6, %cond3A_7 : i32
    scf.if %cond3A_8 {
      tpu.enqueue_dma source(%arg2 : memref<10240xf32, #tpu.memory_space<hbm>>) target(%arg6 : memref<10240xf32, #tpu.memory_space<vmem>>) target_semaphore(%arg11 : memref<!tpu.dma_semaphore, #tpu.memory_space<semaphore_mem>>)
      tpu.enqueue_dma source(%arg3 : memref<10240xf32, #tpu.memory_space<hbm>>) target(%arg7 : memref<10240xf32, #tpu.memory_space<vmem>>) target_semaphore(%arg11 : memref<!tpu.dma_semaphore, #tpu.memory_space<semaphore_mem>>)
      %dma_start3A = arith.constant 0 : i32
      %dma_start3A_9 = arith.constant 0 : i32
      %dma_start3A_10 = tpu.memref_slice %arg8[%dma_start3A_9] : memref<3136xi32, #tpu.memory_space<vmem>> -> memref<2784xi32, #tpu.memory_space<vmem>>
      %dma_start3A_11 = tpu.memref_slice %arg4[%dma_start3A, %mul3A_2] : memref<2x100000xi32, #tpu.memory_space<hbm>> -> memref<1x2784xi32, #tpu.memory_space<hbm>>
      %dma_start3A_12 = tpu.memref_squeeze %dma_start3A_11 : memref<1x2784xi32, #tpu.memory_space<hbm>> -> memref<2784xi32, #tpu.memory_space<hbm>>
      %dma_start3A_13 = arith.constant 0 : i32
      %dma_start3A_14 = tpu.memref_slice %arg8[%dma_start3A_13] : memref<3136xi32, #tpu.memory_space<vmem>> -> memref<2784xi32, #tpu.memory_space<vmem>>
      %dma_start3A_15 = tpu.memref_slice %arg4[%dma_start3A, %mul3A_2] : memref<2x100000xi32, #tpu.memory_space<hbm>> -> memref<1x2784xi32, #tpu.memory_space<hbm>>
      %dma_start3A_16 = tpu.memref_squeeze %dma_start3A_15 : memref<1x2784xi32, #tpu.memory_space<hbm>> -> memref<2784xi32, #tpu.memory_space<hbm>>
      tpu.enqueue_dma source(%dma_start3A_16 : memref<2784xi32, #tpu.memory_space<hbm>>) target(%dma_start3A_14 : memref<2784xi32, #tpu.memory_space<vmem>>) target_semaphore(%arg11 : memref<!tpu.dma_semaphore, #tpu.memory_space<semaphore_mem>>)
      %dma_start3A_17 = arith.constant 1 : i32
      %dma_start3A_18 = arith.constant 0 : i32
      %dma_start3A_19 = tpu.memref_slice %arg9[%dma_start3A_18] : memref<3136xi32, #tpu.memory_space<vmem>> -> memref<2784xi32, #tpu.memory_space<vmem>>
      %dma_start3A_20 = tpu.memref_slice %arg4[%dma_start3A_17, %mul3A_2] : memref<2x100000xi32, #tpu.memory_space<hbm>> -> memref<1x2784xi32, #tpu.memory_space<hbm>>
      %dma_start3A_21 = tpu.memref_squeeze %dma_start3A_20 : memref<1x2784xi32, #tpu.memory_space<hbm>> -> memref<2784xi32, #tpu.memory_space<hbm>>
      %dma_start3A_22 = arith.constant 0 : i32
      %dma_start3A_23 = tpu.memref_slice %arg9[%dma_start3A_22] : memref<3136xi32, #tpu.memory_space<vmem>> -> memref<2784xi32, #tpu.memory_space<vmem>>
      %dma_start3A_24 = tpu.memref_slice %arg4[%dma_start3A_17, %mul3A_2] : memref<2x100000xi32, #tpu.memory_space<hbm>> -> memref<1x2784xi32, #tpu.memory_space<hbm>>
      %dma_start3A_25 = tpu.memref_squeeze %dma_start3A_24 : memref<1x2784xi32, #tpu.memory_space<hbm>> -> memref<2784xi32, #tpu.memory_space<hbm>>
      tpu.enqueue_dma source(%dma_start3A_25 : memref<2784xi32, #tpu.memory_space<hbm>>) target(%dma_start3A_23 : memref<2784xi32, #tpu.memory_space<vmem>>) target_semaphore(%arg11 : memref<!tpu.dma_semaphore, #tpu.memory_space<semaphore_mem>>)
      tpu.wait_dma2 semaphore(%arg11 : memref<!tpu.dma_semaphore, #tpu.memory_space<semaphore_mem>>) src(%arg2 : memref<10240xf32, #tpu.memory_space<hbm>>) dst(%arg6 : memref<10240xf32, #tpu.memory_space<vmem>>)
      tpu.wait_dma2 semaphore(%arg11 : memref<!tpu.dma_semaphore, #tpu.memory_space<semaphore_mem>>) src(%arg3 : memref<10240xf32, #tpu.memory_space<hbm>>) dst(%arg7 : memref<10240xf32, #tpu.memory_space<vmem>>)
      %dma_wait3A = arith.constant 0 : i32
      %dma_wait3A_26 = arith.constant 0 : i32
      %dma_wait3A_27 = tpu.memref_slice %arg8[%dma_wait3A_26] : memref<3136xi32, #tpu.memory_space<vmem>> -> memref<2784xi32, #tpu.memory_space<vmem>>
      %dma_wait3A_28 = tpu.memref_slice %arg4[%dma_wait3A, %mul3A_2] : memref<2x100000xi32, #tpu.memory_space<hbm>> -> memref<1x2784xi32, #tpu.memory_space<hbm>>
      %dma_wait3A_29 = tpu.memref_squeeze %dma_wait3A_28 : memref<1x2784xi32, #tpu.memory_space<hbm>> -> memref<2784xi32, #tpu.memory_space<hbm>>
      %dma_wait3A_30 = arith.constant 0 : i32
      %dma_wait3A_31 = tpu.memref_slice %arg8[%dma_wait3A_30] : memref<3136xi32, #tpu.memory_space<vmem>> -> memref<2784xi32, #tpu.memory_space<vmem>>
      %dma_wait3A_32 = tpu.memref_slice %arg4[%dma_wait3A, %mul3A_2] : memref<2x100000xi32, #tpu.memory_space<hbm>> -> memref<1x2784xi32, #tpu.memory_space<hbm>>
      %dma_wait3A_33 = tpu.memref_squeeze %dma_wait3A_32 : memref<1x2784xi32, #tpu.memory_space<hbm>> -> memref<2784xi32, #tpu.memory_space<hbm>>
      tpu.wait_dma2 semaphore(%arg11 : memref<!tpu.dma_semaphore, #tpu.memory_space<semaphore_mem>>) src(%dma_wait3A_33 : memref<2784xi32, #tpu.memory_space<hbm>>) dst(%dma_wait3A_31 : memref<2784xi32, #tpu.memory_space<vmem>>)
      %dma_wait3A_34 = arith.constant 1 : i32
      %dma_wait3A_35 = arith.constant 0 : i32
      %dma_wait3A_36 = tpu.memref_slice %arg9[%dma_wait3A_35] : memref<3136xi32, #tpu.memory_space<vmem>> -> memref<2784xi32, #tpu.memory_space<vmem>>
      %dma_wait3A_37 = tpu.memref_slice %arg4[%dma_wait3A_34, %mul3A_2] : memref<2x100000xi32, #tpu.memory_space<hbm>> -> memref<1x2784xi32, #tpu.memory_space<hbm>>
      %dma_wait3A_38 = tpu.memref_squeeze %dma_wait3A_37 : memref<1x2784xi32, #tpu.memory_space<hbm>> -> memref<2784xi32, #tpu.memory_space<hbm>>
      %dma_wait3A_39 = arith.constant 0 : i32
      %dma_wait3A_40 = tpu.memref_slice %arg9[%dma_wait3A_39] : memref<3136xi32, #tpu.memory_space<vmem>> -> memref<2784xi32, #tpu.memory_space<vmem>>
      %dma_wait3A_41 = tpu.memref_slice %arg4[%dma_wait3A_34, %mul3A_2] : memref<2x100000xi32, #tpu.memory_space<hbm>> -> memref<1x2784xi32, #tpu.memory_space<hbm>>
      %dma_wait3A_42 = tpu.memref_squeeze %dma_wait3A_41 : memref<1x2784xi32, #tpu.memory_space<hbm>> -> memref<2784xi32, #tpu.memory_space<hbm>>
      tpu.wait_dma2 semaphore(%arg11 : memref<!tpu.dma_semaphore, #tpu.memory_space<semaphore_mem>>) src(%dma_wait3A_42 : memref<2784xi32, #tpu.memory_space<hbm>>) dst(%dma_wait3A_40 : memref<2784xi32, #tpu.memory_space<vmem>>)
      %parallel_loop3A = arith.constant 0 : i32
      %parallel_loop3A_43 = arith.constant 174 : i32
      %parallel_loop3A_44 = arith.constant 1 : i32
      scf.for %parallel_loop3A_45 = %parallel_loop3A to %parallel_loop3A_43 step %parallel_loop3A_44  : i32 {
        %parallel_loop3A_46 = arith.constant 16 : i32
        %parallel_loop3A_47 = arith.muli %parallel_loop3A_45, %parallel_loop3A_46 : i32
        %parallel_loop3A_48 = arith.index_cast %parallel_loop3A_47 : i32 to index
        %parallel_loop3A_49 = tpu.vector_load %arg8[%parallel_loop3A_48] {strides = array<i32>} : memref<3136xi32, #tpu.memory_space<vmem>>, vector<16xi32>,
        %parallel_loop3A_50 = tpu.vector_load_idx %arg6[%parallel_loop3A_49] : memref<10240xf32, #tpu.memory_space<vmem>>[vector<16xi32>], vector<16xf32>,
        %parallel_loop3A_51 = arith.index_cast %parallel_loop3A_47 : i32 to index
        %parallel_loop3A_52 = tpu.vector_load %arg9[%parallel_loop3A_51] {strides = array<i32>} : memref<3136xi32, #tpu.memory_space<vmem>>, vector<16xi32>,
        %parallel_loop3A_53 = tpu.vector_load_idx %arg7[%parallel_loop3A_52] : memref<10240xf32, #tpu.memory_space<vmem>>[vector<16xi32>], vector<16xf32>,
        %parallel_loop3A_54 = arith.addf %parallel_loop3A_50, %parallel_loop3A_53 : vector<16xf32>
        %parallel_loop3A_55 = arith.index_cast %parallel_loop3A_47 : i32 to index
        %parallel_loop3A_56 = tpu.vector_load %arg10[%parallel_loop3A_55] {strides = array<i32>} : memref<3136xf32, #tpu.memory_space<vmem>>, vector<16xf32>,
        tpu.vector_store %arg10[%parallel_loop3A_55], %parallel_loop3A_54 {strides = array<i32>} : memref<3136xf32, #tpu.memory_space<vmem>>, vector<16xf32>,
      } {sc.loop_unroll_factor = 2 : i64, sc.parallel_access}
      "tpu.region"() ({
        %run_scoped3A = tpu.sem_alloc : memref<!tpu.dma_semaphore, #tpu.memory_space<semaphore_mem>>
        %dma_start3A_45 = arith.constant 0 : i32
        %dma_start3A_46 = tpu.memref_slice %arg10[%dma_start3A_45] : memref<3136xf32, #tpu.memory_space<vmem>> -> memref<2784xf32, #tpu.memory_space<vmem>>
        %dma_start3A_47 = tpu.memref_slice %arg5[%mul3A_2] : memref<100000xf32, #tpu.memory_space<hbm>> -> memref<2784xf32, #tpu.memory_space<hbm>>
        %dma_start3A_48 = tpu.memref_slice %arg5[%mul3A_2] : memref<100000xf32, #tpu.memory_space<hbm>> -> memref<2784xf32, #tpu.memory_space<hbm>>
        %dma_start3A_49 = arith.constant 0 : i32
        %dma_start3A_50 = tpu.memref_slice %arg10[%dma_start3A_49] : memref<3136xf32, #tpu.memory_space<vmem>> -> memref<2784xf32, #tpu.memory_space<vmem>>
        tpu.enqueue_dma source(%dma_start3A_50 : memref<2784xf32, #tpu.memory_space<vmem>>) target(%dma_start3A_48 : memref<2784xf32, #tpu.memory_space<hbm>>) target_semaphore(%run_scoped3A : memref<!tpu.dma_semaphore, #tpu.memory_space<semaphore_mem>>)
        %dma_wait3A_51 = arith.constant 0 : i32
        %dma_wait3A_52 = tpu.memref_slice %arg10[%dma_wait3A_51] : memref<3136xf32, #tpu.memory_space<vmem>> -> memref<2784xf32, #tpu.memory_space<vmem>>
        %dma_wait3A_53 = tpu.memref_slice %arg5[%mul3A_2] : memref<100000xf32, #tpu.memory_space<hbm>> -> memref<2784xf32, #tpu.memory_space<hbm>>
        %dma_wait3A_54 = tpu.memref_slice %arg5[%mul3A_2] : memref<100000xf32, #tpu.memory_space<hbm>> -> memref<2784xf32, #tpu.memory_space<hbm>>
        %dma_wait3A_55 = arith.constant 0 : i32
        %dma_wait3A_56 = tpu.memref_slice %arg10[%dma_wait3A_55] : memref<3136xf32, #tpu.memory_space<vmem>> -> memref<2784xf32, #tpu.memory_space<vmem>>
        tpu.wait_dma2 semaphore(%run_scoped3A : memref<!tpu.dma_semaphore, #tpu.memory_space<semaphore_mem>>) src(%dma_wait3A_56 : memref<2784xf32, #tpu.memory_space<vmem>>) dst(%dma_wait3A_54 : memref<2784xf32, #tpu.memory_space<hbm>>)
        tpu.yield
      }) : () -> ()
    } else {
    }
    return
  }
}

#map = affine_map<(d0, d1) -> (0, 0)>
module attributes {stable_mosaic.version = 14 : i64} {
  func.func @_segsum(%arg0: i32, %arg1: i32, %arg2: memref<2x320000xi32, #tpu.memory_space<hbm>>, %arg3: memref<2x320000xi32, #tpu.memory_space<hbm>>, %arg4: memref<8x10000xf32, #tpu.memory_space<hbm>>, %arg5: memref<32x10240xf32, #tpu.memory_space<hbm>>, %arg6: memref<32x10240xf32, #tpu.memory_space<hbm>>, %arg7: memref<32x10240xf32, #tpu.memory_space<hbm>>, %arg8: memref<32x10240xf32, #tpu.memory_space<hbm>>, %arg9: memref<10000xi32, #tpu.memory_space<vmem>>, %arg10: memref<10000xi32, #tpu.memory_space<vmem>>, %arg11: memref<10000xi32, #tpu.memory_space<vmem>>, %arg12: memref<10000xi32, #tpu.memory_space<vmem>>, %arg13: memref<10000xf32, #tpu.memory_space<vmem>>, %arg14: memref<10000xf32, #tpu.memory_space<vmem>>, %arg15: memref<10240xf32, #tpu.memory_space<vmem>>, %arg16: memref<10240xf32, #tpu.memory_space<vmem>>, %arg17: memref<10240xf32, #tpu.memory_space<vmem>>, %arg18: memref<10240xf32, #tpu.memory_space<vmem>>, %arg19: memref<!tpu.dma_semaphore, #tpu.memory_space<semaphore_mem>>) attributes {dimension_semantics = [#tpu.dimension_semantics<core_parallel>, #tpu.dimension_semantics<subcore_parallel>], iteration_bounds = array<i64: 2, 16>, scalar_prefetch = 0 : i64, scratch_operands = 11 : i64, tpu.core_type = #tpu.core_type<sc_vector_subcore>, window_params = [{transform_indices = #map}, {transform_indices = #map}, {transform_indices = #map}, {transform_indices = #map}, {transform_indices = #map}, {transform_indices = #map}, {transform_indices = #map}]} {
    %mul3A = arith.constant 2 : i32
    %mul3A_0 = arith.muli %arg1, %mul3A : i32
    %add3A = arith.addi %mul3A_0, %arg0 : i32
    %mul3A_1 = arith.constant 10000 : i32
    %mul3A_2 = arith.muli %add3A, %mul3A_1 : i32
    %broadcast_in_dim3A = arith.constant 0.000000e+00 : f32
    %broadcast_in_dim3A_3 = vector.broadcast %broadcast_in_dim3A : f32 to vector<16xf32>
    %broadcast_in_dim3A_4 = arith.constant 1.000000e+00 : f32
    %broadcast_in_dim3A_5 = vector.broadcast %broadcast_in_dim3A_4 : f32 to vector<16xf32>
    %dma_start3A = arith.constant 0 : i32
    %dma_start3A_6 = arith.constant 0 : i32
    %dma_start3A_7 = tpu.memref_slice %arg4[%dma_start3A, %dma_start3A_6] : memref<8x10000xf32, #tpu.memory_space<hbm>> -> memref<1x10000xf32, #tpu.memory_space<hbm>>
    %dma_start3A_8 = tpu.memref_squeeze %dma_start3A_7 : memref<1x10000xf32, #tpu.memory_space<hbm>> -> memref<10000xf32, #tpu.memory_space<hbm>>
    %dma_start3A_9 = arith.constant 0 : i32
    %dma_start3A_10 = tpu.memref_slice %arg4[%dma_start3A, %dma_start3A_9] : memref<8x10000xf32, #tpu.memory_space<hbm>> -> memref<1x10000xf32, #tpu.memory_space<hbm>>
    %dma_start3A_11 = tpu.memref_squeeze %dma_start3A_10 : memref<1x10000xf32, #tpu.memory_space<hbm>> -> memref<10000xf32, #tpu.memory_space<hbm>>
    tpu.enqueue_dma source(%dma_start3A_11 : memref<10000xf32, #tpu.memory_space<hbm>>) target(%arg13 : memref<10000xf32, #tpu.memory_space<vmem>>) target_semaphore(%arg19 : memref<!tpu.dma_semaphore, #tpu.memory_space<semaphore_mem>>)
    %dma_start3A_12 = arith.constant 1 : i32
    %dma_start3A_13 = arith.constant 0 : i32
    %dma_start3A_14 = tpu.memref_slice %arg4[%dma_start3A_12, %dma_start3A_13] : memref<8x10000xf32, #tpu.memory_space<hbm>> -> memref<1x10000xf32, #tpu.memory_space<hbm>>
    %dma_start3A_15 = tpu.memref_squeeze %dma_start3A_14 : memref<1x10000xf32, #tpu.memory_space<hbm>> -> memref<10000xf32, #tpu.memory_space<hbm>>
    %dma_start3A_16 = arith.constant 0 : i32
    %dma_start3A_17 = tpu.memref_slice %arg4[%dma_start3A_12, %dma_start3A_16] : memref<8x10000xf32, #tpu.memory_space<hbm>> -> memref<1x10000xf32, #tpu.memory_space<hbm>>
    %dma_start3A_18 = tpu.memref_squeeze %dma_start3A_17 : memref<1x10000xf32, #tpu.memory_space<hbm>> -> memref<10000xf32, #tpu.memory_space<hbm>>
    tpu.enqueue_dma source(%dma_start3A_18 : memref<10000xf32, #tpu.memory_space<hbm>>) target(%arg14 : memref<10000xf32, #tpu.memory_space<vmem>>) target_semaphore(%arg19 : memref<!tpu.dma_semaphore, #tpu.memory_space<semaphore_mem>>)
    %dma_start3A_19 = arith.constant 0 : i32
    %dma_start3A_20 = tpu.memref_slice %arg2[%dma_start3A_19, %mul3A_2] : memref<2x320000xi32, #tpu.memory_space<hbm>> -> memref<1x10000xi32, #tpu.memory_space<hbm>>
    %dma_start3A_21 = tpu.memref_squeeze %dma_start3A_20 : memref<1x10000xi32, #tpu.memory_space<hbm>> -> memref<10000xi32, #tpu.memory_space<hbm>>
    %dma_start3A_22 = tpu.memref_slice %arg2[%dma_start3A_19, %mul3A_2] : memref<2x320000xi32, #tpu.memory_space<hbm>> -> memref<1x10000xi32, #tpu.memory_space<hbm>>
    %dma_start3A_23 = tpu.memref_squeeze %dma_start3A_22 : memref<1x10000xi32, #tpu.memory_space<hbm>> -> memref<10000xi32, #tpu.memory_space<hbm>>
    tpu.enqueue_dma source(%dma_start3A_23 : memref<10000xi32, #tpu.memory_space<hbm>>) target(%arg9 : memref<10000xi32, #tpu.memory_space<vmem>>) target_semaphore(%arg19 : memref<!tpu.dma_semaphore, #tpu.memory_space<semaphore_mem>>)
    %dma_start3A_24 = arith.constant 1 : i32
    %dma_start3A_25 = tpu.memref_slice %arg2[%dma_start3A_24, %mul3A_2] : memref<2x320000xi32, #tpu.memory_space<hbm>> -> memref<1x10000xi32, #tpu.memory_space<hbm>>
    %dma_start3A_26 = tpu.memref_squeeze %dma_start3A_25 : memref<1x10000xi32, #tpu.memory_space<hbm>> -> memref<10000xi32, #tpu.memory_space<hbm>>
    %dma_start3A_27 = tpu.memref_slice %arg2[%dma_start3A_24, %mul3A_2] : memref<2x320000xi32, #tpu.memory_space<hbm>> -> memref<1x10000xi32, #tpu.memory_space<hbm>>
    %dma_start3A_28 = tpu.memref_squeeze %dma_start3A_27 : memref<1x10000xi32, #tpu.memory_space<hbm>> -> memref<10000xi32, #tpu.memory_space<hbm>>
    tpu.enqueue_dma source(%dma_start3A_28 : memref<10000xi32, #tpu.memory_space<hbm>>) target(%arg10 : memref<10000xi32, #tpu.memory_space<vmem>>) target_semaphore(%arg19 : memref<!tpu.dma_semaphore, #tpu.memory_space<semaphore_mem>>)
    %dma_start3A_29 = arith.constant 0 : i32
    %dma_start3A_30 = tpu.memref_slice %arg3[%dma_start3A_29, %mul3A_2] : memref<2x320000xi32, #tpu.memory_space<hbm>> -> memref<1x10000xi32, #tpu.memory_space<hbm>>
    %dma_start3A_31 = tpu.memref_squeeze %dma_start3A_30 : memref<1x10000xi32, #tpu.memory_space<hbm>> -> memref<10000xi32, #tpu.memory_space<hbm>>
    %dma_start3A_32 = tpu.memref_slice %arg3[%dma_start3A_29, %mul3A_2] : memref<2x320000xi32, #tpu.memory_space<hbm>> -> memref<1x10000xi32, #tpu.memory_space<hbm>>
    %dma_start3A_33 = tpu.memref_squeeze %dma_start3A_32 : memref<1x10000xi32, #tpu.memory_space<hbm>> -> memref<10000xi32, #tpu.memory_space<hbm>>
    tpu.enqueue_dma source(%dma_start3A_33 : memref<10000xi32, #tpu.memory_space<hbm>>) target(%arg11 : memref<10000xi32, #tpu.memory_space<vmem>>) target_semaphore(%arg19 : memref<!tpu.dma_semaphore, #tpu.memory_space<semaphore_mem>>)
    %dma_start3A_34 = arith.constant 1 : i32
    %dma_start3A_35 = tpu.memref_slice %arg3[%dma_start3A_34, %mul3A_2] : memref<2x320000xi32, #tpu.memory_space<hbm>> -> memref<1x10000xi32, #tpu.memory_space<hbm>>
    %dma_start3A_36 = tpu.memref_squeeze %dma_start3A_35 : memref<1x10000xi32, #tpu.memory_space<hbm>> -> memref<10000xi32, #tpu.memory_space<hbm>>
    %dma_start3A_37 = tpu.memref_slice %arg3[%dma_start3A_34, %mul3A_2] : memref<2x320000xi32, #tpu.memory_space<hbm>> -> memref<1x10000xi32, #tpu.memory_space<hbm>>
    %dma_start3A_38 = tpu.memref_squeeze %dma_start3A_37 : memref<1x10000xi32, #tpu.memory_space<hbm>> -> memref<10000xi32, #tpu.memory_space<hbm>>
    tpu.enqueue_dma source(%dma_start3A_38 : memref<10000xi32, #tpu.memory_space<hbm>>) target(%arg12 : memref<10000xi32, #tpu.memory_space<vmem>>) target_semaphore(%arg19 : memref<!tpu.dma_semaphore, #tpu.memory_space<semaphore_mem>>)
    %scan3A = arith.constant 0 : i32
    %scan3A_39 = arith.constant 0 : i32
    %scan3A_40 = arith.constant 640 : i32
    %scan3A_41 = arith.addi %scan3A_39, %scan3A_40 : i32
    %scan3A_42 = arith.constant 1 : i32
    %scan3A_43 = scf.for %scan3A_131 = %scan3A_39 to %scan3A_41 step %scan3A_42 iter_args(%scan3A_132 = %scan3A) -> (i32)  : i32 {
      %mul3A_133 = arith.constant 16 : i32
      %mul3A_134 = arith.muli %scan3A_131, %mul3A_133 : i32
      %swap3A = arith.index_cast %mul3A_134 : i32 to index
      %swap3A_135 = tpu.vector_load %arg15[%swap3A] {strides = array<i32>} : memref<10240xf32, #tpu.memory_space<vmem>>, vector<16xf32>,
      tpu.vector_store %arg15[%swap3A], %broadcast_in_dim3A_3 {strides = array<i32>} : memref<10240xf32, #tpu.memory_space<vmem>>, vector<16xf32>,
      %swap3A_136 = arith.index_cast %mul3A_134 : i32 to index
      %swap3A_137 = tpu.vector_load %arg16[%swap3A_136] {strides = array<i32>} : memref<10240xf32, #tpu.memory_space<vmem>>, vector<16xf32>,
      tpu.vector_store %arg16[%swap3A_136], %broadcast_in_dim3A_3 {strides = array<i32>} : memref<10240xf32, #tpu.memory_space<vmem>>, vector<16xf32>,
      %swap3A_138 = arith.index_cast %mul3A_134 : i32 to index
      %swap3A_139 = tpu.vector_load %arg17[%swap3A_138] {strides = array<i32>} : memref<10240xf32, #tpu.memory_space<vmem>>, vector<16xf32>,
      tpu.vector_store %arg17[%swap3A_138], %broadcast_in_dim3A_3 {strides = array<i32>} : memref<10240xf32, #tpu.memory_space<vmem>>, vector<16xf32>,
      %swap3A_140 = arith.index_cast %mul3A_134 : i32 to index
      %swap3A_141 = tpu.vector_load %arg18[%swap3A_140] {strides = array<i32>} : memref<10240xf32, #tpu.memory_space<vmem>>, vector<16xf32>,
      tpu.vector_store %arg18[%swap3A_140], %broadcast_in_dim3A_3 {strides = array<i32>} : memref<10240xf32, #tpu.memory_space<vmem>>, vector<16xf32>,
      %scan3A_142 = arith.constant 0 : i32
      scf.yield %scan3A_142 : i32
    }
    %scan3A_44 = arith.constant 640 : i32
    %dma_wait3A = arith.constant 0 : i32
    %dma_wait3A_45 = arith.constant 0 : i32
    %dma_wait3A_46 = tpu.memref_slice %arg4[%dma_wait3A, %dma_wait3A_45] : memref<8x10000xf32, #tpu.memory_space<hbm>> -> memref<1x10000xf32, #tpu.memory_space<hbm>>
    %dma_wait3A_47 = tpu.memref_squeeze %dma_wait3A_46 : memref<1x10000xf32, #tpu.memory_space<hbm>> -> memref<10000xf32, #tpu.memory_space<hbm>>
    %dma_wait3A_48 = arith.constant 0 : i32
    %dma_wait3A_49 = tpu.memref_slice %arg4[%dma_wait3A, %dma_wait3A_48] : memref<8x10000xf32, #tpu.memory_space<hbm>> -> memref<1x10000xf32, #tpu.memory_space<hbm>>
    %dma_wait3A_50 = tpu.memref_squeeze %dma_wait3A_49 : memref<1x10000xf32, #tpu.memory_space<hbm>> -> memref<10000xf32, #tpu.memory_space<hbm>>
    tpu.wait_dma2 semaphore(%arg19 : memref<!tpu.dma_semaphore, #tpu.memory_space<semaphore_mem>>) src(%dma_wait3A_50 : memref<10000xf32, #tpu.memory_space<hbm>>) dst(%arg13 : memref<10000xf32, #tpu.memory_space<vmem>>)
    %dma_wait3A_51 = arith.constant 1 : i32
    %dma_wait3A_52 = arith.constant 0 : i32
    %dma_wait3A_53 = tpu.memref_slice %arg4[%dma_wait3A_51, %dma_wait3A_52] : memref<8x10000xf32, #tpu.memory_space<hbm>> -> memref<1x10000xf32, #tpu.memory_space<hbm>>
    %dma_wait3A_54 = tpu.memref_squeeze %dma_wait3A_53 : memref<1x10000xf32, #tpu.memory_space<hbm>> -> memref<10000xf32, #tpu.memory_space<hbm>>
    %dma_wait3A_55 = arith.constant 0 : i32
    %dma_wait3A_56 = tpu.memref_slice %arg4[%dma_wait3A_51, %dma_wait3A_55] : memref<8x10000xf32, #tpu.memory_space<hbm>> -> memref<1x10000xf32, #tpu.memory_space<hbm>>
    %dma_wait3A_57 = tpu.memref_squeeze %dma_wait3A_56 : memref<1x10000xf32, #tpu.memory_space<hbm>> -> memref<10000xf32, #tpu.memory_space<hbm>>
    tpu.wait_dma2 semaphore(%arg19 : memref<!tpu.dma_semaphore, #tpu.memory_space<semaphore_mem>>) src(%dma_wait3A_57 : memref<10000xf32, #tpu.memory_space<hbm>>) dst(%arg14 : memref<10000xf32, #tpu.memory_space<vmem>>)
    %dma_wait3A_58 = arith.constant 0 : i32
    %dma_wait3A_59 = tpu.memref_slice %arg2[%dma_wait3A_58, %mul3A_2] : memref<2x320000xi32, #tpu.memory_space<hbm>> -> memref<1x10000xi32, #tpu.memory_space<hbm>>
    %dma_wait3A_60 = tpu.memref_squeeze %dma_wait3A_59 : memref<1x10000xi32, #tpu.memory_space<hbm>> -> memref<10000xi32, #tpu.memory_space<hbm>>
    %dma_wait3A_61 = tpu.memref_slice %arg2[%dma_wait3A_58, %mul3A_2] : memref<2x320000xi32, #tpu.memory_space<hbm>> -> memref<1x10000xi32, #tpu.memory_space<hbm>>
    %dma_wait3A_62 = tpu.memref_squeeze %dma_wait3A_61 : memref<1x10000xi32, #tpu.memory_space<hbm>> -> memref<10000xi32, #tpu.memory_space<hbm>>
    tpu.wait_dma2 semaphore(%arg19 : memref<!tpu.dma_semaphore, #tpu.memory_space<semaphore_mem>>) src(%dma_wait3A_62 : memref<10000xi32, #tpu.memory_space<hbm>>) dst(%arg9 : memref<10000xi32, #tpu.memory_space<vmem>>)
    %dma_wait3A_63 = arith.constant 1 : i32
    %dma_wait3A_64 = tpu.memref_slice %arg2[%dma_wait3A_63, %mul3A_2] : memref<2x320000xi32, #tpu.memory_space<hbm>> -> memref<1x10000xi32, #tpu.memory_space<hbm>>
    %dma_wait3A_65 = tpu.memref_squeeze %dma_wait3A_64 : memref<1x10000xi32, #tpu.memory_space<hbm>> -> memref<10000xi32, #tpu.memory_space<hbm>>
    %dma_wait3A_66 = tpu.memref_slice %arg2[%dma_wait3A_63, %mul3A_2] : memref<2x320000xi32, #tpu.memory_space<hbm>> -> memref<1x10000xi32, #tpu.memory_space<hbm>>
    %dma_wait3A_67 = tpu.memref_squeeze %dma_wait3A_66 : memref<1x10000xi32, #tpu.memory_space<hbm>> -> memref<10000xi32, #tpu.memory_space<hbm>>
    tpu.wait_dma2 semaphore(%arg19 : memref<!tpu.dma_semaphore, #tpu.memory_space<semaphore_mem>>) src(%dma_wait3A_67 : memref<10000xi32, #tpu.memory_space<hbm>>) dst(%arg10 : memref<10000xi32, #tpu.memory_space<vmem>>)
    %dma_wait3A_68 = arith.constant 0 : i32
    %dma_wait3A_69 = tpu.memref_slice %arg3[%dma_wait3A_68, %mul3A_2] : memref<2x320000xi32, #tpu.memory_space<hbm>> -> memref<1x10000xi32, #tpu.memory_space<hbm>>
    %dma_wait3A_70 = tpu.memref_squeeze %dma_wait3A_69 : memref<1x10000xi32, #tpu.memory_space<hbm>> -> memref<10000xi32, #tpu.memory_space<hbm>>
    %dma_wait3A_71 = tpu.memref_slice %arg3[%dma_wait3A_68, %mul3A_2] : memref<2x320000xi32, #tpu.memory_space<hbm>> -> memref<1x10000xi32, #tpu.memory_space<hbm>>
    %dma_wait3A_72 = tpu.memref_squeeze %dma_wait3A_71 : memref<1x10000xi32, #tpu.memory_space<hbm>> -> memref<10000xi32, #tpu.memory_space<hbm>>
    tpu.wait_dma2 semaphore(%arg19 : memref<!tpu.dma_semaphore, #tpu.memory_space<semaphore_mem>>) src(%dma_wait3A_72 : memref<10000xi32, #tpu.memory_space<hbm>>) dst(%arg11 : memref<10000xi32, #tpu.memory_space<vmem>>)
    %dma_wait3A_73 = arith.constant 1 : i32
    %dma_wait3A_74 = tpu.memref_slice %arg3[%dma_wait3A_73, %mul3A_2] : memref<2x320000xi32, #tpu.memory_space<hbm>> -> memref<1x10000xi32, #tpu.memory_space<hbm>>
    %dma_wait3A_75 = tpu.memref_squeeze %dma_wait3A_74 : memref<1x10000xi32, #tpu.memory_space<hbm>> -> memref<10000xi32, #tpu.memory_space<hbm>>
    %dma_wait3A_76 = tpu.memref_slice %arg3[%dma_wait3A_73, %mul3A_2] : memref<2x320000xi32, #tpu.memory_space<hbm>> -> memref<1x10000xi32, #tpu.memory_space<hbm>>
    %dma_wait3A_77 = tpu.memref_squeeze %dma_wait3A_76 : memref<1x10000xi32, #tpu.memory_space<hbm>> -> memref<10000xi32, #tpu.memory_space<hbm>>
    tpu.wait_dma2 semaphore(%arg19 : memref<!tpu.dma_semaphore, #tpu.memory_space<semaphore_mem>>) src(%dma_wait3A_77 : memref<10000xi32, #tpu.memory_space<hbm>>) dst(%arg12 : memref<10000xi32, #tpu.memory_space<vmem>>)
    %parallel_loop3A = arith.constant 0 : i32
    %parallel_loop3A_78 = arith.constant 625 : i32
    %parallel_loop3A_79 = arith.constant 1 : i32
    scf.for %parallel_loop3A_131 = %parallel_loop3A to %parallel_loop3A_78 step %parallel_loop3A_79  : i32 {
      %parallel_loop3A_132 = arith.constant 16 : i32
      %parallel_loop3A_133 = arith.muli %parallel_loop3A_131, %parallel_loop3A_132 : i32
      %parallel_loop3A_134 = arith.index_cast %parallel_loop3A_133 : i32 to index
      %parallel_loop3A_135 = tpu.vector_load %arg10[%parallel_loop3A_134] {strides = array<i32>} : memref<10000xi32, #tpu.memory_space<vmem>>, vector<16xi32>,
      %parallel_loop3A_136 = arith.index_cast %parallel_loop3A_133 : i32 to index
      %parallel_loop3A_137 = tpu.vector_load %arg9[%parallel_loop3A_136] {strides = array<i32>} : memref<10000xi32, #tpu.memory_space<vmem>>, vector<16xi32>,
      %parallel_loop3A_138 = tpu.vector_load_idx %arg13[%parallel_loop3A_137] : memref<10000xf32, #tpu.memory_space<vmem>>[vector<16xi32>], vector<16xf32>,
      tpu.vector_store_idx %arg15[%parallel_loop3A_135], %parallel_loop3A_138 {add = true} : memref<10240xf32, #tpu.memory_space<vmem>>[vector<16xi32>], vector<16xf32>,
      tpu.vector_store_idx %arg16[%parallel_loop3A_135], %broadcast_in_dim3A_5 {add = true} : memref<10240xf32, #tpu.memory_space<vmem>>[vector<16xi32>], vector<16xf32>,
    } {sc.loop_unroll_factor = 5 : i64, sc.parallel_access}
    %parallel_loop3A_80 = arith.constant 0 : i32
    %parallel_loop3A_81 = arith.constant 625 : i32
    %parallel_loop3A_82 = arith.constant 1 : i32
    scf.for %parallel_loop3A_131 = %parallel_loop3A_80 to %parallel_loop3A_81 step %parallel_loop3A_82  : i32 {
      %parallel_loop3A_132 = arith.constant 16 : i32
      %parallel_loop3A_133 = arith.muli %parallel_loop3A_131, %parallel_loop3A_132 : i32
      %parallel_loop3A_134 = arith.index_cast %parallel_loop3A_133 : i32 to index
      %parallel_loop3A_135 = tpu.vector_load %arg12[%parallel_loop3A_134] {strides = array<i32>} : memref<10000xi32, #tpu.memory_space<vmem>>, vector<16xi32>,
      %parallel_loop3A_136 = arith.index_cast %parallel_loop3A_133 : i32 to index
      %parallel_loop3A_137 = tpu.vector_load %arg11[%parallel_loop3A_136] {strides = array<i32>} : memref<10000xi32, #tpu.memory_space<vmem>>, vector<16xi32>,
      %parallel_loop3A_138 = tpu.vector_load_idx %arg14[%parallel_loop3A_137] : memref<10000xf32, #tpu.memory_space<vmem>>[vector<16xi32>], vector<16xf32>,
      tpu.vector_store_idx %arg17[%parallel_loop3A_135], %parallel_loop3A_138 {add = true} : memref<10240xf32, #tpu.memory_space<vmem>>[vector<16xi32>], vector<16xf32>,
      tpu.vector_store_idx %arg18[%parallel_loop3A_135], %broadcast_in_dim3A_5 {add = true} : memref<10240xf32, #tpu.memory_space<vmem>>[vector<16xi32>], vector<16xf32>,
    } {sc.loop_unroll_factor = 5 : i64, sc.parallel_access}
    %dma_start3A_83 = arith.constant 0 : i32
    %dma_start3A_84 = tpu.memref_slice %arg5[%add3A, %dma_start3A_83] : memref<32x10240xf32, #tpu.memory_space<hbm>> -> memref<1x10240xf32, #tpu.memory_space<hbm>>
    %dma_start3A_85 = tpu.memref_squeeze %dma_start3A_84 : memref<1x10240xf32, #tpu.memory_space<hbm>> -> memref<10240xf32, #tpu.memory_space<hbm>>
    %dma_start3A_86 = arith.constant 0 : i32
    %dma_start3A_87 = tpu.memref_slice %arg5[%add3A, %dma_start3A_86] : memref<32x10240xf32, #tpu.memory_space<hbm>> -> memref<1x10240xf32, #tpu.memory_space<hbm>>
    %dma_start3A_88 = tpu.memref_squeeze %dma_start3A_87 : memref<1x10240xf32, #tpu.memory_space<hbm>> -> memref<10240xf32, #tpu.memory_space<hbm>>
    tpu.enqueue_dma source(%arg15 : memref<10240xf32, #tpu.memory_space<vmem>>) target(%dma_start3A_88 : memref<10240xf32, #tpu.memory_space<hbm>>) target_semaphore(%arg19 : memref<!tpu.dma_semaphore, #tpu.memory_space<semaphore_mem>>)
    %dma_start3A_89 = arith.constant 0 : i32
    %dma_start3A_90 = tpu.memref_slice %arg6[%add3A, %dma_start3A_89] : memref<32x10240xf32, #tpu.memory_space<hbm>> -> memref<1x10240xf32, #tpu.memory_space<hbm>>
    %dma_start3A_91 = tpu.memref_squeeze %dma_start3A_90 : memref<1x10240xf32, #tpu.memory_space<hbm>> -> memref<10240xf32, #tpu.memory_space<hbm>>
    %dma_start3A_92 = arith.constant 0 : i32
    %dma_start3A_93 = tpu.memref_slice %arg6[%add3A, %dma_start3A_92] : memref<32x10240xf32, #tpu.memory_space<hbm>> -> memref<1x10240xf32, #tpu.memory_space<hbm>>
    %dma_start3A_94 = tpu.memref_squeeze %dma_start3A_93 : memref<1x10240xf32, #tpu.memory_space<hbm>> -> memref<10240xf32, #tpu.memory_space<hbm>>
    tpu.enqueue_dma source(%arg16 : memref<10240xf32, #tpu.memory_space<vmem>>) target(%dma_start3A_94 : memref<10240xf32, #tpu.memory_space<hbm>>) target_semaphore(%arg19 : memref<!tpu.dma_semaphore, #tpu.memory_space<semaphore_mem>>)
    %dma_start3A_95 = arith.constant 0 : i32
    %dma_start3A_96 = tpu.memref_slice %arg7[%add3A, %dma_start3A_95] : memref<32x10240xf32, #tpu.memory_space<hbm>> -> memref<1x10240xf32, #tpu.memory_space<hbm>>
    %dma_start3A_97 = tpu.memref_squeeze %dma_start3A_96 : memref<1x10240xf32, #tpu.memory_space<hbm>> -> memref<10240xf32, #tpu.memory_space<hbm>>
    %dma_start3A_98 = arith.constant 0 : i32
    %dma_start3A_99 = tpu.memref_slice %arg7[%add3A, %dma_start3A_98] : memref<32x10240xf32, #tpu.memory_space<hbm>> -> memref<1x10240xf32, #tpu.memory_space<hbm>>
    %dma_start3A_100 = tpu.memref_squeeze %dma_start3A_99 : memref<1x10240xf32, #tpu.memory_space<hbm>> -> memref<10240xf32, #tpu.memory_space<hbm>>
    tpu.enqueue_dma source(%arg17 : memref<10240xf32, #tpu.memory_space<vmem>>) target(%dma_start3A_100 : memref<10240xf32, #tpu.memory_space<hbm>>) target_semaphore(%arg19 : memref<!tpu.dma_semaphore, #tpu.memory_space<semaphore_mem>>)
    %dma_start3A_101 = arith.constant 0 : i32
    %dma_start3A_102 = tpu.memref_slice %arg8[%add3A, %dma_start3A_101] : memref<32x10240xf32, #tpu.memory_space<hbm>> -> memref<1x10240xf32, #tpu.memory_space<hbm>>
    %dma_start3A_103 = tpu.memref_squeeze %dma_start3A_102 : memref<1x10240xf32, #tpu.memory_space<hbm>> -> memref<10240xf32, #tpu.memory_space<hbm>>
    %dma_start3A_104 = arith.constant 0 : i32
    %dma_start3A_105 = tpu.memref_slice %arg8[%add3A, %dma_start3A_104] : memref<32x10240xf32, #tpu.memory_space<hbm>> -> memref<1x10240xf32, #tpu.memory_space<hbm>>
    %dma_start3A_106 = tpu.memref_squeeze %dma_start3A_105 : memref<1x10240xf32, #tpu.memory_space<hbm>> -> memref<10240xf32, #tpu.memory_space<hbm>>
    tpu.enqueue_dma source(%arg18 : memref<10240xf32, #tpu.memory_space<vmem>>) target(%dma_start3A_106 : memref<10240xf32, #tpu.memory_space<hbm>>) target_semaphore(%arg19 : memref<!tpu.dma_semaphore, #tpu.memory_space<semaphore_mem>>)
    %dma_wait3A_107 = arith.constant 0 : i32
    %dma_wait3A_108 = tpu.memref_slice %arg5[%add3A, %dma_wait3A_107] : memref<32x10240xf32, #tpu.memory_space<hbm>> -> memref<1x10240xf32, #tpu.memory_space<hbm>>
    %dma_wait3A_109 = tpu.memref_squeeze %dma_wait3A_108 : memref<1x10240xf32, #tpu.memory_space<hbm>> -> memref<10240xf32, #tpu.memory_space<hbm>>
    %dma_wait3A_110 = arith.constant 0 : i32
    %dma_wait3A_111 = tpu.memref_slice %arg5[%add3A, %dma_wait3A_110] : memref<32x10240xf32, #tpu.memory_space<hbm>> -> memref<1x10240xf32, #tpu.memory_space<hbm>>
    %dma_wait3A_112 = tpu.memref_squeeze %dma_wait3A_111 : memref<1x10240xf32, #tpu.memory_space<hbm>> -> memref<10240xf32, #tpu.memory_space<hbm>>
    tpu.wait_dma2 semaphore(%arg19 : memref<!tpu.dma_semaphore, #tpu.memory_space<semaphore_mem>>) src(%arg15 : memref<10240xf32, #tpu.memory_space<vmem>>) dst(%dma_wait3A_112 : memref<10240xf32, #tpu.memory_space<hbm>>)
    %dma_wait3A_113 = arith.constant 0 : i32
    %dma_wait3A_114 = tpu.memref_slice %arg6[%add3A, %dma_wait3A_113] : memref<32x10240xf32, #tpu.memory_space<hbm>> -> memref<1x10240xf32, #tpu.memory_space<hbm>>
    %dma_wait3A_115 = tpu.memref_squeeze %dma_wait3A_114 : memref<1x10240xf32, #tpu.memory_space<hbm>> -> memref<10240xf32, #tpu.memory_space<hbm>>
    %dma_wait3A_116 = arith.constant 0 : i32
    %dma_wait3A_117 = tpu.memref_slice %arg6[%add3A, %dma_wait3A_116] : memref<32x10240xf32, #tpu.memory_space<hbm>> -> memref<1x10240xf32, #tpu.memory_space<hbm>>
    %dma_wait3A_118 = tpu.memref_squeeze %dma_wait3A_117 : memref<1x10240xf32, #tpu.memory_space<hbm>> -> memref<10240xf32, #tpu.memory_space<hbm>>
    tpu.wait_dma2 semaphore(%arg19 : memref<!tpu.dma_semaphore, #tpu.memory_space<semaphore_mem>>) src(%arg16 : memref<10240xf32, #tpu.memory_space<vmem>>) dst(%dma_wait3A_118 : memref<10240xf32, #tpu.memory_space<hbm>>)
    %dma_wait3A_119 = arith.constant 0 : i32
    %dma_wait3A_120 = tpu.memref_slice %arg7[%add3A, %dma_wait3A_119] : memref<32x10240xf32, #tpu.memory_space<hbm>> -> memref<1x10240xf32, #tpu.memory_space<hbm>>
    %dma_wait3A_121 = tpu.memref_squeeze %dma_wait3A_120 : memref<1x10240xf32, #tpu.memory_space<hbm>> -> memref<10240xf32, #tpu.memory_space<hbm>>
    %dma_wait3A_122 = arith.constant 0 : i32
    %dma_wait3A_123 = tpu.memref_slice %arg7[%add3A, %dma_wait3A_122] : memref<32x10240xf32, #tpu.memory_space<hbm>> -> memref<1x10240xf32, #tpu.memory_space<hbm>>
    %dma_wait3A_124 = tpu.memref_squeeze %dma_wait3A_123 : memref<1x10240xf32, #tpu.memory_space<hbm>> -> memref<10240xf32, #tpu.memory_space<hbm>>
    tpu.wait_dma2 semaphore(%arg19 : memref<!tpu.dma_semaphore, #tpu.memory_space<semaphore_mem>>) src(%arg17 : memref<10240xf32, #tpu.memory_space<vmem>>) dst(%dma_wait3A_124 : memref<10240xf32, #tpu.memory_space<hbm>>)
    %dma_wait3A_125 = arith.constant 0 : i32
    %dma_wait3A_126 = tpu.memref_slice %arg8[%add3A, %dma_wait3A_125] : memref<32x10240xf32, #tpu.memory_space<hbm>> -> memref<1x10240xf32, #tpu.memory_space<hbm>>
    %dma_wait3A_127 = tpu.memref_squeeze %dma_wait3A_126 : memref<1x10240xf32, #tpu.memory_space<hbm>> -> memref<10240xf32, #tpu.memory_space<hbm>>
    %dma_wait3A_128 = arith.constant 0 : i32
    %dma_wait3A_129 = tpu.memref_slice %arg8[%add3A, %dma_wait3A_128] : memref<32x10240xf32, #tpu.memory_space<hbm>> -> memref<1x10240xf32, #tpu.memory_space<hbm>>
    %dma_wait3A_130 = tpu.memref_squeeze %dma_wait3A_129 : memref<1x10240xf32, #tpu.memory_space<hbm>> -> memref<10240xf32, #tpu.memory_space<hbm>>
    tpu.wait_dma2 semaphore(%arg19 : memref<!tpu.dma_semaphore, #tpu.memory_space<semaphore_mem>>) src(%arg18 : memref<10240xf32, #tpu.memory_space<vmem>>) dst(%dma_wait3A_130 : memref<10240xf32, #tpu.memory_space<hbm>>)
    return
  }
}

#map = affine_map<(d0, d1) -> (0, 0)>
#map1 = affine_map<(d0, d1) -> (0)>
module attributes {stable_mosaic.version = 14 : i64} {
  func.func @_finalize(%arg0: i32, %arg1: i32, %arg2: memref<32x10240xf32, #tpu.memory_space<hbm>>, %arg3: memref<32x10240xf32, #tpu.memory_space<hbm>>, %arg4: memref<32x10240xf32, #tpu.memory_space<hbm>>, %arg5: memref<32x10240xf32, #tpu.memory_space<hbm>>, %arg6: memref<8x10000xf32, #tpu.memory_space<hbm>>, %arg7: memref<10240xf32, #tpu.memory_space<hbm>>, %arg8: memref<10240xf32, #tpu.memory_space<hbm>>, %arg9: memref<32x320xf32, #tpu.memory_space<vmem>>, %arg10: memref<32x320xf32, #tpu.memory_space<vmem>>, %arg11: memref<32x320xf32, #tpu.memory_space<vmem>>, %arg12: memref<32x320xf32, #tpu.memory_space<vmem>>, %arg13: memref<320xf32, #tpu.memory_space<vmem>>, %arg14: memref<320xf32, #tpu.memory_space<vmem>>, %arg15: memref<320xf32, #tpu.memory_space<vmem>>, %arg16: memref<320xf32, #tpu.memory_space<vmem>>, %arg17: memref<!tpu.dma_semaphore, #tpu.memory_space<semaphore_mem>>) attributes {dimension_semantics = [#tpu.dimension_semantics<core_parallel>, #tpu.dimension_semantics<subcore_parallel>], iteration_bounds = array<i64: 2, 16>, scalar_prefetch = 0 : i64, scratch_operands = 9 : i64, tpu.core_type = #tpu.core_type<sc_vector_subcore>, window_params = [{transform_indices = #map}, {transform_indices = #map}, {transform_indices = #map}, {transform_indices = #map}, {transform_indices = #map}, {transform_indices = #map1}, {transform_indices = #map1}]} {
    %mul3A = arith.constant 2 : i32
    %mul3A_0 = arith.muli %arg1, %mul3A : i32
    %add3A = arith.addi %mul3A_0, %arg0 : i32
    %mul3A_1 = arith.constant 320 : i32
    %mul3A_2 = arith.muli %add3A, %mul3A_1 : i32
    %broadcast_in_dim3A = arith.constant 0.000000e+00 : f32
    %broadcast_in_dim3A_3 = vector.broadcast %broadcast_in_dim3A : f32 to vector<16xf32>
    %dma_start3A = arith.constant 0 : i32
    %dma_start3A_4 = tpu.memref_slice %arg2[%dma_start3A, %mul3A_2] : memref<32x10240xf32, #tpu.memory_space<hbm>> -> memref<32x320xf32, #tpu.memory_space<hbm>>
    %dma_start3A_5 = arith.constant 0 : i32
    %dma_start3A_6 = tpu.memref_slice %arg2[%dma_start3A_5, %mul3A_2] : memref<32x10240xf32, #tpu.memory_space<hbm>> -> memref<32x320xf32, #tpu.memory_space<hbm>>
    tpu.enqueue_dma source(%dma_start3A_6 : memref<32x320xf32, #tpu.memory_space<hbm>>) target(%arg9 : memref<32x320xf32, #tpu.memory_space<vmem>>) target_semaphore(%arg17 : memref<!tpu.dma_semaphore, #tpu.memory_space<semaphore_mem>>)
    %dma_start3A_7 = arith.constant 0 : i32
    %dma_start3A_8 = tpu.memref_slice %arg3[%dma_start3A_7, %mul3A_2] : memref<32x10240xf32, #tpu.memory_space<hbm>> -> memref<32x320xf32, #tpu.memory_space<hbm>>
    %dma_start3A_9 = arith.constant 0 : i32
    %dma_start3A_10 = tpu.memref_slice %arg3[%dma_start3A_9, %mul3A_2] : memref<32x10240xf32, #tpu.memory_space<hbm>> -> memref<32x320xf32, #tpu.memory_space<hbm>>
    tpu.enqueue_dma source(%dma_start3A_10 : memref<32x320xf32, #tpu.memory_space<hbm>>) target(%arg10 : memref<32x320xf32, #tpu.memory_space<vmem>>) target_semaphore(%arg17 : memref<!tpu.dma_semaphore, #tpu.memory_space<semaphore_mem>>)
    %dma_start3A_11 = arith.constant 0 : i32
    %dma_start3A_12 = tpu.memref_slice %arg4[%dma_start3A_11, %mul3A_2] : memref<32x10240xf32, #tpu.memory_space<hbm>> -> memref<32x320xf32, #tpu.memory_space<hbm>>
    %dma_start3A_13 = arith.constant 0 : i32
    %dma_start3A_14 = tpu.memref_slice %arg4[%dma_start3A_13, %mul3A_2] : memref<32x10240xf32, #tpu.memory_space<hbm>> -> memref<32x320xf32, #tpu.memory_space<hbm>>
    tpu.enqueue_dma source(%dma_start3A_14 : memref<32x320xf32, #tpu.memory_space<hbm>>) target(%arg11 : memref<32x320xf32, #tpu.memory_space<vmem>>) target_semaphore(%arg17 : memref<!tpu.dma_semaphore, #tpu.memory_space<semaphore_mem>>)
    %dma_start3A_15 = arith.constant 0 : i32
    %dma_start3A_16 = tpu.memref_slice %arg5[%dma_start3A_15, %mul3A_2] : memref<32x10240xf32, #tpu.memory_space<hbm>> -> memref<32x320xf32, #tpu.memory_space<hbm>>
    %dma_start3A_17 = arith.constant 0 : i32
    %dma_start3A_18 = tpu.memref_slice %arg5[%dma_start3A_17, %mul3A_2] : memref<32x10240xf32, #tpu.memory_space<hbm>> -> memref<32x320xf32, #tpu.memory_space<hbm>>
    tpu.enqueue_dma source(%dma_start3A_18 : memref<32x320xf32, #tpu.memory_space<hbm>>) target(%arg12 : memref<32x320xf32, #tpu.memory_space<vmem>>) target_semaphore(%arg17 : memref<!tpu.dma_semaphore, #tpu.memory_space<semaphore_mem>>)
    %dma_start3A_19 = arith.constant 3 : i32
    %dma_start3A_20 = tpu.memref_slice %arg6[%dma_start3A_19, %mul3A_2] : memref<8x10000xf32, #tpu.memory_space<hbm>> -> memref<1x320xf32, #tpu.memory_space<hbm>>
    %dma_start3A_21 = tpu.memref_squeeze %dma_start3A_20 : memref<1x320xf32, #tpu.memory_space<hbm>> -> memref<320xf32, #tpu.memory_space<hbm>>
    %dma_start3A_22 = tpu.memref_slice %arg6[%dma_start3A_19, %mul3A_2] : memref<8x10000xf32, #tpu.memory_space<hbm>> -> memref<1x320xf32, #tpu.memory_space<hbm>>
    %dma_start3A_23 = tpu.memref_squeeze %dma_start3A_22 : memref<1x320xf32, #tpu.memory_space<hbm>> -> memref<320xf32, #tpu.memory_space<hbm>>
    tpu.enqueue_dma source(%dma_start3A_23 : memref<320xf32, #tpu.memory_space<hbm>>) target(%arg13 : memref<320xf32, #tpu.memory_space<vmem>>) target_semaphore(%arg17 : memref<!tpu.dma_semaphore, #tpu.memory_space<semaphore_mem>>)
    %dma_start3A_24 = arith.constant 2 : i32
    %dma_start3A_25 = tpu.memref_slice %arg6[%dma_start3A_24, %mul3A_2] : memref<8x10000xf32, #tpu.memory_space<hbm>> -> memref<1x320xf32, #tpu.memory_space<hbm>>
    %dma_start3A_26 = tpu.memref_squeeze %dma_start3A_25 : memref<1x320xf32, #tpu.memory_space<hbm>> -> memref<320xf32, #tpu.memory_space<hbm>>
    %dma_start3A_27 = tpu.memref_slice %arg6[%dma_start3A_24, %mul3A_2] : memref<8x10000xf32, #tpu.memory_space<hbm>> -> memref<1x320xf32, #tpu.memory_space<hbm>>
    %dma_start3A_28 = tpu.memref_squeeze %dma_start3A_27 : memref<1x320xf32, #tpu.memory_space<hbm>> -> memref<320xf32, #tpu.memory_space<hbm>>
    tpu.enqueue_dma source(%dma_start3A_28 : memref<320xf32, #tpu.memory_space<hbm>>) target(%arg14 : memref<320xf32, #tpu.memory_space<vmem>>) target_semaphore(%arg17 : memref<!tpu.dma_semaphore, #tpu.memory_space<semaphore_mem>>)
    %dma_wait3A = arith.constant 0 : i32
    %dma_wait3A_29 = tpu.memref_slice %arg2[%dma_wait3A, %mul3A_2] : memref<32x10240xf32, #tpu.memory_space<hbm>> -> memref<32x320xf32, #tpu.memory_space<hbm>>
    %dma_wait3A_30 = arith.constant 0 : i32
    %dma_wait3A_31 = tpu.memref_slice %arg2[%dma_wait3A_30, %mul3A_2] : memref<32x10240xf32, #tpu.memory_space<hbm>> -> memref<32x320xf32, #tpu.memory_space<hbm>>
    tpu.wait_dma2 semaphore(%arg17 : memref<!tpu.dma_semaphore, #tpu.memory_space<semaphore_mem>>) src(%dma_wait3A_31 : memref<32x320xf32, #tpu.memory_space<hbm>>) dst(%arg9 : memref<32x320xf32, #tpu.memory_space<vmem>>)
    %dma_wait3A_32 = arith.constant 0 : i32
    %dma_wait3A_33 = tpu.memref_slice %arg3[%dma_wait3A_32, %mul3A_2] : memref<32x10240xf32, #tpu.memory_space<hbm>> -> memref<32x320xf32, #tpu.memory_space<hbm>>
    %dma_wait3A_34 = arith.constant 0 : i32
    %dma_wait3A_35 = tpu.memref_slice %arg3[%dma_wait3A_34, %mul3A_2] : memref<32x10240xf32, #tpu.memory_space<hbm>> -> memref<32x320xf32, #tpu.memory_space<hbm>>
    tpu.wait_dma2 semaphore(%arg17 : memref<!tpu.dma_semaphore, #tpu.memory_space<semaphore_mem>>) src(%dma_wait3A_35 : memref<32x320xf32, #tpu.memory_space<hbm>>) dst(%arg10 : memref<32x320xf32, #tpu.memory_space<vmem>>)
    %dma_wait3A_36 = arith.constant 0 : i32
    %dma_wait3A_37 = tpu.memref_slice %arg4[%dma_wait3A_36, %mul3A_2] : memref<32x10240xf32, #tpu.memory_space<hbm>> -> memref<32x320xf32, #tpu.memory_space<hbm>>
    %dma_wait3A_38 = arith.constant 0 : i32
    %dma_wait3A_39 = tpu.memref_slice %arg4[%dma_wait3A_38, %mul3A_2] : memref<32x10240xf32, #tpu.memory_space<hbm>> -> memref<32x320xf32, #tpu.memory_space<hbm>>
    tpu.wait_dma2 semaphore(%arg17 : memref<!tpu.dma_semaphore, #tpu.memory_space<semaphore_mem>>) src(%dma_wait3A_39 : memref<32x320xf32, #tpu.memory_space<hbm>>) dst(%arg11 : memref<32x320xf32, #tpu.memory_space<vmem>>)
    %dma_wait3A_40 = arith.constant 0 : i32
    %dma_wait3A_41 = tpu.memref_slice %arg5[%dma_wait3A_40, %mul3A_2] : memref<32x10240xf32, #tpu.memory_space<hbm>> -> memref<32x320xf32, #tpu.memory_space<hbm>>
    %dma_wait3A_42 = arith.constant 0 : i32
    %dma_wait3A_43 = tpu.memref_slice %arg5[%dma_wait3A_42, %mul3A_2] : memref<32x10240xf32, #tpu.memory_space<hbm>> -> memref<32x320xf32, #tpu.memory_space<hbm>>
    tpu.wait_dma2 semaphore(%arg17 : memref<!tpu.dma_semaphore, #tpu.memory_space<semaphore_mem>>) src(%dma_wait3A_43 : memref<32x320xf32, #tpu.memory_space<hbm>>) dst(%arg12 : memref<32x320xf32, #tpu.memory_space<vmem>>)
    %dma_wait3A_44 = arith.constant 3 : i32
    %dma_wait3A_45 = tpu.memref_slice %arg6[%dma_wait3A_44, %mul3A_2] : memref<8x10000xf32, #tpu.memory_space<hbm>> -> memref<1x320xf32, #tpu.memory_space<hbm>>
    %dma_wait3A_46 = tpu.memref_squeeze %dma_wait3A_45 : memref<1x320xf32, #tpu.memory_space<hbm>> -> memref<320xf32, #tpu.memory_space<hbm>>
    %dma_wait3A_47 = tpu.memref_slice %arg6[%dma_wait3A_44, %mul3A_2] : memref<8x10000xf32, #tpu.memory_space<hbm>> -> memref<1x320xf32, #tpu.memory_space<hbm>>
    %dma_wait3A_48 = tpu.memref_squeeze %dma_wait3A_47 : memref<1x320xf32, #tpu.memory_space<hbm>> -> memref<320xf32, #tpu.memory_space<hbm>>
    tpu.wait_dma2 semaphore(%arg17 : memref<!tpu.dma_semaphore, #tpu.memory_space<semaphore_mem>>) src(%dma_wait3A_48 : memref<320xf32, #tpu.memory_space<hbm>>) dst(%arg13 : memref<320xf32, #tpu.memory_space<vmem>>)
    %dma_wait3A_49 = arith.constant 2 : i32
    %dma_wait3A_50 = tpu.memref_slice %arg6[%dma_wait3A_49, %mul3A_2] : memref<8x10000xf32, #tpu.memory_space<hbm>> -> memref<1x320xf32, #tpu.memory_space<hbm>>
    %dma_wait3A_51 = tpu.memref_squeeze %dma_wait3A_50 : memref<1x320xf32, #tpu.memory_space<hbm>> -> memref<320xf32, #tpu.memory_space<hbm>>
    %dma_wait3A_52 = tpu.memref_slice %arg6[%dma_wait3A_49, %mul3A_2] : memref<8x10000xf32, #tpu.memory_space<hbm>> -> memref<1x320xf32, #tpu.memory_space<hbm>>
    %dma_wait3A_53 = tpu.memref_squeeze %dma_wait3A_52 : memref<1x320xf32, #tpu.memory_space<hbm>> -> memref<320xf32, #tpu.memory_space<hbm>>
    tpu.wait_dma2 semaphore(%arg17 : memref<!tpu.dma_semaphore, #tpu.memory_space<semaphore_mem>>) src(%dma_wait3A_53 : memref<320xf32, #tpu.memory_space<hbm>>) dst(%arg14 : memref<320xf32, #tpu.memory_space<vmem>>)
    %parallel_loop3A = arith.constant 0 : i32
    %parallel_loop3A_54 = arith.constant 20 : i32
    %parallel_loop3A_55 = arith.constant 1 : i32
    scf.for %parallel_loop3A_67 = %parallel_loop3A to %parallel_loop3A_54 step %parallel_loop3A_55  : i32 {
      %parallel_loop3A_68 = arith.constant 16 : i32
      %parallel_loop3A_69 = arith.muli %parallel_loop3A_67, %parallel_loop3A_68 : i32
      %parallel_loop3A_70 = arith.constant 0 : i32
      %parallel_loop3A_71 = arith.index_cast %parallel_loop3A_70 : i32 to index
      %parallel_loop3A_72 = arith.index_cast %parallel_loop3A_69 : i32 to index
      %parallel_loop3A_73 = tpu.vector_load %arg9[%parallel_loop3A_71, %parallel_loop3A_72] {strides = array<i32>} : memref<32x320xf32, #tpu.memory_space<vmem>>, vector<16xf32>,
      %parallel_loop3A_74 = arith.addf %broadcast_in_dim3A_3, %parallel_loop3A_73 : vector<16xf32>
      %parallel_loop3A_75 = arith.constant 0 : i32
      %parallel_loop3A_76 = arith.index_cast %parallel_loop3A_75 : i32 to index
      %parallel_loop3A_77 = arith.index_cast %parallel_loop3A_69 : i32 to index
      %parallel_loop3A_78 = tpu.vector_load %arg10[%parallel_loop3A_76, %parallel_loop3A_77] {strides = array<i32>} : memref<32x320xf32, #tpu.memory_space<vmem>>, vector<16xf32>,
      %parallel_loop3A_79 = arith.addf %broadcast_in_dim3A_3, %parallel_loop3A_78 : vector<16xf32>
      %parallel_loop3A_80 = arith.constant 1 : i32
      %parallel_loop3A_81 = arith.index_cast %parallel_loop3A_80 : i32 to index
      %parallel_loop3A_82 = arith.index_cast %parallel_loop3A_69 : i32 to index
      %parallel_loop3A_83 = tpu.vector_load %arg9[%parallel_loop3A_81, %parallel_loop3A_82] {strides = array<i32>} : memref<32x320xf32, #tpu.memory_space<vmem>>, vector<16xf32>,
      %parallel_loop3A_84 = arith.addf %parallel_loop3A_74, %parallel_loop3A_83 : vector<16xf32>
      %parallel_loop3A_85 = arith.constant 1 : i32
      %parallel_loop3A_86 = arith.index_cast %parallel_loop3A_85 : i32 to index
      %parallel_loop3A_87 = arith.index_cast %parallel_loop3A_69 : i32 to index
      %parallel_loop3A_88 = tpu.vector_load %arg10[%parallel_loop3A_86, %parallel_loop3A_87] {strides = array<i32>} : memref<32x320xf32, #tpu.memory_space<vmem>>, vector<16xf32>,
      %parallel_loop3A_89 = arith.addf %parallel_loop3A_79, %parallel_loop3A_88 : vector<16xf32>
      %parallel_loop3A_90 = arith.constant 2 : i32
      %parallel_loop3A_91 = arith.index_cast %parallel_loop3A_90 : i32 to index
      %parallel_loop3A_92 = arith.index_cast %parallel_loop3A_69 : i32 to index
      %parallel_loop3A_93 = tpu.vector_load %arg9[%parallel_loop3A_91, %parallel_loop3A_92] {strides = array<i32>} : memref<32x320xf32, #tpu.memory_space<vmem>>, vector<16xf32>,
      %parallel_loop3A_94 = arith.addf %parallel_loop3A_84, %parallel_loop3A_93 : vector<16xf32>
      %parallel_loop3A_95 = arith.constant 2 : i32
      %parallel_loop3A_96 = arith.index_cast %parallel_loop3A_95 : i32 to index
      %parallel_loop3A_97 = arith.index_cast %parallel_loop3A_69 : i32 to index
      %parallel_loop3A_98 = tpu.vector_load %arg10[%parallel_loop3A_96, %parallel_loop3A_97] {strides = array<i32>} : memref<32x320xf32, #tpu.memory_space<vmem>>, vector<16xf32>,
      %parallel_loop3A_99 = arith.addf %parallel_loop3A_89, %parallel_loop3A_98 : vector<16xf32>
      %parallel_loop3A_100 = arith.constant 3 : i32
      %parallel_loop3A_101 = arith.index_cast %parallel_loop3A_100 : i32 to index
      %parallel_loop3A_102 = arith.index_cast %parallel_loop3A_69 : i32 to index
      %parallel_loop3A_103 = tpu.vector_load %arg9[%parallel_loop3A_101, %parallel_loop3A_102] {strides = array<i32>} : memref<32x320xf32, #tpu.memory_space<vmem>>, vector<16xf32>,
      %parallel_loop3A_104 = arith.addf %parallel_loop3A_94, %parallel_loop3A_103 : vector<16xf32>
      %parallel_loop3A_105 = arith.constant 3 : i32
      %parallel_loop3A_106 = arith.index_cast %parallel_loop3A_105 : i32 to index
      %parallel_loop3A_107 = arith.index_cast %parallel_loop3A_69 : i32 to index
      %parallel_loop3A_108 = tpu.vector_load %arg10[%parallel_loop3A_106, %parallel_loop3A_107] {strides = array<i32>} : memref<32x320xf32, #tpu.memory_space<vmem>>, vector<16xf32>,
      %parallel_loop3A_109 = arith.addf %parallel_loop3A_99, %parallel_loop3A_108 : vector<16xf32>
      %parallel_loop3A_110 = arith.constant 4 : i32
      %parallel_loop3A_111 = arith.index_cast %parallel_loop3A_110 : i32 to index
      %parallel_loop3A_112 = arith.index_cast %parallel_loop3A_69 : i32 to index
      %parallel_loop3A_113 = tpu.vector_load %arg9[%parallel_loop3A_111, %parallel_loop3A_112] {strides = array<i32>} : memref<32x320xf32, #tpu.memory_space<vmem>>, vector<16xf32>,
      %parallel_loop3A_114 = arith.addf %parallel_loop3A_104, %parallel_loop3A_113 : vector<16xf32>
      %parallel_loop3A_115 = arith.constant 4 : i32
      %parallel_loop3A_116 = arith.index_cast %parallel_loop3A_115 : i32 to index
      %parallel_loop3A_117 = arith.index_cast %parallel_loop3A_69 : i32 to index
      %parallel_loop3A_118 = tpu.vector_load %arg10[%parallel_loop3A_116, %parallel_loop3A_117] {strides = array<i32>} : memref<32x320xf32, #tpu.memory_space<vmem>>, vector<16xf32>,
      %parallel_loop3A_119 = arith.addf %parallel_loop3A_109, %parallel_loop3A_118 : vector<16xf32>
      %parallel_loop3A_120 = arith.constant 5 : i32
      %parallel_loop3A_121 = arith.index_cast %parallel_loop3A_120 : i32 to index
      %parallel_loop3A_122 = arith.index_cast %parallel_loop3A_69 : i32 to index
      %parallel_loop3A_123 = tpu.vector_load %arg9[%parallel_loop3A_121, %parallel_loop3A_122] {strides = array<i32>} : memref<32x320xf32, #tpu.memory_space<vmem>>, vector<16xf32>,
      %parallel_loop3A_124 = arith.addf %parallel_loop3A_114, %parallel_loop3A_123 : vector<16xf32>
      %parallel_loop3A_125 = arith.constant 5 : i32
      %parallel_loop3A_126 = arith.index_cast %parallel_loop3A_125 : i32 to index
      %parallel_loop3A_127 = arith.index_cast %parallel_loop3A_69 : i32 to index
      %parallel_loop3A_128 = tpu.vector_load %arg10[%parallel_loop3A_126, %parallel_loop3A_127] {strides = array<i32>} : memref<32x320xf32, #tpu.memory_space<vmem>>, vector<16xf32>,
      %parallel_loop3A_129 = arith.addf %parallel_loop3A_119, %parallel_loop3A_128 : vector<16xf32>
      %parallel_loop3A_130 = arith.constant 6 : i32
      %parallel_loop3A_131 = arith.index_cast %parallel_loop3A_130 : i32 to index
      %parallel_loop3A_132 = arith.index_cast %parallel_loop3A_69 : i32 to index
      %parallel_loop3A_133 = tpu.vector_load %arg9[%parallel_loop3A_131, %parallel_loop3A_132] {strides = array<i32>} : memref<32x320xf32, #tpu.memory_space<vmem>>, vector<16xf32>,
      %parallel_loop3A_134 = arith.addf %parallel_loop3A_124, %parallel_loop3A_133 : vector<16xf32>
      %parallel_loop3A_135 = arith.constant 6 : i32
      %parallel_loop3A_136 = arith.index_cast %parallel_loop3A_135 : i32 to index
      %parallel_loop3A_137 = arith.index_cast %parallel_loop3A_69 : i32 to index
      %parallel_loop3A_138 = tpu.vector_load %arg10[%parallel_loop3A_136, %parallel_loop3A_137] {strides = array<i32>} : memref<32x320xf32, #tpu.memory_space<vmem>>, vector<16xf32>,
      %parallel_loop3A_139 = arith.addf %parallel_loop3A_129, %parallel_loop3A_138 : vector<16xf32>
      %parallel_loop3A_140 = arith.constant 7 : i32
      %parallel_loop3A_141 = arith.index_cast %parallel_loop3A_140 : i32 to index
      %parallel_loop3A_142 = arith.index_cast %parallel_loop3A_69 : i32 to index
      %parallel_loop3A_143 = tpu.vector_load %arg9[%parallel_loop3A_141, %parallel_loop3A_142] {strides = array<i32>} : memref<32x320xf32, #tpu.memory_space<vmem>>, vector<16xf32>,
      %parallel_loop3A_144 = arith.addf %parallel_loop3A_134, %parallel_loop3A_143 : vector<16xf32>
      %parallel_loop3A_145 = arith.constant 7 : i32
      %parallel_loop3A_146 = arith.index_cast %parallel_loop3A_145 : i32 to index
      %parallel_loop3A_147 = arith.index_cast %parallel_loop3A_69 : i32 to index
      %parallel_loop3A_148 = tpu.vector_load %arg10[%parallel_loop3A_146, %parallel_loop3A_147] {strides = array<i32>} : memref<32x320xf32, #tpu.memory_space<vmem>>, vector<16xf32>,
      %parallel_loop3A_149 = arith.addf %parallel_loop3A_139, %parallel_loop3A_148 : vector<16xf32>
      %parallel_loop3A_150 = arith.constant 8 : i32
      %parallel_loop3A_151 = arith.index_cast %parallel_loop3A_150 : i32 to index
      %parallel_loop3A_152 = arith.index_cast %parallel_loop3A_69 : i32 to index
      %parallel_loop3A_153 = tpu.vector_load %arg9[%parallel_loop3A_151, %parallel_loop3A_152] {strides = array<i32>} : memref<32x320xf32, #tpu.memory_space<vmem>>, vector<16xf32>,
      %parallel_loop3A_154 = arith.addf %parallel_loop3A_144, %parallel_loop3A_153 : vector<16xf32>
      %parallel_loop3A_155 = arith.constant 8 : i32
      %parallel_loop3A_156 = arith.index_cast %parallel_loop3A_155 : i32 to index
      %parallel_loop3A_157 = arith.index_cast %parallel_loop3A_69 : i32 to index
      %parallel_loop3A_158 = tpu.vector_load %arg10[%parallel_loop3A_156, %parallel_loop3A_157] {strides = array<i32>} : memref<32x320xf32, #tpu.memory_space<vmem>>, vector<16xf32>,
      %parallel_loop3A_159 = arith.addf %parallel_loop3A_149, %parallel_loop3A_158 : vector<16xf32>
      %parallel_loop3A_160 = arith.constant 9 : i32
      %parallel_loop3A_161 = arith.index_cast %parallel_loop3A_160 : i32 to index
      %parallel_loop3A_162 = arith.index_cast %parallel_loop3A_69 : i32 to index
      %parallel_loop3A_163 = tpu.vector_load %arg9[%parallel_loop3A_161, %parallel_loop3A_162] {strides = array<i32>} : memref<32x320xf32, #tpu.memory_space<vmem>>, vector<16xf32>,
      %parallel_loop3A_164 = arith.addf %parallel_loop3A_154, %parallel_loop3A_163 : vector<16xf32>
      %parallel_loop3A_165 = arith.constant 9 : i32
      %parallel_loop3A_166 = arith.index_cast %parallel_loop3A_165 : i32 to index
      %parallel_loop3A_167 = arith.index_cast %parallel_loop3A_69 : i32 to index
      %parallel_loop3A_168 = tpu.vector_load %arg10[%parallel_loop3A_166, %parallel_loop3A_167] {strides = array<i32>} : memref<32x320xf32, #tpu.memory_space<vmem>>, vector<16xf32>,
      %parallel_loop3A_169 = arith.addf %parallel_loop3A_159, %parallel_loop3A_168 : vector<16xf32>
      %parallel_loop3A_170 = arith.constant 10 : i32
      %parallel_loop3A_171 = arith.index_cast %parallel_loop3A_170 : i32 to index
      %parallel_loop3A_172 = arith.index_cast %parallel_loop3A_69 : i32 to index
      %parallel_loop3A_173 = tpu.vector_load %arg9[%parallel_loop3A_171, %parallel_loop3A_172] {strides = array<i32>} : memref<32x320xf32, #tpu.memory_space<vmem>>, vector<16xf32>,
      %parallel_loop3A_174 = arith.addf %parallel_loop3A_164, %parallel_loop3A_173 : vector<16xf32>
      %parallel_loop3A_175 = arith.constant 10 : i32
      %parallel_loop3A_176 = arith.index_cast %parallel_loop3A_175 : i32 to index
      %parallel_loop3A_177 = arith.index_cast %parallel_loop3A_69 : i32 to index
      %parallel_loop3A_178 = tpu.vector_load %arg10[%parallel_loop3A_176, %parallel_loop3A_177] {strides = array<i32>} : memref<32x320xf32, #tpu.memory_space<vmem>>, vector<16xf32>,
      %parallel_loop3A_179 = arith.addf %parallel_loop3A_169, %parallel_loop3A_178 : vector<16xf32>
      %parallel_loop3A_180 = arith.constant 11 : i32
      %parallel_loop3A_181 = arith.index_cast %parallel_loop3A_180 : i32 to index
      %parallel_loop3A_182 = arith.index_cast %parallel_loop3A_69 : i32 to index
      %parallel_loop3A_183 = tpu.vector_load %arg9[%parallel_loop3A_181, %parallel_loop3A_182] {strides = array<i32>} : memref<32x320xf32, #tpu.memory_space<vmem>>, vector<16xf32>,
      %parallel_loop3A_184 = arith.addf %parallel_loop3A_174, %parallel_loop3A_183 : vector<16xf32>
      %parallel_loop3A_185 = arith.constant 11 : i32
      %parallel_loop3A_186 = arith.index_cast %parallel_loop3A_185 : i32 to index
      %parallel_loop3A_187 = arith.index_cast %parallel_loop3A_69 : i32 to index
      %parallel_loop3A_188 = tpu.vector_load %arg10[%parallel_loop3A_186, %parallel_loop3A_187] {strides = array<i32>} : memref<32x320xf32, #tpu.memory_space<vmem>>, vector<16xf32>,
      %parallel_loop3A_189 = arith.addf %parallel_loop3A_179, %parallel_loop3A_188 : vector<16xf32>
      %parallel_loop3A_190 = arith.constant 12 : i32
      %parallel_loop3A_191 = arith.index_cast %parallel_loop3A_190 : i32 to index
      %parallel_loop3A_192 = arith.index_cast %parallel_loop3A_69 : i32 to index
      %parallel_loop3A_193 = tpu.vector_load %arg9[%parallel_loop3A_191, %parallel_loop3A_192] {strides = array<i32>} : memref<32x320xf32, #tpu.memory_space<vmem>>, vector<16xf32>,
      %parallel_loop3A_194 = arith.addf %parallel_loop3A_184, %parallel_loop3A_193 : vector<16xf32>
      %parallel_loop3A_195 = arith.constant 12 : i32
      %parallel_loop3A_196 = arith.index_cast %parallel_loop3A_195 : i32 to index
      %parallel_loop3A_197 = arith.index_cast %parallel_loop3A_69 : i32 to index
      %parallel_loop3A_198 = tpu.vector_load %arg10[%parallel_loop3A_196, %parallel_loop3A_197] {strides = array<i32>} : memref<32x320xf32, #tpu.memory_space<vmem>>, vector<16xf32>,
      %parallel_loop3A_199 = arith.addf %parallel_loop3A_189, %parallel_loop3A_198 : vector<16xf32>
      %parallel_loop3A_200 = arith.constant 13 : i32
      %parallel_loop3A_201 = arith.index_cast %parallel_loop3A_200 : i32 to index
      %parallel_loop3A_202 = arith.index_cast %parallel_loop3A_69 : i32 to index
      %parallel_loop3A_203 = tpu.vector_load %arg9[%parallel_loop3A_201, %parallel_loop3A_202] {strides = array<i32>} : memref<32x320xf32, #tpu.memory_space<vmem>>, vector<16xf32>,
      %parallel_loop3A_204 = arith.addf %parallel_loop3A_194, %parallel_loop3A_203 : vector<16xf32>
      %parallel_loop3A_205 = arith.constant 13 : i32
      %parallel_loop3A_206 = arith.index_cast %parallel_loop3A_205 : i32 to index
      %parallel_loop3A_207 = arith.index_cast %parallel_loop3A_69 : i32 to index
      %parallel_loop3A_208 = tpu.vector_load %arg10[%parallel_loop3A_206, %parallel_loop3A_207] {strides = array<i32>} : memref<32x320xf32, #tpu.memory_space<vmem>>, vector<16xf32>,
      %parallel_loop3A_209 = arith.addf %parallel_loop3A_199, %parallel_loop3A_208 : vector<16xf32>
      %parallel_loop3A_210 = arith.constant 14 : i32
      %parallel_loop3A_211 = arith.index_cast %parallel_loop3A_210 : i32 to index
      %parallel_loop3A_212 = arith.index_cast %parallel_loop3A_69 : i32 to index
      %parallel_loop3A_213 = tpu.vector_load %arg9[%parallel_loop3A_211, %parallel_loop3A_212] {strides = array<i32>} : memref<32x320xf32, #tpu.memory_space<vmem>>, vector<16xf32>,
      %parallel_loop3A_214 = arith.addf %parallel_loop3A_204, %parallel_loop3A_213 : vector<16xf32>
      %parallel_loop3A_215 = arith.constant 14 : i32
      %parallel_loop3A_216 = arith.index_cast %parallel_loop3A_215 : i32 to index
      %parallel_loop3A_217 = arith.index_cast %parallel_loop3A_69 : i32 to index
      %parallel_loop3A_218 = tpu.vector_load %arg10[%parallel_loop3A_216, %parallel_loop3A_217] {strides = array<i32>} : memref<32x320xf32, #tpu.memory_space<vmem>>, vector<16xf32>,
      %parallel_loop3A_219 = arith.addf %parallel_loop3A_209, %parallel_loop3A_218 : vector<16xf32>
      %parallel_loop3A_220 = arith.constant 15 : i32
      %parallel_loop3A_221 = arith.index_cast %parallel_loop3A_220 : i32 to index
      %parallel_loop3A_222 = arith.index_cast %parallel_loop3A_69 : i32 to index
      %parallel_loop3A_223 = tpu.vector_load %arg9[%parallel_loop3A_221, %parallel_loop3A_222] {strides = array<i32>} : memref<32x320xf32, #tpu.memory_space<vmem>>, vector<16xf32>,
      %parallel_loop3A_224 = arith.addf %parallel_loop3A_214, %parallel_loop3A_223 : vector<16xf32>
      %parallel_loop3A_225 = arith.constant 15 : i32
      %parallel_loop3A_226 = arith.index_cast %parallel_loop3A_225 : i32 to index
      %parallel_loop3A_227 = arith.index_cast %parallel_loop3A_69 : i32 to index
      %parallel_loop3A_228 = tpu.vector_load %arg10[%parallel_loop3A_226, %parallel_loop3A_227] {strides = array<i32>} : memref<32x320xf32, #tpu.memory_space<vmem>>, vector<16xf32>,
      %parallel_loop3A_229 = arith.addf %parallel_loop3A_219, %parallel_loop3A_228 : vector<16xf32>
      %parallel_loop3A_230 = arith.constant 16 : i32
      %parallel_loop3A_231 = arith.index_cast %parallel_loop3A_230 : i32 to index
      %parallel_loop3A_232 = arith.index_cast %parallel_loop3A_69 : i32 to index
      %parallel_loop3A_233 = tpu.vector_load %arg9[%parallel_loop3A_231, %parallel_loop3A_232] {strides = array<i32>} : memref<32x320xf32, #tpu.memory_space<vmem>>, vector<16xf32>,
      %parallel_loop3A_234 = arith.addf %parallel_loop3A_224, %parallel_loop3A_233 : vector<16xf32>
      %parallel_loop3A_235 = arith.constant 16 : i32
      %parallel_loop3A_236 = arith.index_cast %parallel_loop3A_235 : i32 to index
      %parallel_loop3A_237 = arith.index_cast %parallel_loop3A_69 : i32 to index
      %parallel_loop3A_238 = tpu.vector_load %arg10[%parallel_loop3A_236, %parallel_loop3A_237] {strides = array<i32>} : memref<32x320xf32, #tpu.memory_space<vmem>>, vector<16xf32>,
      %parallel_loop3A_239 = arith.addf %parallel_loop3A_229, %parallel_loop3A_238 : vector<16xf32>
      %parallel_loop3A_240 = arith.constant 17 : i32
      %parallel_loop3A_241 = arith.index_cast %parallel_loop3A_240 : i32 to index
      %parallel_loop3A_242 = arith.index_cast %parallel_loop3A_69 : i32 to index
      %parallel_loop3A_243 = tpu.vector_load %arg9[%parallel_loop3A_241, %parallel_loop3A_242] {strides = array<i32>} : memref<32x320xf32, #tpu.memory_space<vmem>>, vector<16xf32>,
      %parallel_loop3A_244 = arith.addf %parallel_loop3A_234, %parallel_loop3A_243 : vector<16xf32>
      %parallel_loop3A_245 = arith.constant 17 : i32
      %parallel_loop3A_246 = arith.index_cast %parallel_loop3A_245 : i32 to index
      %parallel_loop3A_247 = arith.index_cast %parallel_loop3A_69 : i32 to index
      %parallel_loop3A_248 = tpu.vector_load %arg10[%parallel_loop3A_246, %parallel_loop3A_247] {strides = array<i32>} : memref<32x320xf32, #tpu.memory_space<vmem>>, vector<16xf32>,
      %parallel_loop3A_249 = arith.addf %parallel_loop3A_239, %parallel_loop3A_248 : vector<16xf32>
      %parallel_loop3A_250 = arith.constant 18 : i32
      %parallel_loop3A_251 = arith.index_cast %parallel_loop3A_250 : i32 to index
      %parallel_loop3A_252 = arith.index_cast %parallel_loop3A_69 : i32 to index
      %parallel_loop3A_253 = tpu.vector_load %arg9[%parallel_loop3A_251, %parallel_loop3A_252] {strides = array<i32>} : memref<32x320xf32, #tpu.memory_space<vmem>>, vector<16xf32>,
      %parallel_loop3A_254 = arith.addf %parallel_loop3A_244, %parallel_loop3A_253 : vector<16xf32>
      %parallel_loop3A_255 = arith.constant 18 : i32
      %parallel_loop3A_256 = arith.index_cast %parallel_loop3A_255 : i32 to index
      %parallel_loop3A_257 = arith.index_cast %parallel_loop3A_69 : i32 to index
      %parallel_loop3A_258 = tpu.vector_load %arg10[%parallel_loop3A_256, %parallel_loop3A_257] {strides = array<i32>} : memref<32x320xf32, #tpu.memory_space<vmem>>, vector<16xf32>,
      %parallel_loop3A_259 = arith.addf %parallel_loop3A_249, %parallel_loop3A_258 : vector<16xf32>
      %parallel_loop3A_260 = arith.constant 19 : i32
      %parallel_loop3A_261 = arith.index_cast %parallel_loop3A_260 : i32 to index
      %parallel_loop3A_262 = arith.index_cast %parallel_loop3A_69 : i32 to index
      %parallel_loop3A_263 = tpu.vector_load %arg9[%parallel_loop3A_261, %parallel_loop3A_262] {strides = array<i32>} : memref<32x320xf32, #tpu.memory_space<vmem>>, vector<16xf32>,
      %parallel_loop3A_264 = arith.addf %parallel_loop3A_254, %parallel_loop3A_263 : vector<16xf32>
      %parallel_loop3A_265 = arith.constant 19 : i32
      %parallel_loop3A_266 = arith.index_cast %parallel_loop3A_265 : i32 to index
      %parallel_loop3A_267 = arith.index_cast %parallel_loop3A_69 : i32 to index
      %parallel_loop3A_268 = tpu.vector_load %arg10[%parallel_loop3A_266, %parallel_loop3A_267] {strides = array<i32>} : memref<32x320xf32, #tpu.memory_space<vmem>>, vector<16xf32>,
      %parallel_loop3A_269 = arith.addf %parallel_loop3A_259, %parallel_loop3A_268 : vector<16xf32>
      %parallel_loop3A_270 = arith.constant 20 : i32
      %parallel_loop3A_271 = arith.index_cast %parallel_loop3A_270 : i32 to index
      %parallel_loop3A_272 = arith.index_cast %parallel_loop3A_69 : i32 to index
      %parallel_loop3A_273 = tpu.vector_load %arg9[%parallel_loop3A_271, %parallel_loop3A_272] {strides = array<i32>} : memref<32x320xf32, #tpu.memory_space<vmem>>, vector<16xf32>,
      %parallel_loop3A_274 = arith.addf %parallel_loop3A_264, %parallel_loop3A_273 : vector<16xf32>
      %parallel_loop3A_275 = arith.constant 20 : i32
      %parallel_loop3A_276 = arith.index_cast %parallel_loop3A_275 : i32 to index
      %parallel_loop3A_277 = arith.index_cast %parallel_loop3A_69 : i32 to index
      %parallel_loop3A_278 = tpu.vector_load %arg10[%parallel_loop3A_276, %parallel_loop3A_277] {strides = array<i32>} : memref<32x320xf32, #tpu.memory_space<vmem>>, vector<16xf32>,
      %parallel_loop3A_279 = arith.addf %parallel_loop3A_269, %parallel_loop3A_278 : vector<16xf32>
      %parallel_loop3A_280 = arith.constant 21 : i32
      %parallel_loop3A_281 = arith.index_cast %parallel_loop3A_280 : i32 to index
      %parallel_loop3A_282 = arith.index_cast %parallel_loop3A_69 : i32 to index
      %parallel_loop3A_283 = tpu.vector_load %arg9[%parallel_loop3A_281, %parallel_loop3A_282] {strides = array<i32>} : memref<32x320xf32, #tpu.memory_space<vmem>>, vector<16xf32>,
      %parallel_loop3A_284 = arith.addf %parallel_loop3A_274, %parallel_loop3A_283 : vector<16xf32>
      %parallel_loop3A_285 = arith.constant 21 : i32
      %parallel_loop3A_286 = arith.index_cast %parallel_loop3A_285 : i32 to index
      %parallel_loop3A_287 = arith.index_cast %parallel_loop3A_69 : i32 to index
      %parallel_loop3A_288 = tpu.vector_load %arg10[%parallel_loop3A_286, %parallel_loop3A_287] {strides = array<i32>} : memref<32x320xf32, #tpu.memory_space<vmem>>, vector<16xf32>,
      %parallel_loop3A_289 = arith.addf %parallel_loop3A_279, %parallel_loop3A_288 : vector<16xf32>
      %parallel_loop3A_290 = arith.constant 22 : i32
      %parallel_loop3A_291 = arith.index_cast %parallel_loop3A_290 : i32 to index
      %parallel_loop3A_292 = arith.index_cast %parallel_loop3A_69 : i32 to index
      %parallel_loop3A_293 = tpu.vector_load %arg9[%parallel_loop3A_291, %parallel_loop3A_292] {strides = array<i32>} : memref<32x320xf32, #tpu.memory_space<vmem>>, vector<16xf32>,
      %parallel_loop3A_294 = arith.addf %parallel_loop3A_284, %parallel_loop3A_293 : vector<16xf32>
      %parallel_loop3A_295 = arith.constant 22 : i32
      %parallel_loop3A_296 = arith.index_cast %parallel_loop3A_295 : i32 to index
      %parallel_loop3A_297 = arith.index_cast %parallel_loop3A_69 : i32 to index
      %parallel_loop3A_298 = tpu.vector_load %arg10[%parallel_loop3A_296, %parallel_loop3A_297] {strides = array<i32>} : memref<32x320xf32, #tpu.memory_space<vmem>>, vector<16xf32>,
      %parallel_loop3A_299 = arith.addf %parallel_loop3A_289, %parallel_loop3A_298 : vector<16xf32>
      %parallel_loop3A_300 = arith.constant 23 : i32
      %parallel_loop3A_301 = arith.index_cast %parallel_loop3A_300 : i32 to index
      %parallel_loop3A_302 = arith.index_cast %parallel_loop3A_69 : i32 to index
      %parallel_loop3A_303 = tpu.vector_load %arg9[%parallel_loop3A_301, %parallel_loop3A_302] {strides = array<i32>} : memref<32x320xf32, #tpu.memory_space<vmem>>, vector<16xf32>,
      %parallel_loop3A_304 = arith.addf %parallel_loop3A_294, %parallel_loop3A_303 : vector<16xf32>
      %parallel_loop3A_305 = arith.constant 23 : i32
      %parallel_loop3A_306 = arith.index_cast %parallel_loop3A_305 : i32 to index
      %parallel_loop3A_307 = arith.index_cast %parallel_loop3A_69 : i32 to index
      %parallel_loop3A_308 = tpu.vector_load %arg10[%parallel_loop3A_306, %parallel_loop3A_307] {strides = array<i32>} : memref<32x320xf32, #tpu.memory_space<vmem>>, vector<16xf32>,
      %parallel_loop3A_309 = arith.addf %parallel_loop3A_299, %parallel_loop3A_308 : vector<16xf32>
      %parallel_loop3A_310 = arith.constant 24 : i32
      %parallel_loop3A_311 = arith.index_cast %parallel_loop3A_310 : i32 to index
      %parallel_loop3A_312 = arith.index_cast %parallel_loop3A_69 : i32 to index
      %parallel_loop3A_313 = tpu.vector_load %arg9[%parallel_loop3A_311, %parallel_loop3A_312] {strides = array<i32>} : memref<32x320xf32, #tpu.memory_space<vmem>>, vector<16xf32>,
      %parallel_loop3A_314 = arith.addf %parallel_loop3A_304, %parallel_loop3A_313 : vector<16xf32>
      %parallel_loop3A_315 = arith.constant 24 : i32
      %parallel_loop3A_316 = arith.index_cast %parallel_loop3A_315 : i32 to index
      %parallel_loop3A_317 = arith.index_cast %parallel_loop3A_69 : i32 to index
      %parallel_loop3A_318 = tpu.vector_load %arg10[%parallel_loop3A_316, %parallel_loop3A_317] {strides = array<i32>} : memref<32x320xf32, #tpu.memory_space<vmem>>, vector<16xf32>,
      %parallel_loop3A_319 = arith.addf %parallel_loop3A_309, %parallel_loop3A_318 : vector<16xf32>
      %parallel_loop3A_320 = arith.constant 25 : i32
      %parallel_loop3A_321 = arith.index_cast %parallel_loop3A_320 : i32 to index
      %parallel_loop3A_322 = arith.index_cast %parallel_loop3A_69 : i32 to index
      %parallel_loop3A_323 = tpu.vector_load %arg9[%parallel_loop3A_321, %parallel_loop3A_322] {strides = array<i32>} : memref<32x320xf32, #tpu.memory_space<vmem>>, vector<16xf32>,
      %parallel_loop3A_324 = arith.addf %parallel_loop3A_314, %parallel_loop3A_323 : vector<16xf32>
      %parallel_loop3A_325 = arith.constant 25 : i32
      %parallel_loop3A_326 = arith.index_cast %parallel_loop3A_325 : i32 to index
      %parallel_loop3A_327 = arith.index_cast %parallel_loop3A_69 : i32 to index
      %parallel_loop3A_328 = tpu.vector_load %arg10[%parallel_loop3A_326, %parallel_loop3A_327] {strides = array<i32>} : memref<32x320xf32, #tpu.memory_space<vmem>>, vector<16xf32>,
      %parallel_loop3A_329 = arith.addf %parallel_loop3A_319, %parallel_loop3A_328 : vector<16xf32>
      %parallel_loop3A_330 = arith.constant 26 : i32
      %parallel_loop3A_331 = arith.index_cast %parallel_loop3A_330 : i32 to index
      %parallel_loop3A_332 = arith.index_cast %parallel_loop3A_69 : i32 to index
      %parallel_loop3A_333 = tpu.vector_load %arg9[%parallel_loop3A_331, %parallel_loop3A_332] {strides = array<i32>} : memref<32x320xf32, #tpu.memory_space<vmem>>, vector<16xf32>,
      %parallel_loop3A_334 = arith.addf %parallel_loop3A_324, %parallel_loop3A_333 : vector<16xf32>
      %parallel_loop3A_335 = arith.constant 26 : i32
      %parallel_loop3A_336 = arith.index_cast %parallel_loop3A_335 : i32 to index
      %parallel_loop3A_337 = arith.index_cast %parallel_loop3A_69 : i32 to index
      %parallel_loop3A_338 = tpu.vector_load %arg10[%parallel_loop3A_336, %parallel_loop3A_337] {strides = array<i32>} : memref<32x320xf32, #tpu.memory_space<vmem>>, vector<16xf32>,
      %parallel_loop3A_339 = arith.addf %parallel_loop3A_329, %parallel_loop3A_338 : vector<16xf32>
      %parallel_loop3A_340 = arith.constant 27 : i32
      %parallel_loop3A_341 = arith.index_cast %parallel_loop3A_340 : i32 to index
      %parallel_loop3A_342 = arith.index_cast %parallel_loop3A_69 : i32 to index
      %parallel_loop3A_343 = tpu.vector_load %arg9[%parallel_loop3A_341, %parallel_loop3A_342] {strides = array<i32>} : memref<32x320xf32, #tpu.memory_space<vmem>>, vector<16xf32>,
      %parallel_loop3A_344 = arith.addf %parallel_loop3A_334, %parallel_loop3A_343 : vector<16xf32>
      %parallel_loop3A_345 = arith.constant 27 : i32
      %parallel_loop3A_346 = arith.index_cast %parallel_loop3A_345 : i32 to index
      %parallel_loop3A_347 = arith.index_cast %parallel_loop3A_69 : i32 to index
      %parallel_loop3A_348 = tpu.vector_load %arg10[%parallel_loop3A_346, %parallel_loop3A_347] {strides = array<i32>} : memref<32x320xf32, #tpu.memory_space<vmem>>, vector<16xf32>,
      %parallel_loop3A_349 = arith.addf %parallel_loop3A_339, %parallel_loop3A_348 : vector<16xf32>
      %parallel_loop3A_350 = arith.constant 28 : i32
      %parallel_loop3A_351 = arith.index_cast %parallel_loop3A_350 : i32 to index
      %parallel_loop3A_352 = arith.index_cast %parallel_loop3A_69 : i32 to index
      %parallel_loop3A_353 = tpu.vector_load %arg9[%parallel_loop3A_351, %parallel_loop3A_352] {strides = array<i32>} : memref<32x320xf32, #tpu.memory_space<vmem>>, vector<16xf32>,
      %parallel_loop3A_354 = arith.addf %parallel_loop3A_344, %parallel_loop3A_353 : vector<16xf32>
      %parallel_loop3A_355 = arith.constant 28 : i32
      %parallel_loop3A_356 = arith.index_cast %parallel_loop3A_355 : i32 to index
      %parallel_loop3A_357 = arith.index_cast %parallel_loop3A_69 : i32 to index
      %parallel_loop3A_358 = tpu.vector_load %arg10[%parallel_loop3A_356, %parallel_loop3A_357] {strides = array<i32>} : memref<32x320xf32, #tpu.memory_space<vmem>>, vector<16xf32>,
      %parallel_loop3A_359 = arith.addf %parallel_loop3A_349, %parallel_loop3A_358 : vector<16xf32>
      %parallel_loop3A_360 = arith.constant 29 : i32
      %parallel_loop3A_361 = arith.index_cast %parallel_loop3A_360 : i32 to index
      %parallel_loop3A_362 = arith.index_cast %parallel_loop3A_69 : i32 to index
      %parallel_loop3A_363 = tpu.vector_load %arg9[%parallel_loop3A_361, %parallel_loop3A_362] {strides = array<i32>} : memref<32x320xf32, #tpu.memory_space<vmem>>, vector<16xf32>,
      %parallel_loop3A_364 = arith.addf %parallel_loop3A_354, %parallel_loop3A_363 : vector<16xf32>
      %parallel_loop3A_365 = arith.constant 29 : i32
      %parallel_loop3A_366 = arith.index_cast %parallel_loop3A_365 : i32 to index
      %parallel_loop3A_367 = arith.index_cast %parallel_loop3A_69 : i32 to index
      %parallel_loop3A_368 = tpu.vector_load %arg10[%parallel_loop3A_366, %parallel_loop3A_367] {strides = array<i32>} : memref<32x320xf32, #tpu.memory_space<vmem>>, vector<16xf32>,
      %parallel_loop3A_369 = arith.addf %parallel_loop3A_359, %parallel_loop3A_368 : vector<16xf32>
      %parallel_loop3A_370 = arith.constant 30 : i32
      %parallel_loop3A_371 = arith.index_cast %parallel_loop3A_370 : i32 to index
      %parallel_loop3A_372 = arith.index_cast %parallel_loop3A_69 : i32 to index
      %parallel_loop3A_373 = tpu.vector_load %arg9[%parallel_loop3A_371, %parallel_loop3A_372] {strides = array<i32>} : memref<32x320xf32, #tpu.memory_space<vmem>>, vector<16xf32>,
      %parallel_loop3A_374 = arith.addf %parallel_loop3A_364, %parallel_loop3A_373 : vector<16xf32>
      %parallel_loop3A_375 = arith.constant 30 : i32
      %parallel_loop3A_376 = arith.index_cast %parallel_loop3A_375 : i32 to index
      %parallel_loop3A_377 = arith.index_cast %parallel_loop3A_69 : i32 to index
      %parallel_loop3A_378 = tpu.vector_load %arg10[%parallel_loop3A_376, %parallel_loop3A_377] {strides = array<i32>} : memref<32x320xf32, #tpu.memory_space<vmem>>, vector<16xf32>,
      %parallel_loop3A_379 = arith.addf %parallel_loop3A_369, %parallel_loop3A_378 : vector<16xf32>
      %parallel_loop3A_380 = arith.constant 31 : i32
      %parallel_loop3A_381 = arith.index_cast %parallel_loop3A_380 : i32 to index
      %parallel_loop3A_382 = arith.index_cast %parallel_loop3A_69 : i32 to index
      %parallel_loop3A_383 = tpu.vector_load %arg9[%parallel_loop3A_381, %parallel_loop3A_382] {strides = array<i32>} : memref<32x320xf32, #tpu.memory_space<vmem>>, vector<16xf32>,
      %parallel_loop3A_384 = arith.addf %parallel_loop3A_374, %parallel_loop3A_383 : vector<16xf32>
      %parallel_loop3A_385 = arith.constant 31 : i32
      %parallel_loop3A_386 = arith.index_cast %parallel_loop3A_385 : i32 to index
      %parallel_loop3A_387 = arith.index_cast %parallel_loop3A_69 : i32 to index
      %parallel_loop3A_388 = tpu.vector_load %arg10[%parallel_loop3A_386, %parallel_loop3A_387] {strides = array<i32>} : memref<32x320xf32, #tpu.memory_space<vmem>>, vector<16xf32>,
      %parallel_loop3A_389 = arith.addf %parallel_loop3A_379, %parallel_loop3A_388 : vector<16xf32>
      %parallel_loop3A_390 = arith.constant 1.000000e+00 : f32
      %parallel_loop3A_391 = vector.broadcast %parallel_loop3A_390 : f32 to vector<16xf32>
      %parallel_loop3A_392 = arith.maximumf %parallel_loop3A_389, %parallel_loop3A_391 : vector<16xf32>
      %parallel_loop3A_393 = arith.divf %parallel_loop3A_384, %parallel_loop3A_392 : vector<16xf32>
      %parallel_loop3A_394 = arith.index_cast %parallel_loop3A_69 : i32 to index
      %parallel_loop3A_395 = tpu.vector_load %arg13[%parallel_loop3A_394] {strides = array<i32>} : memref<320xf32, #tpu.memory_space<vmem>>, vector<16xf32>,
      %parallel_loop3A_396 = arith.addf %parallel_loop3A_393, %parallel_loop3A_395 : vector<16xf32>
      %parallel_loop3A_397 = arith.index_cast %parallel_loop3A_69 : i32 to index
      %parallel_loop3A_398 = tpu.vector_load %arg15[%parallel_loop3A_397] {strides = array<i32>} : memref<320xf32, #tpu.memory_space<vmem>>, vector<16xf32>,
      tpu.vector_store %arg15[%parallel_loop3A_397], %parallel_loop3A_396 {strides = array<i32>} : memref<320xf32, #tpu.memory_space<vmem>>, vector<16xf32>,
    } {sc.loop_unroll_factor = 4 : i64, sc.parallel_access}
    %parallel_loop3A_56 = arith.constant 0 : i32
    %parallel_loop3A_57 = arith.constant 20 : i32
    %parallel_loop3A_58 = arith.constant 1 : i32
    scf.for %parallel_loop3A_67 = %parallel_loop3A_56 to %parallel_loop3A_57 step %parallel_loop3A_58  : i32 {
      %parallel_loop3A_68 = arith.constant 16 : i32
      %parallel_loop3A_69 = arith.muli %parallel_loop3A_67, %parallel_loop3A_68 : i32
      %parallel_loop3A_70 = arith.constant 0 : i32
      %parallel_loop3A_71 = arith.index_cast %parallel_loop3A_70 : i32 to index
      %parallel_loop3A_72 = arith.index_cast %parallel_loop3A_69 : i32 to index
      %parallel_loop3A_73 = tpu.vector_load %arg11[%parallel_loop3A_71, %parallel_loop3A_72] {strides = array<i32>} : memref<32x320xf32, #tpu.memory_space<vmem>>, vector<16xf32>,
      %parallel_loop3A_74 = arith.addf %broadcast_in_dim3A_3, %parallel_loop3A_73 : vector<16xf32>
      %parallel_loop3A_75 = arith.constant 0 : i32
      %parallel_loop3A_76 = arith.index_cast %parallel_loop3A_75 : i32 to index
      %parallel_loop3A_77 = arith.index_cast %parallel_loop3A_69 : i32 to index
      %parallel_loop3A_78 = tpu.vector_load %arg12[%parallel_loop3A_76, %parallel_loop3A_77] {strides = array<i32>} : memref<32x320xf32, #tpu.memory_space<vmem>>, vector<16xf32>,
      %parallel_loop3A_79 = arith.addf %broadcast_in_dim3A_3, %parallel_loop3A_78 : vector<16xf32>
      %parallel_loop3A_80 = arith.constant 1 : i32
      %parallel_loop3A_81 = arith.index_cast %parallel_loop3A_80 : i32 to index
      %parallel_loop3A_82 = arith.index_cast %parallel_loop3A_69 : i32 to index
      %parallel_loop3A_83 = tpu.vector_load %arg11[%parallel_loop3A_81, %parallel_loop3A_82] {strides = array<i32>} : memref<32x320xf32, #tpu.memory_space<vmem>>, vector<16xf32>,
      %parallel_loop3A_84 = arith.addf %parallel_loop3A_74, %parallel_loop3A_83 : vector<16xf32>
      %parallel_loop3A_85 = arith.constant 1 : i32
      %parallel_loop3A_86 = arith.index_cast %parallel_loop3A_85 : i32 to index
      %parallel_loop3A_87 = arith.index_cast %parallel_loop3A_69 : i32 to index
      %parallel_loop3A_88 = tpu.vector_load %arg12[%parallel_loop3A_86, %parallel_loop3A_87] {strides = array<i32>} : memref<32x320xf32, #tpu.memory_space<vmem>>, vector<16xf32>,
      %parallel_loop3A_89 = arith.addf %parallel_loop3A_79, %parallel_loop3A_88 : vector<16xf32>
      %parallel_loop3A_90 = arith.constant 2 : i32
      %parallel_loop3A_91 = arith.index_cast %parallel_loop3A_90 : i32 to index
      %parallel_loop3A_92 = arith.index_cast %parallel_loop3A_69 : i32 to index
      %parallel_loop3A_93 = tpu.vector_load %arg11[%parallel_loop3A_91, %parallel_loop3A_92] {strides = array<i32>} : memref<32x320xf32, #tpu.memory_space<vmem>>, vector<16xf32>,
      %parallel_loop3A_94 = arith.addf %parallel_loop3A_84, %parallel_loop3A_93 : vector<16xf32>
      %parallel_loop3A_95 = arith.constant 2 : i32
      %parallel_loop3A_96 = arith.index_cast %parallel_loop3A_95 : i32 to index
      %parallel_loop3A_97 = arith.index_cast %parallel_loop3A_69 : i32 to index
      %parallel_loop3A_98 = tpu.vector_load %arg12[%parallel_loop3A_96, %parallel_loop3A_97] {strides = array<i32>} : memref<32x320xf32, #tpu.memory_space<vmem>>, vector<16xf32>,
      %parallel_loop3A_99 = arith.addf %parallel_loop3A_89, %parallel_loop3A_98 : vector<16xf32>
      %parallel_loop3A_100 = arith.constant 3 : i32
      %parallel_loop3A_101 = arith.index_cast %parallel_loop3A_100 : i32 to index
      %parallel_loop3A_102 = arith.index_cast %parallel_loop3A_69 : i32 to index
      %parallel_loop3A_103 = tpu.vector_load %arg11[%parallel_loop3A_101, %parallel_loop3A_102] {strides = array<i32>} : memref<32x320xf32, #tpu.memory_space<vmem>>, vector<16xf32>,
      %parallel_loop3A_104 = arith.addf %parallel_loop3A_94, %parallel_loop3A_103 : vector<16xf32>
      %parallel_loop3A_105 = arith.constant 3 : i32
      %parallel_loop3A_106 = arith.index_cast %parallel_loop3A_105 : i32 to index
      %parallel_loop3A_107 = arith.index_cast %parallel_loop3A_69 : i32 to index
      %parallel_loop3A_108 = tpu.vector_load %arg12[%parallel_loop3A_106, %parallel_loop3A_107] {strides = array<i32>} : memref<32x320xf32, #tpu.memory_space<vmem>>, vector<16xf32>,
      %parallel_loop3A_109 = arith.addf %parallel_loop3A_99, %parallel_loop3A_108 : vector<16xf32>
      %parallel_loop3A_110 = arith.constant 4 : i32
      %parallel_loop3A_111 = arith.index_cast %parallel_loop3A_110 : i32 to index
      %parallel_loop3A_112 = arith.index_cast %parallel_loop3A_69 : i32 to index
      %parallel_loop3A_113 = tpu.vector_load %arg11[%parallel_loop3A_111, %parallel_loop3A_112] {strides = array<i32>} : memref<32x320xf32, #tpu.memory_space<vmem>>, vector<16xf32>,
      %parallel_loop3A_114 = arith.addf %parallel_loop3A_104, %parallel_loop3A_113 : vector<16xf32>
      %parallel_loop3A_115 = arith.constant 4 : i32
      %parallel_loop3A_116 = arith.index_cast %parallel_loop3A_115 : i32 to index
      %parallel_loop3A_117 = arith.index_cast %parallel_loop3A_69 : i32 to index
      %parallel_loop3A_118 = tpu.vector_load %arg12[%parallel_loop3A_116, %parallel_loop3A_117] {strides = array<i32>} : memref<32x320xf32, #tpu.memory_space<vmem>>, vector<16xf32>,
      %parallel_loop3A_119 = arith.addf %parallel_loop3A_109, %parallel_loop3A_118 : vector<16xf32>
      %parallel_loop3A_120 = arith.constant 5 : i32
      %parallel_loop3A_121 = arith.index_cast %parallel_loop3A_120 : i32 to index
      %parallel_loop3A_122 = arith.index_cast %parallel_loop3A_69 : i32 to index
      %parallel_loop3A_123 = tpu.vector_load %arg11[%parallel_loop3A_121, %parallel_loop3A_122] {strides = array<i32>} : memref<32x320xf32, #tpu.memory_space<vmem>>, vector<16xf32>,
      %parallel_loop3A_124 = arith.addf %parallel_loop3A_114, %parallel_loop3A_123 : vector<16xf32>
      %parallel_loop3A_125 = arith.constant 5 : i32
      %parallel_loop3A_126 = arith.index_cast %parallel_loop3A_125 : i32 to index
      %parallel_loop3A_127 = arith.index_cast %parallel_loop3A_69 : i32 to index
      %parallel_loop3A_128 = tpu.vector_load %arg12[%parallel_loop3A_126, %parallel_loop3A_127] {strides = array<i32>} : memref<32x320xf32, #tpu.memory_space<vmem>>, vector<16xf32>,
      %parallel_loop3A_129 = arith.addf %parallel_loop3A_119, %parallel_loop3A_128 : vector<16xf32>
      %parallel_loop3A_130 = arith.constant 6 : i32
      %parallel_loop3A_131 = arith.index_cast %parallel_loop3A_130 : i32 to index
      %parallel_loop3A_132 = arith.index_cast %parallel_loop3A_69 : i32 to index
      %parallel_loop3A_133 = tpu.vector_load %arg11[%parallel_loop3A_131, %parallel_loop3A_132] {strides = array<i32>} : memref<32x320xf32, #tpu.memory_space<vmem>>, vector<16xf32>,
      %parallel_loop3A_134 = arith.addf %parallel_loop3A_124, %parallel_loop3A_133 : vector<16xf32>
      %parallel_loop3A_135 = arith.constant 6 : i32
      %parallel_loop3A_136 = arith.index_cast %parallel_loop3A_135 : i32 to index
      %parallel_loop3A_137 = arith.index_cast %parallel_loop3A_69 : i32 to index
      %parallel_loop3A_138 = tpu.vector_load %arg12[%parallel_loop3A_136, %parallel_loop3A_137] {strides = array<i32>} : memref<32x320xf32, #tpu.memory_space<vmem>>, vector<16xf32>,
      %parallel_loop3A_139 = arith.addf %parallel_loop3A_129, %parallel_loop3A_138 : vector<16xf32>
      %parallel_loop3A_140 = arith.constant 7 : i32
      %parallel_loop3A_141 = arith.index_cast %parallel_loop3A_140 : i32 to index
      %parallel_loop3A_142 = arith.index_cast %parallel_loop3A_69 : i32 to index
      %parallel_loop3A_143 = tpu.vector_load %arg11[%parallel_loop3A_141, %parallel_loop3A_142] {strides = array<i32>} : memref<32x320xf32, #tpu.memory_space<vmem>>, vector<16xf32>,
      %parallel_loop3A_144 = arith.addf %parallel_loop3A_134, %parallel_loop3A_143 : vector<16xf32>
      %parallel_loop3A_145 = arith.constant 7 : i32
      %parallel_loop3A_146 = arith.index_cast %parallel_loop3A_145 : i32 to index
      %parallel_loop3A_147 = arith.index_cast %parallel_loop3A_69 : i32 to index
      %parallel_loop3A_148 = tpu.vector_load %arg12[%parallel_loop3A_146, %parallel_loop3A_147] {strides = array<i32>} : memref<32x320xf32, #tpu.memory_space<vmem>>, vector<16xf32>,
      %parallel_loop3A_149 = arith.addf %parallel_loop3A_139, %parallel_loop3A_148 : vector<16xf32>
      %parallel_loop3A_150 = arith.constant 8 : i32
      %parallel_loop3A_151 = arith.index_cast %parallel_loop3A_150 : i32 to index
      %parallel_loop3A_152 = arith.index_cast %parallel_loop3A_69 : i32 to index
      %parallel_loop3A_153 = tpu.vector_load %arg11[%parallel_loop3A_151, %parallel_loop3A_152] {strides = array<i32>} : memref<32x320xf32, #tpu.memory_space<vmem>>, vector<16xf32>,
      %parallel_loop3A_154 = arith.addf %parallel_loop3A_144, %parallel_loop3A_153 : vector<16xf32>
      %parallel_loop3A_155 = arith.constant 8 : i32
      %parallel_loop3A_156 = arith.index_cast %parallel_loop3A_155 : i32 to index
      %parallel_loop3A_157 = arith.index_cast %parallel_loop3A_69 : i32 to index
      %parallel_loop3A_158 = tpu.vector_load %arg12[%parallel_loop3A_156, %parallel_loop3A_157] {strides = array<i32>} : memref<32x320xf32, #tpu.memory_space<vmem>>, vector<16xf32>,
      %parallel_loop3A_159 = arith.addf %parallel_loop3A_149, %parallel_loop3A_158 : vector<16xf32>
      %parallel_loop3A_160 = arith.constant 9 : i32
      %parallel_loop3A_161 = arith.index_cast %parallel_loop3A_160 : i32 to index
      %parallel_loop3A_162 = arith.index_cast %parallel_loop3A_69 : i32 to index
      %parallel_loop3A_163 = tpu.vector_load %arg11[%parallel_loop3A_161, %parallel_loop3A_162] {strides = array<i32>} : memref<32x320xf32, #tpu.memory_space<vmem>>, vector<16xf32>,
      %parallel_loop3A_164 = arith.addf %parallel_loop3A_154, %parallel_loop3A_163 : vector<16xf32>
      %parallel_loop3A_165 = arith.constant 9 : i32
      %parallel_loop3A_166 = arith.index_cast %parallel_loop3A_165 : i32 to index
      %parallel_loop3A_167 = arith.index_cast %parallel_loop3A_69 : i32 to index
      %parallel_loop3A_168 = tpu.vector_load %arg12[%parallel_loop3A_166, %parallel_loop3A_167] {strides = array<i32>} : memref<32x320xf32, #tpu.memory_space<vmem>>, vector<16xf32>,
      %parallel_loop3A_169 = arith.addf %parallel_loop3A_159, %parallel_loop3A_168 : vector<16xf32>
      %parallel_loop3A_170 = arith.constant 10 : i32
      %parallel_loop3A_171 = arith.index_cast %parallel_loop3A_170 : i32 to index
      %parallel_loop3A_172 = arith.index_cast %parallel_loop3A_69 : i32 to index
      %parallel_loop3A_173 = tpu.vector_load %arg11[%parallel_loop3A_171, %parallel_loop3A_172] {strides = array<i32>} : memref<32x320xf32, #tpu.memory_space<vmem>>, vector<16xf32>,
      %parallel_loop3A_174 = arith.addf %parallel_loop3A_164, %parallel_loop3A_173 : vector<16xf32>
      %parallel_loop3A_175 = arith.constant 10 : i32
      %parallel_loop3A_176 = arith.index_cast %parallel_loop3A_175 : i32 to index
      %parallel_loop3A_177 = arith.index_cast %parallel_loop3A_69 : i32 to index
      %parallel_loop3A_178 = tpu.vector_load %arg12[%parallel_loop3A_176, %parallel_loop3A_177] {strides = array<i32>} : memref<32x320xf32, #tpu.memory_space<vmem>>, vector<16xf32>,
      %parallel_loop3A_179 = arith.addf %parallel_loop3A_169, %parallel_loop3A_178 : vector<16xf32>
      %parallel_loop3A_180 = arith.constant 11 : i32
      %parallel_loop3A_181 = arith.index_cast %parallel_loop3A_180 : i32 to index
      %parallel_loop3A_182 = arith.index_cast %parallel_loop3A_69 : i32 to index
      %parallel_loop3A_183 = tpu.vector_load %arg11[%parallel_loop3A_181, %parallel_loop3A_182] {strides = array<i32>} : memref<32x320xf32, #tpu.memory_space<vmem>>, vector<16xf32>,
      %parallel_loop3A_184 = arith.addf %parallel_loop3A_174, %parallel_loop3A_183 : vector<16xf32>
      %parallel_loop3A_185 = arith.constant 11 : i32
      %parallel_loop3A_186 = arith.index_cast %parallel_loop3A_185 : i32 to index
      %parallel_loop3A_187 = arith.index_cast %parallel_loop3A_69 : i32 to index
      %parallel_loop3A_188 = tpu.vector_load %arg12[%parallel_loop3A_186, %parallel_loop3A_187] {strides = array<i32>} : memref<32x320xf32, #tpu.memory_space<vmem>>, vector<16xf32>,
      %parallel_loop3A_189 = arith.addf %parallel_loop3A_179, %parallel_loop3A_188 : vector<16xf32>
      %parallel_loop3A_190 = arith.constant 12 : i32
      %parallel_loop3A_191 = arith.index_cast %parallel_loop3A_190 : i32 to index
      %parallel_loop3A_192 = arith.index_cast %parallel_loop3A_69 : i32 to index
      %parallel_loop3A_193 = tpu.vector_load %arg11[%parallel_loop3A_191, %parallel_loop3A_192] {strides = array<i32>} : memref<32x320xf32, #tpu.memory_space<vmem>>, vector<16xf32>,
      %parallel_loop3A_194 = arith.addf %parallel_loop3A_184, %parallel_loop3A_193 : vector<16xf32>
      %parallel_loop3A_195 = arith.constant 12 : i32
      %parallel_loop3A_196 = arith.index_cast %parallel_loop3A_195 : i32 to index
      %parallel_loop3A_197 = arith.index_cast %parallel_loop3A_69 : i32 to index
      %parallel_loop3A_198 = tpu.vector_load %arg12[%parallel_loop3A_196, %parallel_loop3A_197] {strides = array<i32>} : memref<32x320xf32, #tpu.memory_space<vmem>>, vector<16xf32>,
      %parallel_loop3A_199 = arith.addf %parallel_loop3A_189, %parallel_loop3A_198 : vector<16xf32>
      %parallel_loop3A_200 = arith.constant 13 : i32
      %parallel_loop3A_201 = arith.index_cast %parallel_loop3A_200 : i32 to index
      %parallel_loop3A_202 = arith.index_cast %parallel_loop3A_69 : i32 to index
      %parallel_loop3A_203 = tpu.vector_load %arg11[%parallel_loop3A_201, %parallel_loop3A_202] {strides = array<i32>} : memref<32x320xf32, #tpu.memory_space<vmem>>, vector<16xf32>,
      %parallel_loop3A_204 = arith.addf %parallel_loop3A_194, %parallel_loop3A_203 : vector<16xf32>
      %parallel_loop3A_205 = arith.constant 13 : i32
      %parallel_loop3A_206 = arith.index_cast %parallel_loop3A_205 : i32 to index
      %parallel_loop3A_207 = arith.index_cast %parallel_loop3A_69 : i32 to index
      %parallel_loop3A_208 = tpu.vector_load %arg12[%parallel_loop3A_206, %parallel_loop3A_207] {strides = array<i32>} : memref<32x320xf32, #tpu.memory_space<vmem>>, vector<16xf32>,
      %parallel_loop3A_209 = arith.addf %parallel_loop3A_199, %parallel_loop3A_208 : vector<16xf32>
      %parallel_loop3A_210 = arith.constant 14 : i32
      %parallel_loop3A_211 = arith.index_cast %parallel_loop3A_210 : i32 to index
      %parallel_loop3A_212 = arith.index_cast %parallel_loop3A_69 : i32 to index
      %parallel_loop3A_213 = tpu.vector_load %arg11[%parallel_loop3A_211, %parallel_loop3A_212] {strides = array<i32>} : memref<32x320xf32, #tpu.memory_space<vmem>>, vector<16xf32>,
      %parallel_loop3A_214 = arith.addf %parallel_loop3A_204, %parallel_loop3A_213 : vector<16xf32>
      %parallel_loop3A_215 = arith.constant 14 : i32
      %parallel_loop3A_216 = arith.index_cast %parallel_loop3A_215 : i32 to index
      %parallel_loop3A_217 = arith.index_cast %parallel_loop3A_69 : i32 to index
      %parallel_loop3A_218 = tpu.vector_load %arg12[%parallel_loop3A_216, %parallel_loop3A_217] {strides = array<i32>} : memref<32x320xf32, #tpu.memory_space<vmem>>, vector<16xf32>,
      %parallel_loop3A_219 = arith.addf %parallel_loop3A_209, %parallel_loop3A_218 : vector<16xf32>
      %parallel_loop3A_220 = arith.constant 15 : i32
      %parallel_loop3A_221 = arith.index_cast %parallel_loop3A_220 : i32 to index
      %parallel_loop3A_222 = arith.index_cast %parallel_loop3A_69 : i32 to index
      %parallel_loop3A_223 = tpu.vector_load %arg11[%parallel_loop3A_221, %parallel_loop3A_222] {strides = array<i32>} : memref<32x320xf32, #tpu.memory_space<vmem>>, vector<16xf32>,
      %parallel_loop3A_224 = arith.addf %parallel_loop3A_214, %parallel_loop3A_223 : vector<16xf32>
      %parallel_loop3A_225 = arith.constant 15 : i32
      %parallel_loop3A_226 = arith.index_cast %parallel_loop3A_225 : i32 to index
      %parallel_loop3A_227 = arith.index_cast %parallel_loop3A_69 : i32 to index
      %parallel_loop3A_228 = tpu.vector_load %arg12[%parallel_loop3A_226, %parallel_loop3A_227] {strides = array<i32>} : memref<32x320xf32, #tpu.memory_space<vmem>>, vector<16xf32>,
      %parallel_loop3A_229 = arith.addf %parallel_loop3A_219, %parallel_loop3A_228 : vector<16xf32>
      %parallel_loop3A_230 = arith.constant 16 : i32
      %parallel_loop3A_231 = arith.index_cast %parallel_loop3A_230 : i32 to index
      %parallel_loop3A_232 = arith.index_cast %parallel_loop3A_69 : i32 to index
      %parallel_loop3A_233 = tpu.vector_load %arg11[%parallel_loop3A_231, %parallel_loop3A_232] {strides = array<i32>} : memref<32x320xf32, #tpu.memory_space<vmem>>, vector<16xf32>,
      %parallel_loop3A_234 = arith.addf %parallel_loop3A_224, %parallel_loop3A_233 : vector<16xf32>
      %parallel_loop3A_235 = arith.constant 16 : i32
      %parallel_loop3A_236 = arith.index_cast %parallel_loop3A_235 : i32 to index
      %parallel_loop3A_237 = arith.index_cast %parallel_loop3A_69 : i32 to index
      %parallel_loop3A_238 = tpu.vector_load %arg12[%parallel_loop3A_236, %parallel_loop3A_237] {strides = array<i32>} : memref<32x320xf32, #tpu.memory_space<vmem>>, vector<16xf32>,
      %parallel_loop3A_239 = arith.addf %parallel_loop3A_229, %parallel_loop3A_238 : vector<16xf32>
      %parallel_loop3A_240 = arith.constant 17 : i32
      %parallel_loop3A_241 = arith.index_cast %parallel_loop3A_240 : i32 to index
      %parallel_loop3A_242 = arith.index_cast %parallel_loop3A_69 : i32 to index
      %parallel_loop3A_243 = tpu.vector_load %arg11[%parallel_loop3A_241, %parallel_loop3A_242] {strides = array<i32>} : memref<32x320xf32, #tpu.memory_space<vmem>>, vector<16xf32>,
      %parallel_loop3A_244 = arith.addf %parallel_loop3A_234, %parallel_loop3A_243 : vector<16xf32>
      %parallel_loop3A_245 = arith.constant 17 : i32
      %parallel_loop3A_246 = arith.index_cast %parallel_loop3A_245 : i32 to index
      %parallel_loop3A_247 = arith.index_cast %parallel_loop3A_69 : i32 to index
      %parallel_loop3A_248 = tpu.vector_load %arg12[%parallel_loop3A_246, %parallel_loop3A_247] {strides = array<i32>} : memref<32x320xf32, #tpu.memory_space<vmem>>, vector<16xf32>,
      %parallel_loop3A_249 = arith.addf %parallel_loop3A_239, %parallel_loop3A_248 : vector<16xf32>
      %parallel_loop3A_250 = arith.constant 18 : i32
      %parallel_loop3A_251 = arith.index_cast %parallel_loop3A_250 : i32 to index
      %parallel_loop3A_252 = arith.index_cast %parallel_loop3A_69 : i32 to index
      %parallel_loop3A_253 = tpu.vector_load %arg11[%parallel_loop3A_251, %parallel_loop3A_252] {strides = array<i32>} : memref<32x320xf32, #tpu.memory_space<vmem>>, vector<16xf32>,
      %parallel_loop3A_254 = arith.addf %parallel_loop3A_244, %parallel_loop3A_253 : vector<16xf32>
      %parallel_loop3A_255 = arith.constant 18 : i32
      %parallel_loop3A_256 = arith.index_cast %parallel_loop3A_255 : i32 to index
      %parallel_loop3A_257 = arith.index_cast %parallel_loop3A_69 : i32 to index
      %parallel_loop3A_258 = tpu.vector_load %arg12[%parallel_loop3A_256, %parallel_loop3A_257] {strides = array<i32>} : memref<32x320xf32, #tpu.memory_space<vmem>>, vector<16xf32>,
      %parallel_loop3A_259 = arith.addf %parallel_loop3A_249, %parallel_loop3A_258 : vector<16xf32>
      %parallel_loop3A_260 = arith.constant 19 : i32
      %parallel_loop3A_261 = arith.index_cast %parallel_loop3A_260 : i32 to index
      %parallel_loop3A_262 = arith.index_cast %parallel_loop3A_69 : i32 to index
      %parallel_loop3A_263 = tpu.vector_load %arg11[%parallel_loop3A_261, %parallel_loop3A_262] {strides = array<i32>} : memref<32x320xf32, #tpu.memory_space<vmem>>, vector<16xf32>,
      %parallel_loop3A_264 = arith.addf %parallel_loop3A_254, %parallel_loop3A_263 : vector<16xf32>
      %parallel_loop3A_265 = arith.constant 19 : i32
      %parallel_loop3A_266 = arith.index_cast %parallel_loop3A_265 : i32 to index
      %parallel_loop3A_267 = arith.index_cast %parallel_loop3A_69 : i32 to index
      %parallel_loop3A_268 = tpu.vector_load %arg12[%parallel_loop3A_266, %parallel_loop3A_267] {strides = array<i32>} : memref<32x320xf32, #tpu.memory_space<vmem>>, vector<16xf32>,
      %parallel_loop3A_269 = arith.addf %parallel_loop3A_259, %parallel_loop3A_268 : vector<16xf32>
      %parallel_loop3A_270 = arith.constant 20 : i32
      %parallel_loop3A_271 = arith.index_cast %parallel_loop3A_270 : i32 to index
      %parallel_loop3A_272 = arith.index_cast %parallel_loop3A_69 : i32 to index
      %parallel_loop3A_273 = tpu.vector_load %arg11[%parallel_loop3A_271, %parallel_loop3A_272] {strides = array<i32>} : memref<32x320xf32, #tpu.memory_space<vmem>>, vector<16xf32>,
      %parallel_loop3A_274 = arith.addf %parallel_loop3A_264, %parallel_loop3A_273 : vector<16xf32>
      %parallel_loop3A_275 = arith.constant 20 : i32
      %parallel_loop3A_276 = arith.index_cast %parallel_loop3A_275 : i32 to index
      %parallel_loop3A_277 = arith.index_cast %parallel_loop3A_69 : i32 to index
      %parallel_loop3A_278 = tpu.vector_load %arg12[%parallel_loop3A_276, %parallel_loop3A_277] {strides = array<i32>} : memref<32x320xf32, #tpu.memory_space<vmem>>, vector<16xf32>,
      %parallel_loop3A_279 = arith.addf %parallel_loop3A_269, %parallel_loop3A_278 : vector<16xf32>
      %parallel_loop3A_280 = arith.constant 21 : i32
      %parallel_loop3A_281 = arith.index_cast %parallel_loop3A_280 : i32 to index
      %parallel_loop3A_282 = arith.index_cast %parallel_loop3A_69 : i32 to index
      %parallel_loop3A_283 = tpu.vector_load %arg11[%parallel_loop3A_281, %parallel_loop3A_282] {strides = array<i32>} : memref<32x320xf32, #tpu.memory_space<vmem>>, vector<16xf32>,
      %parallel_loop3A_284 = arith.addf %parallel_loop3A_274, %parallel_loop3A_283 : vector<16xf32>
      %parallel_loop3A_285 = arith.constant 21 : i32
      %parallel_loop3A_286 = arith.index_cast %parallel_loop3A_285 : i32 to index
      %parallel_loop3A_287 = arith.index_cast %parallel_loop3A_69 : i32 to index
      %parallel_loop3A_288 = tpu.vector_load %arg12[%parallel_loop3A_286, %parallel_loop3A_287] {strides = array<i32>} : memref<32x320xf32, #tpu.memory_space<vmem>>, vector<16xf32>,
      %parallel_loop3A_289 = arith.addf %parallel_loop3A_279, %parallel_loop3A_288 : vector<16xf32>
      %parallel_loop3A_290 = arith.constant 22 : i32
      %parallel_loop3A_291 = arith.index_cast %parallel_loop3A_290 : i32 to index
      %parallel_loop3A_292 = arith.index_cast %parallel_loop3A_69 : i32 to index
      %parallel_loop3A_293 = tpu.vector_load %arg11[%parallel_loop3A_291, %parallel_loop3A_292] {strides = array<i32>} : memref<32x320xf32, #tpu.memory_space<vmem>>, vector<16xf32>,
      %parallel_loop3A_294 = arith.addf %parallel_loop3A_284, %parallel_loop3A_293 : vector<16xf32>
      %parallel_loop3A_295 = arith.constant 22 : i32
      %parallel_loop3A_296 = arith.index_cast %parallel_loop3A_295 : i32 to index
      %parallel_loop3A_297 = arith.index_cast %parallel_loop3A_69 : i32 to index
      %parallel_loop3A_298 = tpu.vector_load %arg12[%parallel_loop3A_296, %parallel_loop3A_297] {strides = array<i32>} : memref<32x320xf32, #tpu.memory_space<vmem>>, vector<16xf32>,
      %parallel_loop3A_299 = arith.addf %parallel_loop3A_289, %parallel_loop3A_298 : vector<16xf32>
      %parallel_loop3A_300 = arith.constant 23 : i32
      %parallel_loop3A_301 = arith.index_cast %parallel_loop3A_300 : i32 to index
      %parallel_loop3A_302 = arith.index_cast %parallel_loop3A_69 : i32 to index
      %parallel_loop3A_303 = tpu.vector_load %arg11[%parallel_loop3A_301, %parallel_loop3A_302] {strides = array<i32>} : memref<32x320xf32, #tpu.memory_space<vmem>>, vector<16xf32>,
      %parallel_loop3A_304 = arith.addf %parallel_loop3A_294, %parallel_loop3A_303 : vector<16xf32>
      %parallel_loop3A_305 = arith.constant 23 : i32
      %parallel_loop3A_306 = arith.index_cast %parallel_loop3A_305 : i32 to index
      %parallel_loop3A_307 = arith.index_cast %parallel_loop3A_69 : i32 to index
      %parallel_loop3A_308 = tpu.vector_load %arg12[%parallel_loop3A_306, %parallel_loop3A_307] {strides = array<i32>} : memref<32x320xf32, #tpu.memory_space<vmem>>, vector<16xf32>,
      %parallel_loop3A_309 = arith.addf %parallel_loop3A_299, %parallel_loop3A_308 : vector<16xf32>
      %parallel_loop3A_310 = arith.constant 24 : i32
      %parallel_loop3A_311 = arith.index_cast %parallel_loop3A_310 : i32 to index
      %parallel_loop3A_312 = arith.index_cast %parallel_loop3A_69 : i32 to index
      %parallel_loop3A_313 = tpu.vector_load %arg11[%parallel_loop3A_311, %parallel_loop3A_312] {strides = array<i32>} : memref<32x320xf32, #tpu.memory_space<vmem>>, vector<16xf32>,
      %parallel_loop3A_314 = arith.addf %parallel_loop3A_304, %parallel_loop3A_313 : vector<16xf32>
      %parallel_loop3A_315 = arith.constant 24 : i32
      %parallel_loop3A_316 = arith.index_cast %parallel_loop3A_315 : i32 to index
      %parallel_loop3A_317 = arith.index_cast %parallel_loop3A_69 : i32 to index
      %parallel_loop3A_318 = tpu.vector_load %arg12[%parallel_loop3A_316, %parallel_loop3A_317] {strides = array<i32>} : memref<32x320xf32, #tpu.memory_space<vmem>>, vector<16xf32>,
      %parallel_loop3A_319 = arith.addf %parallel_loop3A_309, %parallel_loop3A_318 : vector<16xf32>
      %parallel_loop3A_320 = arith.constant 25 : i32
      %parallel_loop3A_321 = arith.index_cast %parallel_loop3A_320 : i32 to index
      %parallel_loop3A_322 = arith.index_cast %parallel_loop3A_69 : i32 to index
      %parallel_loop3A_323 = tpu.vector_load %arg11[%parallel_loop3A_321, %parallel_loop3A_322] {strides = array<i32>} : memref<32x320xf32, #tpu.memory_space<vmem>>, vector<16xf32>,
      %parallel_loop3A_324 = arith.addf %parallel_loop3A_314, %parallel_loop3A_323 : vector<16xf32>
      %parallel_loop3A_325 = arith.constant 25 : i32
      %parallel_loop3A_326 = arith.index_cast %parallel_loop3A_325 : i32 to index
      %parallel_loop3A_327 = arith.index_cast %parallel_loop3A_69 : i32 to index
      %parallel_loop3A_328 = tpu.vector_load %arg12[%parallel_loop3A_326, %parallel_loop3A_327] {strides = array<i32>} : memref<32x320xf32, #tpu.memory_space<vmem>>, vector<16xf32>,
      %parallel_loop3A_329 = arith.addf %parallel_loop3A_319, %parallel_loop3A_328 : vector<16xf32>
      %parallel_loop3A_330 = arith.constant 26 : i32
      %parallel_loop3A_331 = arith.index_cast %parallel_loop3A_330 : i32 to index
      %parallel_loop3A_332 = arith.index_cast %parallel_loop3A_69 : i32 to index
      %parallel_loop3A_333 = tpu.vector_load %arg11[%parallel_loop3A_331, %parallel_loop3A_332] {strides = array<i32>} : memref<32x320xf32, #tpu.memory_space<vmem>>, vector<16xf32>,
      %parallel_loop3A_334 = arith.addf %parallel_loop3A_324, %parallel_loop3A_333 : vector<16xf32>
      %parallel_loop3A_335 = arith.constant 26 : i32
      %parallel_loop3A_336 = arith.index_cast %parallel_loop3A_335 : i32 to index
      %parallel_loop3A_337 = arith.index_cast %parallel_loop3A_69 : i32 to index
      %parallel_loop3A_338 = tpu.vector_load %arg12[%parallel_loop3A_336, %parallel_loop3A_337] {strides = array<i32>} : memref<32x320xf32, #tpu.memory_space<vmem>>, vector<16xf32>,
      %parallel_loop3A_339 = arith.addf %parallel_loop3A_329, %parallel_loop3A_338 : vector<16xf32>
      %parallel_loop3A_340 = arith.constant 27 : i32
      %parallel_loop3A_341 = arith.index_cast %parallel_loop3A_340 : i32 to index
      %parallel_loop3A_342 = arith.index_cast %parallel_loop3A_69 : i32 to index
      %parallel_loop3A_343 = tpu.vector_load %arg11[%parallel_loop3A_341, %parallel_loop3A_342] {strides = array<i32>} : memref<32x320xf32, #tpu.memory_space<vmem>>, vector<16xf32>,
      %parallel_loop3A_344 = arith.addf %parallel_loop3A_334, %parallel_loop3A_343 : vector<16xf32>
      %parallel_loop3A_345 = arith.constant 27 : i32
      %parallel_loop3A_346 = arith.index_cast %parallel_loop3A_345 : i32 to index
      %parallel_loop3A_347 = arith.index_cast %parallel_loop3A_69 : i32 to index
      %parallel_loop3A_348 = tpu.vector_load %arg12[%parallel_loop3A_346, %parallel_loop3A_347] {strides = array<i32>} : memref<32x320xf32, #tpu.memory_space<vmem>>, vector<16xf32>,
      %parallel_loop3A_349 = arith.addf %parallel_loop3A_339, %parallel_loop3A_348 : vector<16xf32>
      %parallel_loop3A_350 = arith.constant 28 : i32
      %parallel_loop3A_351 = arith.index_cast %parallel_loop3A_350 : i32 to index
      %parallel_loop3A_352 = arith.index_cast %parallel_loop3A_69 : i32 to index
      %parallel_loop3A_353 = tpu.vector_load %arg11[%parallel_loop3A_351, %parallel_loop3A_352] {strides = array<i32>} : memref<32x320xf32, #tpu.memory_space<vmem>>, vector<16xf32>,
      %parallel_loop3A_354 = arith.addf %parallel_loop3A_344, %parallel_loop3A_353 : vector<16xf32>
      %parallel_loop3A_355 = arith.constant 28 : i32
      %parallel_loop3A_356 = arith.index_cast %parallel_loop3A_355 : i32 to index
      %parallel_loop3A_357 = arith.index_cast %parallel_loop3A_69 : i32 to index
      %parallel_loop3A_358 = tpu.vector_load %arg12[%parallel_loop3A_356, %parallel_loop3A_357] {strides = array<i32>} : memref<32x320xf32, #tpu.memory_space<vmem>>, vector<16xf32>,
      %parallel_loop3A_359 = arith.addf %parallel_loop3A_349, %parallel_loop3A_358 : vector<16xf32>
      %parallel_loop3A_360 = arith.constant 29 : i32
      %parallel_loop3A_361 = arith.index_cast %parallel_loop3A_360 : i32 to index
      %parallel_loop3A_362 = arith.index_cast %parallel_loop3A_69 : i32 to index
      %parallel_loop3A_363 = tpu.vector_load %arg11[%parallel_loop3A_361, %parallel_loop3A_362] {strides = array<i32>} : memref<32x320xf32, #tpu.memory_space<vmem>>, vector<16xf32>,
      %parallel_loop3A_364 = arith.addf %parallel_loop3A_354, %parallel_loop3A_363 : vector<16xf32>
      %parallel_loop3A_365 = arith.constant 29 : i32
      %parallel_loop3A_366 = arith.index_cast %parallel_loop3A_365 : i32 to index
      %parallel_loop3A_367 = arith.index_cast %parallel_loop3A_69 : i32 to index
      %parallel_loop3A_368 = tpu.vector_load %arg12[%parallel_loop3A_366, %parallel_loop3A_367] {strides = array<i32>} : memref<32x320xf32, #tpu.memory_space<vmem>>, vector<16xf32>,
      %parallel_loop3A_369 = arith.addf %parallel_loop3A_359, %parallel_loop3A_368 : vector<16xf32>
      %parallel_loop3A_370 = arith.constant 30 : i32
      %parallel_loop3A_371 = arith.index_cast %parallel_loop3A_370 : i32 to index
      %parallel_loop3A_372 = arith.index_cast %parallel_loop3A_69 : i32 to index
      %parallel_loop3A_373 = tpu.vector_load %arg11[%parallel_loop3A_371, %parallel_loop3A_372] {strides = array<i32>} : memref<32x320xf32, #tpu.memory_space<vmem>>, vector<16xf32>,
      %parallel_loop3A_374 = arith.addf %parallel_loop3A_364, %parallel_loop3A_373 : vector<16xf32>
      %parallel_loop3A_375 = arith.constant 30 : i32
      %parallel_loop3A_376 = arith.index_cast %parallel_loop3A_375 : i32 to index
      %parallel_loop3A_377 = arith.index_cast %parallel_loop3A_69 : i32 to index
      %parallel_loop3A_378 = tpu.vector_load %arg12[%parallel_loop3A_376, %parallel_loop3A_377] {strides = array<i32>} : memref<32x320xf32, #tpu.memory_space<vmem>>, vector<16xf32>,
      %parallel_loop3A_379 = arith.addf %parallel_loop3A_369, %parallel_loop3A_378 : vector<16xf32>
      %parallel_loop3A_380 = arith.constant 31 : i32
      %parallel_loop3A_381 = arith.index_cast %parallel_loop3A_380 : i32 to index
      %parallel_loop3A_382 = arith.index_cast %parallel_loop3A_69 : i32 to index
      %parallel_loop3A_383 = tpu.vector_load %arg11[%parallel_loop3A_381, %parallel_loop3A_382] {strides = array<i32>} : memref<32x320xf32, #tpu.memory_space<vmem>>, vector<16xf32>,
      %parallel_loop3A_384 = arith.addf %parallel_loop3A_374, %parallel_loop3A_383 : vector<16xf32>
      %parallel_loop3A_385 = arith.constant 31 : i32
      %parallel_loop3A_386 = arith.index_cast %parallel_loop3A_385 : i32 to index
      %parallel_loop3A_387 = arith.index_cast %parallel_loop3A_69 : i32 to index
      %parallel_loop3A_388 = tpu.vector_load %arg12[%parallel_loop3A_386, %parallel_loop3A_387] {strides = array<i32>} : memref<32x320xf32, #tpu.memory_space<vmem>>, vector<16xf32>,
      %parallel_loop3A_389 = arith.addf %parallel_loop3A_379, %parallel_loop3A_388 : vector<16xf32>
      %parallel_loop3A_390 = arith.constant 1.000000e+00 : f32
      %parallel_loop3A_391 = vector.broadcast %parallel_loop3A_390 : f32 to vector<16xf32>
      %parallel_loop3A_392 = arith.maximumf %parallel_loop3A_389, %parallel_loop3A_391 : vector<16xf32>
      %parallel_loop3A_393 = arith.divf %parallel_loop3A_384, %parallel_loop3A_392 : vector<16xf32>
      %parallel_loop3A_394 = arith.index_cast %parallel_loop3A_69 : i32 to index
      %parallel_loop3A_395 = tpu.vector_load %arg14[%parallel_loop3A_394] {strides = array<i32>} : memref<320xf32, #tpu.memory_space<vmem>>, vector<16xf32>,
      %parallel_loop3A_396 = arith.addf %parallel_loop3A_393, %parallel_loop3A_395 : vector<16xf32>
      %parallel_loop3A_397 = arith.index_cast %parallel_loop3A_69 : i32 to index
      %parallel_loop3A_398 = tpu.vector_load %arg16[%parallel_loop3A_397] {strides = array<i32>} : memref<320xf32, #tpu.memory_space<vmem>>, vector<16xf32>,
      tpu.vector_store %arg16[%parallel_loop3A_397], %parallel_loop3A_396 {strides = array<i32>} : memref<320xf32, #tpu.memory_space<vmem>>, vector<16xf32>,
    } {sc.loop_unroll_factor = 4 : i64, sc.parallel_access}
    %dma_start3A_59 = tpu.memref_slice %arg7[%mul3A_2] : memref<10240xf32, #tpu.memory_space<hbm>> -> memref<320xf32, #tpu.memory_space<hbm>>
    %dma_start3A_60 = tpu.memref_slice %arg7[%mul3A_2] : memref<10240xf32, #tpu.memory_space<hbm>> -> memref<320xf32, #tpu.memory_space<hbm>>
    tpu.enqueue_dma source(%arg15 : memref<320xf32, #tpu.memory_space<vmem>>) target(%dma_start3A_60 : memref<320xf32, #tpu.memory_space<hbm>>) target_semaphore(%arg17 : memref<!tpu.dma_semaphore, #tpu.memory_space<semaphore_mem>>)
    %dma_start3A_61 = tpu.memref_slice %arg8[%mul3A_2] : memref<10240xf32, #tpu.memory_space<hbm>> -> memref<320xf32, #tpu.memory_space<hbm>>
    %dma_start3A_62 = tpu.memref_slice %arg8[%mul3A_2] : memref<10240xf32, #tpu.memory_space<hbm>> -> memref<320xf32, #tpu.memory_space<hbm>>
    tpu.enqueue_dma source(%arg16 : memref<320xf32, #tpu.memory_space<vmem>>) target(%dma_start3A_62 : memref<320xf32, #tpu.memory_space<hbm>>) target_semaphore(%arg17 : memref<!tpu.dma_semaphore, #tpu.memory_space<semaphore_mem>>)
    %dma_wait3A_63 = tpu.memref_slice %arg7[%mul3A_2] : memref<10240xf32, #tpu.memory_space<hbm>> -> memref<320xf32, #tpu.memory_space<hbm>>
    %dma_wait3A_64 = tpu.memref_slice %arg7[%mul3A_2] : memref<10240xf32, #tpu.memory_space<hbm>> -> memref<320xf32, #tpu.memory_space<hbm>>
    tpu.wait_dma2 semaphore(%arg17 : memref<!tpu.dma_semaphore, #tpu.memory_space<semaphore_mem>>) src(%arg15 : memref<320xf32, #tpu.memory_space<vmem>>) dst(%dma_wait3A_64 : memref<320xf32, #tpu.memory_space<hbm>>)
    %dma_wait3A_65 = tpu.memref_slice %arg8[%mul3A_2] : memref<10240xf32, #tpu.memory_space<hbm>> -> memref<320xf32, #tpu.memory_space<hbm>>
    %dma_wait3A_66 = tpu.memref_slice %arg8[%mul3A_2] : memref<10240xf32, #tpu.memory_space<hbm>> -> memref<320xf32, #tpu.memory_space<hbm>>
    tpu.wait_dma2 semaphore(%arg17 : memref<!tpu.dma_semaphore, #tpu.memory_space<semaphore_mem>>) src(%arg16 : memref<320xf32, #tpu.memory_space<vmem>>) dst(%dma_wait3A_66 : memref<320xf32, #tpu.memory_space<hbm>>)
    return
  }
}

module attributes {stable_mosaic.version = 14 : i64} {
  func.func @_dense8_body(%arg0: memref<10000x128xf32, #tpu.memory_space<vmem>>, %arg1: memref<10000x128xf32, #tpu.memory_space<vmem>>, %arg2: memref<128x128xf32, #tpu.memory_space<vmem>>, %arg3: memref<128x128xf32, #tpu.memory_space<vmem>>, %arg4: memref<128x128xf32, #tpu.memory_space<vmem>>, %arg5: memref<128x128xf32, #tpu.memory_space<vmem>>, %arg6: memref<256x1xf32, #tpu.memory_space<vmem>>, %arg7: memref<128xf32, #tpu.memory_space<vmem>>, %arg8: memref<128xf32, #tpu.memory_space<vmem>>, %arg9: memref<1xf32, #tpu.memory_space<vmem>>, %arg10: memref<8x10000xf32, #tpu.memory_space<vmem>>) attributes {dimension_semantics = [], scalar_prefetch = 0 : i64, scratch_operands = 0 : i64, tpu.core_type = #tpu.core_type<tc>} {
    %get3A = arith.constant 0 : index
    %get3A_0 = arith.constant 0 : index
    %get3A_1 = vector.load %arg6[%get3A, %get3A_0] : memref<256x1xf32, #tpu.memory_space<vmem>>, vector<128x1xf32>
    %get3A_2 = vector.shape_cast %get3A_1 : vector<128x1xf32> to vector<128xf32>
    %get3A_3 = arith.constant 128 : index
    %get3A_4 = arith.constant 0 : index
    %get3A_5 = vector.load %arg6[%get3A_3, %get3A_4] : memref<256x1xf32, #tpu.memory_space<vmem>>, vector<128x1xf32>
    %get3A_6 = vector.shape_cast %get3A_5 : vector<128x1xf32> to vector<128xf32>
    %get3A_7 = arith.constant 0 : index
    %get3A_8 = arith.constant 0 : index
    %get3A_9 = vector.load %arg2[%get3A_7, %get3A_8] : memref<128x128xf32, #tpu.memory_space<vmem>>, vector<128x128xf32>
    %broadcast_in_dim3A = vector.shape_cast %get3A_6 : vector<128xf32> to vector<1x128xf32>
    %mul3A = vector.broadcast %broadcast_in_dim3A : vector<1x128xf32> to vector<128x128xf32>
    %mul3A_10 = arith.mulf %get3A_9, %mul3A : vector<128x128xf32>
    %reduce_sum3A = arith.constant dense<0.000000e+00> : vector<128xf32>
    %reduce_sum3A_11 = vector.multi_reduction <add>, %mul3A_10, %reduce_sum3A [1] : vector<128x128xf32> to vector<128xf32>
    %get3A_12 = arith.constant 0 : index
    %get3A_13 = arith.constant 0 : index
    %get3A_14 = vector.load %arg3[%get3A_12, %get3A_13] : memref<128x128xf32, #tpu.memory_space<vmem>>, vector<128x128xf32>
    %broadcast_in_dim3A_15 = vector.shape_cast %get3A_2 : vector<128xf32> to vector<1x128xf32>
    %mul3A_16 = vector.broadcast %broadcast_in_dim3A_15 : vector<1x128xf32> to vector<128x128xf32>
    %mul3A_17 = arith.mulf %get3A_14, %mul3A_16 : vector<128x128xf32>
    %reduce_sum3A_18 = arith.constant dense<0.000000e+00> : vector<128xf32>
    %reduce_sum3A_19 = vector.multi_reduction <add>, %mul3A_17, %reduce_sum3A_18 [1] : vector<128x128xf32> to vector<128xf32>
    %get3A_20 = arith.constant 0 : index
    %get3A_21 = arith.constant 0 : index
    %get3A_22 = vector.load %arg5[%get3A_20, %get3A_21] : memref<128x128xf32, #tpu.memory_space<vmem>>, vector<128x128xf32>
    %broadcast_in_dim3A_23 = vector.shape_cast %get3A_2 : vector<128xf32> to vector<1x128xf32>
    %mul3A_24 = vector.broadcast %broadcast_in_dim3A_23 : vector<1x128xf32> to vector<128x128xf32>
    %mul3A_25 = arith.mulf %get3A_22, %mul3A_24 : vector<128x128xf32>
    %reduce_sum3A_26 = arith.constant dense<0.000000e+00> : vector<128xf32>
    %reduce_sum3A_27 = vector.multi_reduction <add>, %mul3A_25, %reduce_sum3A_26 [1] : vector<128x128xf32> to vector<128xf32>
    %get3A_28 = arith.constant 0 : index
    %get3A_29 = arith.constant 0 : index
    %get3A_30 = vector.load %arg4[%get3A_28, %get3A_29] : memref<128x128xf32, #tpu.memory_space<vmem>>, vector<128x128xf32>
    %broadcast_in_dim3A_31 = vector.shape_cast %get3A_6 : vector<128xf32> to vector<1x128xf32>
    %mul3A_32 = vector.broadcast %broadcast_in_dim3A_31 : vector<1x128xf32> to vector<128x128xf32>
    %mul3A_33 = arith.mulf %get3A_30, %mul3A_32 : vector<128x128xf32>
    %reduce_sum3A_34 = arith.constant dense<0.000000e+00> : vector<128xf32>
    %reduce_sum3A_35 = vector.multi_reduction <add>, %mul3A_33, %reduce_sum3A_34 [1] : vector<128x128xf32> to vector<128xf32>
    %broadcast_in_dim3A_36 = arith.constant 0.000000e+00 : f32
    %broadcast_in_dim3A_37 = vector.broadcast %broadcast_in_dim3A_36 : f32 to vector<1x128xf32>
    %broadcast_in_dim3A_38 = arith.constant 0.000000e+00 : f32
    %broadcast_in_dim3A_39 = vector.broadcast %broadcast_in_dim3A_38 : f32 to vector<4x128xf32>
    %broadcast_in_dim3A_40 = vector.shape_cast %reduce_sum3A_11 : vector<128xf32> to vector<1x128xf32>
    %broadcast_in_dim3A_41 = vector.shape_cast %reduce_sum3A_27 : vector<128xf32> to vector<1x128xf32>
    %concatenate3A = tpu.concatenate %broadcast_in_dim3A_40, %broadcast_in_dim3A_37, %broadcast_in_dim3A_41, %broadcast_in_dim3A_37, %broadcast_in_dim3A_39 in 0 : vector<1x128xf32>, vector<1x128xf32>, vector<1x128xf32>, vector<1x128xf32>, vector<4x128xf32> -> vector<8x128xf32>
    %broadcast_in_dim3A_42 = vector.shape_cast %reduce_sum3A_19 : vector<128xf32> to vector<1x128xf32>
    %broadcast_in_dim3A_43 = vector.shape_cast %reduce_sum3A_35 : vector<128xf32> to vector<1x128xf32>
    %concatenate3A_44 = tpu.concatenate %broadcast_in_dim3A_37, %broadcast_in_dim3A_42, %broadcast_in_dim3A_37, %broadcast_in_dim3A_43, %broadcast_in_dim3A_39 in 0 : vector<1x128xf32>, vector<1x128xf32>, vector<1x128xf32>, vector<1x128xf32>, vector<4x128xf32> -> vector<8x128xf32>
    %get3A_45 = arith.constant 0 : index
    %get3A_46 = arith.constant 0 : index
    %get3A_47 = vector.load %arg0[%get3A_45, %get3A_46] : memref<10000x128xf32, #tpu.memory_space<vmem>>, vector<10000x128xf32>
    %dot_general3A = arith.constant dense<0.000000e+00> : vector<8x10000xf32>
    %dot_general3A_48 = tpu.matmul %concatenate3A, %get3A_47, %dot_general3A {dimension_numbers = #tpu.dot_dimension_numbers<[1], [1], [0], [0], [0, 0, 1, 0], [], []>, precision = #tpu.contract_precision<fp32>, transpose_lhs_hint = false} : vector<8x128xf32>, vector<10000x128xf32>, vector<8x10000xf32> -> vector<8x10000xf32>
    %get3A_49 = arith.constant 0 : index
    %get3A_50 = arith.constant 0 : index
    %get3A_51 = vector.load %arg1[%get3A_49, %get3A_50] : memref<10000x128xf32, #tpu.memory_space<vmem>>, vector<10000x128xf32>
    %dot_general3A_52 = arith.constant dense<0.000000e+00> : vector<8x10000xf32>
    %dot_general3A_53 = tpu.matmul %concatenate3A_44, %get3A_51, %dot_general3A_52 {dimension_numbers = #tpu.dot_dimension_numbers<[1], [1], [0], [0], [0, 0, 1, 0], [], []>, precision = #tpu.contract_precision<fp32>, transpose_lhs_hint = false} : vector<8x128xf32>, vector<10000x128xf32>, vector<8x10000xf32> -> vector<8x10000xf32>
    %add3A = arith.addf %dot_general3A_48, %dot_general3A_53 : vector<8x10000xf32>
    %get3A_54 = arith.constant 0 : index
    %get3A_55 = vector.load %arg8[%get3A_54] : memref<128xf32, #tpu.memory_space<vmem>>, vector<128xf32>
    %mul3A_56 = arith.mulf %get3A_55, %get3A_2 : vector<128xf32>
    %reduce_sum3A_57 = vector.shape_cast %mul3A_56 : vector<128xf32> to vector<1x128xf32>
    %reduce_sum3A_58 = arith.constant dense<0.000000e+00> : vector<1xf32>
    %reduce_sum3A_59 = vector.multi_reduction <add>, %reduce_sum3A_57, %reduce_sum3A_58 [1] : vector<1x128xf32> to vector<1xf32>
    %reduce_sum3A_60 = vector.shape_cast %reduce_sum3A_59 : vector<1xf32> to vector<1x1xf32>
    %reduce_sum3A_61 = vector.extract %reduce_sum3A_60[0, 0] : f32 from vector<1x1xf32>
    %get3A_62 = arith.constant 0 : index
    %get3A_63 = vector.load %arg9[%get3A_62] : memref<1xf32, #tpu.memory_space<vmem>>, vector<1xf32>
    %reduce_sum3A_64 = vector.shape_cast %get3A_63 : vector<1xf32> to vector<1x1xf32>
    %reduce_sum3A_65 = arith.constant dense<0.000000e+00> : vector<1xf32>
    %reduce_sum3A_66 = vector.multi_reduction <add>, %reduce_sum3A_64, %reduce_sum3A_65 [1] : vector<1x1xf32> to vector<1xf32>
    %reduce_sum3A_67 = vector.shape_cast %reduce_sum3A_66 : vector<1xf32> to vector<1x1xf32>
    %reduce_sum3A_68 = vector.extract %reduce_sum3A_67[0, 0] : f32 from vector<1x1xf32>
    %add3A_69 = arith.addf %reduce_sum3A_61, %reduce_sum3A_68 : f32
    %get3A_70 = arith.constant 0 : index
    %get3A_71 = vector.load %arg7[%get3A_70] : memref<128xf32, #tpu.memory_space<vmem>>, vector<128xf32>
    %mul3A_72 = arith.mulf %get3A_71, %get3A_6 : vector<128xf32>
    %reduce_sum3A_73 = vector.shape_cast %mul3A_72 : vector<128xf32> to vector<1x128xf32>
    %reduce_sum3A_74 = arith.constant dense<0.000000e+00> : vector<1xf32>
    %reduce_sum3A_75 = vector.multi_reduction <add>, %reduce_sum3A_73, %reduce_sum3A_74 [1] : vector<1x128xf32> to vector<1xf32>
    %reduce_sum3A_76 = vector.shape_cast %reduce_sum3A_75 : vector<1xf32> to vector<1x1xf32>
    %reduce_sum3A_77 = vector.extract %reduce_sum3A_76[0, 0] : f32 from vector<1x1xf32>
    %iota3A = tpu.iota {dimensions = array<i32: 0>} : vector<8x1xi32>
    %eq3A = arith.constant 2 : i32
    %eq3A_78 = vector.broadcast %eq3A : i32 to vector<8x1xi32>
    %eq3A_79 = arith.cmpi eq, %iota3A, %eq3A_78 : vector<8x1xi32>
    %jit3A = arith.constant 0.000000e+00 : f32
    %broadcast_in_dim3A_80 = vector.broadcast %add3A_69 : f32 to vector<8x1xf32>
    %broadcast_in_dim3A_81 = vector.broadcast %jit3A : f32 to vector<8x1xf32>
    %select_n3A = arith.select %eq3A_79, %broadcast_in_dim3A_80, %broadcast_in_dim3A_81 : vector<8x1xi1>, vector<8x1xf32>
    %eq3A_82 = arith.constant 3 : i32
    %eq3A_83 = vector.broadcast %eq3A_82 : i32 to vector<8x1xi32>
    %eq3A_84 = arith.cmpi eq, %iota3A, %eq3A_83 : vector<8x1xi32>
    %jit3A_85 = arith.constant 0.000000e+00 : f32
    %broadcast_in_dim3A_86 = vector.broadcast %reduce_sum3A_77 : f32 to vector<8x1xf32>
    %broadcast_in_dim3A_87 = vector.broadcast %jit3A_85 : f32 to vector<8x1xf32>
    %select_n3A_88 = arith.select %eq3A_84, %broadcast_in_dim3A_86, %broadcast_in_dim3A_87 : vector<8x1xi1>, vector<8x1xf32>
    %add3A_89 = arith.addf %select_n3A, %select_n3A_88 : vector<8x1xf32>
    %add3A_90 = vector.broadcast %add3A_89 : vector<8x1xf32> to vector<8x10000xf32>
    %add3A_91 = arith.addf %add3A, %add3A_90 : vector<8x10000xf32>
    %swap3A = arith.constant 0 : index
    %swap3A_92 = arith.constant 0 : index
    %swap3A_93 = vector.load %arg10[%swap3A, %swap3A_92] : memref<8x10000xf32, #tpu.memory_space<vmem>>, vector<8x10000xf32>
    tpu.vector_store %arg10[%swap3A, %swap3A_92], %add3A_91 {strides = array<i32>} : memref<8x10000xf32, #tpu.memory_space<vmem>>, vector<8x10000xf32>,
    return
  }
}

</mosaic_0001>

<sc_bundles>
// kernel: kernel.12.cloned.1.call-start
scs
__scs_entry_jumppad:
0x0: {  	(pc) =	sbr.rel $0x88, $3  }
0x1: {  	(tag) =	ssettag $0x0;
	lr =	simm.s32 $0x1  }
0x2: {  	[smem:$0x3F94] =	sst lr;
	_ =	strace $0xD0000000  }
0x3: {  	_ = 	snop  }
0x4: {  	_ = 	snop  }
0x5: {  	_ = 	snop  }
0x6: {  	_ = 	snop  }
0x7: {  	_ = 	snop  }
__scs_overlays_trampoline_lowered:
0x8: {  	[smem:$0x3FA3] =	sst s0  }
0x9: {  	[smem:$0x3FA4] =	sst s1  }
0xa: {  	[smem:$0x3FA5] =	sst s2  }
0xb: {  	[smem:$0x3FA6] =	sst s3  }
0xc: {  	[smem:$0x3FA7] =	sst s4  }
0xd: {  	[smem:$0x3FA8] =	sst s5  }
0xe: {  	[smem:$0x3FA9] =	sst s6  }
0xf: {  	[smem:$0x3FAA] =	sst s7  }
0x10: {  	[smem:$0x3FAB] =	sst s8  }
0x11: {  	[smem:$0x3FAC] =	sst s9;
	s0 =	simm.s32 @!p0 $0x0  }
0x12: {  	s1 =	sld [smem:$0x3F92];
	s0 =	simm.s32 @p0 $0x1  }
0x13: {  	[smem:$0x3FAD] =	sst s0;
	s0 =	simm.s32 @!p1 $0x0  }
0x14: {  	s2 =	sld [smem:$0x3F91];
	s0 =	simm.s32 @p1 $0x1  }
0x15: {  	[smem:$0x3FAE] =	sst s0;
	s0 =	simm.s32 @!p2 $0x0  }
0x16: {  	s3 =	sld [smem:$0x3FDB];
	s0 =	simm.s32 @p2 $0x1  }
0x17: {  	s4 =	simm.s32 $0x1BF5;
	[smem:$0x3FB0] =	sst s0  }
0x18: {  	s0 =	sld [smem:$0x3F93];
	_ =	swait.ge [sflag:s4], $0x0  }
0x19: {  	s7 =	sld [smem:$0x3F94]  }
0x1a: {  	s8 =	sadd.s32 $0xFFFFE003, lr  }
0x1b: {  	s9 =	sadd.s32 $0xFFFFFEF7, lr;
	s5 =	simm.s32 $0xFFFFFFFF;
	p2 =	slt.u32 s8, $0xFFFFF086  }
0x1c: {  	p1 =	slt.u32 s9, $0xF7A;
	s5 =	simm.s32 @!p2 $0x0  }
0x1d: {  	s5 =	simm.s32 @p1 $0x1;
	p0 =	seq.s32 s7, s2  }
0x1e: {  	s7 =	smul.u32 @!p0 $0xF7A, s2;
	p2 =	seq.s32 @!p0 s5, $0x0  }
0x1f: {  	s9 =	smul.u32 $0xF7A, s1;
	s8 =	simm.s32 @!p0 $0x1BF5;
	p2 =	por !p2, p0  }
0x20: {  	[sflag:s8] =	ssyncset.s32 @!p0 $0xFFFFF086;
	s6 =	sadd.s32 @!p0 s3, s7;
	s7 =	simm.s32 @!p0 $0x108  }
0x21: {  	s3 =	sadd.s32 s3, s9;
	s6 =	sadd.s32 @!p0 $0x88, s6;
	s7 =	simm.s32 @p2 $0x1082  }
0x22: {  	[simem:s7], [sflag:s8] =	dma.local @!p0 [hbm:s6], $0xF7A  }
0x23: {  	s9 =	sor.u32 $0xD0000000, s2;
	s6 =	simm.s32 $0x108;
	_ =	swait.ge @!p0 [sflag:s8], $0x0  }
0x24: {  	s3 =	sadd.s32 $0x88, s3;
	s6 =	simm.s32 @!p1 $0x1082;
	[sflag:s4] =	ssyncset.s32 $0xFFFFF086  }
0x25: {  	[simem:s6], [sflag:s4] =	dma.local [hbm:s3], $0xF7A  }
0x26: {  	[smem:$0x3F94] =	sst s1;
	(tag) =	ssettag s2;
	_ =	strace s9  }
0x27: {  	s1 =	sld [smem:$0x3FA4]  }
0x28: {  	s2 =	sld [smem:$0x3FA5]  }
0x29: {  	s4 =	sld [smem:$0x3FA7]  }
0x2a: {  	p0 =	seq.s32 s5, $0x0;
	s5 =	sld [smem:$0x3FA8]  }
0x2b: {  	s6 =	sld [smem:$0x3FA9]  }
0x2c: {  	s7 =	sld [smem:$0x3FAA]  }
0x2d: {  	s3 =	simm.s32 $0x108;
	s8 =	sld [smem:$0x3FAB]  }
0x2e: {  	s3 =	simm.s32 @!p0 $0x1082;
	s9 =	sld [smem:$0x3FAC]  }
0x2f: {  	lr =	sadd.s32 s0, s3;
	s0 =	sld [smem:$0x3FA3]  }
0x30: {  	s3 =	sld [smem:$0x3FA6]  }
0x31: {  	[smem:$0x3FAF] =	sst s10  }
0x32: {  	s10 =	sld [smem:$0x3FAD];
	_ =	sdelay $0x3  }
0x33: {  	p0 =	seq.s32 s10, $0x1;
	s10 =	sld [smem:$0x3FAF];
	_ =	sdelay $0x3  }
0x34: {  	[smem:$0x3FAF] =	sst s10  }
0x35: {  	s10 =	sld [smem:$0x3FAE];
	_ =	sdelay $0x3  }
0x36: {  	p1 =	seq.s32 s10, $0x1;
	s10 =	sld [smem:$0x3FAF];
	_ =	sdelay $0x3  }
0x37: {  	[smem:$0x3FAF] =	sst s10  }
0x38: {  	s10 =	sld [smem:$0x3FB0]  }
0x39: {  	_ = 	snop;
	(pc) =	sbr.ind lr, $3  }
0x3a: {  	_ = 	snop  }
0x3b: {  	_ = 	snop  }
0x3c: {  	p2 =	seq.s32 s10, $0x1;
	s10 =	sld [smem:$0x3FAF]  }
0x3d: {  	_ =	shalt  }
0x3e: {  	_ =	shalt  }
0x3f: {  	_ =	shalt  }
0x40: {  	_ =	shalt  }
0x41: {  	_ =	shalt  }
0x42: {  	_ =	shalt  }
0x43: {  	_ =	shalt  }
0x44: {  	_ =	shalt  }
0x45: {  	_ =	shalt  }
0x46: {  	_ =	shalt  }
0x47: {  	_ =	shalt  }
0x48: {  	_ =	shalt  }
0x49: {  	_ =	shalt  }
0x4a: {  	_ =	shalt  }
0x4b: {  	_ =	shalt  }
0x4c: {  	_ =	shalt  }
0x4d: {  	_ =	shalt  }
0x4e: {  	_ =	shalt  }
0x4f: {  	_ =	shalt  }
0x50: {  	_ =	shalt  }
0x51: {  	_ =	shalt  }
0x52: {  	_ =	shalt  }
0x53: {  	_ =	shalt  }
0x54: {  	_ =	shalt  }
0x55: {  	_ =	shalt  }
0x56: {  	_ =	shalt  }
0x57: {  	_ =	shalt  }
0x58: {  	_ =	shalt  }
0x59: {  	_ =	shalt  }
0x5a: {  	_ =	shalt  }
0x5b: {  	_ =	shalt  }
0x5c: {  	_ =	shalt  }
0x5d: {  	_ =	shalt  }
0x5e: {  	_ =	shalt  }
0x5f: {  	_ =	shalt  }
0x60: {  	_ =	shalt  }
0x61: {  	_ =	shalt  }
0x62: {  	_ =	shalt  }
0x63: {  	_ =	shalt  }
0x64: {  	_ =	shalt  }
0x65: {  	_ =	shalt  }
0x66: {  	_ =	shalt  }
0x67: {  	_ =	shalt  }
0x68: {  	_ =	shalt  }
0x69: {  	_ =	shalt  }
0x6a: {  	_ =	shalt  }
0x6b: {  	_ =	shalt  }
0x6c: {  	_ =	shalt  }
0x6d: {  	_ =	shalt  }
0x6e: {  	_ =	shalt  }
0x6f: {  	_ =	shalt  }
0x70: {  	_ =	shalt  }
0x71: {  	_ =	shalt  }
0x72: {  	_ =	shalt  }
0x73: {  	_ =	shalt  }
0x74: {  	_ =	shalt  }
0x75: {  	_ =	shalt  }
0x76: {  	_ =	shalt  }
0x77: {  	_ =	shalt  }
0x78: {  	_ =	shalt  }
0x79: {  	_ =	shalt  }
0x7a: {  	_ =	shalt  }
0x7b: {  	_ =	shalt  }
0x7c: {  	_ =	shalt  }
0x7d: {  	_ =	shalt  }
0x7e: {  	_ =	shalt  }
0x7f: {  	_ =	shalt  }
0x80: {  	_ =	shalt  }
0x81: {  	_ =	shalt  }
0x82: {  	_ =	shalt  }
0x83: {  	_ =	shalt  }
0x84: {  	_ =	shalt  }
0x85: {  	_ =	shalt  }
0x86: {  	_ =	shalt  }
0x87: {  	_ =	shalt  }
.Lfunc_end0:
.L_simem_size_0:
called_computation.2_lowered:
.L_overlay_start_0:
0x88: {  	s2 =	sld [smem:$0x3FD9]  }
0x89: {  	s3 =	sld [smem:$0x3FFE];
	_ =	sdelay $0x1  }
0x8a: {  	s1 =	srdreg.scid  }
0x8b: {  	s0 =	sand.u32 $0x1, s1  }
0x8c: {  	s16 =	sshll.u32 s0, $0xA;
	s2 =	sadd.s32 s3, s2  }
0x8d: {  	s2 =	sadd.s32 s2, s16  }
0x8e: {  	[smem:$0x3FBB] =	sst s2  }
0x8f: {  	_ = 	snop  }
0x90: {  	(tm) =	ssettm $0x1  }
0x91: {  	s17 =	sld [smem:$0x3FFB];
	_ =	sdelay $0x3  }
0x92: {  	_ =	strace s17  }
0x93: {  	s2 =	sld [smem:$0x3FFC];
	_ =	sdelay $0x3  }
0x94: {  	_ =	strace s2  }
0x95: {  	s2 =	sld [smem:$0x3FFD];
	_ =	sdelay $0x3  }
0x96: {  	_ =	strace s2  }
0x97: {  	_ =	strace $0x8FFFFFFF  }
0x98: {  	s18 =	sld [smem:$0x3FDB];
	_ =	sdelay $0x1  }
0x99: {  	s19 =	simm.s32 $_scs_section_size  }
0x9a: {  	s4 =	simm.s32 $_size__tile_overlayer_lowered;
	s5 =	simm.s32 $_tile_overlayer_lowered  }
0x9b: {  	s22 =	simm.s32 $0x1BFF;
	s21 =	sshll.u32 s5, $0x1;
	s2 =	sadd.s32 s19, s18  }
0x9c: {  	s6 =	simm.s32 $0x0;
	s20 =	sshll.u32 s4, $0x1;
	s4 =	sadd.s32 s21, s2  }
0x9d: {  	[timem:s6], [sflag:s22] =	dma.local [hbm:s4], s20  }
0x9e: {  	_ =	swait.ge [sflag:s22], s20  }
0x9f: {  	s3 =	ssub.s32 $0x0, s20;
	[sflag:s22] =	ssyncset.done $0x0  }
0xa0: {  	[sflag:s22] =	ssyncadd.s32 s3;
	_ =	sdelay $0x1  }
0xa1: {  	s23 =	simm.s32 $0x1B8B  }
0xa2: {  	_ =	swait.ge [sflag:s23], $0x1  }
0xa3: {  	[sflag:s23] =	ssyncset.done $0x0  }
0xa4: {  	s25 =	simm.s32 $0x1B8E;
	s24 =	sld [smem:$0x3FFE];
	[sflag:s23] =	ssyncadd.s32 $0xFFFFFFFF  }
0xa5: {  	s26 =	simm.s32 $execute0_lowered;
	[smem:$0x3FD2] =	sst s25  }
0xa6: {  	s4 =	sshll.u32 s26, $0x1;
	_ =	strace $0x8000004C;
	[dreg:$0x1] =	wrdreg $0xFFFFFFFF  }
0xa7: {  	s28 =	simm.s32 $_size_execute0_lowered;
	s2 =	sadd.s32 s2, s4;
	[dreg:$0x0] =	wrdreg $0x0  }
0xa8: {  	s4 =	sshll.u32 s28, $0x1;
	[dreg:$0x2] =	wrdreg s2  }
0xa9: {  	[dreg:$0x3] =	wrdreg s4  }
0xaa: {  	[dreg:$0x4] =	wrdreg $0xC0  }
0xab: {  	_ =	task [dreg:s6], $0x5FFFF  }
0xac: {  	[dreg:$0x1] =	wrdreg $0xFFFFFFFF  }
0xad: {  	[dreg:$0x0] =	wrdreg $0x60  }
0xae: {  	[dreg:$0x2] =	wrdreg s24  }
0xaf: {  	[dreg:$0x3] =	wrdreg $0x9  }
0xb0: {  	_ =	task.clear_ibuf [dreg:s6], $0x4FFFF;
	_ =	strace $0x9000004C  }
0xb1: {  	s29 =	simm.s32 $0x9;
	_ =	strace $0x8000004E  }
0xb2: {  	_ =	swait.ge [sflag:s29], $0x1  }
0xb3: {  	[sflag:s29] =	ssyncadd.s32 $0xFFFFFFFF  }
0xb4: {  	_ =	strace $0x9000004E  }
0xb5: {  	_ =	sfence  }
0xb6: {  	s30 =	sld [smem:$0x0];
	_ =	sdelay $0x2  }
0xb7: {  	s31 =	sshll.u32 s1, $0xD;
	s1 =	sshrl.u32 s1, $0x2  }
0xb8: {  	s3 =	sand.u32 $0x4000, s31;
	s1 =	sadd.s32 s1, s30  }
0xb9: {  	s0 =	sor.u32 s3, s0;
	s1 =	sshll.u32 s1, $0x11  }
0xba: {  	s0 =	sor.u32 s1, s0  }
0xbb: {  	s0 =	sadd.s32 $0x8F2B, s0  }
0xbc: {  	[sflag:s0] =	ssyncadd.remote.s32 $0x1  }
0xbd: {  	_ =	sfence.sel $0xFFFF  }
0xbe: {  	[dreg:$0x0] =	wrdreg $0xFFFFFFFF;
	(pc) =	sbr.abs _section_cstart, $3  }
0xbf: {  	[dreg:$0x1] =	wrdreg $0xFFFFFFFF  }
0xc0: {  	_ =	task.clear_ibuf [dreg:s6], $0x2FFFF;
	_ =	strace $0x9FFFFFFF  }
0xc1: {  	(tm) =	ssettm $0x7FFFFFFF  }
tec
execute0_lowered:
.L_overlay_start_1:
0x0: {  	(tag) =	ssettag $0x1  }
0x1: {  	s1 =	srdreg.scid  }
0x2: {  	s0 =	stileid.u32;
	s10 =	rddreg [dreg:$0x0];
	s2 =	simm.s32 $0x0  }
0x3: {  	s13 =	simm.s32 $0x5000;
	s14 =	simm.s32 $0x5C40;
	s15 =	simm.s32 $0x1  }
0x4: {  	s16 =	simm.s32 $0x6880;
	s17 =	simm.s32 $0x2;
	s18 =	simm.s32 $0x0  }
0x5: {  	s3 =	sand.u32 $0x1, s1;
	s4 =	sshll.u32 s0, $0x1;
	s1 =	rddreg [dreg:$0x1]  }
0x6: {  	[smem:$0x7FF] =	sst s2;
	s9 =	sadd.s32 $0x964C, s10;
	s12 =	sor.u32 s3, s4  }
0x7: {  	_ =	strace $0x8000004D;
	s5 =	ssub.s32 $0x2, s3;
	s4 =	smul.u32 $0xC40, s12  }
.Ltmp0:
0x8: {  	s3 =	sadd.s32 $0x3000, s10;
	s7 =	sshrl.u32 s5, $0x1;
	(pc) =	sbr.rel .LBB2_1-.Ltmp0, $4  }
0x9: {  	p0 =	seq.s32 s12, $0x1F;
	s12 =	simm.s32 $0x2800;
	s6 =	sshrl.u32 s4, $0x3  }
0xa: {  	s11 =	ssub.s32 s5, s7;
	s4 =	sadd.s32 $0x2A00, s10;
	s8 =	sadd.s32 s6, s10  }
0xb: {  	s11 =	smax.u32 s11, $0x1;
	s5 =	sadd.s32 $0x3600, s8;
	s6 =	sadd.s32 $0x66D4, s8  }
0xc: {  	s7 =	sadd.s32 $0x9800, s8;
	s8 =	sadd.s32 $0x6578, s10;
	s10 =	sadd.s32 $0xC778, s10  }
.LBB2_7:
0xd: {  	_ =	sdelay $0x3  }
0xe: {  	v2 =	vld.idx.msk [tilespmem:v2+s2+$0x0], $0xffff  }
0xf: {  	v0 =	vld.idx.msk [tilespmem:v0+s12+$0x0], $0xffff  }
0x10: {  	v5 =	vld.idx.msk [tilespmem:v5+s2+$0x0], $0xffff  }
0x11: {  	v3 =	vld.idx.msk [tilespmem:v3+s12+$0x0], $0xffff;
	_ =	sdelay $0x2  }
0x12: {  	s19 =	sadd.s32 $0x20, s19;
	v1 =	vadd.f32 v4, v1  }
0x13: {  	[tilespmem:s19+$0x0] =	vst v6;
	v0 =	vadd.f32 v0, v2  }
0x14: {  	[tilespmem:s19+$0xFFFFFFF0] =	vst v1;
	s19 =	sadd.s32 $0x20, s19;
	v63 =	vadd.f32 v3, v5  }
0x15: {  	[tilespmem:s19+$0x0] =	vst v0  }
0x16: {  	[tilespmem:s19+$0xFFFFFFF0] =	vst v63  }
0x17: {  	[hbm4b:s10+s2] =	stream.linear.scatter [tilespmem:s16], [sflag:$0x2], $0xAE0, $0x38;
	[tilespmem:$0x74C0] =	vst v63  }
0x18: {  	_ =	swait.ge [sflag:s17], $0xAE0  }
0x19: {  	[sflag:s17] =	ssyncset.done $0x0  }
0x1a: {  	[sflag:s17] =	ssyncadd.s32 $0xFFFFF520  }
.LBB2_8:
0x1b: {  	s18 =	sadd.s32 $0x1, s18  }
0x1c: {  	p1 =	sne.s32 s18, s11  }
.Ltmp1:
0x1d: {  	_ = 	snop;
	(pc) =	sbr.rel @!p1 .LBB2_9-.Ltmp1, $1  }
0x1e: {  	_ =	sdelay $0x3  }
.LBB2_1:
.Ltmp2:
0x1f: {  	(pc) =	sbr.rel @!p0 .LBB2_2-.Ltmp2, $4  }
0x20: {  	_ = 	snop  }
0x21: {  	[tilespmem:s2], [sflag:$0x1] =	stream.linear.gather [hbm4b:s3+s2], $0x2800, $0x38;
	[tilespmem:$0x74C0] =	vst v63  }
0x22: {  	_ = 	snop  }
0x23: {  	[tilespmem:s12], [sflag:$0x1] =	stream.linear.gather [hbm4b:s4+s2], $0x2800, $0x38;
	[tilespmem:$0x74C0] =	vst v63  }
0x24: {  	[tilespmem:s13], [sflag:$0x1] =	stream.linear.gather [hbm4b:s8+s2], $0xAE0, $0x38;
	[tilespmem:$0x74C0] =	vst v63  }
0x25: {  	_ = 	snop  }
0x26: {  	[tilespmem:s14], [sflag:$0x1] =	stream.linear.gather [hbm4b:s9+s2], $0xAE0, $0x38;
	[tilespmem:$0x74C0] =	vst v63  }
0x27: {  	_ =	swait.ge [sflag:s15], $0x2800  }
0x28: {  	[sflag:s15] =	ssyncset.done $0x0  }
0x29: {  	[sflag:s15] =	ssyncadd.s32 $0xFFFFD800  }
0x2a: {  	_ =	swait.ge [sflag:s15], $0x2800  }
0x2b: {  	[sflag:s15] =	ssyncset.done $0x0  }
0x2c: {  	[sflag:s15] =	ssyncadd.s32 $0xFFFFD800  }
0x2d: {  	_ =	swait.ge [sflag:s15], $0xAE0  }
0x2e: {  	[sflag:s15] =	ssyncset.done $0x0  }
0x2f: {  	[sflag:s15] =	ssyncadd.s32 $0xFFFFF520  }
0x30: {  	_ =	swait.ge [sflag:s15], $0xAE0  }
0x31: {  	[sflag:s15] =	ssyncset.done $0x0  }
0x32: {  	s19 =	simm.s32 $0x5010;
	[sflag:s15] =	ssyncadd.s32 $0xFFFFF520  }
0x33: {  	v0 =	vld [tilespmem:s19+$0x0];
	_ =	sdelay $0x2  }
0x34: {  	s20 =	simm.s32 $0x5C50  }
0x35: {  	v1 =	vld [tilespmem:s20+$0x0]  }
0x36: {  	v2 =	vld [tilespmem:s19+$0xFFFFFFF0]  }
0x37: {  	s30 =	simm.s32 $0x5030;
	v3 =	vld [tilespmem:s20+$0xFFFFFFF0]  }
0x38: {  	v4 =	vld [tilespmem:s30+$0x0]  }
0x39: {  	s31 =	simm.s32 $0x5C70;
	v5 =	vld.idx.msk [tilespmem:v0+s2+$0x0], $0xffff  }
0x3a: {  	v0 =	vld [tilespmem:s31+$0x0]  }
0x3b: {  	v6 =	vld [tilespmem:s31+$0xFFFFFFF0]  }
0x3c: {  	v7 =	vld [tilespmem:s30+$0xFFFFFFF0]  }
0x3d: {  	v1 =	vld.idx.msk [tilespmem:v1+s12+$0x0], $0xffff  }
0x3e: {  	v8 =	vld.idx.msk [tilespmem:v2+s2+$0x0], $0xffff  }
0x3f: {  	s21 =	simm.s32 $0x5050;
	v9 =	vld.idx.msk [tilespmem:v3+s12+$0x0], $0xffff  }
0x40: {  	v2 =	vld [tilespmem:s21+$0x0]  }
0x41: {  	v10 =	vld.idx.msk [tilespmem:v4+s2+$0x0], $0xffff  }
0x42: {  	s20 =	simm.s32 $0x5C90;
	v11 =	vld.idx.msk [tilespmem:v0+s12+$0x0], $0xffff  }
0x43: {  	v0 =	vld [tilespmem:s20+$0x0]  }
0x44: {  	v3 =	vld [tilespmem:s20+$0xFFFFFFF0]  }
0x45: {  	v1 =	vadd.f32 v1, v5;
	v5 =	vld [tilespmem:s21+$0xFFFFFFF0]  }
0x46: {  	s19 =	simm.s32 $0x6890;
	v4 =	vadd.f32 v9, v8  }
0x47: {  	[tilespmem:s19+$0x0] =	vst v1;
	v1 =	vld.idx.msk [tilespmem:v7+s2+$0x0], $0xffff  }
0x48: {  	s22 =	simm.s32 $0x5070;
	s21 =	simm.s32 $0x4;
	[tilespmem:s19+$0xFFFFFFF0] =	vst v4;
	v4 =	vld.idx.msk [tilespmem:v6+s12+$0x0], $0xffff;
	v6 =	vadd.f32 v11, v10  }
.LBB2_6:
0x49: {  	v7 =	vld [tilespmem:s22+$0x0];
	s19 =	sadd.s32 $0x20, s19;
	v8 =	vmov v3  }
0x4a: {  	v9 =	vld.idx.msk [tilespmem:v2+s2+$0x0], $0xffff;
	[tilespmem:s19+$0x0] =	vst v6;
	v6 =	vmov v5  }
0x4b: {  	s20 =	sadd.s32 $0x20, s20;
	s21 =	sadd.s32 $0x2, s21;
	v10 =	vld.idx.msk [tilespmem:v0+s12+$0x0], $0xffff  }
0x4c: {  	p1 =	slt.u32 s21, $0xAC;
	v0 =	vld [tilespmem:s20+$0x0]  }
.Ltmp3:
0x4d: {  	v4 =	vadd.f32 v4, v1;
	v3 =	vld [tilespmem:s20+$0xFFFFFFF0];
	(pc) =	sbr.rel @p1 .LBB2_6-.Ltmp3, $4  }
0x4e: {  	v5 =	vld [tilespmem:s22+$0xFFFFFFF0];
	v2 =	vmov v7  }
0x4f: {  	v1 =	vld.idx.msk [tilespmem:v6+s2+$0x0], $0xffff;
	[tilespmem:s19+$0xFFFFFFF0] =	vst v4  }
0x50: {  	v4 =	vld.idx.msk [tilespmem:v8+s12+$0x0], $0xffff  }
0x51: {  	s22 =	sadd.s32 $0x20, s22;
	v6 =	vadd.f32 v10, v9  }
.Ltmp4:
0x52: {  	_ = 	snop;
	(pc) =	sbr.rel .LBB2_7-.Ltmp4, $1  }
0x53: {  	_ =	sdelay $0x3  }
.LBB2_2:
0x54: {  	[tilespmem:s13], [sflag:$0x1] =	stream.linear.gather [hbm4b:s5+s2], $0xC40, $0x38;
	[tilespmem:$0x74C0] =	vst v63  }
0x55: {  	_ = 	snop  }
0x56: {  	[tilespmem:s14], [sflag:$0x1] =	stream.linear.gather [hbm4b:s6+s2], $0xC40, $0x38;
	[tilespmem:$0x74C0] =	vst v63  }
0x57: {  	_ =	swait.ge [sflag:s15], $0x2800  }
0x58: {  	[sflag:s15] =	ssyncset.done $0x0  }
0x59: {  	[sflag:s15] =	ssyncadd.s32 $0xFFFFD800  }
0x5a: {  	_ =	swait.ge [sflag:s15], $0x2800  }
0x5b: {  	[sflag:s15] =	ssyncset.done $0x0  }
0x5c: {  	[sflag:s15] =	ssyncadd.s32 $0xFFFFD800  }
0x5d: {  	_ =	swait.ge [sflag:s15], $0xC40  }
0x5e: {  	[sflag:s15] =	ssyncset.done $0x0  }
0x5f: {  	[sflag:s15] =	ssyncadd.s32 $0xFFFFF3C0  }
0x60: {  	_ =	swait.ge [sflag:s15], $0xC40  }
0x61: {  	[sflag:s15] =	ssyncset.done $0x0  }
0x62: {  	s19 =	simm.s32 $0x5010;
	[sflag:s15] =	ssyncadd.s32 $0xFFFFF3C0  }
0x63: {  	v0 =	vld [tilespmem:s19+$0x0];
	_ =	sdelay $0x2  }
0x64: {  	s20 =	simm.s32 $0x5C50  }
0x65: {  	v1 =	vld [tilespmem:s20+$0x0]  }
0x66: {  	v2 =	vld [tilespmem:s19+$0xFFFFFFF0]  }
0x67: {  	s30 =	simm.s32 $0x5030;
	v3 =	vld [tilespmem:s20+$0xFFFFFFF0]  }
0x68: {  	v4 =	vld [tilespmem:s30+$0x0]  }
0x69: {  	s31 =	simm.s32 $0x5C70;
	v5 =	vld.idx.msk [tilespmem:v0+s2+$0x0], $0xffff  }
0x6a: {  	v0 =	vld [tilespmem:s31+$0x0]  }
0x6b: {  	v6 =	vld [tilespmem:s31+$0xFFFFFFF0]  }
0x6c: {  	v7 =	vld [tilespmem:s30+$0xFFFFFFF0]  }
0x6d: {  	v1 =	vld.idx.msk [tilespmem:v1+s12+$0x0], $0xffff  }
0x6e: {  	v8 =	vld.idx.msk [tilespmem:v2+s2+$0x0], $0xffff  }
0x6f: {  	s21 =	simm.s32 $0x5050;
	v9 =	vld.idx.msk [tilespmem:v3+s12+$0x0], $0xffff  }
0x70: {  	v2 =	vld [tilespmem:s21+$0x0]  }
0x71: {  	v10 =	vld.idx.msk [tilespmem:v4+s2+$0x0], $0xffff  }
0x72: {  	s20 =	simm.s32 $0x5C90;
	v11 =	vld.idx.msk [tilespmem:v0+s12+$0x0], $0xffff  }
0x73: {  	v0 =	vld [tilespmem:s20+$0x0]  }
0x74: {  	v3 =	vld [tilespmem:s20+$0xFFFFFFF0]  }
0x75: {  	v1 =	vadd.f32 v1, v5;
	v5 =	vld [tilespmem:s21+$0xFFFFFFF0]  }
0x76: {  	s19 =	simm.s32 $0x6890;
	v4 =	vadd.f32 v9, v8  }
0x77: {  	[tilespmem:s19+$0x0] =	vst v1;
	v1 =	vld.idx.msk [tilespmem:v7+s2+$0x0], $0xffff  }
0x78: {  	s22 =	simm.s32 $0x5070;
	s21 =	simm.s32 $0x4;
	[tilespmem:s19+$0xFFFFFFF0] =	vst v4;
	v4 =	vld.idx.msk [tilespmem:v6+s12+$0x0], $0xffff;
	v6 =	vadd.f32 v11, v10  }
.LBB2_3:
0x79: {  	v7 =	vld [tilespmem:s22+$0x0];
	s19 =	sadd.s32 $0x20, s19;
	v8 =	vmov v3  }
0x7a: {  	v9 =	vld.idx.msk [tilespmem:v2+s2+$0x0], $0xffff;
	[tilespmem:s19+$0x0] =	vst v6;
	v6 =	vmov v5  }
0x7b: {  	s20 =	sadd.s32 $0x20, s20;
	s21 =	sadd.s32 $0x2, s21;
	v10 =	vld.idx.msk [tilespmem:v0+s12+$0x0], $0xffff  }
0x7c: {  	p1 =	slt.u32 s21, $0xC2;
	v0 =	vld [tilespmem:s20+$0x0]  }
.Ltmp5:
0x7d: {  	v4 =	vadd.f32 v4, v1;
	v3 =	vld [tilespmem:s20+$0xFFFFFFF0];
	(pc) =	sbr.rel @p1 .LBB2_3-.Ltmp5, $4  }
0x7e: {  	v5 =	vld [tilespmem:s22+$0xFFFFFFF0];
	v2 =	vmov v7  }
0x7f: {  	v1 =	vld.idx.msk [tilespmem:v6+s2+$0x0], $0xffff;
	[tilespmem:s19+$0xFFFFFFF0] =	vst v4  }
0x80: {  	v4 =	vld.idx.msk [tilespmem:v8+s12+$0x0], $0xffff  }
0x81: {  	s22 =	sadd.s32 $0x20, s22;
	v6 =	vadd.f32 v10, v9  }
0x82: {  	_ =	sdelay $0x3  }
0x83: {  	v2 =	vld.idx.msk [tilespmem:v2+s2+$0x0], $0xffff  }
0x84: {  	v0 =	vld.idx.msk [tilespmem:v0+s12+$0x0], $0xffff  }
0x85: {  	v3 =	vld.idx.msk [tilespmem:v3+s12+$0x0], $0xffff  }
0x86: {  	v5 =	vld.idx.msk [tilespmem:v5+s2+$0x0], $0xffff;
	_ =	sdelay $0x2  }
0x87: {  	s19 =	sadd.s32 $0x20, s19;
	v1 =	vadd.f32 v4, v1  }
0x88: {  	[tilespmem:s19+$0x0] =	vst v6;
	v0 =	vadd.f32 v0, v2  }
0x89: {  	[tilespmem:s19+$0xFFFFFFF0] =	vst v1;
	s19 =	sadd.s32 $0x20, s19;
	v63 =	vadd.f32 v3, v5  }
0x8a: {  	[tilespmem:s19+$0x0] =	vst v0  }
.Ltmp6:
0x8b: {  	[tilespmem:s19+$0xFFFFFFF0] =	vst v63;
	(pc) =	sbr.rel .LBB2_8-.Ltmp6, $4  }
0x8c: {  	[hbm4b:s7+s2] =	stream.linear.scatter [tilespmem:s16], [sflag:$0x2], $0xC40, $0x38;
	[tilespmem:$0x74C0] =	vst v63  }
0x8d: {  	_ =	swait.ge [sflag:s17], $0xC40  }
0x8e: {  	[sflag:s17] =	ssyncset.done $0x0  }
0x8f: {  	[sflag:s17] =	ssyncadd.s32 $0xFFFFF3C0  }
.LBB2_9:
0x90: {  	_ =	sfence.sel $0x180000  }
0x91: {  	[bflag:$0x0] =	sbarrier.arrive $0xFFFF  }
0x92: {  	p0 =	sne.s32 s0, $0x0;
	_ =	strace $0x9000004D  }
0x93: {  	s0 =	sadd.s32 @!p0 $0x100000, s1;
	[bflag:$0x2] =	sbarrier.arrive $0xFFFF  }
0x94: {  	[sflag:s0] =	ssyncadd.tile.s32 @!p0 $0x1;
	_ =	shalt  }
.Lfunc_end2:
_tile_overlayer_lowered:
.L_overlay_start_2:
0x95: {  	(tag) =	ssettag $0x2  }
0x96: {  	s0 =	rddreg [dreg:$0x0];
	s2 =	stileid.u32  }
0x97: {  	s1 =	rddreg [dreg:$0x1];
	p0 =	sne.s32 s2, $0x0  }
0x98: {  	s3 =	rddreg [dreg:$0x2];
	[bflag:$0x3] =	sbarrier.arrive $0xFFFF;
	s2 =	simm.s32 @!p0 $0x1C02  }
0x99: {  	[timem:s3], [sflag:s2] =	dma.local @!p0 [hbm:s0], s1  }
0x9a: {  	s0 =	simm.s32 @!p0 $0x2  }
0x9b: {  	_ =	swait.ge @!p0 [sflag:s0], s1  }
0x9c: {  	s1 =	ssub.s32 @!p0 $0x0, s1;
	[sflag:s0] =	ssyncset.done @!p0 $0x0  }
0x9d: {  	[sflag:s0] =	ssyncadd.s32 @!p0 s1  }
0x9e: {  	[bflag:$0x3] =	sbarrier.arrive $0xFFFF  }
0x9f: {  	_ =	shalt  }

// kernel: kernel.6.cloned.1.call-start
scs
__scs_entry_jumppad:
0x0: {  	(pc) =	sbr.rel $0x88, $3  }
0x1: {  	(tag) =	ssettag $0x0;
	lr =	simm.s32 $0x1  }
0x2: {  	[smem:$0x3F94] =	sst lr;
	_ =	strace $0xD0000000  }
0x3: {  	_ = 	snop  }
0x4: {  	_ = 	snop  }
0x5: {  	_ = 	snop  }
0x6: {  	_ = 	snop  }
0x7: {  	_ = 	snop  }
__scs_overlays_trampoline_lowered:
0x8: {  	[smem:$0x3FA3] =	sst s0  }
0x9: {  	[smem:$0x3FA4] =	sst s1  }
0xa: {  	[smem:$0x3FA5] =	sst s2  }
0xb: {  	[smem:$0x3FA6] =	sst s3  }
0xc: {  	[smem:$0x3FA7] =	sst s4  }
0xd: {  	[smem:$0x3FA8] =	sst s5  }
0xe: {  	[smem:$0x3FA9] =	sst s6  }
0xf: {  	[smem:$0x3FAA] =	sst s7  }
0x10: {  	[smem:$0x3FAB] =	sst s8  }
0x11: {  	[smem:$0x3FAC] =	sst s9;
	s0 =	simm.s32 @!p0 $0x0  }
0x12: {  	s1 =	sld [smem:$0x3F92];
	s0 =	simm.s32 @p0 $0x1  }
0x13: {  	[smem:$0x3FAD] =	sst s0;
	s0 =	simm.s32 @!p1 $0x0  }
0x14: {  	s2 =	sld [smem:$0x3F91];
	s0 =	simm.s32 @p1 $0x1  }
0x15: {  	[smem:$0x3FAE] =	sst s0;
	s0 =	simm.s32 @!p2 $0x0  }
0x16: {  	s3 =	sld [smem:$0x3FDB];
	s0 =	simm.s32 @p2 $0x1  }
0x17: {  	s4 =	simm.s32 $0x1BF5;
	[smem:$0x3FB0] =	sst s0  }
0x18: {  	s0 =	sld [smem:$0x3F93];
	_ =	swait.ge [sflag:s4], $0x0  }
0x19: {  	s7 =	sld [smem:$0x3F94]  }
0x1a: {  	s8 =	sadd.s32 $0xFFFFE003, lr  }
0x1b: {  	s9 =	sadd.s32 $0xFFFFFEF7, lr;
	s5 =	simm.s32 $0xFFFFFFFF;
	p2 =	slt.u32 s8, $0xFFFFF086  }
0x1c: {  	p1 =	slt.u32 s9, $0xF7A;
	s5 =	simm.s32 @!p2 $0x0  }
0x1d: {  	s5 =	simm.s32 @p1 $0x1;
	p0 =	seq.s32 s7, s2  }
0x1e: {  	s7 =	smul.u32 @!p0 $0xF7A, s2;
	p2 =	seq.s32 @!p0 s5, $0x0  }
0x1f: {  	s9 =	smul.u32 $0xF7A, s1;
	s8 =	simm.s32 @!p0 $0x1BF5;
	p2 =	por !p2, p0  }
0x20: {  	[sflag:s8] =	ssyncset.s32 @!p0 $0xFFFFF086;
	s6 =	sadd.s32 @!p0 s3, s7;
	s7 =	simm.s32 @!p0 $0x108  }
0x21: {  	s3 =	sadd.s32 s3, s9;
	s6 =	sadd.s32 @!p0 $0x88, s6;
	s7 =	simm.s32 @p2 $0x1082  }
0x22: {  	[simem:s7], [sflag:s8] =	dma.local @!p0 [hbm:s6], $0xF7A  }
0x23: {  	s9 =	sor.u32 $0xD0000000, s2;
	s6 =	simm.s32 $0x108;
	_ =	swait.ge @!p0 [sflag:s8], $0x0  }
0x24: {  	s3 =	sadd.s32 $0x88, s3;
	s6 =	simm.s32 @!p1 $0x1082;
	[sflag:s4] =	ssyncset.s32 $0xFFFFF086  }
0x25: {  	[simem:s6], [sflag:s4] =	dma.local [hbm:s3], $0xF7A  }
0x26: {  	[smem:$0x3F94] =	sst s1;
	(tag) =	ssettag s2;
	_ =	strace s9  }
0x27: {  	s1 =	sld [smem:$0x3FA4]  }
0x28: {  	s2 =	sld [smem:$0x3FA5]  }
0x29: {  	s4 =	sld [smem:$0x3FA7]  }
0x2a: {  	p0 =	seq.s32 s5, $0x0;
	s5 =	sld [smem:$0x3FA8]  }
0x2b: {  	s6 =	sld [smem:$0x3FA9]  }
0x2c: {  	s7 =	sld [smem:$0x3FAA]  }
0x2d: {  	s3 =	simm.s32 $0x108;
	s8 =	sld [smem:$0x3FAB]  }
0x2e: {  	s3 =	simm.s32 @!p0 $0x1082;
	s9 =	sld [smem:$0x3FAC]  }
0x2f: {  	lr =	sadd.s32 s0, s3;
	s0 =	sld [smem:$0x3FA3]  }
0x30: {  	s3 =	sld [smem:$0x3FA6]  }
0x31: {  	[smem:$0x3FAF] =	sst s10  }
0x32: {  	s10 =	sld [smem:$0x3FAD];
	_ =	sdelay $0x3  }
0x33: {  	p0 =	seq.s32 s10, $0x1;
	s10 =	sld [smem:$0x3FAF];
	_ =	sdelay $0x3  }
0x34: {  	[smem:$0x3FAF] =	sst s10  }
0x35: {  	s10 =	sld [smem:$0x3FAE];
	_ =	sdelay $0x3  }
0x36: {  	p1 =	seq.s32 s10, $0x1;
	s10 =	sld [smem:$0x3FAF];
	_ =	sdelay $0x3  }
0x37: {  	[smem:$0x3FAF] =	sst s10  }
0x38: {  	s10 =	sld [smem:$0x3FB0]  }
0x39: {  	_ = 	snop;
	(pc) =	sbr.ind lr, $3  }
0x3a: {  	_ = 	snop  }
0x3b: {  	_ = 	snop  }
0x3c: {  	p2 =	seq.s32 s10, $0x1;
	s10 =	sld [smem:$0x3FAF]  }
0x3d: {  	_ =	shalt  }
0x3e: {  	_ =	shalt  }
0x3f: {  	_ =	shalt  }
0x40: {  	_ =	shalt  }
0x41: {  	_ =	shalt  }
0x42: {  	_ =	shalt  }
0x43: {  	_ =	shalt  }
0x44: {  	_ =	shalt  }
0x45: {  	_ =	shalt  }
0x46: {  	_ =	shalt  }
0x47: {  	_ =	shalt  }
0x48: {  	_ =	shalt  }
0x49: {  	_ =	shalt  }
0x4a: {  	_ =	shalt  }
0x4b: {  	_ =	shalt  }
0x4c: {  	_ =	shalt  }
0x4d: {  	_ =	shalt  }
0x4e: {  	_ =	shalt  }
0x4f: {  	_ =	shalt  }
0x50: {  	_ =	shalt  }
0x51: {  	_ =	shalt  }
0x52: {  	_ =	shalt  }
0x53: {  	_ =	shalt  }
0x54: {  	_ =	shalt  }
0x55: {  	_ =	shalt  }
0x56: {  	_ =	shalt  }
0x57: {  	_ =	shalt  }
0x58: {  	_ =	shalt  }
0x59: {  	_ =	shalt  }
0x5a: {  	_ =	shalt  }
0x5b: {  	_ =	shalt  }
0x5c: {  	_ =	shalt  }
0x5d: {  	_ =	shalt  }
0x5e: {  	_ =	shalt  }
0x5f: {  	_ =	shalt  }
0x60: {  	_ =	shalt  }
0x61: {  	_ =	shalt  }
0x62: {  	_ =	shalt  }
0x63: {  	_ =	shalt  }
0x64: {  	_ =	shalt  }
0x65: {  	_ =	shalt  }
0x66: {  	_ =	shalt  }
0x67: {  	_ =	shalt  }
0x68: {  	_ =	shalt  }
0x69: {  	_ =	shalt  }
0x6a: {  	_ =	shalt  }
0x6b: {  	_ =	shalt  }
0x6c: {  	_ =	shalt  }
0x6d: {  	_ =	shalt  }
0x6e: {  	_ =	shalt  }
0x6f: {  	_ =	shalt  }
0x70: {  	_ =	shalt  }
0x71: {  	_ =	shalt  }
0x72: {  	_ =	shalt  }
0x73: {  	_ =	shalt  }
0x74: {  	_ =	shalt  }
0x75: {  	_ =	shalt  }
0x76: {  	_ =	shalt  }
0x77: {  	_ =	shalt  }
0x78: {  	_ =	shalt  }
0x79: {  	_ =	shalt  }
0x7a: {  	_ =	shalt  }
0x7b: {  	_ =	shalt  }
0x7c: {  	_ =	shalt  }
0x7d: {  	_ =	shalt  }
0x7e: {  	_ =	shalt  }
0x7f: {  	_ =	shalt  }
0x80: {  	_ =	shalt  }
0x81: {  	_ =	shalt  }
0x82: {  	_ =	shalt  }
0x83: {  	_ =	shalt  }
0x84: {  	_ =	shalt  }
0x85: {  	_ =	shalt  }
0x86: {  	_ =	shalt  }
0x87: {  	_ =	shalt  }
.Lfunc_end0:
.L_simem_size_0:
called_computation_lowered:
.L_overlay_start_0:
0x88: {  	s2 =	sld [smem:$0x3FD9]  }
0x89: {  	s3 =	sld [smem:$0x3FFE];
	_ =	sdelay $0x1  }
0x8a: {  	s1 =	srdreg.scid  }
0x8b: {  	s0 =	sand.u32 $0x1, s1  }
0x8c: {  	s17 =	sshll.u32 s0, $0xA;
	s2 =	sadd.s32 s3, s2  }
0x8d: {  	s2 =	sadd.s32 s2, s17  }
0x8e: {  	[smem:$0x3FBB] =	sst s2  }
0x8f: {  	_ = 	snop  }
0x90: {  	s2 =	sld [smem:$0x3FD0];
	(tm) =	ssettm $0x1  }
0x91: {  	s18 =	sld [smem:$0x3FFB];
	_ =	sdelay $0x3  }
0x92: {  	_ =	strace s18  }
0x93: {  	s3 =	sld [smem:$0x3FFC];
	_ =	sdelay $0x3  }
0x94: {  	_ =	strace s3  }
0x95: {  	s3 =	sld [smem:$0x3FFD];
	_ =	sdelay $0x3  }
0x96: {  	_ =	strace s3  }
0x97: {  	_ =	strace $0x8FFFFFFF  }
0x98: {  	s19 =	sld [smem:$0x3FDB];
	_ =	sdelay $0x1  }
0x99: {  	s4 =	simm.s32 $_scs_section_size  }
0x9a: {  	s5 =	simm.s32 $_size__tile_overlayer_lowered;
	s6 =	simm.s32 $_tile_overlayer_lowered  }
0x9b: {  	s22 =	simm.s32 $0x1BFF;
	s21 =	sshll.u32 s6, $0x1;
	s3 =	sadd.s32 s4, s19  }
0x9c: {  	s7 =	simm.s32 $0x0;
	s20 =	sshll.u32 s5, $0x1;
	s5 =	sadd.s32 s21, s3  }
0x9d: {  	[timem:s7], [sflag:s22] =	dma.local [hbm:s5], s20  }
0x9e: {  	_ =	swait.ge [sflag:s22], s20  }
0x9f: {  	s4 =	ssub.s32 $0x0, s20;
	[sflag:s22] =	ssyncset.done $0x0  }
0xa0: {  	[sflag:s22] =	ssyncadd.s32 s4;
	_ =	sdelay $0x1  }
0xa1: {  	s23 =	simm.s32 $0x1B8B  }
0xa2: {  	_ =	swait.ge [sflag:s23], $0x1  }
0xa3: {  	[sflag:s23] =	ssyncset.done $0x0  }
0xa4: {  	s25 =	simm.s32 $0x1B8E;
	s24 =	sld [smem:$0x3FFE];
	[sflag:s23] =	ssyncadd.s32 $0xFFFFFFFF  }
0xa5: {  	s26 =	simm.s32 $execute0_lowered;
	[smem:$0x3FD2] =	sst s25  }
0xa6: {  	s5 =	sshll.u32 s26, $0x1;
	_ =	strace $0x80000046;
	[dreg:$0x1] =	wrdreg $0xFFFFFFFF  }
0xa7: {  	s28 =	simm.s32 $_size_execute0_lowered;
	s3 =	sadd.s32 s3, s5;
	[dreg:$0x0] =	wrdreg $0x0  }
0xa8: {  	s5 =	sshll.u32 s28, $0x1;
	[dreg:$0x2] =	wrdreg s3  }
0xa9: {  	[dreg:$0x3] =	wrdreg s5  }
0xaa: {  	[dreg:$0x4] =	wrdreg $0xC0  }
0xab: {  	_ =	task [dreg:s7], $0x5FFFF  }
0xac: {  	[dreg:$0x1] =	wrdreg $0xFFFFFFFF  }
0xad: {  	[dreg:$0x0] =	wrdreg $0x60  }
0xae: {  	[dreg:$0x2] =	wrdreg s24  }
0xaf: {  	[dreg:$0x3] =	wrdreg s2  }
0xb0: {  	[dreg:$0x4] =	wrdreg $0x9  }
0xb1: {  	_ =	task.clear_ibuf [dreg:s7], $0x5FFFF;
	_ =	strace $0x90000046  }
0xb2: {  	s29 =	simm.s32 $0x9;
	_ =	strace $0x80000048  }
0xb3: {  	_ =	swait.ge [sflag:s29], $0x1  }
0xb4: {  	[sflag:s29] =	ssyncadd.s32 $0xFFFFFFFF  }
0xb5: {  	_ =	strace $0x90000048  }
0xb6: {  	_ =	sfence  }
0xb7: {  	s30 =	sld [smem:$0x0];
	_ =	sdelay $0x2  }
0xb8: {  	s31 =	sshll.u32 s1, $0xD;
	s1 =	sshrl.u32 s1, $0x2  }
0xb9: {  	s3 =	sand.u32 $0x4000, s31;
	s1 =	sadd.s32 s1, s30  }
0xba: {  	s0 =	sor.u32 s3, s0;
	s1 =	sshll.u32 s1, $0x11  }
0xbb: {  	s0 =	sor.u32 s1, s0  }
0xbc: {  	s0 =	sadd.s32 $0x8F2B, s0  }
0xbd: {  	[sflag:s0] =	ssyncadd.remote.s32 $0x1  }
0xbe: {  	_ =	sfence.sel $0xFFFF  }
0xbf: {  	[dreg:$0x0] =	wrdreg $0xFFFFFFFF;
	(pc) =	sbr.abs _section_cstart, $3  }
0xc0: {  	[dreg:$0x1] =	wrdreg $0xFFFFFFFF  }
0xc1: {  	_ =	task.clear_ibuf [dreg:s7], $0x2FFFF;
	_ =	strace $0x9FFFFFFF  }
0xc2: {  	(tm) =	ssettm $0x7FFFFFFF  }
0xc3: {  	_ =	shalt  }
tec
execute0_lowered:
.L_overlay_start_1:
0x0: {  	(tag) =	ssettag $0x1  }
0x1: {  	s4 =	rddreg [dreg:$0x0]  }
0x2: {  	s2 =	rddreg [dreg:$0x1]  }
0x3: {  	s0 =	rddreg [dreg:$0x2]  }
0x4: {  	s5 =	srdreg.scid;
	s1 =	stileid.u32;
	s3 =	simm.s32 $0x0  }
0x5: {  	s14 =	simm.s32 $0x9C40;
	s15 =	simm.s32 $0xC350;
	s16 =	simm.s32 $0x2710  }
0x6: {  	s17 =	simm.s32 $0x4E20;
	s18 =	simm.s32 $0x7530;
	s19 =	simm.s32 $0x1  }
0x7: {  	s20 =	simm.s32 $0xEA60;
	s21 =	simm.s32 $0x11260;
	s22 =	simm.s32 $0x13A60  }
0x8: {  	s23 =	simm.s32 $0x16260;
	s5 =	sand.u32 $0x1, s5;
	s6 =	sshll.u32 s1, $0x1  }
0x9: {  	s24 =	simm.s32 $0x0;
	[smem:$0x7FF] =	sst s3;
	s6 =	sor.u32 s5, s6  }
0xa: {  	s8 =	sadd.s32 $0x16400, s4;
	s5 =	ssub.s32 $0x2, s5;
	s7 =	smul.u32 $0x2710, s6  }
0xb: {  	s9 =	sadd.s32 $0x2A00, s4;
	s6 =	smul.u32 $0x500, s6;
	s10 =	sshrl.u32 s5, $0x1  }
0xc: {  	_ =	strace $0x80000047;
	s13 =	ssub.s32 s5, s10;
	s7 =	sshrl.u32 s7, $0x3  }
0xd: {  	s12 =	sadd.s32 s6, s4;
	s4 =	sadd.s32 $0x4E2, s2;
	s13 =	smax.u32 s13, $0x1  }
0xe: {  	s31 =	sadd.s32 $0x9C40, s7;
	s5 =	sadd.s32 s8, s7;
	s7 =	sadd.s32 s9, s7  }
0xf: {  	s10 =	sadd.s32 $0x33E00, s12;
	s11 =	sadd.s32 $0x3DE00, s12;
	s6 =	sadd.s32 s8, s31  }
0x10: {  	v0 =	vimm.f32 $0.0e+00;
	v1 =	vimm.f32 $1.000000000e+00;
	s8 =	sadd.s32 s9, s31;
	s9 =	sadd.s32 $0x29E00, s12;
	s12 =	sadd.s32 $0x47E00, s12  }
.LBB2_1:
0x11: {  	[tilespmem:s14], [sflag:$0x1] =	stream.linear.gather [hbm4b:s2+s3], $0x2710, $0x38;
	[tilespmem:$0x18A60] =	vst v63  }
0x12: {  	_ = 	snop  }
0x13: {  	[tilespmem:s15], [sflag:$0x1] =	stream.linear.gather [hbm4b:s4+s3], $0x2710, $0x38;
	[tilespmem:$0x18A60] =	vst v63  }
0x14: {  	_ = 	snop  }
0x15: {  	[tilespmem:s3], [sflag:$0x1] =	stream.linear.gather [hbm4b:s5+s3], $0x2710, $0x38;
	[tilespmem:$0x18A60] =	vst v63  }
0x16: {  	_ = 	snop  }
0x17: {  	[tilespmem:s16], [sflag:$0x1] =	stream.linear.gather [hbm4b:s6+s3], $0x2710, $0x38;
	[tilespmem:$0x18A60] =	vst v63  }
0x18: {  	_ = 	snop  }
0x19: {  	[tilespmem:s17], [sflag:$0x1] =	stream.linear.gather [hbm4b:s7+s3], $0x2710, $0x38;
	[tilespmem:$0x18A60] =	vst v63  }
0x1a: {  	s26 =	simm.s32 $0x40;
	s25 =	simm.s32 $0x0  }
0x1b: {  	[tilespmem:s18], [sflag:$0x1] =	stream.linear.gather [hbm4b:s8+s3], $0x2710, $0x38;
	[tilespmem:$0x18A60] =	vst v63  }
.LBB2_2:
0x1c: {  	p0 =	sne.s32 s26, $0x9FC0;
	[tilespmem:s25+$0x16260] =	vst v0;
	s28 =	smov.u32 s26;
	s26 =	sadd.s32 $0x40, s26  }
.Ltmp0:
0x1d: {  	[tilespmem:s25+$0x13A60] =	vst v0;
	(pc) =	sbr.rel @p0 .LBB2_2-.Ltmp0, $3  }
0x1e: {  	[tilespmem:s25+$0xEA60] =	vst v0  }
0x1f: {  	[tilespmem:s25+$0x11260] =	vst v0;
	_ =	sdelay $0x1  }
0x20: {  	s25 =	sshra.s32 s28, $0x2  }
0x21: {  	[tilespmem:s25+$0x16260] =	vst v0  }
0x22: {  	[tilespmem:s25+$0x13A60] =	vst v0  }
0x23: {  	[tilespmem:s25+$0xEA60] =	vst v0  }
0x24: {  	[tilespmem:s25+$0x11260] =	vst v0  }
0x25: {  	_ =	swait.ge [sflag:s19], $0x2710  }
0x26: {  	[sflag:s19] =	ssyncset.done $0x0  }
0x27: {  	[sflag:s19] =	ssyncadd.s32 $0xFFFFD8F0  }
0x28: {  	_ =	swait.ge [sflag:s19], $0x2710  }
0x29: {  	[sflag:s19] =	ssyncset.done $0x0  }
0x2a: {  	[sflag:s19] =	ssyncadd.s32 $0xFFFFD8F0  }
0x2b: {  	_ =	swait.ge [sflag:s19], $0x2710  }
0x2c: {  	[sflag:s19] =	ssyncset.done $0x0  }
0x2d: {  	[sflag:s19] =	ssyncadd.s32 $0xFFFFD8F0  }
0x2e: {  	_ =	swait.ge [sflag:s19], $0x2710  }
0x2f: {  	[sflag:s19] =	ssyncset.done $0x0  }
0x30: {  	[sflag:s19] =	ssyncadd.s32 $0xFFFFD8F0  }
0x31: {  	_ =	swait.ge [sflag:s19], $0x2710  }
0x32: {  	[sflag:s19] =	ssyncset.done $0x0  }
0x33: {  	[sflag:s19] =	ssyncadd.s32 $0xFFFFD8F0  }
0x34: {  	_ =	swait.ge [sflag:s19], $0x2710  }
0x35: {  	[sflag:s19] =	ssyncset.done $0x0  }
0x36: {  	s31 =	simm.s32 $0x20;
	[sflag:s19] =	ssyncadd.s32 $0xFFFFD8F0  }
0x37: {  	v2 =	vld [tilespmem:s31+$0x20];
	_ =	sdelay $0x1  }
0x38: {  	v3 =	vld [tilespmem:s31+$0xFFFFFFE0]  }
0x39: {  	v4 =	vld [tilespmem:s31+$0xFFFFFFF0]  }
0x3a: {  	s26 =	simm.s32 $0x2730;
	v5 =	vld [tilespmem:s31+$0x0]  }
0x3b: {  	v6 =	vld [tilespmem:s26+$0x20]  }
0x3c: {  	v7 =	vld [tilespmem:s31+$0x10]  }
0x3d: {  	v8 =	vld [tilespmem:s26+$0xFFFFFFF0]  }
0x3e: {  	v2 =	vld.idx.msk [tilespmem:v2+s14+$0x0], $0xffff  }
0x3f: {  	v10 =	vld [tilespmem:s26+$0x0]  }
0x40: {  	v3 =	vld.idx.msk [tilespmem:v3+s14+$0x0], $0xffff  }
0x41: {  	v9 =	vld.idx.msk [tilespmem:v4+s14+$0x0], $0xffff  }
0x42: {  	v5 =	vld.idx.msk [tilespmem:v5+s14+$0x0], $0xffff  }
0x43: {  	[tilespmem:v6+s20+$0x0] =	vst.idx.add.f32.msk $0xffff, v2  }
0x44: {  	v2 =	vld [tilespmem:s26+$0x10]  }
0x45: {  	v7 =	vld.idx.msk [tilespmem:v7+s14+$0x0], $0xffff  }
0x46: {  	v4 =	vld [tilespmem:s26+$0xFFFFFFE0]  }
0x47: {  	[tilespmem:v8+s20+$0x0] =	vst.idx.add.f32.msk $0xffff, v9  }
0x48: {  	[tilespmem:v10+s20+$0x0] =	vst.idx.add.f32.msk $0xffff, v5  }
0x49: {  	[tilespmem:v6+s21+$0x0] =	vst.idx.add.f32.msk $0xffff, v1  }
0x4a: {  	[tilespmem:v8+s21+$0x0] =	vst.idx.add.f32.msk $0xffff, v1  }
0x4b: {  	s29 =	simm.s32 $0x0;
	[tilespmem:v10+s21+$0x0] =	vst.idx.add.f32.msk $0xffff, v1  }
0x4c: {  	s25 =	simm.s32 $0x7550;
	s28 =	simm.s32 $0x4E40;
	s30 =	simm.s32 $0x70;
	[tilespmem:v2+s20+$0x0] =	vst.idx.add.f32.msk $0xffff, v7  }
.LBB2_4:
0x4d: {  	v5 =	vld [tilespmem:s30+$0x20]  }
0x4e: {  	s29 =	sadd.s32 $0x5, s29;
	v6 =	vld [tilespmem:s30+$0xFFFFFFE0]  }
0x4f: {  	p0 =	slt.u32 s29, $0x26C;
	v7 =	vld [tilespmem:s30+$0xFFFFFFF0]  }
0x50: {  	v8 =	vld [tilespmem:s30+$0x0]  }
0x51: {  	v9 =	vld [tilespmem:s30+$0x10]  }
0x52: {  	s26 =	sadd.s32 $0x50, s26;
	[tilespmem:v4+s20+$0x0] =	vst.idx.add.f32.msk $0xffff, v3  }
0x53: {  	v10 =	vld [tilespmem:s26+$0x20]  }
0x54: {  	v11 =	vld [tilespmem:s26+$0xFFFFFFF0]  }
0x55: {  	v5 =	vld.idx.msk [tilespmem:v5+s14+$0x0], $0xffff  }
0x56: {  	v3 =	vld.idx.msk [tilespmem:v6+s14+$0x0], $0xffff  }
0x57: {  	v6 =	vld.idx.msk [tilespmem:v7+s14+$0x0], $0xffff  }
0x58: {  	v7 =	vld.idx.msk [tilespmem:v8+s14+$0x0], $0xffff  }
0x59: {  	v8 =	vld.idx.msk [tilespmem:v9+s14+$0x0], $0xffff  }
0x5a: {  	v9 =	vld [tilespmem:s26+$0x0]  }
0x5b: {  	[tilespmem:v10+s20+$0x0] =	vst.idx.add.f32.msk $0xffff, v5  }
0x5c: {  	[tilespmem:v10+s21+$0x0] =	vst.idx.add.f32.msk $0xffff, v1  }
0x5d: {  	v5 =	vld [tilespmem:s26+$0x10]  }
0x5e: {  	v10 =	vld [tilespmem:s26+$0xFFFFFFE0]  }
0x5f: {  	[tilespmem:v4+s21+$0x0] =	vst.idx.add.f32.msk $0xffff, v1  }
0x60: {  	[tilespmem:v11+s20+$0x0] =	vst.idx.add.f32.msk $0xffff, v6  }
.Ltmp1:
0x61: {  	[tilespmem:v11+s21+$0x0] =	vst.idx.add.f32.msk $0xffff, v1;
	(pc) =	sbr.rel @p0 .LBB2_4-.Ltmp1, $4  }
0x62: {  	[tilespmem:v9+s20+$0x0] =	vst.idx.add.f32.msk $0xffff, v7  }
0x63: {  	[tilespmem:v9+s21+$0x0] =	vst.idx.add.f32.msk $0xffff, v1;
	v4 =	vmov v10  }
0x64: {  	[tilespmem:v2+s21+$0x0] =	vst.idx.add.f32.msk $0xffff, v1;
	v2 =	vmov v5  }
0x65: {  	s30 =	sadd.s32 $0x50, s30;
	[tilespmem:v5+s20+$0x0] =	vst.idx.add.f32.msk $0xffff, v8  }
0x66: {  	_ =	sdelay $0x3  }
0x67: {  	[tilespmem:v4+s20+$0x0] =	vst.idx.add.f32.msk $0xffff, v3  }
0x68: {  	[tilespmem:v2+s21+$0x0] =	vst.idx.add.f32.msk $0xffff, v1  }
0x69: {  	[tilespmem:v4+s21+$0x0] =	vst.idx.add.f32.msk $0xffff, v1  }
0x6a: {  	v2 =	vld [tilespmem:s28+$0x20];
	_ =	sdelay $0x1  }
0x6b: {  	v3 =	vld [tilespmem:s28+$0xFFFFFFE0]  }
0x6c: {  	v4 =	vld [tilespmem:s28+$0xFFFFFFF0]  }
0x6d: {  	v5 =	vld [tilespmem:s28+$0x0]  }
0x6e: {  	v6 =	vld [tilespmem:s25+$0x20]  }
0x6f: {  	v7 =	vld [tilespmem:s28+$0x10]  }
0x70: {  	v8 =	vld [tilespmem:s25+$0xFFFFFFF0]  }
0x71: {  	v2 =	vld.idx.msk [tilespmem:v2+s15+$0x0], $0xffff  }
0x72: {  	v10 =	vld [tilespmem:s25+$0x0]  }
0x73: {  	v3 =	vld.idx.msk [tilespmem:v3+s15+$0x0], $0xffff  }
0x74: {  	v9 =	vld.idx.msk [tilespmem:v4+s15+$0x0], $0xffff  }
0x75: {  	v5 =	vld.idx.msk [tilespmem:v5+s15+$0x0], $0xffff  }
0x76: {  	[tilespmem:v6+s22+$0x0] =	vst.idx.add.f32.msk $0xffff, v2  }
0x77: {  	v2 =	vld [tilespmem:s25+$0x10]  }
0x78: {  	v7 =	vld.idx.msk [tilespmem:v7+s15+$0x0], $0xffff  }
0x79: {  	v4 =	vld [tilespmem:s25+$0xFFFFFFE0]  }
0x7a: {  	[tilespmem:v8+s22+$0x0] =	vst.idx.add.f32.msk $0xffff, v9  }
0x7b: {  	[tilespmem:v10+s22+$0x0] =	vst.idx.add.f32.msk $0xffff, v5  }
0x7c: {  	[tilespmem:v6+s23+$0x0] =	vst.idx.add.f32.msk $0xffff, v1  }
0x7d: {  	[tilespmem:v8+s23+$0x0] =	vst.idx.add.f32.msk $0xffff, v1  }
0x7e: {  	[tilespmem:v10+s23+$0x0] =	vst.idx.add.f32.msk $0xffff, v1  }
0x7f: {  	s26 =	simm.s32 $0x0;
	s28 =	simm.s32 $0x4E90;
	[tilespmem:v2+s22+$0x0] =	vst.idx.add.f32.msk $0xffff, v7  }
.LBB2_6:
0x80: {  	v5 =	vld [tilespmem:s28+$0x20]  }
0x81: {  	s26 =	sadd.s32 $0x5, s26;
	v6 =	vld [tilespmem:s28+$0xFFFFFFE0]  }
0x82: {  	p0 =	slt.u32 s26, $0x26C;
	v7 =	vld [tilespmem:s28+$0xFFFFFFF0]  }
0x83: {  	v8 =	vld [tilespmem:s28+$0x0]  }
0x84: {  	v9 =	vld [tilespmem:s28+$0x10]  }
0x85: {  	s25 =	sadd.s32 $0x50, s25;
	[tilespmem:v4+s22+$0x0] =	vst.idx.add.f32.msk $0xffff, v3  }
0x86: {  	v10 =	vld [tilespmem:s25+$0x20]  }
0x87: {  	v11 =	vld [tilespmem:s25+$0xFFFFFFF0]  }
0x88: {  	v5 =	vld.idx.msk [tilespmem:v5+s15+$0x0], $0xffff  }
0x89: {  	v3 =	vld.idx.msk [tilespmem:v6+s15+$0x0], $0xffff  }
0x8a: {  	v6 =	vld.idx.msk [tilespmem:v7+s15+$0x0], $0xffff  }
0x8b: {  	v7 =	vld.idx.msk [tilespmem:v8+s15+$0x0], $0xffff  }
0x8c: {  	v8 =	vld.idx.msk [tilespmem:v9+s15+$0x0], $0xffff  }
0x8d: {  	v9 =	vld [tilespmem:s25+$0x0]  }
0x8e: {  	[tilespmem:v10+s22+$0x0] =	vst.idx.add.f32.msk $0xffff, v5  }
0x8f: {  	[tilespmem:v10+s23+$0x0] =	vst.idx.add.f32.msk $0xffff, v1  }
0x90: {  	v5 =	vld [tilespmem:s25+$0x10]  }
0x91: {  	v10 =	vld [tilespmem:s25+$0xFFFFFFE0]  }
0x92: {  	[tilespmem:v4+s23+$0x0] =	vst.idx.add.f32.msk $0xffff, v1  }
0x93: {  	[tilespmem:v11+s22+$0x0] =	vst.idx.add.f32.msk $0xffff, v6  }
.Ltmp2:
0x94: {  	[tilespmem:v11+s23+$0x0] =	vst.idx.add.f32.msk $0xffff, v1;
	(pc) =	sbr.rel @p0 .LBB2_6-.Ltmp2, $4  }
0x95: {  	[tilespmem:v9+s22+$0x0] =	vst.idx.add.f32.msk $0xffff, v7  }
0x96: {  	[tilespmem:v9+s23+$0x0] =	vst.idx.add.f32.msk $0xffff, v1;
	v4 =	vmov v10  }
0x97: {  	[tilespmem:v2+s23+$0x0] =	vst.idx.add.f32.msk $0xffff, v1;
	v2 =	vmov v5  }
0x98: {  	s28 =	sadd.s32 $0x50, s28;
	[tilespmem:v5+s22+$0x0] =	vst.idx.add.f32.msk $0xffff, v8  }
0x99: {  	_ =	sdelay $0x3  }
0x9a: {  	[tilespmem:v4+s22+$0x0] =	vst.idx.add.f32.msk $0xffff, v3  }
0x9b: {  	[tilespmem:v2+s23+$0x0] =	vst.idx.add.f32.msk $0xffff, v1  }
0x9c: {  	[tilespmem:v4+s23+$0x0] =	vst.idx.add.f32.msk $0xffff, v1  }
0x9d: {  	[hbm4b:s9+s3] =	stream.linear.scatter [tilespmem:s20], [sflag:$0x1], $0x2800, $0x38;
	[tilespmem:$0x18A60] =	vst v63  }
0x9e: {  	_ = 	snop  }
0x9f: {  	[hbm4b:s10+s3] =	stream.linear.scatter [tilespmem:s21], [sflag:$0x1], $0x2800, $0x38;
	[tilespmem:$0x18A60] =	vst v63  }
0xa0: {  	_ = 	snop  }
0xa1: {  	[hbm4b:s11+s3] =	stream.linear.scatter [tilespmem:s22], [sflag:$0x1], $0x2800, $0x38;
	[tilespmem:$0x18A60] =	vst v63  }
0xa2: {  	_ = 	snop  }
0xa3: {  	[hbm4b:s12+s3] =	stream.linear.scatter [tilespmem:s23], [sflag:$0x1], $0x2800, $0x38;
	[tilespmem:$0x18A60] =	vst v63  }
0xa4: {  	_ =	swait.ge [sflag:s19], $0x2800  }
0xa5: {  	[sflag:s19] =	ssyncset.done $0x0  }
0xa6: {  	[sflag:s19] =	ssyncadd.s32 $0xFFFFD800  }
0xa7: {  	_ =	swait.ge [sflag:s19], $0x2800  }
0xa8: {  	[sflag:s19] =	ssyncset.done $0x0  }
0xa9: {  	s24 =	sadd.s32 $0x1, s24;
	[sflag:s19] =	ssyncadd.s32 $0xFFFFD800  }
0xaa: {  	p0 =	sne.s32 s24, s13;
	_ =	swait.ge [sflag:s19], $0x2800  }
.Ltmp3:
0xab: {  	[sflag:s19] =	ssyncset.done $0x0;
	(pc) =	sbr.rel @p0 .LBB2_1-.Ltmp3, $4  }
0xac: {  	[sflag:s19] =	ssyncadd.s32 $0xFFFFD800  }
0xad: {  	_ =	swait.ge [sflag:s19], $0x2800  }
0xae: {  	[sflag:s19] =	ssyncset.done $0x0  }
0xaf: {  	[sflag:s19] =	ssyncadd.s32 $0xFFFFD800  }
0xb0: {  	_ =	sfence.sel $0x180000  }
0xb1: {  	[bflag:$0x0] =	sbarrier.arrive $0xFFFF  }
0xb2: {  	p0 =	sne.s32 s1, $0x0;
	_ =	strace $0x90000047  }
0xb3: {  	s0 =	sadd.s32 @!p0 $0x100000, s0;
	[bflag:$0x2] =	sbarrier.arrive $0xFFFF  }
0xb4: {  	[sflag:s0] =	ssyncadd.tile.s32 @!p0 $0x1;
	_ =	shalt  }
.Lfunc_end2:
_tile_overlayer_lowered:
.L_overlay_start_2:
0xb5: {  	(tag) =	ssettag $0x2  }
0xb6: {  	s0 =	rddreg [dreg:$0x0];
	s2 =	stileid.u32  }
0xb7: {  	s1 =	rddreg [dreg:$0x1];
	p0 =	sne.s32 s2, $0x0  }
0xb8: {  	s3 =	rddreg [dreg:$0x2];
	[bflag:$0x3] =	sbarrier.arrive $0xFFFF;
	s2 =	simm.s32 @!p0 $0x1C02  }
0xb9: {  	[timem:s3], [sflag:s2] =	dma.local @!p0 [hbm:s0], s1  }
0xba: {  	s0 =	simm.s32 @!p0 $0x2  }
0xbb: {  	_ =	swait.ge @!p0 [sflag:s0], s1  }
0xbc: {  	s1 =	ssub.s32 @!p0 $0x0, s1;
	[sflag:s0] =	ssyncset.done @!p0 $0x0  }
0xbd: {  	[sflag:s0] =	ssyncadd.s32 @!p0 s1  }
0xbe: {  	[bflag:$0x3] =	sbarrier.arrive $0xFFFF  }
0xbf: {  	_ =	shalt  }

// kernel: kernel.9.cloned.1.call-start
scs
__scs_entry_jumppad:
0x0: {  	(pc) =	sbr.rel $0x88, $3  }
0x1: {  	(tag) =	ssettag $0x0;
	lr =	simm.s32 $0x1  }
0x2: {  	[smem:$0x3F94] =	sst lr;
	_ =	strace $0xD0000000  }
0x3: {  	_ = 	snop  }
0x4: {  	_ = 	snop  }
0x5: {  	_ = 	snop  }
0x6: {  	_ = 	snop  }
0x7: {  	_ = 	snop  }
__scs_overlays_trampoline_lowered:
0x8: {  	[smem:$0x3FA3] =	sst s0  }
0x9: {  	[smem:$0x3FA4] =	sst s1  }
0xa: {  	[smem:$0x3FA5] =	sst s2  }
0xb: {  	[smem:$0x3FA6] =	sst s3  }
0xc: {  	[smem:$0x3FA7] =	sst s4  }
0xd: {  	[smem:$0x3FA8] =	sst s5  }
0xe: {  	[smem:$0x3FA9] =	sst s6  }
0xf: {  	[smem:$0x3FAA] =	sst s7  }
0x10: {  	[smem:$0x3FAB] =	sst s8  }
0x11: {  	[smem:$0x3FAC] =	sst s9;
	s0 =	simm.s32 @!p0 $0x0  }
0x12: {  	s1 =	sld [smem:$0x3F92];
	s0 =	simm.s32 @p0 $0x1  }
0x13: {  	[smem:$0x3FAD] =	sst s0;
	s0 =	simm.s32 @!p1 $0x0  }
0x14: {  	s2 =	sld [smem:$0x3F91];
	s0 =	simm.s32 @p1 $0x1  }
0x15: {  	[smem:$0x3FAE] =	sst s0;
	s0 =	simm.s32 @!p2 $0x0  }
0x16: {  	s3 =	sld [smem:$0x3FDB];
	s0 =	simm.s32 @p2 $0x1  }
0x17: {  	s4 =	simm.s32 $0x1BF5;
	[smem:$0x3FB0] =	sst s0  }
0x18: {  	s0 =	sld [smem:$0x3F93];
	_ =	swait.ge [sflag:s4], $0x0  }
0x19: {  	s7 =	sld [smem:$0x3F94]  }
0x1a: {  	s8 =	sadd.s32 $0xFFFFE003, lr  }
0x1b: {  	s9 =	sadd.s32 $0xFFFFFEF7, lr;
	s5 =	simm.s32 $0xFFFFFFFF;
	p2 =	slt.u32 s8, $0xFFFFF086  }
0x1c: {  	p1 =	slt.u32 s9, $0xF7A;
	s5 =	simm.s32 @!p2 $0x0  }
0x1d: {  	s5 =	simm.s32 @p1 $0x1;
	p0 =	seq.s32 s7, s2  }
0x1e: {  	s7 =	smul.u32 @!p0 $0xF7A, s2;
	p2 =	seq.s32 @!p0 s5, $0x0  }
0x1f: {  	s9 =	smul.u32 $0xF7A, s1;
	s8 =	simm.s32 @!p0 $0x1BF5;
	p2 =	por !p2, p0  }
0x20: {  	[sflag:s8] =	ssyncset.s32 @!p0 $0xFFFFF086;
	s6 =	sadd.s32 @!p0 s3, s7;
	s7 =	simm.s32 @!p0 $0x108  }
0x21: {  	s3 =	sadd.s32 s3, s9;
	s6 =	sadd.s32 @!p0 $0x88, s6;
	s7 =	simm.s32 @p2 $0x1082  }
0x22: {  	[simem:s7], [sflag:s8] =	dma.local @!p0 [hbm:s6], $0xF7A  }
0x23: {  	s9 =	sor.u32 $0xD0000000, s2;
	s6 =	simm.s32 $0x108;
	_ =	swait.ge @!p0 [sflag:s8], $0x0  }
0x24: {  	s3 =	sadd.s32 $0x88, s3;
	s6 =	simm.s32 @!p1 $0x1082;
	[sflag:s4] =	ssyncset.s32 $0xFFFFF086  }
0x25: {  	[simem:s6], [sflag:s4] =	dma.local [hbm:s3], $0xF7A  }
0x26: {  	[smem:$0x3F94] =	sst s1;
	(tag) =	ssettag s2;
	_ =	strace s9  }
0x27: {  	s1 =	sld [smem:$0x3FA4]  }
0x28: {  	s2 =	sld [smem:$0x3FA5]  }
0x29: {  	s4 =	sld [smem:$0x3FA7]  }
0x2a: {  	p0 =	seq.s32 s5, $0x0;
	s5 =	sld [smem:$0x3FA8]  }
0x2b: {  	s6 =	sld [smem:$0x3FA9]  }
0x2c: {  	s7 =	sld [smem:$0x3FAA]  }
0x2d: {  	s3 =	simm.s32 $0x108;
	s8 =	sld [smem:$0x3FAB]  }
0x2e: {  	s3 =	simm.s32 @!p0 $0x1082;
	s9 =	sld [smem:$0x3FAC]  }
0x2f: {  	lr =	sadd.s32 s0, s3;
	s0 =	sld [smem:$0x3FA3]  }
0x30: {  	s3 =	sld [smem:$0x3FA6]  }
0x31: {  	[smem:$0x3FAF] =	sst s10  }
0x32: {  	s10 =	sld [smem:$0x3FAD];
	_ =	sdelay $0x3  }
0x33: {  	p0 =	seq.s32 s10, $0x1;
	s10 =	sld [smem:$0x3FAF];
	_ =	sdelay $0x3  }
0x34: {  	[smem:$0x3FAF] =	sst s10  }
0x35: {  	s10 =	sld [smem:$0x3FAE];
	_ =	sdelay $0x3  }
0x36: {  	p1 =	seq.s32 s10, $0x1;
	s10 =	sld [smem:$0x3FAF];
	_ =	sdelay $0x3  }
0x37: {  	[smem:$0x3FAF] =	sst s10  }
0x38: {  	s10 =	sld [smem:$0x3FB0]  }
0x39: {  	_ = 	snop;
	(pc) =	sbr.ind lr, $3  }
0x3a: {  	_ = 	snop  }
0x3b: {  	_ = 	snop  }
0x3c: {  	p2 =	seq.s32 s10, $0x1;
	s10 =	sld [smem:$0x3FAF]  }
0x3d: {  	_ =	shalt  }
0x3e: {  	_ =	shalt  }
0x3f: {  	_ =	shalt  }
0x40: {  	_ =	shalt  }
0x41: {  	_ =	shalt  }
0x42: {  	_ =	shalt  }
0x43: {  	_ =	shalt  }
0x44: {  	_ =	shalt  }
0x45: {  	_ =	shalt  }
0x46: {  	_ =	shalt  }
0x47: {  	_ =	shalt  }
0x48: {  	_ =	shalt  }
0x49: {  	_ =	shalt  }
0x4a: {  	_ =	shalt  }
0x4b: {  	_ =	shalt  }
0x4c: {  	_ =	shalt  }
0x4d: {  	_ =	shalt  }
0x4e: {  	_ =	shalt  }
0x4f: {  	_ =	shalt  }
0x50: {  	_ =	shalt  }
0x51: {  	_ =	shalt  }
0x52: {  	_ =	shalt  }
0x53: {  	_ =	shalt  }
0x54: {  	_ =	shalt  }
0x55: {  	_ =	shalt  }
0x56: {  	_ =	shalt  }
0x57: {  	_ =	shalt  }
0x58: {  	_ =	shalt  }
0x59: {  	_ =	shalt  }
0x5a: {  	_ =	shalt  }
0x5b: {  	_ =	shalt  }
0x5c: {  	_ =	shalt  }
0x5d: {  	_ =	shalt  }
0x5e: {  	_ =	shalt  }
0x5f: {  	_ =	shalt  }
0x60: {  	_ =	shalt  }
0x61: {  	_ =	shalt  }
0x62: {  	_ =	shalt  }
0x63: {  	_ =	shalt  }
0x64: {  	_ =	shalt  }
0x65: {  	_ =	shalt  }
0x66: {  	_ =	shalt  }
0x67: {  	_ =	shalt  }
0x68: {  	_ =	shalt  }
0x69: {  	_ =	shalt  }
0x6a: {  	_ =	shalt  }
0x6b: {  	_ =	shalt  }
0x6c: {  	_ =	shalt  }
0x6d: {  	_ =	shalt  }
0x6e: {  	_ =	shalt  }
0x6f: {  	_ =	shalt  }
0x70: {  	_ =	shalt  }
0x71: {  	_ =	shalt  }
0x72: {  	_ =	shalt  }
0x73: {  	_ =	shalt  }
0x74: {  	_ =	shalt  }
0x75: {  	_ =	shalt  }
0x76: {  	_ =	shalt  }
0x77: {  	_ =	shalt  }
0x78: {  	_ =	shalt  }
0x79: {  	_ =	shalt  }
0x7a: {  	_ =	shalt  }
0x7b: {  	_ =	shalt  }
0x7c: {  	_ =	shalt  }
0x7d: {  	_ =	shalt  }
0x7e: {  	_ =	shalt  }
0x7f: {  	_ =	shalt  }
0x80: {  	_ =	shalt  }
0x81: {  	_ =	shalt  }
0x82: {  	_ =	shalt  }
0x83: {  	_ =	shalt  }
0x84: {  	_ =	shalt  }
0x85: {  	_ =	shalt  }
0x86: {  	_ =	shalt  }
0x87: {  	_ =	shalt  }
.Lfunc_end0:
.L_simem_size_0:
called_computation.1_lowered:
.L_overlay_start_0:
0x88: {  	s2 =	sld [smem:$0x3FD9]  }
0x89: {  	s3 =	sld [smem:$0x3FFE];
	_ =	sdelay $0x1  }
0x8a: {  	s1 =	srdreg.scid  }
0x8b: {  	s0 =	sand.u32 $0x1, s1  }
0x8c: {  	s17 =	sshll.u32 s0, $0xA;
	s2 =	sadd.s32 s3, s2  }
0x8d: {  	s2 =	sadd.s32 s2, s17  }
0x8e: {  	[smem:$0x3FBB] =	sst s2  }
0x8f: {  	_ = 	snop  }
0x90: {  	s2 =	sld [smem:$0x3FD0];
	(tm) =	ssettm $0x1  }
0x91: {  	s18 =	sld [smem:$0x3FFB];
	_ =	sdelay $0x3  }
0x92: {  	_ =	strace s18  }
0x93: {  	s3 =	sld [smem:$0x3FFC];
	_ =	sdelay $0x3  }
0x94: {  	_ =	strace s3  }
0x95: {  	s3 =	sld [smem:$0x3FFD];
	_ =	sdelay $0x3  }
0x96: {  	_ =	strace s3  }
0x97: {  	_ =	strace $0x8FFFFFFF  }
0x98: {  	s19 =	sld [smem:$0x3FDB];
	_ =	sdelay $0x1  }
0x99: {  	s4 =	simm.s32 $_scs_section_size  }
0x9a: {  	s5 =	simm.s32 $_size__tile_overlayer_lowered;
	s6 =	simm.s32 $_tile_overlayer_lowered  }
0x9b: {  	s22 =	simm.s32 $0x1BFF;
	s21 =	sshll.u32 s6, $0x1;
	s3 =	sadd.s32 s4, s19  }
0x9c: {  	s7 =	simm.s32 $0x0;
	s20 =	sshll.u32 s5, $0x1;
	s5 =	sadd.s32 s21, s3  }
0x9d: {  	[timem:s7], [sflag:s22] =	dma.local [hbm:s5], s20  }
0x9e: {  	_ =	swait.ge [sflag:s22], s20  }
0x9f: {  	s4 =	ssub.s32 $0x0, s20;
	[sflag:s22] =	ssyncset.done $0x0  }
0xa0: {  	[sflag:s22] =	ssyncadd.s32 s4;
	_ =	sdelay $0x1  }
0xa1: {  	s23 =	simm.s32 $0x1B8B  }
0xa2: {  	_ =	swait.ge [sflag:s23], $0x1  }
0xa3: {  	[sflag:s23] =	ssyncset.done $0x0  }
0xa4: {  	s25 =	simm.s32 $0x1B8E;
	s24 =	sld [smem:$0x3FFE];
	[sflag:s23] =	ssyncadd.s32 $0xFFFFFFFF  }
0xa5: {  	s26 =	simm.s32 $execute0_lowered;
	[smem:$0x3FD2] =	sst s25  }
0xa6: {  	s5 =	sshll.u32 s26, $0x1;
	_ =	strace $0x80000049;
	[dreg:$0x1] =	wrdreg $0xFFFFFFFF  }
0xa7: {  	s28 =	simm.s32 $_size_execute0_lowered;
	s3 =	sadd.s32 s3, s5;
	[dreg:$0x0] =	wrdreg $0x0  }
0xa8: {  	s5 =	sshll.u32 s28, $0x1;
	[dreg:$0x2] =	wrdreg s3  }
0xa9: {  	[dreg:$0x3] =	wrdreg s5  }
0xaa: {  	[dreg:$0x4] =	wrdreg $0xC0  }
0xab: {  	_ =	task [dreg:s7], $0x5FFFF  }
0xac: {  	[dreg:$0x1] =	wrdreg $0xFFFFFFFF  }
0xad: {  	[dreg:$0x0] =	wrdreg $0x60  }
0xae: {  	[dreg:$0x2] =	wrdreg s24  }
0xaf: {  	[dreg:$0x3] =	wrdreg s2  }
0xb0: {  	[dreg:$0x4] =	wrdreg $0x9  }
0xb1: {  	_ =	task.clear_ibuf [dreg:s7], $0x5FFFF;
	_ =	strace $0x90000049  }
0xb2: {  	s29 =	simm.s32 $0x9;
	_ =	strace $0x8000004B  }
0xb3: {  	_ =	swait.ge [sflag:s29], $0x1  }
0xb4: {  	[sflag:s29] =	ssyncadd.s32 $0xFFFFFFFF  }
0xb5: {  	_ =	strace $0x9000004B  }
0xb6: {  	_ =	sfence  }
0xb7: {  	s30 =	sld [smem:$0x0];
	_ =	sdelay $0x2  }
0xb8: {  	s31 =	sshll.u32 s1, $0xD;
	s1 =	sshrl.u32 s1, $0x2  }
0xb9: {  	s3 =	sand.u32 $0x4000, s31;
	s1 =	sadd.s32 s1, s30  }
0xba: {  	s0 =	sor.u32 s3, s0;
	s1 =	sshll.u32 s1, $0x11  }
0xbb: {  	s0 =	sor.u32 s1, s0  }
0xbc: {  	s0 =	sadd.s32 $0x8F2B, s0  }
0xbd: {  	[sflag:s0] =	ssyncadd.remote.s32 $0x1  }
0xbe: {  	_ =	sfence.sel $0xFFFF  }
0xbf: {  	[dreg:$0x0] =	wrdreg $0xFFFFFFFF;
	(pc) =	sbr.abs _section_cstart, $3  }
0xc0: {  	[dreg:$0x1] =	wrdreg $0xFFFFFFFF  }
0xc1: {  	_ =	task.clear_ibuf [dreg:s7], $0x2FFFF;
	_ =	strace $0x9FFFFFFF  }
0xc2: {  	(tm) =	ssettm $0x7FFFFFFF  }
0xc3: {  	_ =	shalt  }
tec
execute0_lowered:
.L_overlay_start_1:
0x0: {  	(tag) =	ssettag $0x1  }
0x1: {  	s0 =	srdreg.scid  }
0x2: {  	s1 =	stileid.u32;
	s3 =	rddreg [dreg:$0x0]  }
0x3: {  	s7 =	rddreg [dreg:$0x1];
	s2 =	simm.s32 $0x0;
	s12 =	simm.s32 $0x140  }
0x4: {  	s13 =	simm.s32 $0x2800;
	s0 =	sand.u32 $0x1, s0;
	s1 =	sshll.u32 s1, $0x1  }
0x5: {  	s17 =	simm.s32 $0xA140;
	s18 =	simm.s32 $0x1;
	s1 =	sor.u32 s0, s1  }
0x6: {  	s19 =	simm.s32 $0xA280;
	s0 =	ssub.s32 $0x2, s0;
	s1 =	smul.u32 $0x140, s1  }
0x7: {  	s20 =	simm.s32 $0xA3C0;
	s21 =	simm.s32 $0x0;
	s31 =	sshrl.u32 s0, $0x1  }
0x8: {  	[smem:$0x7FF] =	sst s2;
	s0 =	ssub.s32 s0, s31;
	s1 =	sshrl.u32 s1, $0x3  }
0x9: {  	_ =	strace $0x8000004A;
	s11 =	smax.u32 s0, $0x1;
	s10 =	sadd.s32 s1, s3  }
0xa: {  	s1 =	sadd.s32 s7, s1;
	s3 =	sadd.s32 $0x29E00, s10;
	s4 =	sadd.s32 $0x33E00, s10  }
0xb: {  	s5 =	sadd.s32 $0x3DE00, s10;
	s6 =	sadd.s32 $0x47E00, s10;
	s7 =	sadd.s32 $0xEA6, s1  }
0xc: {  	s8 =	sadd.s32 $0x9C4, s1;
	s9 =	sadd.s32 $0x2A00, s10;
	s10 =	sadd.s32 $0x3000, s10  }
.LBB2_1:
0xd: {  	[tilespmem:s2], [sflag:$0x1] =	stream.strided.gather [hbm4b:s3+s12], $0x2800, s13, s12, $0x38;
	[tilespmem:$0xA500] =	vst v63  }
0xe: {  	_ = 	snop  }
0xf: {  	[tilespmem:s13], [sflag:$0x1] =	stream.strided.gather [hbm4b:s4+s12], $0x2800, s13, s12, $0x38;
	[tilespmem:$0xA500] =	vst v63  }
0x10: {  	s0 =	simm.s32 $0x5000  }
0x11: {  	[tilespmem:s0], [sflag:$0x1] =	stream.strided.gather [hbm4b:s5+s12], $0x2800, s13, s12, $0x38;
	[tilespmem:$0xA500] =	vst v63  }
0x12: {  	s26 =	simm.s32 $0x7800  }
0x13: {  	[tilespmem:s26], [sflag:$0x1] =	stream.strided.gather [hbm4b:s6+s12], $0x2800, s13, s12, $0x38;
	[tilespmem:$0xA500] =	vst v63  }
0x14: {  	s28 =	simm.s32 $0xA000  }
0x15: {  	[tilespmem:s28], [sflag:$0x1] =	stream.linear.gather [hbm4b:s7+s2], $0x140, $0x38;
	[tilespmem:$0xA500] =	vst v63  }
0x16: {  	_ = 	snop  }
0x17: {  	[tilespmem:s17], [sflag:$0x1] =	stream.linear.gather [hbm4b:s8+s2], $0x140, $0x38;
	[tilespmem:$0xA500] =	vst v63  }
0x18: {  	_ =	swait.ge [sflag:s18], $0x2800  }
0x19: {  	[sflag:s18] =	ssyncset.done $0x0  }
0x1a: {  	[sflag:s18] =	ssyncadd.s32 $0xFFFFD800  }
0x1b: {  	_ =	swait.ge [sflag:s18], $0x2800  }
0x1c: {  	[sflag:s18] =	ssyncset.done $0x0  }
0x1d: {  	[sflag:s18] =	ssyncadd.s32 $0xFFFFD800  }
0x1e: {  	_ =	swait.ge [sflag:s18], $0x2800  }
0x1f: {  	[sflag:s18] =	ssyncset.done $0x0  }
0x20: {  	[sflag:s18] =	ssyncadd.s32 $0xFFFFD800  }
0x21: {  	_ =	swait.ge [sflag:s18], $0x2800  }
0x22: {  	[sflag:s18] =	ssyncset.done $0x0  }
0x23: {  	[sflag:s18] =	ssyncadd.s32 $0xFFFFD800  }
0x24: {  	_ =	swait.ge [sflag:s18], $0x140  }
0x25: {  	[sflag:s18] =	ssyncset.done $0x0  }
0x26: {  	[sflag:s18] =	ssyncadd.s32 $0xFFFFFEC0  }
0x27: {  	_ =	swait.ge [sflag:s18], $0x140  }
0x28: {  	[sflag:s18] =	ssyncset.done $0x0  }
0x29: {  	s22 =	simm.s32 $0x0;
	[sflag:s18] =	ssyncadd.s32 $0xFFFFFEC0  }
0x2a: {  	v0 =	vld [tilespmem:s22+$0x2800];
	_ =	sdelay $0x4  }
0x2b: {  	v42 =	vld [tilespmem:s22+$0x2830];
	[tilespmem:$0x1FB50] =	vst v0  }
0x2c: {  	v0 =	vld [tilespmem:s22+$0x2810];
	_ =	sdelay $0x4  }
0x2d: {  	v43 =	vld [tilespmem:s22+$0x2970];
	[tilespmem:$0x1FB70] =	vst v0  }
0x2e: {  	v0 =	vld [tilespmem:s22+$0x2820];
	_ =	sdelay $0x4  }
0x2f: {  	v44 =	vld [tilespmem:s22+$0x2AB0];
	[tilespmem:$0x1FB80] =	vst v0  }
0x30: {  	v0 =	vld [tilespmem:s22+$0x2940];
	_ =	sdelay $0x4  }
0x31: {  	v47 =	vld [tilespmem:s22+$0x2BF0];
	[tilespmem:$0x1FB60] =	vst v0  }
0x32: {  	v0 =	vld [tilespmem:s22+$0x2950];
	_ =	sdelay $0x4  }
0x33: {  	v48 =	vld [tilespmem:s22+$0x2D30];
	[tilespmem:$0x1FB90] =	vst v0  }
0x34: {  	s29 =	sor.u32 $0x30, s22;
	v52 =	vld [tilespmem:s22+$0x2E70]  }
0x35: {  	v53 =	vld [tilespmem:s29+$0x0]  }
0x36: {  	v54 =	vld [tilespmem:s22+$0x2FB0]  }
0x37: {  	v55 =	vld [tilespmem:s22+$0x170]  }
0x38: {  	v63 =	vld [tilespmem:s22+$0x30F0]  }
0x39: {  	v0 =	vld [tilespmem:s22+$0x2B0]  }
0x3a: {  	v1 =	vld [tilespmem:s22+$0x3230]  }
0x3b: {  	v2 =	vld [tilespmem:s22+$0x3F0]  }
0x3c: {  	v3 =	vld [tilespmem:s22+$0x3370]  }
0x3d: {  	v4 =	vld [tilespmem:s22+$0x530]  }
0x3e: {  	v5 =	vld [tilespmem:s22+$0x34B0]  }
0x3f: {  	v6 =	vld [tilespmem:s22+$0x670]  }
0x40: {  	v7 =	vld [tilespmem:s22+$0x35F0]  }
0x41: {  	v8 =	vld [tilespmem:s22+$0x7B0]  }
0x42: {  	v9 =	vld [tilespmem:s22+$0x3730]  }
0x43: {  	v10 =	vld [tilespmem:s22+$0x8F0]  }
0x44: {  	s30 =	sor.u32 $0xA30, s22;
	v11 =	vld [tilespmem:s22+$0x3870]  }
0x45: {  	v12 =	vld [tilespmem:s30+$0x0]  }
0x46: {  	v13 =	vld [tilespmem:s22+$0x39B0]  }
0x47: {  	v14 =	vld [tilespmem:s22+$0xB70]  }
0x48: {  	v58 =	vld [tilespmem:s22+$0x3AF0]  }
0x49: {  	v40 =	vld [tilespmem:s22+$0xCB0]  }
0x4a: {  	v39 =	vld [tilespmem:s22+$0x3C30]  }
0x4b: {  	v27 =	vld [tilespmem:s22+$0xDF0]  }
0x4c: {  	v24 =	vld [tilespmem:s22+$0x3D70]  }
0x4d: {  	v26 =	vld [tilespmem:s22+$0xF30]  }
0x4e: {  	v25 =	vld [tilespmem:s22+$0x3EB0]  }
0x4f: {  	v23 =	vld [tilespmem:s22+$0x1070]  }
0x50: {  	v22 =	vld [tilespmem:s22+$0x3FF0]  }
0x51: {  	v20 =	vld [tilespmem:s22+$0x11B0]  }
0x52: {  	v19 =	vld [tilespmem:s22+$0x4130]  }
0x53: {  	v17 =	vld [tilespmem:s22+$0x12F0]  }
0x54: {  	s31 =	sor.u32 $0x1430, s22;
	v15 =	vld [tilespmem:s22+$0x4270]  }
0x55: {  	v16 =	vld [tilespmem:s31+$0x0]  }
0x56: {  	v18 =	vld [tilespmem:s22+$0x43B0]  }
0x57: {  	v21 =	vld [tilespmem:s22+$0x1570]  }
0x58: {  	v28 =	vld [tilespmem:s22+$0x44F0]  }
0x59: {  	v29 =	vld [tilespmem:s22+$0x16B0]  }
0x5a: {  	v30 =	vld [tilespmem:s22+$0x4630]  }
0x5b: {  	v31 =	vld [tilespmem:s22+$0x17F0]  }
0x5c: {  	v32 =	vld [tilespmem:s22+$0x4770]  }
0x5d: {  	v33 =	vld [tilespmem:s22+$0x1930]  }
0x5e: {  	v34 =	vld [tilespmem:s22+$0x48B0]  }
0x5f: {  	v35 =	vld [tilespmem:s22+$0x1A70]  }
0x60: {  	v36 =	vld [tilespmem:s22+$0x49F0]  }
0x61: {  	v37 =	vld [tilespmem:s22+$0x1BB0]  }
0x62: {  	v38 =	vld [tilespmem:s22+$0x4B30]  }
0x63: {  	v50 =	vld [tilespmem:s22+$0x4EF0]  }
0x64: {  	v41 =	vld [tilespmem:s22+$0x1CF0]  }
0x65: {  	s1 =	sor.u32 $0x1E30, s22;
	v45 =	vld [tilespmem:s22+$0x4C70]  }
0x66: {  	v46 =	vld [tilespmem:s1+$0x0]  }
0x67: {  	v49 =	vld [tilespmem:s22+$0x4DB0]  }
0x68: {  	v59 =	vld [tilespmem:s22+$0x1F70];
	[tilespmem:$0x1FBA0] =	vst v50  }
0x69: {  	v50 =	vld [tilespmem:s22+$0x20B0];
	_ =	sdelay $0x4  }
0x6a: {  	[tilespmem:$0x1FBB0] =	vst v50  }
0x6b: {  	v50 =	vld [tilespmem:s22+$0x21F0];
	_ =	sdelay $0x4  }
0x6c: {  	v60 =	vld [tilespmem:s22+$0x2960];
	[tilespmem:$0x1FBC0] =	vst v50  }
0x6d: {  	v50 =	vld [tilespmem:s22+$0x2330];
	_ =	sdelay $0x4  }
0x6e: {  	v56 =	vld [tilespmem:s22+$0x2A80];
	[tilespmem:$0x1FC00] =	vst v50  }
0x6f: {  	v50 =	vld [tilespmem:s22+$0x2470];
	_ =	sdelay $0x4  }
0x70: {  	v51 =	vld [tilespmem:s22+$0x2A90];
	[tilespmem:$0x1FC40] =	vst v50  }
0x71: {  	v50 =	vld [tilespmem:s22+$0x25B0];
	_ =	sdelay $0x4  }
0x72: {  	v57 =	vld [tilespmem:s22+$0x2AA0];
	[tilespmem:$0x1FFC0] =	vst v50  }
0x73: {  	v50 =	vld [tilespmem:s22+$0x26F0];
	_ =	sdelay $0x4  }
0x74: {  	v61 =	vld [tilespmem:s22+$0x2BC0];
	[tilespmem:$0x1FFE0] =	vst v50  }
0x75: {  	v62 =	vld [tilespmem:s22+$0x2BE0];
	_ =	sdelay $0x4  }
0x76: {  	v50 =	vld [tilespmem:s22+$0x2BD0];
	[tilespmem:$0x1FBD0] =	vst v62  }
0x77: {  	v62 =	vld [tilespmem:s22+$0x2D00];
	_ =	sdelay $0x4  }
0x78: {  	[tilespmem:$0x1FBE0] =	vst v62  }
0x79: {  	v62 =	vld [tilespmem:s22+$0xA030];
	_ =	sdelay $0x4  }
0x7a: {  	[tilespmem:$0x1FFF0] =	vst v62  }
0x7b: {  	v62 =	vld [tilespmem:s22+$0x2D10];
	_ =	sdelay $0x4  }
0x7c: {  	[tilespmem:$0x1FBF0] =	vst v62  }
0x7d: {  	v62 =	vld [tilespmem:s22+$0x2D20];
	_ =	sdelay $0x4  }
0x7e: {  	[tilespmem:$0x1FC10] =	vst v62  }
0x7f: {  	v62 =	vld [tilespmem:s22+$0x2E40];
	_ =	sdelay $0x4  }
0x80: {  	s14 =	sor.u32 $0x10, s22;
	[tilespmem:$0x1FC20] =	vst v62  }
0x81: {  	v62 =	vld [tilespmem:s14+$0x0];
	_ =	sdelay $0x4  }
0x82: {  	[tilespmem:$0x1FC80] =	vst v62  }
0x83: {  	v62 =	vld [tilespmem:s22+$0x2E50];
	_ =	sdelay $0x4  }
0x84: {  	s15 =	sor.u32 $0x20, s22;
	[tilespmem:$0x1FC30] =	vst v62  }
0x85: {  	v62 =	vld [tilespmem:s15+$0x0];
	_ =	sdelay $0x4  }
0x86: {  	[tilespmem:$0x1FCB0] =	vst v62  }
0x87: {  	v62 =	vld [tilespmem:s22+$0x2E60];
	_ =	sdelay $0x4  }
0x88: {  	[tilespmem:$0x1FC50] =	vst v62  }
0x89: {  	v62 =	vld [tilespmem:s22+$0x0];
	_ =	sdelay $0x4  }
0x8a: {  	[tilespmem:$0x1FC90] =	vst v62  }
0x8b: {  	v62 =	vld [tilespmem:s22+$0x2F80];
	_ =	sdelay $0x4  }
0x8c: {  	[tilespmem:$0x1FC60] =	vst v62  }
0x8d: {  	v62 =	vld [tilespmem:s22+$0x2F90];
	_ =	sdelay $0x4  }
0x8e: {  	[tilespmem:$0x1FC70] =	vst v62  }
0x8f: {  	v62 =	vld [tilespmem:s22+$0x2FA0];
	_ =	sdelay $0x4  }
0x90: {  	[tilespmem:$0x1FCA0] =	vst v62  }
0x91: {  	v62 =	vld [tilespmem:s22+$0x140];
	_ =	sdelay $0x4  }
0x92: {  	[tilespmem:$0x1FCC0] =	vst v62  }
0x93: {  	v62 =	vld [tilespmem:s22+$0x150];
	_ =	sdelay $0x4  }
0x94: {  	[tilespmem:$0x1FCD0] =	vst v62  }
0x95: {  	v62 =	vld [tilespmem:s22+$0x160];
	_ =	sdelay $0x4  }
0x96: {  	[tilespmem:$0x1FCE0] =	vst v62  }
0x97: {  	v62 =	vld [tilespmem:s22+$0x30C0];
	_ =	sdelay $0x4  }
0x98: {  	[tilespmem:$0x1FCF0] =	vst v62  }
0x99: {  	v62 =	vld [tilespmem:s22+$0x30D0];
	_ =	sdelay $0x4  }
0x9a: {  	[tilespmem:$0x1FD00] =	vst v62  }
0x9b: {  	v62 =	vld [tilespmem:s22+$0x30E0];
	_ =	sdelay $0x4  }
0x9c: {  	[tilespmem:$0x1FD10] =	vst v62  }
0x9d: {  	v62 =	vld [tilespmem:s22+$0x280];
	_ =	sdelay $0x4  }
0x9e: {  	[tilespmem:$0x1FD20] =	vst v62  }
0x9f: {  	v62 =	vld [tilespmem:s22+$0x290];
	_ =	sdelay $0x4  }
0xa0: {  	[tilespmem:$0x1FD30] =	vst v62  }
0xa1: {  	v62 =	vld [tilespmem:s22+$0x2A0];
	_ =	sdelay $0x4  }
0xa2: {  	[tilespmem:$0x1FD40] =	vst v62  }
0xa3: {  	v62 =	vld [tilespmem:s22+$0x3200];
	_ =	sdelay $0x4  }
0xa4: {  	[tilespmem:$0x1FD50] =	vst v62  }
0xa5: {  	v62 =	vld [tilespmem:s22+$0x3210];
	_ =	sdelay $0x4  }
0xa6: {  	[tilespmem:$0x1FD60] =	vst v62  }
0xa7: {  	v62 =	vld [tilespmem:s22+$0x3220];
	_ =	sdelay $0x4  }
0xa8: {  	[tilespmem:$0x1FD70] =	vst v62  }
0xa9: {  	v62 =	vld [tilespmem:s22+$0x3C0];
	_ =	sdelay $0x3  }
0xaa: {  	v42 =	vadd.f32 $0.0e+00, v42  }
0xab: {  	[tilespmem:$0x1FD80] =	vst v62  }
0xac: {  	v42 =	vadd.f32 v43, v42;
	v43 =	vld [tilespmem:s22+$0x3D0];
	_ =	sdelay $0x4  }
0xad: {  	[tilespmem:$0x1FD90] =	vst v43  }
0xae: {  	v43 =	vld [tilespmem:s22+$0x3E0];
	_ =	sdelay $0x4  }
0xaf: {  	[tilespmem:$0x1FDA0] =	vst v43  }
0xb0: {  	v43 =	vld [tilespmem:s22+$0x3340];
	_ =	sdelay $0x4  }
0xb1: {  	[tilespmem:$0x1FDB0] =	vst v43  }
0xb2: {  	v43 =	vld [tilespmem:s22+$0x3350];
	_ =	sdelay $0x4  }
0xb3: {  	[tilespmem:$0x1FDC0] =	vst v43  }
0xb4: {  	v43 =	vld [tilespmem:s22+$0x3360];
	_ =	sdelay $0x4  }
0xb5: {  	[tilespmem:$0x1FDD0] =	vst v43  }
0xb6: {  	v43 =	vld [tilespmem:s22+$0x500];
	_ =	sdelay $0x4  }
0xb7: {  	[tilespmem:$0x1FDE0] =	vst v43  }
0xb8: {  	v43 =	vld [tilespmem:s22+$0x510];
	_ =	sdelay $0x4  }
0xb9: {  	[tilespmem:$0x1FDF0] =	vst v43  }
0xba: {  	v42 =	vadd.f32 v44, v42;
	v43 =	vld [tilespmem:s22+$0x520];
	_ =	sdelay $0x1  }
0xbb: {  	v42 =	vadd.f32 v47, v42;
	_ =	sdelay $0x1  }
0xbc: {  	v42 =	vadd.f32 v48, v42  }
0xbd: {  	[tilespmem:$0x1FE00] =	vst v43  }
0xbe: {  	v42 =	vadd.f32 v52, v42;
	v52 =	vadd.f32 $0.0e+00, v53;
	v53 =	vld [tilespmem:s22+$0x3480];
	_ =	sdelay $0x4  }
0xbf: {  	[tilespmem:$0x1FE10] =	vst v53  }
0xc0: {  	v44 =	vld [tilespmem:s22+$0x3490];
	_ =	sdelay $0x4  }
0xc1: {  	[tilespmem:$0x1FE20] =	vst v44  }
0xc2: {  	v44 =	vld [tilespmem:s22+$0x34A0];
	_ =	sdelay $0x4  }
0xc3: {  	[tilespmem:$0x1FE30] =	vst v44  }
0xc4: {  	v44 =	vld [tilespmem:s22+$0x640];
	_ =	sdelay $0x4  }
0xc5: {  	[tilespmem:$0x1FE40] =	vst v44  }
0xc6: {  	v62 =	vld [tilespmem:s22+$0x650];
	_ =	sdelay $0x3  }
0xc7: {  	v42 =	vadd.f32 v54, v42  }
0xc8: {  	[tilespmem:$0x1FE50] =	vst v62  }
0xc9: {  	v42 =	vadd.f32 v63, v42;
	v63 =	vld [tilespmem:s22+$0x660];
	_ =	sdelay $0x1  }
0xca: {  	v43 =	vadd.f32 v55, v52;
	_ =	sdelay $0x1  }
0xcb: {  	v0 =	vadd.f32 v0, v43  }
0xcc: {  	[tilespmem:$0x1FE60] =	vst v63  }
0xcd: {  	v0 =	vadd.f32 v2, v0;
	v2 =	vld [tilespmem:s22+$0x35C0];
	_ =	sdelay $0x4  }
0xce: {  	[tilespmem:$0x1FE70] =	vst v2  }
0xcf: {  	v2 =	vld [tilespmem:s22+$0x35D0];
	_ =	sdelay $0x3  }
0xd0: {  	v1 =	vadd.f32 v1, v42  }
0xd1: {  	[tilespmem:$0x1FE80] =	vst v2  }
0xd2: {  	v1 =	vadd.f32 v3, v1;
	v2 =	vld [tilespmem:s22+$0x3710]  }
0xd3: {  	v0 =	vadd.f32 v4, v0;
	v4 =	vld [tilespmem:s22+$0x35E0]  }
0xd4: {  	v1 =	vadd.f32 v5, v1;
	v5 =	vld [tilespmem:s22+$0x780]  }
0xd5: {  	v0 =	vadd.f32 v6, v0;
	v6 =	vld [tilespmem:s22+$0x790]  }
0xd6: {  	v1 =	vadd.f32 v7, v1;
	v7 =	vld [tilespmem:s22+$0x7A0]  }
0xd7: {  	v0 =	vadd.f32 v8, v0;
	v8 =	vld [tilespmem:s22+$0x3700];
	[tilespmem:$0x1FE90] =	vst v2  }
0xd8: {  	v2 =	vld [tilespmem:s22+$0x3720];
	_ =	sdelay $0x4  }
0xd9: {  	[tilespmem:$0x1FEB0] =	vst v2  }
0xda: {  	v2 =	vld [tilespmem:s22+$0x8C0];
	_ =	sdelay $0x4  }
0xdb: {  	[tilespmem:$0x1FEA0] =	vst v2  }
0xdc: {  	v2 =	vld [tilespmem:s22+$0x8D0];
	_ =	sdelay $0x4  }
0xdd: {  	[tilespmem:$0x1FEC0] =	vst v2  }
0xde: {  	v2 =	vld [tilespmem:s22+$0x8E0];
	_ =	sdelay $0x4  }
0xdf: {  	s16 =	sor.u32 $0xA00, s22;
	[tilespmem:$0x1FED0] =	vst v2  }
0xe0: {  	v2 =	vld [tilespmem:s16+$0x0];
	_ =	sdelay $0x4  }
0xe1: {  	[tilespmem:$0x1FEE0] =	vst v2  }
0xe2: {  	v2 =	vld [tilespmem:s22+$0x3840];
	_ =	sdelay $0x4  }
0xe3: {  	s23 =	sor.u32 $0xA10, s22;
	[tilespmem:$0x1FEF0] =	vst v2  }
0xe4: {  	v2 =	vld [tilespmem:s23+$0x0];
	_ =	sdelay $0x4  }
0xe5: {  	[tilespmem:$0x1FF00] =	vst v2  }
0xe6: {  	v2 =	vld [tilespmem:s22+$0x3850];
	_ =	sdelay $0x4  }
0xe7: {  	s24 =	sor.u32 $0xA20, s22;
	[tilespmem:$0x1FF10] =	vst v2  }
0xe8: {  	v2 =	vld [tilespmem:s24+$0x0];
	_ =	sdelay $0x4  }
0xe9: {  	[tilespmem:$0x1FF30] =	vst v2  }
0xea: {  	v2 =	vld [tilespmem:s22+$0x3860];
	_ =	sdelay $0x4  }
0xeb: {  	v0 =	vadd.f32 v10, v0;
	[tilespmem:$0x1FF20] =	vst v2  }
0xec: {  	v2 =	vld [tilespmem:s22+$0x3980]  }
0xed: {  	v0 =	vadd.f32 v12, v0;
	_ =	sdelay $0x1  }
0xee: {  	v0 =	vadd.f32 v14, v0;
	_ =	sdelay $0x1  }
0xef: {  	v0 =	vadd.f32 v40, v0;
	[tilespmem:$0x1FF40] =	vst v2  }
0xf0: {  	v2 =	vld [tilespmem:s22+$0x3990]  }
0xf1: {  	v0 =	vadd.f32 v27, v0;
	_ =	sdelay $0x1  }
0xf2: {  	v0 =	vadd.f32 v26, v0;
	_ =	sdelay $0x1  }
0xf3: {  	v0 =	vadd.f32 v23, v0;
	[tilespmem:$0x1FF50] =	vst v2  }
0xf4: {  	v2 =	vld [tilespmem:s22+$0x39A0]  }
0xf5: {  	v0 =	vadd.f32 v20, v0;
	_ =	sdelay $0x1  }
0xf6: {  	v0 =	vadd.f32 v17, v0  }
0xf7: {  	v1 =	vadd.f32 v9, v1  }
0xf8: {  	v0 =	vadd.f32 v16, v0;
	[tilespmem:$0x1FF60] =	vst v2  }
0xf9: {  	v1 =	vadd.f32 v11, v1;
	v2 =	vld [tilespmem:s22+$0xB40]  }
0xfa: {  	v0 =	vadd.f32 v21, v0  }
0xfb: {  	v1 =	vadd.f32 v13, v1  }
0xfc: {  	v0 =	vadd.f32 v29, v0  }
0xfd: {  	v1 =	vadd.f32 v58, v1  }
0xfe: {  	v0 =	vadd.f32 v31, v0;
	[tilespmem:$0x1FF70] =	vst v2  }
0xff: {  	v1 =	vadd.f32 v39, v1;
	v2 =	vld [tilespmem:s22+$0xB50]  }
0x100: {  	v0 =	vadd.f32 v33, v0  }
0x101: {  	v1 =	vadd.f32 v24, v1  }
0x102: {  	v0 =	vadd.f32 v35, v0  }
0x103: {  	v1 =	vadd.f32 v25, v1  }
0x104: {  	v9 =	vadd.f32 v37, v0;
	v0 =	vld [tilespmem:$0x1FB50];
	[tilespmem:$0x1FF80] =	vst v2  }
0x105: {  	v1 =	vadd.f32 v22, v1;
	v2 =	vld [tilespmem:s22+$0xB60];
	_ =	sdelay $0x1  }
0x106: {  	v1 =	vadd.f32 v19, v1;
	_ =	sdelay $0x1  }
0x107: {  	v1 =	vadd.f32 v15, v1  }
0x108: {  	v35 =	vadd.f32 $0.0e+00, v0;
	v0 =	vld [tilespmem:$0x1FB60];
	[tilespmem:$0x1FF90] =	vst v2  }
0x109: {  	v1 =	vadd.f32 v18, v1;
	v2 =	vld [tilespmem:s22+$0x3AD0];
	_ =	sdelay $0x1  }
0x10a: {  	v1 =	vadd.f32 v28, v1;
	_ =	sdelay $0x1  }
0x10b: {  	v1 =	vadd.f32 v30, v1;
	v37 =	vadd.f32 v0, v35;
	v0 =	vld [tilespmem:$0x1FB70]  }
0x10c: {  	v63 =	vld [tilespmem:s22+$0x3AC0];
	[tilespmem:$0x1FFA0] =	vst v2  }
0x10d: {  	v1 =	vadd.f32 v32, v1;
	v55 =	vld [tilespmem:s22+$0x3AE0]  }
0x10e: {  	v58 =	vld [tilespmem:s22+$0xC80]  }
0x10f: {  	v2 =	vadd.f32 v34, v1;
	v53 =	vld [tilespmem:s22+$0xC90]  }
0x110: {  	v54 =	vld [tilespmem:s22+$0xCA0]  }
0x111: {  	v48 =	vld [tilespmem:s22+$0x3C00];
	v3 =	vadd.f32 v36, v2  }
0x112: {  	v36 =	vadd.f32 v41, v9;
	v41 =	vadd.f32 $0.0e+00, v0;
	v0 =	vld [tilespmem:$0x1FB80]  }
0x113: {  	v52 =	vld [tilespmem:s22+$0x3C10]  }
0x114: {  	v47 =	vld [tilespmem:s22+$0x3C20]  }
0x115: {  	v44 =	vld [tilespmem:s22+$0xDC0]  }
0x116: {  	v43 =	vld [tilespmem:s22+$0xDD0]  }
0x117: {  	v18 =	vadd.f32 v46, v36;
	v46 =	vadd.f32 $0.0e+00, v0;
	v0 =	vld [tilespmem:$0x1FB90]  }
0x118: {  	v42 =	vld [tilespmem:s22+$0xDE0]  }
0x119: {  	v40 =	vld [tilespmem:s22+$0x3D40]  }
0x11a: {  	v39 =	vld [tilespmem:s22+$0x3D50]  }
0x11b: {  	v27 =	vld [tilespmem:s22+$0x3D60];
	v34 =	vadd.f32 v38, v3  }
0x11c: {  	v29 =	vadd.f32 v0, v41;
	v0 =	vld [tilespmem:$0x1FBA0]  }
0x11d: {  	v26 =	vld [tilespmem:s22+$0xF00];
	v38 =	vadd.f32 v45, v34  }
0x11e: {  	v25 =	vld [tilespmem:s22+$0xF10]  }
0x11f: {  	v24 =	vld [tilespmem:s22+$0xF20];
	v45 =	vadd.f32 v49, v38  }
0x120: {  	v23 =	vld [tilespmem:s22+$0x3E80]  }
0x121: {  	v22 =	vld [tilespmem:s22+$0x3E90];
	v0 =	vadd.f32 v0, v45  }
0x122: {  	v30 =	vld [tilespmem:s22+$0x3EA0]  }
0x123: {  	[tilespmem:$0x1FFB0] =	vst v0;
	v0 =	vld [tilespmem:$0x1FBB0];
	_ =	sdelay $0x2  }
0x124: {  	v49 =	vadd.f32 v59, v18;
	_ =	sdelay $0x1  }
0x125: {  	v33 =	vadd.f32 v0, v49;
	v0 =	vld [tilespmem:$0x1FBC0];
	_ =	sdelay $0x4  }
0x126: {  	v12 =	vadd.f32 v0, v33;
	v0 =	vld [tilespmem:$0x1FBD0]  }
0x127: {  	v32 =	vadd.f32 v60, v46;
	_ =	sdelay $0x1  }
0x128: {  	v60 =	vadd.f32 v57, v32;
	_ =	sdelay $0x1  }
0x129: {  	v35 =	vadd.f32 v0, v60;
	v0 =	vld [tilespmem:$0x1FBE0]  }
0x12a: {  	v59 =	vadd.f32 v56, v37;
	_ =	sdelay $0x1  }
0x12b: {  	v34 =	vadd.f32 v61, v59;
	_ =	sdelay $0x1  }
0x12c: {  	v13 =	vadd.f32 v0, v34;
	v0 =	vld [tilespmem:$0x1FBF0]  }
0x12d: {  	v29 =	vadd.f32 v51, v29;
	_ =	sdelay $0x1  }
0x12e: {  	v62 =	vadd.f32 v50, v29;
	_ =	sdelay $0x1  }
0x12f: {  	v14 =	vadd.f32 v0, v62;
	v0 =	vld [tilespmem:$0x1FC00];
	_ =	sdelay $0x4  }
0x130: {  	v15 =	vadd.f32 v0, v12;
	v0 =	vld [tilespmem:$0x1FC10];
	_ =	sdelay $0x4  }
0x131: {  	v16 =	vadd.f32 v0, v35;
	v0 =	vld [tilespmem:$0x1FC20];
	_ =	sdelay $0x4  }
0x132: {  	v17 =	vadd.f32 v0, v13;
	v0 =	vld [tilespmem:$0x1FC30];
	_ =	sdelay $0x2  }
0x133: {  	v31 =	vld [tilespmem:s22+$0x1040]  }
0x134: {  	v28 =	vld [tilespmem:s22+$0x1050]  }
0x135: {  	v41 =	vadd.f32 v0, v14;
	v0 =	vld [tilespmem:$0x1FC40]  }
0x136: {  	v32 =	vld [tilespmem:s22+$0x1060]  }
0x137: {  	v29 =	vld [tilespmem:s22+$0x3FC0]  }
0x138: {  	v36 =	vld [tilespmem:s22+$0x1180]  }
0x139: {  	v37 =	vld [tilespmem:s22+$0x1190]  }
0x13a: {  	v33 =	vld [tilespmem:s22+$0x3FD0];
	v0 =	vadd.f32 v0, v15  }
0x13b: {  	v34 =	vld [tilespmem:s22+$0x3FE0]  }
0x13c: {  	[tilespmem:$0x1FFD0] =	vst v0;
	v0 =	vld [tilespmem:$0x1FC50];
	_ =	sdelay $0x4  }
0x13d: {  	v18 =	vadd.f32 v0, v16;
	v0 =	vld [tilespmem:$0x1FC60];
	_ =	sdelay $0x4  }
0x13e: {  	v19 =	vadd.f32 v0, v17;
	v0 =	vld [tilespmem:$0x1FC70];
	_ =	sdelay $0x4  }
0x13f: {  	v41 =	vadd.f32 v0, v41;
	v0 =	vld [tilespmem:$0x1FC80];
	_ =	sdelay $0x4  }
0x140: {  	v20 =	vadd.f32 $0.0e+00, v0;
	v0 =	vld [tilespmem:$0x1FC90];
	_ =	sdelay $0x4  }
0x141: {  	v21 =	vadd.f32 $0.0e+00, v0;
	v0 =	vld [tilespmem:$0x1FCA0];
	_ =	sdelay $0x4  }
0x142: {  	v45 =	vadd.f32 v0, v18;
	v0 =	vld [tilespmem:$0x1FCB0];
	_ =	sdelay $0x4  }
0x143: {  	v35 =	vadd.f32 $0.0e+00, v0;
	v0 =	vld [tilespmem:$0x1FCC0];
	_ =	sdelay $0x4  }
0x144: {  	v57 =	vadd.f32 v0, v21;
	v0 =	vld [tilespmem:$0x1FCD0];
	_ =	sdelay $0x4  }
0x145: {  	v56 =	vadd.f32 v0, v20;
	v0 =	vld [tilespmem:$0x1FCE0];
	_ =	sdelay $0x4  }
0x146: {  	v59 =	vadd.f32 v0, v35;
	v0 =	vld [tilespmem:$0x1FCF0];
	_ =	sdelay $0x4  }
0x147: {  	v46 =	vadd.f32 v0, v19;
	v0 =	vld [tilespmem:$0x1FD00];
	_ =	sdelay $0x4  }
0x148: {  	v41 =	vadd.f32 v0, v41;
	v0 =	vld [tilespmem:$0x1FD10];
	_ =	sdelay $0x4  }
0x149: {  	v45 =	vadd.f32 v0, v45;
	v0 =	vld [tilespmem:$0x1FD20];
	_ =	sdelay $0x4  }
0x14a: {  	v57 =	vadd.f32 v0, v57;
	v0 =	vld [tilespmem:$0x1FD30];
	_ =	sdelay $0x4  }
0x14b: {  	v56 =	vadd.f32 v0, v56;
	v0 =	vld [tilespmem:$0x1FD40];
	_ =	sdelay $0x4  }
0x14c: {  	v59 =	vadd.f32 v0, v59;
	v0 =	vld [tilespmem:$0x1FD50];
	_ =	sdelay $0x4  }
0x14d: {  	v46 =	vadd.f32 v0, v46;
	v0 =	vld [tilespmem:$0x1FD60];
	_ =	sdelay $0x4  }
0x14e: {  	v41 =	vadd.f32 v0, v41;
	v0 =	vld [tilespmem:$0x1FD70];
	_ =	sdelay $0x4  }
0x14f: {  	v45 =	vadd.f32 v0, v45;
	v0 =	vld [tilespmem:$0x1FD80];
	_ =	sdelay $0x4  }
0x150: {  	v57 =	vadd.f32 v0, v57;
	v0 =	vld [tilespmem:$0x1FD90];
	_ =	sdelay $0x4  }
0x151: {  	v56 =	vadd.f32 v0, v56;
	v0 =	vld [tilespmem:$0x1FDA0];
	_ =	sdelay $0x4  }
0x152: {  	v59 =	vadd.f32 v0, v59;
	v0 =	vld [tilespmem:$0x1FDB0];
	_ =	sdelay $0x4  }
0x153: {  	v46 =	vadd.f32 v0, v46;
	v0 =	vld [tilespmem:$0x1FDC0];
	_ =	sdelay $0x4  }
0x154: {  	v41 =	vadd.f32 v0, v41;
	v0 =	vld [tilespmem:$0x1FDD0];
	_ =	sdelay $0x4  }
0x155: {  	v45 =	vadd.f32 v0, v45;
	v0 =	vld [tilespmem:$0x1FDE0];
	_ =	sdelay $0x4  }
0x156: {  	v57 =	vadd.f32 v0, v57;
	v0 =	vld [tilespmem:$0x1FDF0];
	_ =	sdelay $0x4  }
0x157: {  	v56 =	vadd.f32 v0, v56;
	v0 =	vld [tilespmem:$0x1FE00];
	_ =	sdelay $0x4  }
0x158: {  	v59 =	vadd.f32 v0, v59;
	v0 =	vld [tilespmem:$0x1FE10];
	_ =	sdelay $0x4  }
0x159: {  	v46 =	vadd.f32 v0, v46;
	v0 =	vld [tilespmem:$0x1FE20];
	_ =	sdelay $0x4  }
0x15a: {  	v41 =	vadd.f32 v0, v41;
	v0 =	vld [tilespmem:$0x1FE30];
	_ =	sdelay $0x4  }
0x15b: {  	v45 =	vadd.f32 v0, v45;
	v0 =	vld [tilespmem:$0x1FE40];
	_ =	sdelay $0x4  }
0x15c: {  	v57 =	vadd.f32 v0, v57;
	v0 =	vld [tilespmem:$0x1FE50];
	_ =	sdelay $0x4  }
0x15d: {  	v56 =	vadd.f32 v0, v56;
	v0 =	vld [tilespmem:$0x1FE60];
	_ =	sdelay $0x4  }
0x15e: {  	v59 =	vadd.f32 v0, v59;
	v0 =	vld [tilespmem:$0x1FE70];
	_ =	sdelay $0x4  }
0x15f: {  	v46 =	vadd.f32 v0, v46;
	v0 =	vld [tilespmem:$0x1FE80];
	_ =	sdelay $0x4  }
0x160: {  	v41 =	vadd.f32 v0, v41;
	v0 =	vld [tilespmem:$0x1FE90];
	_ =	sdelay $0x4  }
0x161: {  	v41 =	vadd.f32 v0, v41;
	v0 =	vld [tilespmem:$0x1FEA0];
	_ =	sdelay $0x2  }
0x162: {  	v57 =	vadd.f32 v5, v57;
	_ =	sdelay $0x1  }
0x163: {  	v57 =	vadd.f32 v0, v57;
	v0 =	vld [tilespmem:$0x1FEB0];
	_ =	sdelay $0x2  }
0x164: {  	v45 =	vadd.f32 v4, v45;
	_ =	sdelay $0x1  }
0x165: {  	v45 =	vadd.f32 v0, v45;
	v0 =	vld [tilespmem:$0x1FEC0];
	_ =	sdelay $0x2  }
0x166: {  	v56 =	vadd.f32 v6, v56;
	_ =	sdelay $0x1  }
0x167: {  	v56 =	vadd.f32 v0, v56;
	v0 =	vld [tilespmem:$0x1FED0];
	_ =	sdelay $0x1  }
0x168: {  	v38 =	vld [tilespmem:s22+$0x11A0]  }
0x169: {  	v50 =	vld [tilespmem:s22+$0x4100];
	v59 =	vadd.f32 v7, v59  }
0x16a: {  	v49 =	vld [tilespmem:s22+$0x4110]  }
0x16b: {  	v59 =	vadd.f32 v0, v59;
	v0 =	vld [tilespmem:$0x1FEE0]  }
0x16c: {  	v51 =	vld [tilespmem:s22+$0x4120]  }
0x16d: {  	v60 =	vld [tilespmem:s22+$0x12C0]  }
0x16e: {  	v61 =	vld [tilespmem:s22+$0x12D0]  }
0x16f: {  	v62 =	vld [tilespmem:s22+$0x12E0]  }
0x170: {  	v57 =	vadd.f32 v0, v57;
	v0 =	vld [tilespmem:$0x1FEF0]  }
0x171: {  	v15 =	vld [tilespmem:s22+$0x4380]  }
0x172: {  	v14 =	vld [tilespmem:s22+$0x4390]  }
0x173: {  	v13 =	vld [tilespmem:s22+$0x43A0];
	v46 =	vadd.f32 v8, v46  }
0x174: {  	v12 =	vld [tilespmem:s22+$0x1540]  }
0x175: {  	v46 =	vadd.f32 v0, v46;
	v0 =	vld [tilespmem:$0x1FF00]  }
0x176: {  	v11 =	vld [tilespmem:s22+$0x1550]  }
0x177: {  	v10 =	vld [tilespmem:s22+$0x1560]  }
0x178: {  	v9 =	vld [tilespmem:s22+$0x44C0]  }
0x179: {  	v3 =	vld [tilespmem:s22+$0x4600]  }
0x17a: {  	v56 =	vadd.f32 v0, v56;
	v0 =	vld [tilespmem:$0x1FF10]  }
0x17b: {  	v2 =	vld [tilespmem:s22+$0x4610]  }
0x17c: {  	v1 =	vld [tilespmem:s22+$0x4620]  }
0x17d: {  	s28 =	sor.u32 $0x1420, s22;
	v16 =	vld [tilespmem:s22+$0x4260]  }
0x17e: {  	v17 =	vld [tilespmem:s28+$0x0]  }
0x17f: {  	v41 =	vadd.f32 v0, v41;
	v0 =	vld [tilespmem:$0x1FF20]  }
0x180: {  	s25 =	sor.u32 $0x1400, s22;
	v18 =	vld [tilespmem:s22+$0x4250]  }
0x181: {  	v21 =	vld [tilespmem:s25+$0x0]  }
0x182: {  	v20 =	vld [tilespmem:s22+$0x4240]  }
0x183: {  	v35 =	vld [tilespmem:$0x1FF90]  }
0x184: {  	s26 =	sor.u32 $0x1410, s22;
	v45 =	vadd.f32 v0, v45;
	v0 =	vld [tilespmem:$0x1FF30]  }
0x185: {  	v19 =	vld [tilespmem:s26+$0x0]  }
0x186: {  	v4 =	vld [tilespmem:s22+$0x16A0]  }
0x187: {  	v5 =	vld [tilespmem:s22+$0x1690]  }
0x188: {  	v6 =	vld [tilespmem:s22+$0x1680]  }
0x189: {  	v59 =	vadd.f32 v0, v59;
	v0 =	vld [tilespmem:$0x1FF40]  }
0x18a: {  	v7 =	vld [tilespmem:s22+$0x44E0]  }
0x18b: {  	v8 =	vld [tilespmem:s22+$0x44D0];
	v59 =	vadd.f32 v35, v59  }
0x18c: {  	v35 =	vld [tilespmem:$0x1FFA0]  }
0x18d: {  	v54 =	vadd.f32 v54, v59;
	v59 =	vld [tilespmem:s22+$0x49D0]  }
0x18e: {  	v46 =	vadd.f32 v0, v46;
	v0 =	vld [tilespmem:$0x1FF50]  }
0x18f: {  	v42 =	vadd.f32 v42, v54;
	v54 =	vld [tilespmem:s22+$0x1A50]  }
0x190: {  	v46 =	vadd.f32 v63, v46;
	v63 =	vld [tilespmem:s22+$0x17D0]  }
0x191: {  	v24 =	vadd.f32 v24, v42;
	v42 =	vld [tilespmem:s22+$0x1CC0]  }
0x192: {  	v46 =	vadd.f32 v48, v46;
	v48 =	vld [tilespmem:s22+$0x4750]  }
0x193: {  	v41 =	vadd.f32 v0, v41;
	v0 =	vld [tilespmem:$0x1FF60]  }
0x194: {  	v24 =	vadd.f32 v32, v24;
	v40 =	vadd.f32 v40, v46;
	v46 =	vld [tilespmem:s22+$0x1910]  }
0x195: {  	v41 =	vadd.f32 v35, v41;
	v35 =	vld [tilespmem:s22+$0x1BA0]  }
0x196: {  	v24 =	vadd.f32 v38, v24;
	v38 =	vld [tilespmem:s22+$0x4B10]  }
0x197: {  	v23 =	vadd.f32 v23, v40;
	v40 =	vld [tilespmem:s22+$0x4890]  }
0x198: {  	v41 =	vadd.f32 v52, v41;
	v52 =	vld [tilespmem:s22+$0x1900]  }
0x199: {  	v24 =	vadd.f32 v62, v24;
	v45 =	vadd.f32 v0, v45;
	v0 =	vld [tilespmem:$0x1FF70]  }
0x19a: {  	v62 =	vld [tilespmem:s22+$0x1B90];
	v23 =	vadd.f32 v29, v23;
	v39 =	vadd.f32 v39, v41  }
0x19b: {  	v41 =	vld [tilespmem:s22+$0x1920];
	v17 =	vadd.f32 v17, v24;
	v45 =	vadd.f32 v55, v45  }
0x19c: {  	v55 =	vld [tilespmem:s22+$0x17E0];
	v23 =	vadd.f32 v50, v23;
	v22 =	vadd.f32 v22, v39  }
0x19d: {  	v50 =	vld [tilespmem:s22+$0x4DA0];
	v10 =	vadd.f32 v10, v17;
	v45 =	vadd.f32 v47, v45  }
0x19e: {  	v39 =	vld [tilespmem:s22+$0x4B20];
	v20 =	vadd.f32 v20, v23;
	v57 =	vadd.f32 v0, v57  }
0x19f: {  	v47 =	vld [tilespmem:s22+$0x4760];
	v22 =	vadd.f32 v33, v22;
	v4 =	vadd.f32 v4, v10  }
0x1a0: {  	v0 =	vld [tilespmem:$0x1FF80];
	v27 =	vadd.f32 v27, v45;
	v15 =	vadd.f32 v15, v20  }
0x1a1: {  	v10 =	vld [tilespmem:s22+$0x4C60];
	v57 =	vadd.f32 v58, v57;
	v22 =	vadd.f32 v49, v22  }
0x1a2: {  	v45 =	vld [tilespmem:s22+$0x1CE0];
	v4 =	vadd.f32 v55, v4;
	v27 =	vadd.f32 v30, v27  }
0x1a3: {  	v58 =	vld [tilespmem:s22+$0x49C0];
	v9 =	vadd.f32 v9, v15;
	v44 =	vadd.f32 v44, v57  }
0x1a4: {  	v49 =	vld [tilespmem:s22+$0x4D90];
	v18 =	vadd.f32 v18, v22;
	v4 =	vadd.f32 v41, v4  }
0x1a5: {  	v57 =	vld [tilespmem:s22+$0x1A60];
	v56 =	vadd.f32 v0, v56;
	v27 =	vadd.f32 v34, v27  }
0x1a6: {  	v55 =	vld [tilespmem:s22+$0x4ED0];
	v3 =	vadd.f32 v3, v9;
	v26 =	vadd.f32 v26, v44  }
0x1a7: {  	v30 =	vld [tilespmem:s22+$0x48A0];
	v14 =	vadd.f32 v14, v18;
	v53 =	vadd.f32 v53, v56  }
0x1a8: {  	v0 =	vld [tilespmem:s22+$0x17C0];
	v27 =	vadd.f32 v51, v27;
	v26 =	vadd.f32 v31, v26  }
0x1a9: {  	v56 =	vld [tilespmem:s22+$0x4740];
	v8 =	vadd.f32 v8, v14;
	v43 =	vadd.f32 v43, v53  }
0x1aa: {  	v9 =	vld [tilespmem:s22+$0x4C40];
	v16 =	vadd.f32 v16, v27;
	v4 =	vadd.f32 v57, v4  }
0x1ab: {  	v44 =	vld [tilespmem:s22+$0x1CD0];
	v26 =	vadd.f32 v36, v26;
	v25 =	vadd.f32 v25, v43  }
0x1ac: {  	v51 =	vld [tilespmem:s22+$0x1F40];
	v2 =	vadd.f32 v2, v8;
	v13 =	vadd.f32 v13, v16  }
0x1ad: {  	s31 =	sor.u32 $0x1E20, s22;
	v53 =	vld [tilespmem:s22+$0x1A40];
	v4 =	vadd.f32 v35, v4;
	v25 =	vadd.f32 v28, v25  }
0x1ae: {  	v8 =	vld [tilespmem:s31+$0x0];
	v26 =	vadd.f32 v60, v26;
	v3 =	vadd.f32 v56, v3  }
0x1af: {  	v43 =	vld [tilespmem:s22+$0x4880];
	v2 =	vadd.f32 v48, v2;
	v25 =	vadd.f32 v37, v25  }
0x1b0: {  	v57 =	vld [tilespmem:s22+$0x2080];
	v7 =	vadd.f32 v7, v13;
	v4 =	vadd.f32 v45, v4  }
0x1b1: {  	v60 =	vld [tilespmem:s22+$0x49E0];
	v21 =	vadd.f32 v21, v26;
	v25 =	vadd.f32 v61, v25  }
0x1b2: {  	v48 =	vld [tilespmem:s22+$0x4D80];
	v2 =	vadd.f32 v40, v2;
	v1 =	vadd.f32 v1, v7  }
0x1b3: {  	v56 =	vld [tilespmem:s22+$0x4EE0];
	v4 =	vadd.f32 v8, v4;
	v19 =	vadd.f32 v19, v25  }
0x1b4: {  	s30 =	sor.u32 $0x1E10, s22;
	v37 =	vld [tilespmem:s22+$0x4B00];
	v12 =	vadd.f32 v12, v21;
	v3 =	vadd.f32 v43, v3  }
0x1b5: {  	v7 =	vld [tilespmem:s30+$0x0];
	v1 =	vadd.f32 v47, v1;
	v11 =	vadd.f32 v11, v19  }
0x1b6: {  	v8 =	vld [tilespmem:s22+$0x2300];
	v2 =	vadd.f32 v59, v2;
	v6 =	vadd.f32 v6, v12  }
0x1b7: {  	v59 =	vld [tilespmem:$0x1FFC0];
	v1 =	vadd.f32 v30, v1;
	v5 =	vadd.f32 v5, v11  }
0x1b8: {  	v61 =	vld [tilespmem:s22+$0x1B80];
	v3 =	vadd.f32 v58, v3;
	v0 =	vadd.f32 v0, v6  }
0x1b9: {  	v58 =	vld [tilespmem:s22+$0x2310];
	v1 =	vadd.f32 v60, v1;
	v5 =	vadd.f32 v63, v5  }
0x1ba: {  	s29 =	sor.u32 $0x1E00, s22;
	v6 =	vld [tilespmem:s22+$0x4C50];
	v0 =	vadd.f32 v52, v0  }
0x1bb: {  	v11 =	vld [tilespmem:s29+$0x0];
	v1 =	vadd.f32 v39, v1;
	v5 =	vadd.f32 v46, v5  }
0x1bc: {  	v3 =	vadd.f32 v37, v3;
	v0 =	vadd.f32 v53, v0;
	v53 =	vld [tilespmem:s22+$0x1F60]  }
0x1bd: {  	v1 =	vadd.f32 v10, v1;
	v10 =	vld [tilespmem:$0x1FFB0];
	v5 =	vadd.f32 v54, v5  }
0x1be: {  	v2 =	vadd.f32 v38, v2;
	v0 =	vadd.f32 v61, v0;
	v54 =	vld [tilespmem:s22+$0x4EC0]  }
0x1bf: {  	v52 =	vld [tilespmem:s22+$0x1F50];
	v3 =	vadd.f32 v9, v3;
	v5 =	vadd.f32 v62, v5  }
0x1c0: {  	v2 =	vadd.f32 v6, v2;
	v6 =	vld [tilespmem:s22+$0x20A0];
	v0 =	vadd.f32 v42, v0  }
0x1c1: {  	v60 =	vld [tilespmem:$0x1FFD0];
	v3 =	vadd.f32 v48, v3;
	v5 =	vadd.f32 v44, v5  }
0x1c2: {  	v9 =	vld [tilespmem:s22+$0x2090];
	v4 =	vadd.f32 v53, v4;
	v0 =	vadd.f32 v11, v0  }
0x1c3: {  	v10 =	vmax.f32 v10, $1.000000000e+00;
	v11 =	vld [tilespmem:s22+$0x21C0];
	v3 =	vadd.f32 v54, v3;
	v5 =	vadd.f32 v7, v5  }
0x1c4: {  	v2 =	vadd.f32 v49, v2;
	v1 =	vadd.f32 v50, v1;
	(erf) = vrcp.f32 v10;
	v10 =	vld [tilespmem:s22+$0x21E0]  }
0x1c5: {  	v4 =	vadd.f32 v6, v4;
	v6 =	vld [tilespmem:s22+$0x2460];
	v3 =	vmax.f32 v3, $1.000000000e+00;
	v5 =	vadd.f32 v52, v5  }
0x1c6: {  	v2 =	vadd.f32 v55, v2;
	(erf) = vrcp.f32 v3;
	v3 =	vld [tilespmem:s22+$0x2320]  }
0x1c7: {  	v1 =	vadd.f32 v56, v1;
	v5 =	vadd.f32 v9, v5;
	v9 =	vld [tilespmem:$0x1FFE0]  }
0x1c8: {  	v2 =	vmax.f32 v2, $1.000000000e+00;
	v0 =	vadd.f32 v51, v0;
	v7 =	vld [tilespmem:s22+$0x21D0]  }
0x1c9: {  	v1 =	vmax.f32 v1, $1.000000000e+00;
	v62 =	vld [tilespmem:s22+$0x2590];
	v4 =	vadd.f32 v10, v4;
	(erf) = vrcp.f32 v2  }
0x1ca: {  	v13 =	vadd.f32 v59, v60;
	v0 =	vadd.f32 v57, v0;
	v2 =	vld [tilespmem:s22+$0x2440];
	(erf) = vrcp.f32 v1  }
0x1cb: {  	v3 =	vadd.f32 v3, v4;
	v4 =	vld [tilespmem:$0x1FFF0]  }
0x1cc: {  	v0 =	vadd.f32 v11, v0;
	v1 =	vld [tilespmem:s22+$0x2450];
	v9 =	vadd.f32 v9, v13  }
0x1cd: {  	v11 =	vld [tilespmem:s22+$0x2580];
	v61 =	vpop (erf);
	v5 =	vadd.f32 v7, v5  }
0x1ce: {  	v0 =	vadd.f32 v8, v0;
	v8 =	vld [tilespmem:s22+$0x25A0];
	v9 =	vmul.f32 v61, v9  }
0x1cf: {  	v7 =	vld [tilespmem:s22+$0x26C0];
	v10 =	vadd.f32 v58, v5  }
0x1d0: {  	v5 =	vld [tilespmem:s22+$0x26D0];
	v4 =	vadd.f32 v9, v4;
	v9 =	vadd.f32 v2, v0  }
0x1d1: {  	v63 =	vadd.f32 v6, v3;
	v6 =	vld [tilespmem:s22+$0x26E0];
	v12 =	vadd.f32 v1, v10;
	v2 =	vpop (erf)  }
0x1d2: {  	v3 =	vld [tilespmem:s22+$0xA000];
	v0 =	vpop (erf);
	v10 =	vadd.f32 v11, v9  }
0x1d3: {  	s23 =	simm.s32 $0x4;
	v8 =	vadd.f32 v8, v63;
	[tilespmem:s22+$0xA2B0] =	vst v4;
	v1 =	vpop (erf);
	v9 =	vadd.f32 v62, v12;
	v4 =	vld [tilespmem:s22+$0xA010]  }
.LBB2_2:
0x1d4: {  	s16 =	sshll.u32 s23, $0x4;
	p0 =	slt.u32 s23, $0x10;
	v7 =	vadd.f32 v7, v10;
	v10 =	vld [tilespmem:s22+$0xA020]  }
0x1d5: {  	s1 =	sor.u32 $0xA00, s16;
	s15 =	sor.u32 $0x10, s16;
	s14 =	sor.u32 $0x20, s16;
	v11 =	vld [tilespmem:s16+$0x2830];
	v5 =	vadd.f32 v5, v9  }
0x1d6: {  	s29 =	sor.u32 $0x1400, s16;
	s0 =	sor.u32 $0xA10, s16;
	s31 =	sor.u32 $0xA20, s16;
	v9 =	vld [tilespmem:s16+$0x2800];
	v2 =	vmul.f32 v2, v7;
	v6 =	vadd.f32 v6, v8  }
0x1d7: {  	s25 =	sor.u32 $0x1E00, s16;
	s30 =	sor.u32 $0x1410, s16;
	s28 =	sor.u32 $0x1420, s16;
	v7 =	vld [tilespmem:s16+$0x2970];
	v0 =	vmul.f32 v0, v5  }
0x1d8: {  	s26 =	sor.u32 $0x1E10, s16;
	s24 =	sor.u32 $0x1E20, s16;
	v5 =	vld [tilespmem:s16+$0x2810];
	v2 =	vadd.f32 v2, v3;
	v1 =	vmul.f32 v1, v6  }
0x1d9: {  	v3 =	vld [tilespmem:s16+$0x2AB0];
	v0 =	vadd.f32 v0, v4  }
0x1da: {  	v4 =	vld [tilespmem:s16+$0x2820];
	v6 =	vadd.f32 $0.0e+00, v11;
	[tilespmem:s22+$0xA280] =	vst v2;
	v1 =	vadd.f32 v1, v10  }
0x1db: {  	v8 =	vadd.f32 $0.0e+00, v9;
	v9 =	vld [tilespmem:s16+$0x2BF0];
	[tilespmem:s22+$0xA290] =	vst v0  }
0x1dc: {  	v0 =	vld [tilespmem:s16+$0x2940];
	v2 =	vadd.f32 v7, v6;
	[tilespmem:s22+$0xA2A0] =	vst v1;
	s22 =	smov.u32 s16  }
0x1dd: {  	v1 =	vadd.f32 $0.0e+00, v5;
	v5 =	vld [tilespmem:s22+$0x2D30]  }
0x1de: {  	v6 =	vld [tilespmem:s22+$0x2950];
	v3 =	vadd.f32 v3, v2  }
0x1df: {  	s16 =	sor.u32 $0x30, s22;
	v2 =	vadd.f32 $0.0e+00, v4;
	v4 =	vld [tilespmem:s22+$0x2E70]  }
0x1e0: {  	v7 =	vld [tilespmem:s16+$0x0];
	v3 =	vadd.f32 v9, v3  }
0x1e1: {  	v0 =	vadd.f32 v0, v8;
	v8 =	vld [tilespmem:s22+$0x2FB0]  }
0x1e2: {  	v9 =	vld [tilespmem:s22+$0x170];
	v3 =	vadd.f32 v5, v3  }
0x1e3: {  	v1 =	vadd.f32 v6, v1;
	v5 =	vld [tilespmem:s22+$0x30F0]  }
0x1e4: {  	v6 =	vld [tilespmem:s22+$0x2B0];
	v3 =	vadd.f32 v4, v3  }
0x1e5: {  	v4 =	vadd.f32 $0.0e+00, v7;
	v7 =	vld [tilespmem:s22+$0x3230]  }
0x1e6: {  	v10 =	vld [tilespmem:s22+$0x3F0];
	v3 =	vadd.f32 v8, v3  }
0x1e7: {  	v4 =	vadd.f32 v9, v4;
	v8 =	vld [tilespmem:s22+$0x3370]  }
0x1e8: {  	v9 =	vld [tilespmem:s22+$0x530];
	v3 =	vadd.f32 v5, v3  }
0x1e9: {  	v4 =	vadd.f32 v6, v4;
	v5 =	vld [tilespmem:s22+$0x34B0]  }
0x1ea: {  	v6 =	vld [tilespmem:s22+$0x670];
	v3 =	vadd.f32 v7, v3  }
0x1eb: {  	v4 =	vadd.f32 v10, v4;
	v7 =	vld [tilespmem:s22+$0x35F0]  }
0x1ec: {  	v10 =	vld [tilespmem:s22+$0x7B0];
	v3 =	vadd.f32 v8, v3  }
0x1ed: {  	v4 =	vadd.f32 v9, v4;
	v8 =	vld [tilespmem:s22+$0x3730]  }
0x1ee: {  	v9 =	vld [tilespmem:s22+$0x8F0];
	v3 =	vadd.f32 v5, v3  }
0x1ef: {  	s16 =	sor.u32 $0xA30, s22;
	v4 =	vadd.f32 v6, v4;
	v5 =	vld [tilespmem:s22+$0x3870]  }
0x1f0: {  	v6 =	vld [tilespmem:s16+$0x0];
	v3 =	vadd.f32 v7, v3  }
0x1f1: {  	v4 =	vadd.f32 v10, v4;
	v7 =	vld [tilespmem:s22+$0x39B0]  }
0x1f2: {  	v10 =	vld [tilespmem:s22+$0xB70];
	v3 =	vadd.f32 v8, v3  }
0x1f3: {  	v4 =	vadd.f32 v9, v4;
	v8 =	vld [tilespmem:s22+$0x3AF0]  }
0x1f4: {  	v9 =	vld [tilespmem:s22+$0xCB0];
	v3 =	vadd.f32 v5, v3  }
0x1f5: {  	v4 =	vadd.f32 v6, v4;
	v5 =	vld [tilespmem:s22+$0x3C30]  }
0x1f6: {  	v6 =	vld [tilespmem:s22+$0xDF0];
	v3 =	vadd.f32 v7, v3  }
0x1f7: {  	v4 =	vadd.f32 v10, v4;
	v7 =	vld [tilespmem:s22+$0x3D70]  }
0x1f8: {  	v10 =	vld [tilespmem:s22+$0xF30];
	v3 =	vadd.f32 v8, v3  }
0x1f9: {  	v4 =	vadd.f32 v9, v4;
	v8 =	vld [tilespmem:s22+$0x3EB0]  }
0x1fa: {  	v9 =	vld [tilespmem:s22+$0x1070];
	v3 =	vadd.f32 v5, v3  }
0x1fb: {  	v4 =	vadd.f32 v6, v4;
	v5 =	vld [tilespmem:s22+$0x3FF0]  }
0x1fc: {  	v6 =	vld [tilespmem:s22+$0x11B0];
	v3 =	vadd.f32 v7, v3  }
0x1fd: {  	v4 =	vadd.f32 v10, v4;
	v7 =	vld [tilespmem:s22+$0x4130]  }
0x1fe: {  	v10 =	vld [tilespmem:s22+$0x12F0];
	v3 =	vadd.f32 v8, v3  }
0x1ff: {  	s16 =	sor.u32 $0x1430, s22;
	v4 =	vadd.f32 v9, v4;
	v8 =	vld [tilespmem:s22+$0x4270]  }
0x200: {  	v9 =	vld [tilespmem:s16+$0x0];
	v3 =	vadd.f32 v5, v3  }
0x201: {  	v4 =	vadd.f32 v6, v4;
	v5 =	vld [tilespmem:s22+$0x43B0]  }
0x202: {  	v6 =	vld [tilespmem:s22+$0x1570];
	v3 =	vadd.f32 v7, v3  }
0x203: {  	v4 =	vadd.f32 v10, v4;
	v7 =	vld [tilespmem:s22+$0x44F0]  }
0x204: {  	v10 =	vld [tilespmem:s22+$0x16B0];
	v3 =	vadd.f32 v8, v3  }
0x205: {  	v4 =	vadd.f32 v9, v4;
	v8 =	vld [tilespmem:s22+$0x4630]  }
0x206: {  	v9 =	vld [tilespmem:s22+$0x17F0];
	v3 =	vadd.f32 v5, v3  }
0x207: {  	v4 =	vadd.f32 v6, v4;
	v5 =	vld [tilespmem:s22+$0x4770]  }
0x208: {  	v6 =	vld [tilespmem:s22+$0x1930];
	v3 =	vadd.f32 v7, v3  }
0x209: {  	v4 =	vadd.f32 v10, v4;
	v7 =	vld [tilespmem:s22+$0x48B0]  }
0x20a: {  	v10 =	vld [tilespmem:s22+$0x1A70];
	v3 =	vadd.f32 v8, v3  }
0x20b: {  	v4 =	vadd.f32 v9, v4;
	v8 =	vld [tilespmem:s22+$0x49F0]  }
0x20c: {  	v9 =	vld [tilespmem:s22+$0x1BB0];
	v3 =	vadd.f32 v5, v3  }
0x20d: {  	v4 =	vadd.f32 v6, v4;
	v5 =	vld [tilespmem:s22+$0x4B30]  }
0x20e: {  	v6 =	vld [tilespmem:s22+$0x1CF0];
	v3 =	vadd.f32 v7, v3  }
0x20f: {  	s16 =	sor.u32 $0x1E30, s22;
	v4 =	vadd.f32 v10, v4;
	v7 =	vld [tilespmem:s22+$0x4C70]  }
0x210: {  	v10 =	vld [tilespmem:s16+$0x0];
	v3 =	vadd.f32 v8, v3  }
0x211: {  	v4 =	vadd.f32 v9, v4;
	v8 =	vld [tilespmem:s22+$0x4DB0]  }
0x212: {  	v9 =	vld [tilespmem:s22+$0x1F70];
	v3 =	vadd.f32 v5, v3  }
0x213: {  	v4 =	vadd.f32 v6, v4;
	v5 =	vld [tilespmem:s22+$0x4EF0]  }
0x214: {  	v6 =	vld [tilespmem:s22+$0x20B0];
	v3 =	vadd.f32 v7, v3  }
0x215: {  	v7 =	vld [tilespmem:s22+$0x2960];
	v4 =	vadd.f32 v10, v4  }
0x216: {  	v10 =	vld [tilespmem:s22+$0x21F0];
	v3 =	vadd.f32 v8, v3  }
0x217: {  	v8 =	vld [tilespmem:s22+$0x2A80];
	v4 =	vadd.f32 v9, v4  }
0x218: {  	v9 =	vld [tilespmem:s22+$0x2330];
	v3 =	vadd.f32 v5, v3  }
0x219: {  	v5 =	vld [tilespmem:s22+$0x2A90];
	v4 =	vadd.f32 v6, v4  }
0x21a: {  	v2 =	vadd.f32 v7, v2;
	v6 =	vld [tilespmem:s22+$0x2470];
	v3 =	vmax.f32 v3, $1.000000000e+00  }
0x21b: {  	v7 =	vld [tilespmem:s22+$0x2AA0];
	v4 =	vadd.f32 v10, v4;
	(erf) = vrcp.f32 v3  }
0x21c: {  	v0 =	vadd.f32 v8, v0;
	v3 =	vld [tilespmem:s22+$0x25B0]  }
0x21d: {  	v8 =	vld [tilespmem:s22+$0x2BC0];
	v4 =	vadd.f32 v9, v4  }
0x21e: {  	v1 =	vadd.f32 v5, v1;
	v5 =	vld [tilespmem:s22+$0x26F0]  }
0x21f: {  	v9 =	vld [tilespmem:s22+$0x2BD0];
	v4 =	vadd.f32 v6, v4  }
0x220: {  	v2 =	vadd.f32 v7, v2;
	v6 =	vld [tilespmem:s22+$0x2BE0]  }
0x221: {  	v7 =	vld [tilespmem:s22+$0x2D00];
	v3 =	vadd.f32 v3, v4  }
0x222: {  	v0 =	vadd.f32 v8, v0;
	v4 =	vld [tilespmem:s22+$0xA030]  }
0x223: {  	v8 =	vld [tilespmem:s22+$0x2D10];
	v3 =	vadd.f32 v5, v3  }
0x224: {  	v1 =	vadd.f32 v9, v1;
	v5 =	vld [tilespmem:s22+$0x2D20];
	v9 =	vpop (erf)  }
0x225: {  	v10 =	vld [tilespmem:s22+$0x2E40];
	v2 =	vadd.f32 v6, v2;
	v3 =	vmul.f32 v9, v3  }
0x226: {  	v0 =	vadd.f32 v7, v0;
	v6 =	vld [tilespmem:s15+$0x0]  }
0x227: {  	v7 =	vld [tilespmem:s22+$0x2E50];
	v3 =	vadd.f32 v3, v4  }
0x228: {  	v1 =	vadd.f32 v8, v1;
	v4 =	vld [tilespmem:s14+$0x0]  }
0x229: {  	v2 =	vadd.f32 v5, v2;
	v5 =	vld [tilespmem:s22+$0x2E60];
	[tilespmem:s22+$0xA2B0] =	vst v3  }
0x22a: {  	v3 =	vld [tilespmem:s22+$0x0];
	v0 =	vadd.f32 v10, v0  }
0x22b: {  	v8 =	vld [tilespmem:s22+$0x2F80];
	v6 =	vadd.f32 $0.0e+00, v6  }
0x22c: {  	v1 =	vadd.f32 v7, v1;
	v7 =	vld [tilespmem:s22+$0x2F90]  }
0x22d: {  	v4 =	vadd.f32 $0.0e+00, v4;
	v9 =	vld [tilespmem:s22+$0x2FA0]  }
0x22e: {  	v10 =	vld [tilespmem:s22+$0x140];
	v2 =	vadd.f32 v5, v2  }
0x22f: {  	v3 =	vadd.f32 $0.0e+00, v3;
	v5 =	vld [tilespmem:s22+$0x150]  }
0x230: {  	v0 =	vadd.f32 v8, v0;
	v8 =	vld [tilespmem:s22+$0x160]  }
0x231: {  	v11 =	vld [tilespmem:s22+$0x30C0];
	v1 =	vadd.f32 v7, v1  }
0x232: {  	v7 =	vld [tilespmem:s22+$0x30D0];
	v2 =	vadd.f32 v9, v2  }
0x233: {  	v3 =	vadd.f32 v10, v3;
	v9 =	vld [tilespmem:s22+$0x30E0]  }
0x234: {  	v10 =	vld [tilespmem:s22+$0x280];
	v5 =	vadd.f32 v5, v6  }
0x235: {  	v6 =	vld [tilespmem:s22+$0x290];
	v4 =	vadd.f32 v8, v4  }
0x236: {  	v0 =	vadd.f32 v11, v0;
	v8 =	vld [tilespmem:s22+$0x2A0]  }
0x237: {  	v11 =	vld [tilespmem:s22+$0x3200];
	v1 =	vadd.f32 v7, v1  }
0x238: {  	v7 =	vld [tilespmem:s22+$0x3210];
	v2 =	vadd.f32 v9, v2  }
0x239: {  	v3 =	vadd.f32 v10, v3;
	v9 =	vld [tilespmem:s22+$0x3220]  }
0x23a: {  	v10 =	vld [tilespmem:s22+$0x3C0];
	v5 =	vadd.f32 v6, v5  }
0x23b: {  	v6 =	vld [tilespmem:s22+$0x3D0];
	v4 =	vadd.f32 v8, v4  }
0x23c: {  	v0 =	vadd.f32 v11, v0;
	v8 =	vld [tilespmem:s22+$0x3E0]  }
0x23d: {  	v11 =	vld [tilespmem:s22+$0x3340];
	v1 =	vadd.f32 v7, v1  }
0x23e: {  	v7 =	vld [tilespmem:s22+$0x3350];
	v2 =	vadd.f32 v9, v2  }
0x23f: {  	v3 =	vadd.f32 v10, v3;
	v9 =	vld [tilespmem:s22+$0x3360]  }
0x240: {  	v10 =	vld [tilespmem:s22+$0x500];
	v5 =	vadd.f32 v6, v5  }
0x241: {  	v6 =	vld [tilespmem:s22+$0x510];
	v4 =	vadd.f32 v8, v4  }
0x242: {  	v0 =	vadd.f32 v11, v0;
	v8 =	vld [tilespmem:s22+$0x520]  }
0x243: {  	v11 =	vld [tilespmem:s22+$0x3480];
	v1 =	vadd.f32 v7, v1  }
0x244: {  	v7 =	vld [tilespmem:s22+$0x3490];
	v2 =	vadd.f32 v9, v2  }
0x245: {  	v3 =	vadd.f32 v10, v3;
	v9 =	vld [tilespmem:s22+$0x34A0]  }
0x246: {  	v10 =	vld [tilespmem:s22+$0x640];
	v5 =	vadd.f32 v6, v5  }
0x247: {  	v6 =	vld [tilespmem:s22+$0x650];
	v4 =	vadd.f32 v8, v4  }
0x248: {  	v0 =	vadd.f32 v11, v0;
	v8 =	vld [tilespmem:s22+$0x660]  }
0x249: {  	v11 =	vld [tilespmem:s22+$0x35C0];
	v1 =	vadd.f32 v7, v1  }
0x24a: {  	v7 =	vld [tilespmem:s22+$0x35D0];
	v2 =	vadd.f32 v9, v2  }
0x24b: {  	v3 =	vadd.f32 v10, v3;
	v9 =	vld [tilespmem:s22+$0x35E0]  }
0x24c: {  	v10 =	vld [tilespmem:s22+$0x780];
	v5 =	vadd.f32 v6, v5  }
0x24d: {  	v6 =	vld [tilespmem:s22+$0x790];
	v4 =	vadd.f32 v8, v4  }
0x24e: {  	v0 =	vadd.f32 v11, v0;
	v8 =	vld [tilespmem:s22+$0x7A0]  }
0x24f: {  	v11 =	vld [tilespmem:s22+$0x3700];
	v1 =	vadd.f32 v7, v1  }
0x250: {  	v7 =	vld [tilespmem:s22+$0x3710];
	v2 =	vadd.f32 v9, v2  }
0x251: {  	v3 =	vadd.f32 v10, v3;
	v9 =	vld [tilespmem:s22+$0x3720]  }
0x252: {  	v10 =	vld [tilespmem:s22+$0x8C0];
	v5 =	vadd.f32 v6, v5  }
0x253: {  	v6 =	vld [tilespmem:s22+$0x8D0];
	v4 =	vadd.f32 v8, v4  }
0x254: {  	v0 =	vadd.f32 v11, v0;
	v8 =	vld [tilespmem:s22+$0x8E0]  }
0x255: {  	v11 =	vld [tilespmem:s1+$0x0];
	v1 =	vadd.f32 v7, v1  }
0x256: {  	v7 =	vld [tilespmem:s22+$0x3840];
	v2 =	vadd.f32 v9, v2  }
0x257: {  	v3 =	vadd.f32 v10, v3;
	v9 =	vld [tilespmem:s0+$0x0]  }
0x258: {  	v5 =	vadd.f32 v6, v5;
	v6 =	vld [tilespmem:s22+$0x3850]  }
0x259: {  	v4 =	vadd.f32 v8, v4;
	v8 =	vld [tilespmem:s31+$0x0]  }
0x25a: {  	v3 =	vadd.f32 v11, v3;
	v10 =	vld [tilespmem:s22+$0x3860]  }
0x25b: {  	v0 =	vadd.f32 v7, v0;
	v7 =	vld [tilespmem:s22+$0x3980]  }
0x25c: {  	v5 =	vadd.f32 v9, v5;
	v9 =	vld [tilespmem:s22+$0x3990]  }
0x25d: {  	v1 =	vadd.f32 v6, v1;
	v6 =	vld [tilespmem:s22+$0x39A0]  }
0x25e: {  	v11 =	vld [tilespmem:s22+$0xB40];
	v4 =	vadd.f32 v8, v4  }
0x25f: {  	v8 =	vld [tilespmem:s22+$0xB50];
	v2 =	vadd.f32 v10, v2  }
0x260: {  	v0 =	vadd.f32 v7, v0;
	v7 =	vld [tilespmem:s22+$0xB60]  }
0x261: {  	v10 =	vld [tilespmem:s22+$0x3AC0];
	v1 =	vadd.f32 v9, v1  }
0x262: {  	v9 =	vld [tilespmem:s22+$0x3AD0];
	v2 =	vadd.f32 v6, v2  }
0x263: {  	v3 =	vadd.f32 v11, v3;
	v6 =	vld [tilespmem:s22+$0x3AE0]  }
0x264: {  	v11 =	vld [tilespmem:s22+$0xC80];
	v5 =	vadd.f32 v8, v5  }
0x265: {  	v8 =	vld [tilespmem:s22+$0xC90];
	v4 =	vadd.f32 v7, v4  }
0x266: {  	v0 =	vadd.f32 v10, v0;
	v7 =	vld [tilespmem:s22+$0xCA0]  }
0x267: {  	v10 =	vld [tilespmem:s22+$0x3C00];
	v1 =	vadd.f32 v9, v1  }
0x268: {  	v9 =	vld [tilespmem:s22+$0x3C10];
	v2 =	vadd.f32 v6, v2  }
0x269: {  	v3 =	vadd.f32 v11, v3;
	v6 =	vld [tilespmem:s22+$0x3C20]  }
0x26a: {  	v11 =	vld [tilespmem:s22+$0xDC0];
	v5 =	vadd.f32 v8, v5  }
0x26b: {  	v8 =	vld [tilespmem:s22+$0xDD0];
	v4 =	vadd.f32 v7, v4  }
0x26c: {  	v0 =	vadd.f32 v10, v0;
	v7 =	vld [tilespmem:s22+$0xDE0]  }
0x26d: {  	v10 =	vld [tilespmem:s22+$0x3D40];
	v1 =	vadd.f32 v9, v1  }
0x26e: {  	v9 =	vld [tilespmem:s22+$0x3D50];
	v2 =	vadd.f32 v6, v2  }
0x26f: {  	v3 =	vadd.f32 v11, v3;
	v6 =	vld [tilespmem:s22+$0x3D60]  }
0x270: {  	v11 =	vld [tilespmem:s22+$0xF00];
	v5 =	vadd.f32 v8, v5  }
0x271: {  	v8 =	vld [tilespmem:s22+$0xF10];
	v4 =	vadd.f32 v7, v4  }
0x272: {  	v0 =	vadd.f32 v10, v0;
	v7 =	vld [tilespmem:s22+$0xF20]  }
0x273: {  	v10 =	vld [tilespmem:s22+$0x3E80];
	v1 =	vadd.f32 v9, v1  }
0x274: {  	v9 =	vld [tilespmem:s22+$0x3E90];
	v2 =	vadd.f32 v6, v2  }
0x275: {  	v3 =	vadd.f32 v11, v3;
	v6 =	vld [tilespmem:s22+$0x3EA0]  }
0x276: {  	v11 =	vld [tilespmem:s22+$0x1040];
	v5 =	vadd.f32 v8, v5  }
0x277: {  	v8 =	vld [tilespmem:s22+$0x1050];
	v4 =	vadd.f32 v7, v4  }
0x278: {  	v0 =	vadd.f32 v10, v0;
	v7 =	vld [tilespmem:s22+$0x1060]  }
0x279: {  	v10 =	vld [tilespmem:s22+$0x3FC0];
	v1 =	vadd.f32 v9, v1  }
0x27a: {  	v9 =	vld [tilespmem:s22+$0x3FD0];
	v2 =	vadd.f32 v6, v2  }
0x27b: {  	v3 =	vadd.f32 v11, v3;
	v6 =	vld [tilespmem:s22+$0x3FE0]  }
0x27c: {  	v11 =	vld [tilespmem:s22+$0x1180];
	v5 =	vadd.f32 v8, v5  }
0x27d: {  	v8 =	vld [tilespmem:s22+$0x1190];
	v4 =	vadd.f32 v7, v4  }
0x27e: {  	v0 =	vadd.f32 v10, v0;
	v7 =	vld [tilespmem:s22+$0x11A0]  }
0x27f: {  	v10 =	vld [tilespmem:s22+$0x4100];
	v1 =	vadd.f32 v9, v1  }
0x280: {  	v9 =	vld [tilespmem:s22+$0x4110];
	v2 =	vadd.f32 v6, v2  }
0x281: {  	v3 =	vadd.f32 v11, v3;
	v6 =	vld [tilespmem:s22+$0x4120]  }
0x282: {  	v11 =	vld [tilespmem:s22+$0x12C0];
	v5 =	vadd.f32 v8, v5  }
0x283: {  	v8 =	vld [tilespmem:s22+$0x12D0];
	v4 =	vadd.f32 v7, v4  }
0x284: {  	v0 =	vadd.f32 v10, v0;
	v7 =	vld [tilespmem:s22+$0x12E0]  }
0x285: {  	v10 =	vld [tilespmem:s29+$0x0];
	v1 =	vadd.f32 v9, v1  }
0x286: {  	v9 =	vld [tilespmem:s22+$0x4240];
	v2 =	vadd.f32 v6, v2  }
0x287: {  	v3 =	vadd.f32 v11, v3;
	v6 =	vld [tilespmem:s30+$0x0]  }
0x288: {  	v5 =	vadd.f32 v8, v5;
	v8 =	vld [tilespmem:s22+$0x4250]  }
0x289: {  	v4 =	vadd.f32 v7, v4;
	v7 =	vld [tilespmem:s28+$0x0]  }
0x28a: {  	v3 =	vadd.f32 v10, v3;
	v10 =	vld [tilespmem:s22+$0x4260]  }
0x28b: {  	v0 =	vadd.f32 v9, v0;
	v9 =	vld [tilespmem:s22+$0x4380]  }
0x28c: {  	v5 =	vadd.f32 v6, v5;
	v6 =	vld [tilespmem:s22+$0x4390]  }
0x28d: {  	v1 =	vadd.f32 v8, v1;
	v8 =	vld [tilespmem:s22+$0x43A0]  }
0x28e: {  	v11 =	vld [tilespmem:s22+$0x1540];
	v4 =	vadd.f32 v7, v4  }
0x28f: {  	v7 =	vld [tilespmem:s22+$0x1550];
	v2 =	vadd.f32 v10, v2  }
0x290: {  	v0 =	vadd.f32 v9, v0;
	v9 =	vld [tilespmem:s22+$0x1560]  }
0x291: {  	v10 =	vld [tilespmem:s22+$0x44C0];
	v1 =	vadd.f32 v6, v1  }
0x292: {  	v6 =	vld [tilespmem:s22+$0x44D0];
	v2 =	vadd.f32 v8, v2  }
0x293: {  	v3 =	vadd.f32 v11, v3;
	v8 =	vld [tilespmem:s22+$0x44E0]  }
0x294: {  	v11 =	vld [tilespmem:s22+$0x1680];
	v5 =	vadd.f32 v7, v5  }
0x295: {  	v7 =	vld [tilespmem:s22+$0x1690];
	v4 =	vadd.f32 v9, v4  }
0x296: {  	v0 =	vadd.f32 v10, v0;
	v9 =	vld [tilespmem:s22+$0x16A0]  }
0x297: {  	v10 =	vld [tilespmem:s22+$0x4600];
	v1 =	vadd.f32 v6, v1  }
0x298: {  	v6 =	vld [tilespmem:s22+$0x4610];
	v2 =	vadd.f32 v8, v2  }
0x299: {  	v3 =	vadd.f32 v11, v3;
	v8 =	vld [tilespmem:s22+$0x4620]  }
0x29a: {  	v11 =	vld [tilespmem:s22+$0x17C0];
	v5 =	vadd.f32 v7, v5  }
0x29b: {  	v7 =	vld [tilespmem:s22+$0x17D0];
	v4 =	vadd.f32 v9, v4  }
0x29c: {  	v0 =	vadd.f32 v10, v0;
	v9 =	vld [tilespmem:s22+$0x17E0]  }
0x29d: {  	v10 =	vld [tilespmem:s22+$0x4740];
	v1 =	vadd.f32 v6, v1  }
0x29e: {  	v6 =	vld [tilespmem:s22+$0x4750];
	v2 =	vadd.f32 v8, v2  }
0x29f: {  	v3 =	vadd.f32 v11, v3;
	v8 =	vld [tilespmem:s22+$0x4760]  }
0x2a0: {  	v11 =	vld [tilespmem:s22+$0x1900];
	v5 =	vadd.f32 v7, v5  }
0x2a1: {  	v7 =	vld [tilespmem:s22+$0x1910];
	v4 =	vadd.f32 v9, v4  }
0x2a2: {  	v0 =	vadd.f32 v10, v0;
	v9 =	vld [tilespmem:s22+$0x1920]  }
0x2a3: {  	v10 =	vld [tilespmem:s22+$0x4880];
	v1 =	vadd.f32 v6, v1  }
0x2a4: {  	v6 =	vld [tilespmem:s22+$0x4890];
	v2 =	vadd.f32 v8, v2  }
0x2a5: {  	v3 =	vadd.f32 v11, v3;
	v8 =	vld [tilespmem:s22+$0x48A0]  }
0x2a6: {  	v11 =	vld [tilespmem:s22+$0x1A40];
	v5 =	vadd.f32 v7, v5  }
0x2a7: {  	v7 =	vld [tilespmem:s22+$0x1A50];
	v4 =	vadd.f32 v9, v4  }
0x2a8: {  	v0 =	vadd.f32 v10, v0;
	v9 =	vld [tilespmem:s22+$0x1A60]  }
0x2a9: {  	v10 =	vld [tilespmem:s22+$0x49C0];
	v1 =	vadd.f32 v6, v1  }
0x2aa: {  	v6 =	vld [tilespmem:s22+$0x49D0];
	v2 =	vadd.f32 v8, v2  }
0x2ab: {  	v3 =	vadd.f32 v11, v3;
	v8 =	vld [tilespmem:s22+$0x49E0]  }
0x2ac: {  	v11 =	vld [tilespmem:s22+$0x1B80];
	v5 =	vadd.f32 v7, v5  }
0x2ad: {  	v7 =	vld [tilespmem:s22+$0x1B90];
	v4 =	vadd.f32 v9, v4  }
0x2ae: {  	v0 =	vadd.f32 v10, v0;
	v9 =	vld [tilespmem:s22+$0x1BA0]  }
0x2af: {  	v10 =	vld [tilespmem:s22+$0x4B00];
	v1 =	vadd.f32 v6, v1  }
0x2b0: {  	v6 =	vld [tilespmem:s22+$0x4B10];
	v2 =	vadd.f32 v8, v2  }
0x2b1: {  	v3 =	vadd.f32 v11, v3;
	v8 =	vld [tilespmem:s22+$0x4B20]  }
0x2b2: {  	v11 =	vld [tilespmem:s22+$0x1CC0];
	v5 =	vadd.f32 v7, v5  }
0x2b3: {  	v7 =	vld [tilespmem:s22+$0x1CD0];
	v4 =	vadd.f32 v9, v4  }
0x2b4: {  	v0 =	vadd.f32 v10, v0;
	v9 =	vld [tilespmem:s22+$0x1CE0]  }
0x2b5: {  	v10 =	vld [tilespmem:s25+$0x0];
	v1 =	vadd.f32 v6, v1  }
0x2b6: {  	v6 =	vld [tilespmem:s22+$0x4C40];
	v2 =	vadd.f32 v8, v2  }
0x2b7: {  	v3 =	vadd.f32 v11, v3;
	v8 =	vld [tilespmem:s26+$0x0]  }
0x2b8: {  	v5 =	vadd.f32 v7, v5;
	v7 =	vld [tilespmem:s22+$0x4C50]  }
0x2b9: {  	v4 =	vadd.f32 v9, v4;
	v9 =	vld [tilespmem:s24+$0x0]  }
0x2ba: {  	v3 =	vadd.f32 v10, v3;
	v10 =	vld [tilespmem:s22+$0x4C60]  }
0x2bb: {  	v0 =	vadd.f32 v6, v0;
	v6 =	vld [tilespmem:s22+$0x4D80]  }
0x2bc: {  	v5 =	vadd.f32 v8, v5;
	v8 =	vld [tilespmem:s22+$0x4D90]  }
0x2bd: {  	v1 =	vadd.f32 v7, v1;
	v7 =	vld [tilespmem:s22+$0x4DA0]  }
0x2be: {  	v11 =	vld [tilespmem:s22+$0x1F40];
	v4 =	vadd.f32 v9, v4  }
0x2bf: {  	v9 =	vld [tilespmem:s22+$0x1F50];
	v2 =	vadd.f32 v10, v2  }
0x2c0: {  	v0 =	vadd.f32 v6, v0;
	v6 =	vld [tilespmem:s22+$0x1F60]  }
0x2c1: {  	v10 =	vld [tilespmem:s22+$0x4EC0];
	v1 =	vadd.f32 v8, v1  }
0x2c2: {  	v8 =	vld [tilespmem:s22+$0x4ED0];
	v2 =	vadd.f32 v7, v2  }
0x2c3: {  	v3 =	vadd.f32 v11, v3;
	v7 =	vld [tilespmem:s22+$0x4EE0]  }
0x2c4: {  	v11 =	vld [tilespmem:s22+$0x2080];
	v5 =	vadd.f32 v9, v5  }
0x2c5: {  	v9 =	vld [tilespmem:s22+$0x2090];
	v4 =	vadd.f32 v6, v4  }
0x2c6: {  	v0 =	vadd.f32 v10, v0;
	v6 =	vld [tilespmem:s22+$0x20A0]  }
0x2c7: {  	v10 =	vld [tilespmem:s22+$0x21C0];
	v1 =	vadd.f32 v8, v1  }
0x2c8: {  	v0 =	vmax.f32 v0, $1.000000000e+00;
	v8 =	vld [tilespmem:s22+$0x21D0];
	v2 =	vadd.f32 v7, v2  }
0x2c9: {  	v3 =	vadd.f32 v11, v3;
	v1 =	vmax.f32 v1, $1.000000000e+00;
	v7 =	vld [tilespmem:s22+$0x21E0];
	(erf) = vrcp.f32 v0  }
0x2ca: {  	v0 =	vld [tilespmem:s22+$0x2300];
	v5 =	vadd.f32 v9, v5;
	v2 =	vmax.f32 v2, $1.000000000e+00;
	(erf) = vrcp.f32 v1  }
0x2cb: {  	v1 =	vld [tilespmem:s22+$0x2310];
	v4 =	vadd.f32 v6, v4;
	(erf) = vrcp.f32 v2  }
0x2cc: {  	v2 =	vadd.f32 v10, v3;
	v3 =	vld [tilespmem:s22+$0x2320]  }
0x2cd: {  	v6 =	vld [tilespmem:s22+$0x2440];
	v5 =	vadd.f32 v8, v5  }
0x2ce: {  	v8 =	vld [tilespmem:s22+$0x2450];
	v4 =	vadd.f32 v7, v4  }
0x2cf: {  	v0 =	vadd.f32 v0, v2;
	v9 =	vld [tilespmem:s22+$0x2460]  }
0x2d0: {  	v10 =	vld [tilespmem:s22+$0x2580];
	v1 =	vadd.f32 v1, v5  }
0x2d1: {  	v11 =	vld [tilespmem:s22+$0x2590];
	v3 =	vadd.f32 v3, v4  }
0x2d2: {  	v4 =	vadd.f32 v6, v0;
	v12 =	vld [tilespmem:s22+$0x25A0];
	v2 =	vpop (erf)  }
.Ltmp0:
0x2d3: {  	v7 =	vld [tilespmem:s22+$0x26C0];
	v8 =	vadd.f32 v8, v1;
	v0 =	vpop (erf);
	(pc) =	sbr.rel @p0 .LBB2_2-.Ltmp0, $4  }
0x2d4: {  	v5 =	vld [tilespmem:s22+$0x26D0];
	v13 =	vadd.f32 v9, v3;
	v1 =	vpop (erf)  }
0x2d5: {  	v10 =	vadd.f32 v10, v4;
	v6 =	vld [tilespmem:s22+$0x26E0]  }
0x2d6: {  	v3 =	vld [tilespmem:s22+$0xA000];
	v9 =	vadd.f32 v11, v8  }
0x2d7: {  	s23 =	sadd.s32 $0x4, s23;
	v4 =	vld [tilespmem:s22+$0xA010];
	v8 =	vadd.f32 v12, v13  }
0x2d8: {  	v7 =	vadd.f32 v7, v10  }
0x2d9: {  	v10 =	vld [tilespmem:s22+$0xA020];
	v5 =	vadd.f32 v5, v9  }
0x2da: {  	v2 =	vmul.f32 v2, v7;
	v6 =	vadd.f32 v6, v8  }
0x2db: {  	v0 =	vmul.f32 v0, v5  }
0x2dc: {  	v2 =	vadd.f32 v2, v3;
	v1 =	vmul.f32 v1, v6  }
0x2dd: {  	v0 =	vadd.f32 v0, v4  }
0x2de: {  	[tilespmem:s22+$0xA280] =	vst v2;
	v1 =	vadd.f32 v1, v10  }
0x2df: {  	[tilespmem:s22+$0xA290] =	vst v0  }
0x2e0: {  	[tilespmem:s22+$0xA2A0] =	vst v1;
	s22 =	simm.s32 $0x0  }
0x2e1: {  	v0 =	vld [tilespmem:s22+$0x7800];
	_ =	sdelay $0x4  }
0x2e2: {  	v37 =	vld [tilespmem:s22+$0x7830];
	[tilespmem:$0x1F680] =	vst v0  }
0x2e3: {  	v0 =	vld [tilespmem:s22+$0x7810];
	_ =	sdelay $0x4  }
0x2e4: {  	v38 =	vld [tilespmem:s22+$0x7970];
	[tilespmem:$0x1F6A0] =	vst v0  }
0x2e5: {  	v0 =	vld [tilespmem:s22+$0x7820];
	_ =	sdelay $0x4  }
0x2e6: {  	v39 =	vld [tilespmem:s22+$0x7AB0];
	[tilespmem:$0x1F6B0] =	vst v0  }
0x2e7: {  	v0 =	vld [tilespmem:s22+$0x7940];
	_ =	sdelay $0x4  }
0x2e8: {  	v41 =	vld [tilespmem:s22+$0x7BF0];
	[tilespmem:$0x1F690] =	vst v0  }
0x2e9: {  	v0 =	vld [tilespmem:s22+$0x7950];
	_ =	sdelay $0x4  }
0x2ea: {  	v42 =	vld [tilespmem:s22+$0x7D30];
	[tilespmem:$0x1F6C0] =	vst v0  }
0x2eb: {  	v43 =	vld [tilespmem:s22+$0x7E70]  }
0x2ec: {  	v44 =	vld [tilespmem:s22+$0x5030]  }
0x2ed: {  	v46 =	vld [tilespmem:s22+$0x7FB0]  }
0x2ee: {  	v47 =	vld [tilespmem:s22+$0x5170]  }
0x2ef: {  	v48 =	vld [tilespmem:s22+$0x80F0]  }
0x2f0: {  	v49 =	vld [tilespmem:s22+$0x52B0]  }
0x2f1: {  	v52 =	vld [tilespmem:s22+$0x8230]  }
0x2f2: {  	v53 =	vld [tilespmem:s22+$0x53F0]  }
0x2f3: {  	v54 =	vld [tilespmem:s22+$0x8370]  }
0x2f4: {  	v55 =	vld [tilespmem:s22+$0x5530]  }
0x2f5: {  	v60 =	vld [tilespmem:s22+$0x84B0]  }
0x2f6: {  	v61 =	vld [tilespmem:s22+$0x5670]  }
0x2f7: {  	v63 =	vld [tilespmem:s22+$0x85F0]  }
0x2f8: {  	v0 =	vld [tilespmem:s22+$0x57B0]  }
0x2f9: {  	v1 =	vld [tilespmem:s22+$0x8730]  }
0x2fa: {  	v2 =	vld [tilespmem:s22+$0x58F0]  }
0x2fb: {  	v3 =	vld [tilespmem:s22+$0x8870]  }
0x2fc: {  	v4 =	vld [tilespmem:s22+$0x5A30]  }
0x2fd: {  	v5 =	vld [tilespmem:s22+$0x89B0]  }
0x2fe: {  	v6 =	vld [tilespmem:s22+$0x5B70]  }
0x2ff: {  	v7 =	vld [tilespmem:s22+$0x8AF0]  }
0x300: {  	v8 =	vld [tilespmem:s22+$0x5CB0]  }
0x301: {  	v9 =	vld [tilespmem:s22+$0x8C30]  }
0x302: {  	v10 =	vld [tilespmem:s22+$0x5DF0]  }
0x303: {  	v11 =	vld [tilespmem:s22+$0x8D70]  }
0x304: {  	v33 =	vld [tilespmem:s22+$0x5F30]  }
0x305: {  	v34 =	vld [tilespmem:s22+$0x8EB0]  }
0x306: {  	v26 =	vld [tilespmem:s22+$0x6070]  }
0x307: {  	v27 =	vld [tilespmem:s22+$0x8FF0]  }
0x308: {  	v22 =	vld [tilespmem:s22+$0x61B0]  }
0x309: {  	v23 =	vld [tilespmem:s22+$0x9130]  }
0x30a: {  	v18 =	vld [tilespmem:s22+$0x62F0]  }
0x30b: {  	v19 =	vld [tilespmem:s22+$0x9270]  }
0x30c: {  	v16 =	vld [tilespmem:s22+$0x6430]  }
0x30d: {  	v17 =	vld [tilespmem:s22+$0x93B0]  }
0x30e: {  	v14 =	vld [tilespmem:s22+$0x6570]  }
0x30f: {  	v13 =	vld [tilespmem:s22+$0x94F0]  }
0x310: {  	v12 =	vld [tilespmem:s22+$0x66B0]  }
0x311: {  	v15 =	vld [tilespmem:s22+$0x9630]  }
0x312: {  	v20 =	vld [tilespmem:s22+$0x67F0]  }
0x313: {  	v21 =	vld [tilespmem:s22+$0x9770]  }
0x314: {  	v24 =	vld [tilespmem:s22+$0x6930]  }
0x315: {  	v25 =	vld [tilespmem:s22+$0x98B0]  }
0x316: {  	v28 =	vld [tilespmem:s22+$0x6A70]  }
0x317: {  	v29 =	vld [tilespmem:s22+$0x99F0]  }
0x318: {  	v30 =	vld [tilespmem:s22+$0x6BB0]  }
0x319: {  	v31 =	vld [tilespmem:s22+$0x9B30]  }
0x31a: {  	v45 =	vld [tilespmem:s22+$0x9EF0]  }
0x31b: {  	v32 =	vld [tilespmem:s22+$0x6CF0]  }
0x31c: {  	v35 =	vld [tilespmem:s22+$0x9C70]  }
0x31d: {  	v36 =	vld [tilespmem:s22+$0x6E30]  }
0x31e: {  	v40 =	vld [tilespmem:s22+$0x9DB0]  }
0x31f: {  	v57 =	vld [tilespmem:s22+$0x6F70];
	[tilespmem:$0x1F6D0] =	vst v45  }
0x320: {  	v45 =	vld [tilespmem:s22+$0x70B0];
	_ =	sdelay $0x4  }
0x321: {  	[tilespmem:$0x1F6E0] =	vst v45  }
0x322: {  	v45 =	vld [tilespmem:s22+$0x71F0];
	_ =	sdelay $0x4  }
0x323: {  	v58 =	vld [tilespmem:s22+$0x7960];
	[tilespmem:$0x1F6F0] =	vst v45  }
0x324: {  	v45 =	vld [tilespmem:s22+$0x7330];
	_ =	sdelay $0x4  }
0x325: {  	v51 =	vld [tilespmem:s22+$0x7A80];
	[tilespmem:$0x1F730] =	vst v45  }
0x326: {  	v50 =	vld [tilespmem:s22+$0x7470];
	_ =	sdelay $0x4  }
0x327: {  	v45 =	vld [tilespmem:s22+$0x7A90];
	[tilespmem:$0x1F770] =	vst v50  }
0x328: {  	v50 =	vld [tilespmem:s22+$0x75B0];
	_ =	sdelay $0x4  }
0x329: {  	v56 =	vld [tilespmem:s22+$0x7AA0];
	[tilespmem:$0x1FB10] =	vst v50  }
0x32a: {  	v50 =	vld [tilespmem:s22+$0x76F0];
	_ =	sdelay $0x4  }
0x32b: {  	v59 =	vld [tilespmem:s22+$0x7BC0];
	[tilespmem:$0x1FB30] =	vst v50  }
0x32c: {  	v62 =	vld [tilespmem:s22+$0x7BE0];
	_ =	sdelay $0x4  }
0x32d: {  	v50 =	vld [tilespmem:s22+$0x7BD0];
	[tilespmem:$0x1F700] =	vst v62  }
0x32e: {  	v62 =	vld [tilespmem:s22+$0x7D00];
	_ =	sdelay $0x4  }
0x32f: {  	[tilespmem:$0x1F710] =	vst v62  }
0x330: {  	v62 =	vld [tilespmem:s22+$0xA170];
	_ =	sdelay $0x4  }
0x331: {  	[tilespmem:$0x1FB40] =	vst v62  }
0x332: {  	v62 =	vld [tilespmem:s22+$0x7D10];
	_ =	sdelay $0x4  }
0x333: {  	[tilespmem:$0x1F720] =	vst v62  }
0x334: {  	v62 =	vld [tilespmem:s22+$0x7D20];
	_ =	sdelay $0x4  }
0x335: {  	[tilespmem:$0x1F740] =	vst v62  }
0x336: {  	v62 =	vld [tilespmem:s22+$0x7E40];
	_ =	sdelay $0x4  }
0x337: {  	[tilespmem:$0x1F750] =	vst v62  }
0x338: {  	v62 =	vld [tilespmem:s22+$0x7E50];
	_ =	sdelay $0x4  }
0x339: {  	[tilespmem:$0x1F760] =	vst v62  }
0x33a: {  	v62 =	vld [tilespmem:s22+$0x7E60];
	_ =	sdelay $0x4  }
0x33b: {  	[tilespmem:$0x1F780] =	vst v62  }
0x33c: {  	v62 =	vld [tilespmem:s22+$0x5000];
	_ =	sdelay $0x4  }
0x33d: {  	[tilespmem:$0x1F7B0] =	vst v62  }
0x33e: {  	v62 =	vld [tilespmem:s22+$0x5010];
	_ =	sdelay $0x4  }
0x33f: {  	[tilespmem:$0x1F7C0] =	vst v62  }
0x340: {  	v62 =	vld [tilespmem:s22+$0x5020];
	_ =	sdelay $0x4  }
0x341: {  	[tilespmem:$0x1F7E0] =	vst v62  }
0x342: {  	v62 =	vld [tilespmem:s22+$0x7F80];
	_ =	sdelay $0x4  }
0x343: {  	[tilespmem:$0x1F790] =	vst v62  }
0x344: {  	v62 =	vld [tilespmem:s22+$0x7F90];
	_ =	sdelay $0x4  }
0x345: {  	[tilespmem:$0x1F7A0] =	vst v62  }
0x346: {  	v62 =	vld [tilespmem:s22+$0x7FA0];
	_ =	sdelay $0x4  }
0x347: {  	[tilespmem:$0x1F7D0] =	vst v62  }
0x348: {  	v62 =	vld [tilespmem:s22+$0x5140];
	_ =	sdelay $0x4  }
0x349: {  	[tilespmem:$0x1F7F0] =	vst v62  }
0x34a: {  	v62 =	vld [tilespmem:s22+$0x5150];
	_ =	sdelay $0x4  }
0x34b: {  	[tilespmem:$0x1F800] =	vst v62  }
0x34c: {  	v62 =	vld [tilespmem:s22+$0x5160];
	_ =	sdelay $0x4  }
0x34d: {  	[tilespmem:$0x1F810] =	vst v62  }
0x34e: {  	v62 =	vld [tilespmem:s22+$0x80C0];
	_ =	sdelay $0x4  }
0x34f: {  	[tilespmem:$0x1F820] =	vst v62  }
0x350: {  	v62 =	vld [tilespmem:s22+$0x80D0];
	_ =	sdelay $0x4  }
0x351: {  	[tilespmem:$0x1F830] =	vst v62  }
0x352: {  	v62 =	vld [tilespmem:s22+$0x80E0];
	_ =	sdelay $0x4  }
0x353: {  	[tilespmem:$0x1F840] =	vst v62  }
0x354: {  	v62 =	vld [tilespmem:s22+$0x5280];
	_ =	sdelay $0x4  }
0x355: {  	[tilespmem:$0x1F850] =	vst v62  }
0x356: {  	v62 =	vld [tilespmem:s22+$0x5290];
	_ =	sdelay $0x4  }
0x357: {  	[tilespmem:$0x1F860] =	vst v62  }
0x358: {  	v62 =	vld [tilespmem:s22+$0x52A0];
	_ =	sdelay $0x4  }
0x359: {  	[tilespmem:$0x1F870] =	vst v62  }
0x35a: {  	v62 =	vld [tilespmem:s22+$0x8200];
	_ =	sdelay $0x4  }
0x35b: {  	[tilespmem:$0x1F880] =	vst v62  }
0x35c: {  	v62 =	vld [tilespmem:s22+$0x8210];
	_ =	sdelay $0x4  }
0x35d: {  	[tilespmem:$0x1F890] =	vst v62  }
0x35e: {  	v62 =	vld [tilespmem:s22+$0x8220];
	_ =	sdelay $0x4  }
0x35f: {  	[tilespmem:$0x1F8A0] =	vst v62  }
0x360: {  	v62 =	vld [tilespmem:s22+$0x53C0];
	_ =	sdelay $0x3  }
0x361: {  	v37 =	vadd.f32 $0.0e+00, v37  }
0x362: {  	[tilespmem:$0x1F8B0] =	vst v62  }
0x363: {  	v37 =	vadd.f32 v38, v37;
	v38 =	vld [tilespmem:s22+$0x53D0];
	_ =	sdelay $0x4  }
0x364: {  	[tilespmem:$0x1F8C0] =	vst v38  }
0x365: {  	v38 =	vld [tilespmem:s22+$0x53E0];
	_ =	sdelay $0x4  }
0x366: {  	[tilespmem:$0x1F8D0] =	vst v38  }
0x367: {  	v38 =	vld [tilespmem:s22+$0x8340];
	_ =	sdelay $0x4  }
0x368: {  	[tilespmem:$0x1F8E0] =	vst v38  }
0x369: {  	v38 =	vld [tilespmem:s22+$0x8350];
	_ =	sdelay $0x4  }
0x36a: {  	[tilespmem:$0x1F8F0] =	vst v38  }
0x36b: {  	v38 =	vld [tilespmem:s22+$0x8360];
	_ =	sdelay $0x4  }
0x36c: {  	[tilespmem:$0x1F900] =	vst v38  }
0x36d: {  	v38 =	vld [tilespmem:s22+$0x5500];
	_ =	sdelay $0x4  }
0x36e: {  	[tilespmem:$0x1F910] =	vst v38  }
0x36f: {  	v38 =	vld [tilespmem:s22+$0x5510];
	_ =	sdelay $0x4  }
0x370: {  	[tilespmem:$0x1F920] =	vst v38  }
0x371: {  	v37 =	vadd.f32 v39, v37;
	v38 =	vld [tilespmem:s22+$0x5520];
	_ =	sdelay $0x1  }
0x372: {  	v37 =	vadd.f32 v41, v37;
	_ =	sdelay $0x1  }
0x373: {  	v37 =	vadd.f32 v42, v37  }
0x374: {  	[tilespmem:$0x1F930] =	vst v38  }
0x375: {  	v37 =	vadd.f32 v43, v37;
	v43 =	vadd.f32 $0.0e+00, v44;
	v44 =	vld [tilespmem:s22+$0x8480];
	_ =	sdelay $0x4  }
0x376: {  	[tilespmem:$0x1F940] =	vst v44  }
0x377: {  	v39 =	vld [tilespmem:s22+$0x8490];
	_ =	sdelay $0x4  }
0x378: {  	[tilespmem:$0x1F950] =	vst v39  }
0x379: {  	v39 =	vld [tilespmem:s22+$0x84A0];
	_ =	sdelay $0x4  }
0x37a: {  	[tilespmem:$0x1F960] =	vst v39  }
0x37b: {  	v39 =	vld [tilespmem:s22+$0x5640];
	_ =	sdelay $0x4  }
0x37c: {  	[tilespmem:$0x1F970] =	vst v39  }
0x37d: {  	v39 =	vld [tilespmem:s22+$0x5650];
	_ =	sdelay $0x4  }
0x37e: {  	[tilespmem:$0x1F980] =	vst v39  }
0x37f: {  	v39 =	vld [tilespmem:s22+$0x5660];
	_ =	sdelay $0x4  }
0x380: {  	[tilespmem:$0x1F990] =	vst v39  }
0x381: {  	v39 =	vld [tilespmem:s22+$0x85C0];
	_ =	sdelay $0x4  }
0x382: {  	[tilespmem:$0x1F9A0] =	vst v39  }
0x383: {  	v39 =	vld [tilespmem:s22+$0x85D0];
	_ =	sdelay $0x4  }
0x384: {  	[tilespmem:$0x1F9B0] =	vst v39  }
0x385: {  	v39 =	vld [tilespmem:s22+$0x85E0];
	_ =	sdelay $0x4  }
0x386: {  	[tilespmem:$0x1F9C0] =	vst v39  }
0x387: {  	v39 =	vld [tilespmem:s22+$0x5780];
	_ =	sdelay $0x4  }
0x388: {  	[tilespmem:$0x1F9D0] =	vst v39  }
0x389: {  	v39 =	vld [tilespmem:s22+$0x5790];
	_ =	sdelay $0x4  }
0x38a: {  	[tilespmem:$0x1F9E0] =	vst v39  }
0x38b: {  	v39 =	vld [tilespmem:s22+$0x57A0];
	_ =	sdelay $0x1  }
0x38c: {  	v37 =	vadd.f32 v46, v37;
	_ =	sdelay $0x1  }
0x38d: {  	v37 =	vadd.f32 v48, v37  }
0x38e: {  	[tilespmem:$0x1F9F0] =	vst v39  }
0x38f: {  	v37 =	vadd.f32 v52, v37;
	v62 =	vld [tilespmem:s22+$0x8700];
	_ =	sdelay $0x1  }
0x390: {  	v37 =	vadd.f32 v54, v37;
	_ =	sdelay $0x1  }
0x391: {  	v37 =	vadd.f32 v60, v37  }
0x392: {  	v38 =	vadd.f32 v47, v43;
	[tilespmem:$0x1FA00] =	vst v62  }
0x393: {  	v37 =	vadd.f32 v63, v37;
	v63 =	vld [tilespmem:s22+$0x8710]  }
0x394: {  	v38 =	vadd.f32 v49, v38;
	_ =	sdelay $0x1  }
0x395: {  	v38 =	vadd.f32 v53, v38  }
0x396: {  	v1 =	vadd.f32 v1, v37  }
0x397: {  	v38 =	vadd.f32 v55, v38;
	[tilespmem:$0x1FA10] =	vst v63  }
0x398: {  	v1 =	vadd.f32 v3, v1;
	v3 =	vld [tilespmem:s22+$0x58C0]  }
0x399: {  	v38 =	vadd.f32 v61, v38;
	_ =	sdelay $0x1  }
0x39a: {  	v0 =	vadd.f32 v0, v38;
	_ =	sdelay $0x1  }
0x39b: {  	v0 =	vadd.f32 v2, v0;
	v2 =	vld [tilespmem:s22+$0x8720];
	[tilespmem:$0x1FA20] =	vst v3  }
0x39c: {  	v3 =	vld [tilespmem:s22+$0x8850];
	_ =	sdelay $0x2  }
0x39d: {  	v0 =	vadd.f32 v4, v0;
	v4 =	vld [tilespmem:s22+$0x58D0]  }
0x39e: {  	v1 =	vadd.f32 v5, v1;
	v5 =	vld [tilespmem:s22+$0x58E0]  }
0x39f: {  	v0 =	vadd.f32 v6, v0;
	v6 =	vld [tilespmem:s22+$0x8840];
	[tilespmem:$0x1FA30] =	vst v3  }
0x3a0: {  	v3 =	vld [tilespmem:s22+$0x8860];
	_ =	sdelay $0x4  }
0x3a1: {  	[tilespmem:$0x1FA40] =	vst v3  }
0x3a2: {  	v3 =	vld [tilespmem:s22+$0x5A00];
	_ =	sdelay $0x4  }
0x3a3: {  	[tilespmem:$0x1FA50] =	vst v3  }
0x3a4: {  	v3 =	vld [tilespmem:s22+$0x5A10];
	_ =	sdelay $0x4  }
0x3a5: {  	[tilespmem:$0x1FA60] =	vst v3  }
0x3a6: {  	v3 =	vld [tilespmem:s22+$0x5A20];
	_ =	sdelay $0x4  }
0x3a7: {  	[tilespmem:$0x1FA70] =	vst v3  }
0x3a8: {  	v3 =	vld [tilespmem:s22+$0x8980];
	_ =	sdelay $0x4  }
0x3a9: {  	[tilespmem:$0x1FA80] =	vst v3  }
0x3aa: {  	v3 =	vld [tilespmem:s22+$0x8990];
	_ =	sdelay $0x4  }
0x3ab: {  	[tilespmem:$0x1FA90] =	vst v3  }
0x3ac: {  	v3 =	vld [tilespmem:s22+$0x89A0];
	_ =	sdelay $0x4  }
0x3ad: {  	[tilespmem:$0x1FAA0] =	vst v3  }
0x3ae: {  	v3 =	vld [tilespmem:s22+$0x5B40];
	_ =	sdelay $0x1  }
0x3af: {  	v0 =	vadd.f32 v8, v0;
	_ =	sdelay $0x1  }
0x3b0: {  	v0 =	vadd.f32 v10, v0  }
0x3b1: {  	v1 =	vadd.f32 v7, v1;
	[tilespmem:$0x1FAB0] =	vst v3  }
0x3b2: {  	v0 =	vadd.f32 v33, v0;
	v3 =	vld [tilespmem:s22+$0x5B50]  }
0x3b3: {  	v1 =	vadd.f32 v9, v1  }
0x3b4: {  	v0 =	vadd.f32 v26, v0  }
0x3b5: {  	v1 =	vadd.f32 v11, v1  }
0x3b6: {  	v0 =	vadd.f32 v22, v0  }
0x3b7: {  	v1 =	vadd.f32 v34, v1;
	[tilespmem:$0x1FAC0] =	vst v3  }
0x3b8: {  	v0 =	vadd.f32 v18, v0;
	v3 =	vld [tilespmem:s22+$0x5B60]  }
0x3b9: {  	v1 =	vadd.f32 v27, v1  }
0x3ba: {  	v0 =	vadd.f32 v16, v0  }
0x3bb: {  	v1 =	vadd.f32 v23, v1  }
0x3bc: {  	v0 =	vadd.f32 v14, v0  }
0x3bd: {  	v1 =	vadd.f32 v19, v1;
	[tilespmem:$0x1FAD0] =	vst v3  }
0x3be: {  	v0 =	vadd.f32 v12, v0;
	v3 =	vld [tilespmem:s22+$0x8AC0]  }
0x3bf: {  	v1 =	vadd.f32 v17, v1  }
0x3c0: {  	v0 =	vadd.f32 v20, v0  }
0x3c1: {  	v1 =	vadd.f32 v13, v1  }
0x3c2: {  	v0 =	vadd.f32 v24, v0  }
0x3c3: {  	v1 =	vadd.f32 v15, v1;
	[tilespmem:$0x1FAE0] =	vst v3  }
0x3c4: {  	v0 =	vadd.f32 v28, v0;
	v3 =	vld [tilespmem:s22+$0x8AD0]  }
0x3c5: {  	v1 =	vadd.f32 v21, v1  }
0x3c6: {  	v9 =	vadd.f32 v30, v0;
	v0 =	vld [tilespmem:$0x1F680]  }
0x3c7: {  	v1 =	vadd.f32 v25, v1;
	_ =	sdelay $0x1  }
0x3c8: {  	[tilespmem:$0x1FAF0] =	vst v3;
	v3 =	vadd.f32 v29, v1;
	_ =	sdelay $0x1  }
0x3c9: {  	v30 =	vadd.f32 v31, v3;
	v31 =	vadd.f32 $0.0e+00, v0;
	v0 =	vld [tilespmem:$0x1F690];
	_ =	sdelay $0x3  }
0x3ca: {  	v61 =	vld [tilespmem:s22+$0x8AE0]  }
0x3cb: {  	v21 =	vadd.f32 v0, v31;
	v0 =	vld [tilespmem:$0x1F6A0]  }
0x3cc: {  	v63 =	vld [tilespmem:s22+$0x5C80]  }
0x3cd: {  	v60 =	vld [tilespmem:s22+$0x5C90]  }
0x3ce: {  	v55 =	vld [tilespmem:s22+$0x5CA0]  }
0x3cf: {  	v53 =	vld [tilespmem:s22+$0x8C00]  }
0x3d0: {  	v34 =	vadd.f32 v35, v30;
	v35 =	vadd.f32 $0.0e+00, v0;
	v0 =	vld [tilespmem:$0x1F6B0]  }
0x3d1: {  	v54 =	vld [tilespmem:s22+$0x8C10]  }
0x3d2: {  	v49 =	vld [tilespmem:s22+$0x8C20]  }
0x3d3: {  	v52 =	vld [tilespmem:s22+$0x5DC0]  }
0x3d4: {  	v48 =	vld [tilespmem:s22+$0x5DD0]  }
0x3d5: {  	v12 =	vadd.f32 $0.0e+00, v0;
	v0 =	vld [tilespmem:$0x1F6C0]  }
0x3d6: {  	v47 =	vld [tilespmem:s22+$0x5DE0]  }
0x3d7: {  	v46 =	vld [tilespmem:s22+$0x8D40]  }
0x3d8: {  	v44 =	vld [tilespmem:s22+$0x8D50]  }
0x3d9: {  	v43 =	vld [tilespmem:s22+$0x8D60]  }
0x3da: {  	v24 =	vadd.f32 v0, v35;
	v0 =	vld [tilespmem:$0x1F6D0]  }
0x3db: {  	v42 =	vld [tilespmem:s22+$0x5F00]  }
0x3dc: {  	v41 =	vld [tilespmem:s22+$0x5F10]  }
0x3dd: {  	v39 =	vld [tilespmem:s22+$0x5F20];
	v62 =	vadd.f32 v40, v34  }
0x3de: {  	v38 =	vld [tilespmem:s22+$0x8E80]  }
0x3df: {  	v37 =	vld [tilespmem:s22+$0x8E90];
	v0 =	vadd.f32 v0, v62  }
0x3e0: {  	v33 =	vadd.f32 v32, v9;
	v34 =	vld [tilespmem:s22+$0x8EA0]  }
0x3e1: {  	[tilespmem:$0x1FB00] =	vst v0;
	v0 =	vld [tilespmem:$0x1F6E0]  }
0x3e2: {  	v20 =	vadd.f32 v36, v33;
	_ =	sdelay $0x1  }
0x3e3: {  	v13 =	vadd.f32 v57, v20;
	_ =	sdelay $0x1  }
0x3e4: {  	v31 =	vadd.f32 v0, v13;
	v0 =	vld [tilespmem:$0x1F6F0];
	_ =	sdelay $0x4  }
0x3e5: {  	v17 =	vadd.f32 v0, v31;
	v0 =	vld [tilespmem:$0x1F700]  }
0x3e6: {  	v14 =	vadd.f32 v58, v12;
	_ =	sdelay $0x1  }
0x3e7: {  	v25 =	vadd.f32 v56, v14;
	_ =	sdelay $0x1  }
0x3e8: {  	v18 =	vadd.f32 v0, v25;
	v0 =	vld [tilespmem:$0x1F710]  }
0x3e9: {  	v21 =	vadd.f32 v51, v21;
	_ =	sdelay $0x1  }
0x3ea: {  	v16 =	vadd.f32 v59, v21;
	_ =	sdelay $0x1  }
0x3eb: {  	v35 =	vadd.f32 v0, v16;
	v0 =	vld [tilespmem:$0x1F720]  }
0x3ec: {  	v15 =	vadd.f32 v45, v24;
	_ =	sdelay $0x1  }
0x3ed: {  	v32 =	vadd.f32 v50, v15;
	_ =	sdelay $0x1  }
0x3ee: {  	v19 =	vadd.f32 v0, v32;
	v0 =	vld [tilespmem:$0x1F730];
	_ =	sdelay $0x4  }
0x3ef: {  	v20 =	vadd.f32 v0, v17;
	v0 =	vld [tilespmem:$0x1F740];
	_ =	sdelay $0x4  }
0x3f0: {  	v40 =	vadd.f32 v0, v18;
	v0 =	vld [tilespmem:$0x1F750];
	_ =	sdelay $0x4  }
0x3f1: {  	v21 =	vadd.f32 v0, v35;
	v0 =	vld [tilespmem:$0x1F760];
	_ =	sdelay $0x2  }
0x3f2: {  	v33 =	vld [tilespmem:s22+$0x6040]  }
0x3f3: {  	v30 =	vld [tilespmem:s22+$0x6050]  }
0x3f4: {  	v45 =	vadd.f32 v0, v19;
	v0 =	vld [tilespmem:$0x1F770]  }
0x3f5: {  	v29 =	vld [tilespmem:s22+$0x6060]  }
0x3f6: {  	v28 =	vld [tilespmem:s22+$0x8FC0]  }
0x3f7: {  	v27 =	vld [tilespmem:s22+$0x8FD0]  }
0x3f8: {  	v36 =	vld [tilespmem:s22+$0x6190]  }
0x3f9: {  	v31 =	vld [tilespmem:s22+$0x8FE0];
	v0 =	vadd.f32 v0, v20  }
0x3fa: {  	v32 =	vld [tilespmem:s22+$0x6180]  }
0x3fb: {  	[tilespmem:$0x1FB20] =	vst v0;
	v0 =	vld [tilespmem:$0x1F780];
	_ =	sdelay $0x4  }
0x3fc: {  	v40 =	vadd.f32 v0, v40;
	v0 =	vld [tilespmem:$0x1F790];
	_ =	sdelay $0x4  }
0x3fd: {  	v51 =	vadd.f32 v0, v21;
	v0 =	vld [tilespmem:$0x1F7A0];
	_ =	sdelay $0x4  }
0x3fe: {  	v45 =	vadd.f32 v0, v45;
	v0 =	vld [tilespmem:$0x1F7B0];
	_ =	sdelay $0x4  }
0x3ff: {  	v22 =	vadd.f32 $0.0e+00, v0;
	v0 =	vld [tilespmem:$0x1F7C0];
	_ =	sdelay $0x4  }
0x400: {  	v23 =	vadd.f32 $0.0e+00, v0;
	v0 =	vld [tilespmem:$0x1F7D0];
	_ =	sdelay $0x4  }
0x401: {  	v40 =	vadd.f32 v0, v40;
	v0 =	vld [tilespmem:$0x1F7E0];
	_ =	sdelay $0x4  }
0x402: {  	v35 =	vadd.f32 $0.0e+00, v0;
	v0 =	vld [tilespmem:$0x1F7F0];
	_ =	sdelay $0x4  }
0x403: {  	v57 =	vadd.f32 v0, v22;
	v0 =	vld [tilespmem:$0x1F800];
	_ =	sdelay $0x4  }
0x404: {  	v58 =	vadd.f32 v0, v23;
	v0 =	vld [tilespmem:$0x1F810];
	_ =	sdelay $0x4  }
0x405: {  	v62 =	vadd.f32 v0, v35;
	v0 =	vld [tilespmem:$0x1F820];
	_ =	sdelay $0x4  }
0x406: {  	v51 =	vadd.f32 v0, v51;
	v0 =	vld [tilespmem:$0x1F830];
	_ =	sdelay $0x4  }
0x407: {  	v45 =	vadd.f32 v0, v45;
	v0 =	vld [tilespmem:$0x1F840];
	_ =	sdelay $0x4  }
0x408: {  	v40 =	vadd.f32 v0, v40;
	v0 =	vld [tilespmem:$0x1F850];
	_ =	sdelay $0x4  }
0x409: {  	v57 =	vadd.f32 v0, v57;
	v0 =	vld [tilespmem:$0x1F860];
	_ =	sdelay $0x4  }
0x40a: {  	v58 =	vadd.f32 v0, v58;
	v0 =	vld [tilespmem:$0x1F870];
	_ =	sdelay $0x4  }
0x40b: {  	v62 =	vadd.f32 v0, v62;
	v0 =	vld [tilespmem:$0x1F880];
	_ =	sdelay $0x4  }
0x40c: {  	v51 =	vadd.f32 v0, v51;
	v0 =	vld [tilespmem:$0x1F890];
	_ =	sdelay $0x4  }
0x40d: {  	v45 =	vadd.f32 v0, v45;
	v0 =	vld [tilespmem:$0x1F8A0];
	_ =	sdelay $0x4  }
0x40e: {  	v40 =	vadd.f32 v0, v40;
	v0 =	vld [tilespmem:$0x1F8B0];
	_ =	sdelay $0x4  }
0x40f: {  	v57 =	vadd.f32 v0, v57;
	v0 =	vld [tilespmem:$0x1F8C0];
	_ =	sdelay $0x4  }
0x410: {  	v58 =	vadd.f32 v0, v58;
	v0 =	vld [tilespmem:$0x1F8D0];
	_ =	sdelay $0x4  }
0x411: {  	v62 =	vadd.f32 v0, v62;
	v0 =	vld [tilespmem:$0x1F8E0];
	_ =	sdelay $0x4  }
0x412: {  	v51 =	vadd.f32 v0, v51;
	v0 =	vld [tilespmem:$0x1F8F0];
	_ =	sdelay $0x4  }
0x413: {  	v45 =	vadd.f32 v0, v45;
	v0 =	vld [tilespmem:$0x1F900];
	_ =	sdelay $0x4  }
0x414: {  	v40 =	vadd.f32 v0, v40;
	v0 =	vld [tilespmem:$0x1F910];
	_ =	sdelay $0x4  }
0x415: {  	v57 =	vadd.f32 v0, v57;
	v0 =	vld [tilespmem:$0x1F920];
	_ =	sdelay $0x4  }
0x416: {  	v58 =	vadd.f32 v0, v58;
	v0 =	vld [tilespmem:$0x1F930];
	_ =	sdelay $0x4  }
0x417: {  	v62 =	vadd.f32 v0, v62;
	v0 =	vld [tilespmem:$0x1F940];
	_ =	sdelay $0x4  }
0x418: {  	v51 =	vadd.f32 v0, v51;
	v0 =	vld [tilespmem:$0x1F950];
	_ =	sdelay $0x4  }
0x419: {  	v45 =	vadd.f32 v0, v45;
	v0 =	vld [tilespmem:$0x1F960];
	_ =	sdelay $0x4  }
0x41a: {  	v40 =	vadd.f32 v0, v40;
	v0 =	vld [tilespmem:$0x1F970];
	_ =	sdelay $0x4  }
0x41b: {  	v57 =	vadd.f32 v0, v57;
	v0 =	vld [tilespmem:$0x1F980];
	_ =	sdelay $0x4  }
0x41c: {  	v58 =	vadd.f32 v0, v58;
	v0 =	vld [tilespmem:$0x1F990];
	_ =	sdelay $0x4  }
0x41d: {  	v62 =	vadd.f32 v0, v62;
	v0 =	vld [tilespmem:$0x1F9A0];
	_ =	sdelay $0x4  }
0x41e: {  	v51 =	vadd.f32 v0, v51;
	v0 =	vld [tilespmem:$0x1F9B0];
	_ =	sdelay $0x4  }
0x41f: {  	v45 =	vadd.f32 v0, v45;
	v0 =	vld [tilespmem:$0x1F9C0];
	_ =	sdelay $0x4  }
0x420: {  	v40 =	vadd.f32 v0, v40;
	v0 =	vld [tilespmem:$0x1F9D0];
	_ =	sdelay $0x4  }
0x421: {  	v57 =	vadd.f32 v0, v57;
	v0 =	vld [tilespmem:$0x1F9E0];
	_ =	sdelay $0x4  }
0x422: {  	v58 =	vadd.f32 v0, v58;
	v0 =	vld [tilespmem:$0x1F9F0];
	_ =	sdelay $0x4  }
0x423: {  	v62 =	vadd.f32 v0, v62;
	v0 =	vld [tilespmem:$0x1FA00];
	_ =	sdelay $0x4  }
0x424: {  	v51 =	vadd.f32 v0, v51;
	v0 =	vld [tilespmem:$0x1FA10];
	_ =	sdelay $0x4  }
0x425: {  	v45 =	vadd.f32 v0, v45;
	v0 =	vld [tilespmem:$0x1FA20];
	_ =	sdelay $0x4  }
0x426: {  	v57 =	vadd.f32 v0, v57;
	v0 =	vld [tilespmem:$0x1FA30];
	_ =	sdelay $0x2  }
0x427: {  	v50 =	vld [tilespmem:s22+$0x61A0]  }
0x428: {  	v56 =	vld [tilespmem:s22+$0x9100]  }
0x429: {  	v45 =	vadd.f32 v0, v45;
	v0 =	vld [tilespmem:$0x1FA40]  }
0x42a: {  	v59 =	vld [tilespmem:s22+$0x9110]  }
0x42b: {  	v26 =	vld [tilespmem:s22+$0x9120]  }
0x42c: {  	v25 =	vld [tilespmem:s22+$0x62C0];
	v40 =	vadd.f32 v2, v40  }
0x42d: {  	v24 =	vld [tilespmem:s22+$0x62D0]  }
0x42e: {  	v40 =	vadd.f32 v0, v40;
	v0 =	vld [tilespmem:$0x1FA50]  }
0x42f: {  	v20 =	vld [tilespmem:s22+$0x9260]  }
0x430: {  	v19 =	vld [tilespmem:s22+$0x6400]  }
0x431: {  	v18 =	vld [tilespmem:s22+$0x6410]  }
0x432: {  	v17 =	vld [tilespmem:s22+$0x6420]  }
0x433: {  	v57 =	vadd.f32 v0, v57;
	v0 =	vld [tilespmem:$0x1FA60]  }
0x434: {  	v16 =	vld [tilespmem:s22+$0x9380]  }
0x435: {  	v15 =	vld [tilespmem:s22+$0x9390]  }
0x436: {  	v14 =	vld [tilespmem:s22+$0x93A0];
	v58 =	vadd.f32 v4, v58  }
0x437: {  	v13 =	vld [tilespmem:s22+$0x6540]  }
0x438: {  	v58 =	vadd.f32 v0, v58;
	v0 =	vld [tilespmem:$0x1FA70]  }
0x439: {  	v12 =	vld [tilespmem:s22+$0x6550]  }
0x43a: {  	v11 =	vld [tilespmem:s22+$0x6560]  }
0x43b: {  	v10 =	vld [tilespmem:s22+$0x94C0];
	v62 =	vadd.f32 v5, v62  }
0x43c: {  	v9 =	vld [tilespmem:s22+$0x94D0]  }
0x43d: {  	v62 =	vadd.f32 v0, v62;
	v0 =	vld [tilespmem:$0x1FA80]  }
0x43e: {  	v8 =	vld [tilespmem:s22+$0x94E0]  }
0x43f: {  	v7 =	vld [tilespmem:s22+$0x6680]  }
0x440: {  	v3 =	vld [tilespmem:s22+$0x9610];
	v51 =	vadd.f32 v6, v51  }
0x441: {  	v1 =	vld [tilespmem:s22+$0x67C0]  }
0x442: {  	v51 =	vadd.f32 v0, v51;
	v0 =	vld [tilespmem:$0x1FA90]  }
0x443: {  	v21 =	vld [tilespmem:s22+$0x9250]  }
0x444: {  	v22 =	vld [tilespmem:s22+$0x9240]  }
0x445: {  	v23 =	vld [tilespmem:s22+$0x62E0]  }
0x446: {  	v35 =	vld [tilespmem:$0x1FAF0]  }
0x447: {  	v45 =	vadd.f32 v0, v45;
	v0 =	vld [tilespmem:$0x1FAA0]  }
0x448: {  	v2 =	vld [tilespmem:s22+$0x9620]  }
0x449: {  	v4 =	vld [tilespmem:s22+$0x9600]  }
0x44a: {  	v5 =	vld [tilespmem:s22+$0x66A0]  }
0x44b: {  	v6 =	vld [tilespmem:s22+$0x6690];
	v45 =	vadd.f32 v35, v45  }
0x44c: {  	v40 =	vadd.f32 v0, v40;
	v0 =	vld [tilespmem:$0x1FAB0]  }
0x44d: {  	v35 =	vld [tilespmem:s22+$0x9B00];
	v45 =	vadd.f32 v54, v45  }
0x44e: {  	v54 =	vld [tilespmem:s22+$0x6900]  }
0x44f: {  	v44 =	vadd.f32 v44, v45;
	v45 =	vld [tilespmem:s22+$0x9880]  }
0x450: {  	v40 =	vadd.f32 v61, v40;
	v61 =	vld [tilespmem:s22+$0x67E0]  }
0x451: {  	v37 =	vadd.f32 v37, v44;
	v57 =	vadd.f32 v0, v57;
	v0 =	vld [tilespmem:$0x1FAC0]  }
0x452: {  	v44 =	vld [tilespmem:s22+$0x6CD0];
	v40 =	vadd.f32 v49, v40  }
0x453: {  	v49 =	vld [tilespmem:s22+$0x9760];
	v27 =	vadd.f32 v27, v37  }
0x454: {  	v37 =	vld [tilespmem:s22+$0x9B10];
	v40 =	vadd.f32 v43, v40  }
0x455: {  	v43 =	vld [tilespmem:s22+$0x6920];
	v57 =	vadd.f32 v63, v57;
	v27 =	vadd.f32 v59, v27  }
0x456: {  	v34 =	vadd.f32 v34, v40;
	v58 =	vadd.f32 v0, v58;
	v0 =	vld [tilespmem:$0x1FAD0]  }
0x457: {  	v59 =	vld [tilespmem:s22+$0x99E0];
	v52 =	vadd.f32 v52, v57;
	v21 =	vadd.f32 v21, v27  }
0x458: {  	v63 =	vld [tilespmem:s22+$0x6B90];
	v31 =	vadd.f32 v31, v34  }
0x459: {  	v40 =	vld [tilespmem:s22+$0x98A0];
	v42 =	vadd.f32 v42, v52;
	v15 =	vadd.f32 v15, v21  }
0x45a: {  	v57 =	vld [tilespmem:s22+$0x99C0];
	v58 =	vadd.f32 v60, v58;
	v26 =	vadd.f32 v26, v31  }
0x45b: {  	v33 =	vadd.f32 v33, v42;
	v62 =	vadd.f32 v0, v62;
	v0 =	vld [tilespmem:$0x1FAE0]  }
0x45c: {  	v52 =	vld [tilespmem:s22+$0x6A50];
	v9 =	vadd.f32 v9, v15;
	v48 =	vadd.f32 v48, v58  }
0x45d: {  	v60 =	vld [tilespmem:s22+$0x9740];
	v20 =	vadd.f32 v20, v26;
	v32 =	vadd.f32 v32, v33  }
0x45e: {  	v42 =	vld [tilespmem:s22+$0x6CC0];
	v3 =	vadd.f32 v3, v9;
	v41 =	vadd.f32 v41, v48  }
0x45f: {  	v58 =	vld [tilespmem:s22+$0x99D0];
	v14 =	vadd.f32 v14, v20;
	v55 =	vadd.f32 v55, v62  }
0x460: {  	v9 =	vld [tilespmem:s22+$0x6E20];
	v25 =	vadd.f32 v25, v32;
	v51 =	vadd.f32 v0, v51  }
0x461: {  	v48 =	vld [tilespmem:s22+$0x9C40];
	v30 =	vadd.f32 v30, v41;
	v8 =	vadd.f32 v8, v14  }
0x462: {  	v62 =	vld [tilespmem:s22+$0x6B80];
	v47 =	vadd.f32 v47, v55;
	v51 =	vadd.f32 v53, v51  }
0x463: {  	v32 =	vld [tilespmem:s22+$0x6BA0];
	v19 =	vadd.f32 v19, v25;
	v30 =	vadd.f32 v36, v30  }
0x464: {  	v41 =	vld [tilespmem:s22+$0x6A40];
	v2 =	vadd.f32 v2, v8;
	v46 =	vadd.f32 v46, v51  }
0x465: {  	v55 =	vld [tilespmem:s22+$0x6A60];
	v39 =	vadd.f32 v39, v47;
	v13 =	vadd.f32 v13, v19  }
0x466: {  	v0 =	vld [tilespmem:s22+$0x67D0];
	v24 =	vadd.f32 v24, v30;
	v38 =	vadd.f32 v38, v46  }
0x467: {  	v8 =	vld [tilespmem:s22+$0x9C60];
	v2 =	vadd.f32 v49, v2;
	v29 =	vadd.f32 v29, v39  }
0x468: {  	v53 =	vld [tilespmem:s22+$0x9750];
	v7 =	vadd.f32 v7, v13;
	v28 =	vadd.f32 v28, v38  }
0x469: {  	v47 =	vld [tilespmem:s22+$0x6CE0];
	v18 =	vadd.f32 v18, v24;
	v2 =	vadd.f32 v40, v2  }
0x46a: {  	v39 =	vld [tilespmem:s22+$0x9B20];
	v29 =	vadd.f32 v50, v29;
	v28 =	vadd.f32 v56, v28  }
0x46b: {  	v49 =	vld [tilespmem:s22+$0x9D90];
	v1 =	vadd.f32 v1, v7;
	v12 =	vadd.f32 v12, v18  }
0x46c: {  	v51 =	vld [tilespmem:s22+$0x6910];
	v2 =	vadd.f32 v59, v2;
	v22 =	vadd.f32 v22, v28  }
0x46d: {  	v7 =	vld [tilespmem:s22+$0x6E10];
	v23 =	vadd.f32 v23, v29;
	v3 =	vadd.f32 v53, v3  }
0x46e: {  	v46 =	vld [tilespmem:s22+$0x9890];
	v1 =	vadd.f32 v54, v1;
	v16 =	vadd.f32 v16, v22  }
0x46f: {  	v50 =	vld [tilespmem:s22+$0x9DA0];
	v6 =	vadd.f32 v6, v12;
	v2 =	vadd.f32 v39, v2  }
0x470: {  	v59 =	vld [tilespmem:s22+$0x7440];
	v17 =	vadd.f32 v17, v23;
	v10 =	vadd.f32 v10, v16  }
0x471: {  	v53 =	vld [tilespmem:s22+$0x6F60];
	v1 =	vadd.f32 v41, v1;
	v0 =	vadd.f32 v0, v6  }
0x472: {  	v54 =	vld [tilespmem:s22+$0x9EC0];
	v2 =	vadd.f32 v8, v2;
	v4 =	vadd.f32 v4, v10  }
0x473: {  	v6 =	vld [tilespmem:s22+$0x6E00];
	v11 =	vadd.f32 v11, v17;
	v3 =	vadd.f32 v46, v3  }
0x474: {  	v56 =	vld [tilespmem:s22+$0x9EE0];
	v1 =	vadd.f32 v62, v1;
	v4 =	vadd.f32 v60, v4  }
0x475: {  	v8 =	vld [tilespmem:s22+$0x70A0];
	v0 =	vadd.f32 v51, v0;
	v5 =	vadd.f32 v5, v11  }
0x476: {  	v51 =	vld [tilespmem:s22+$0x6F40];
	v3 =	vadd.f32 v58, v3;
	v4 =	vadd.f32 v45, v4  }
0x477: {  	v11 =	vld [tilespmem:s22+$0x9D80];
	v1 =	vadd.f32 v42, v1;
	v0 =	vadd.f32 v52, v0  }
0x478: {  	v5 =	vadd.f32 v61, v5;
	v10 =	vld [tilespmem:s22+$0x9C50];
	v4 =	vadd.f32 v57, v4  }
0x479: {  	v58 =	vld [tilespmem:s22+$0x7090];
	v1 =	vadd.f32 v6, v1;
	v0 =	vadd.f32 v63, v0  }
0x47a: {  	v6 =	vld [tilespmem:$0x1FB00];
	v5 =	vadd.f32 v43, v5;
	v4 =	vadd.f32 v35, v4  }
0x47b: {  	v52 =	vld [tilespmem:s22+$0x6F50];
	v3 =	vadd.f32 v37, v3;
	v0 =	vadd.f32 v44, v0  }
0x47c: {  	v5 =	vadd.f32 v55, v5;
	v55 =	vld [tilespmem:s22+$0x9ED0];
	v4 =	vadd.f32 v48, v4  }
0x47d: {  	v61 =	vld [tilespmem:$0x1FB30];
	v3 =	vadd.f32 v10, v3  }
0x47e: {  	v0 =	vadd.f32 v7, v0;
	v7 =	vld [tilespmem:s22+$0x71E0];
	v4 =	vadd.f32 v11, v4  }
0x47f: {  	v6 =	vmax.f32 v6, $1.000000000e+00;
	v60 =	vld [tilespmem:$0x1FB20];
	v5 =	vadd.f32 v32, v5;
	v3 =	vadd.f32 v49, v3  }
0x480: {  	(erf) = vrcp.f32 v6;
	v6 =	vld [tilespmem:s22+$0x71D0];
	v4 =	vadd.f32 v54, v4  }
0x481: {  	v5 =	vadd.f32 v47, v5;
	v10 =	vld [tilespmem:s22+$0x71C0];
	v3 =	vadd.f32 v55, v3  }
0x482: {  	v2 =	vadd.f32 v50, v2;
	v0 =	vadd.f32 v52, v0;
	v57 =	vld [tilespmem:s22+$0x7080];
	v4 =	vmax.f32 v4, $1.000000000e+00  }
0x483: {  	v5 =	vadd.f32 v9, v5;
	v9 =	vld [tilespmem:s22+$0x7300];
	v3 =	vmax.f32 v3, $1.000000000e+00;
	(erf) = vrcp.f32 v4  }
0x484: {  	v0 =	vadd.f32 v58, v0;
	(erf) = vrcp.f32 v3;
	v3 =	vld [tilespmem:$0x1FB10]  }
0x485: {  	v2 =	vadd.f32 v56, v2;
	v5 =	vadd.f32 v53, v5;
	v11 =	vld [tilespmem:s22+$0x7310]  }
0x486: {  	v1 =	vadd.f32 v51, v1;
	v0 =	vadd.f32 v6, v0;
	v6 =	vld [tilespmem:s22+$0x7590]  }
0x487: {  	v2 =	vmax.f32 v2, $1.000000000e+00;
	v5 =	vadd.f32 v8, v5;
	v8 =	vld [tilespmem:s22+$0x7460]  }
0x488: {  	v1 =	vadd.f32 v57, v1;
	v4 =	vld [tilespmem:s22+$0x7320];
	(erf) = vrcp.f32 v2  }
0x489: {  	v2 =	vld [tilespmem:s22+$0x7450];
	v3 =	vadd.f32 v3, v60  }
0x48a: {  	v1 =	vadd.f32 v10, v1;
	v11 =	vadd.f32 v11, v0;
	v0 =	vld [tilespmem:$0x1FB40]  }
0x48b: {  	v10 =	vld [tilespmem:s22+$0x7580];
	v5 =	vadd.f32 v7, v5;
	v3 =	vadd.f32 v61, v3  }
0x48c: {  	v62 =	vpop (erf);
	v1 =	vadd.f32 v9, v1;
	v9 =	vld [tilespmem:s22+$0x75A0]  }
0x48d: {  	v5 =	vadd.f32 v4, v5;
	v7 =	vmul.f32 v62, v3;
	v3 =	vld [tilespmem:s22+$0x76C0]  }
0x48e: {  	v13 =	vadd.f32 v59, v1;
	v4 =	vld [tilespmem:s22+$0x76D0];
	v11 =	vadd.f32 v2, v11  }
0x48f: {  	v63 =	vadd.f32 v8, v5;
	v12 =	vadd.f32 v7, v0;
	v0 =	vpop (erf);
	v7 =	vld [tilespmem:s22+$0x76E0]  }
0x490: {  	v8 =	vadd.f32 v10, v13;
	v5 =	vld [tilespmem:s22+$0xA140];
	v1 =	vpop (erf)  }
0x491: {  	s23 =	simm.s32 $0x4;
	v10 =	vadd.f32 v6, v11;
	v6 =	vld [tilespmem:s22+$0xA150];
	v9 =	vadd.f32 v9, v63;
	[tilespmem:s22+$0xA3F0] =	vst v12;
	v2 =	vpop (erf)  }
.LBB2_4:
0x492: {  	s0 =	sshll.u32 s23, $0x4;
	p0 =	slt.u32 s23, $0x10;
	v3 =	vadd.f32 v3, v8;
	v8 =	vld [tilespmem:s22+$0xA160]  }
0x493: {  	v11 =	vld [tilespmem:s0+$0x7830];
	v4 =	vadd.f32 v4, v10  }
0x494: {  	v10 =	vld [tilespmem:s0+$0x7800];
	v0 =	vmul.f32 v0, v3;
	v3 =	vadd.f32 v7, v9  }
0x495: {  	v7 =	vld [tilespmem:s0+$0x7970];
	v1 =	vmul.f32 v1, v4  }
0x496: {  	v4 =	vld [tilespmem:s0+$0x7810];
	v0 =	vadd.f32 v0, v5;
	v2 =	vmul.f32 v2, v3  }
0x497: {  	v3 =	vld [tilespmem:s0+$0x7AB0];
	v1 =	vadd.f32 v1, v6  }
0x498: {  	v5 =	vld [tilespmem:s0+$0x7820];
	v6 =	vadd.f32 $0.0e+00, v11;
	[tilespmem:s22+$0xA3C0] =	vst v0;
	v0 =	vadd.f32 v2, v8  }
0x499: {  	v8 =	vadd.f32 $0.0e+00, v10;
	v9 =	vld [tilespmem:s0+$0x7BF0];
	[tilespmem:s22+$0xA3D0] =	vst v1  }
0x49a: {  	v1 =	vld [tilespmem:s0+$0x7940];
	v2 =	vadd.f32 v7, v6;
	[tilespmem:s22+$0xA3E0] =	vst v0;
	s22 =	smov.u32 s0  }
0x49b: {  	v4 =	vadd.f32 $0.0e+00, v4;
	v6 =	vld [tilespmem:s22+$0x7D30]  }
0x49c: {  	v7 =	vld [tilespmem:s22+$0x7950];
	v0 =	vadd.f32 v3, v2  }
0x49d: {  	v2 =	vadd.f32 $0.0e+00, v5;
	v3 =	vld [tilespmem:s22+$0x7E70]  }
0x49e: {  	v5 =	vld [tilespmem:s22+$0x5030];
	v9 =	vadd.f32 v9, v0  }
0x49f: {  	v0 =	vadd.f32 v1, v8;
	v8 =	vld [tilespmem:s22+$0x7FB0]  }
0x4a0: {  	v10 =	vld [tilespmem:s22+$0x5170];
	v6 =	vadd.f32 v6, v9  }
0x4a1: {  	v1 =	vadd.f32 v7, v4;
	v4 =	vld [tilespmem:s22+$0x80F0]  }
0x4a2: {  	v7 =	vld [tilespmem:s22+$0x52B0];
	v3 =	vadd.f32 v3, v6  }
0x4a3: {  	v5 =	vadd.f32 $0.0e+00, v5;
	v6 =	vld [tilespmem:s22+$0x8230]  }
0x4a4: {  	v9 =	vld [tilespmem:s22+$0x53F0];
	v3 =	vadd.f32 v8, v3  }
0x4a5: {  	v5 =	vadd.f32 v10, v5;
	v8 =	vld [tilespmem:s22+$0x8370]  }
0x4a6: {  	v10 =	vld [tilespmem:s22+$0x5530];
	v3 =	vadd.f32 v4, v3  }
0x4a7: {  	v4 =	vadd.f32 v7, v5;
	v5 =	vld [tilespmem:s22+$0x84B0]  }
0x4a8: {  	v7 =	vld [tilespmem:s22+$0x5670];
	v3 =	vadd.f32 v6, v3  }
0x4a9: {  	v4 =	vadd.f32 v9, v4;
	v6 =	vld [tilespmem:s22+$0x85F0]  }
0x4aa: {  	v9 =	vld [tilespmem:s22+$0x57B0];
	v3 =	vadd.f32 v8, v3  }
0x4ab: {  	v4 =	vadd.f32 v10, v4;
	v8 =	vld [tilespmem:s22+$0x8730]  }
0x4ac: {  	v10 =	vld [tilespmem:s22+$0x58F0];
	v3 =	vadd.f32 v5, v3  }
0x4ad: {  	v4 =	vadd.f32 v7, v4;
	v5 =	vld [tilespmem:s22+$0x8870]  }
0x4ae: {  	v7 =	vld [tilespmem:s22+$0x5A30];
	v3 =	vadd.f32 v6, v3  }
0x4af: {  	v4 =	vadd.f32 v9, v4;
	v6 =	vld [tilespmem:s22+$0x89B0]  }
0x4b0: {  	v9 =	vld [tilespmem:s22+$0x5B70];
	v3 =	vadd.f32 v8, v3  }
0x4b1: {  	v4 =	vadd.f32 v10, v4;
	v8 =	vld [tilespmem:s22+$0x8AF0]  }
0x4b2: {  	v10 =	vld [tilespmem:s22+$0x5CB0];
	v3 =	vadd.f32 v5, v3  }
0x4b3: {  	v4 =	vadd.f32 v7, v4;
	v5 =	vld [tilespmem:s22+$0x8C30]  }
0x4b4: {  	v7 =	vld [tilespmem:s22+$0x5DF0];
	v3 =	vadd.f32 v6, v3  }
0x4b5: {  	v4 =	vadd.f32 v9, v4;
	v6 =	vld [tilespmem:s22+$0x8D70]  }
0x4b6: {  	v9 =	vld [tilespmem:s22+$0x5F30];
	v3 =	vadd.f32 v8, v3  }
0x4b7: {  	v4 =	vadd.f32 v10, v4;
	v8 =	vld [tilespmem:s22+$0x8EB0]  }
0x4b8: {  	v10 =	vld [tilespmem:s22+$0x6070];
	v3 =	vadd.f32 v5, v3  }
0x4b9: {  	v4 =	vadd.f32 v7, v4;
	v5 =	vld [tilespmem:s22+$0x8FF0]  }
0x4ba: {  	v7 =	vld [tilespmem:s22+$0x61B0];
	v3 =	vadd.f32 v6, v3  }
0x4bb: {  	v4 =	vadd.f32 v9, v4;
	v6 =	vld [tilespmem:s22+$0x9130]  }
0x4bc: {  	v9 =	vld [tilespmem:s22+$0x62F0];
	v3 =	vadd.f32 v8, v3  }
0x4bd: {  	v4 =	vadd.f32 v10, v4;
	v8 =	vld [tilespmem:s22+$0x9270]  }
0x4be: {  	v10 =	vld [tilespmem:s22+$0x6430];
	v3 =	vadd.f32 v5, v3  }
0x4bf: {  	v4 =	vadd.f32 v7, v4;
	v5 =	vld [tilespmem:s22+$0x93B0]  }
0x4c0: {  	v7 =	vld [tilespmem:s22+$0x6570];
	v3 =	vadd.f32 v6, v3  }
0x4c1: {  	v4 =	vadd.f32 v9, v4;
	v6 =	vld [tilespmem:s22+$0x94F0]  }
0x4c2: {  	v9 =	vld [tilespmem:s22+$0x66B0];
	v3 =	vadd.f32 v8, v3  }
0x4c3: {  	v4 =	vadd.f32 v10, v4;
	v8 =	vld [tilespmem:s22+$0x9630]  }
0x4c4: {  	v10 =	vld [tilespmem:s22+$0x67F0];
	v3 =	vadd.f32 v5, v3  }
0x4c5: {  	v4 =	vadd.f32 v7, v4;
	v5 =	vld [tilespmem:s22+$0x9770]  }
0x4c6: {  	v7 =	vld [tilespmem:s22+$0x6930];
	v3 =	vadd.f32 v6, v3  }
0x4c7: {  	v4 =	vadd.f32 v9, v4;
	v6 =	vld [tilespmem:s22+$0x98B0]  }
0x4c8: {  	v9 =	vld [tilespmem:s22+$0x6A70];
	v3 =	vadd.f32 v8, v3  }
0x4c9: {  	v4 =	vadd.f32 v10, v4;
	v8 =	vld [tilespmem:s22+$0x99F0]  }
0x4ca: {  	v10 =	vld [tilespmem:s22+$0x6BB0];
	v3 =	vadd.f32 v5, v3  }
0x4cb: {  	v4 =	vadd.f32 v7, v4;
	v5 =	vld [tilespmem:s22+$0x9B30]  }
0x4cc: {  	v7 =	vld [tilespmem:s22+$0x6CF0];
	v3 =	vadd.f32 v6, v3  }
0x4cd: {  	v4 =	vadd.f32 v9, v4;
	v6 =	vld [tilespmem:s22+$0x9C70]  }
0x4ce: {  	v9 =	vld [tilespmem:s22+$0x6E30];
	v3 =	vadd.f32 v8, v3  }
0x4cf: {  	v4 =	vadd.f32 v10, v4;
	v8 =	vld [tilespmem:s22+$0x9DB0]  }
0x4d0: {  	v10 =	vld [tilespmem:s22+$0x6F70];
	v3 =	vadd.f32 v5, v3  }
0x4d1: {  	v4 =	vadd.f32 v7, v4;
	v5 =	vld [tilespmem:s22+$0x9EF0]  }
0x4d2: {  	v7 =	vld [tilespmem:s22+$0x70B0];
	v3 =	vadd.f32 v6, v3  }
0x4d3: {  	v6 =	vld [tilespmem:s22+$0x7960];
	v4 =	vadd.f32 v9, v4  }
0x4d4: {  	v9 =	vld [tilespmem:s22+$0x71F0];
	v3 =	vadd.f32 v8, v3  }
0x4d5: {  	v8 =	vld [tilespmem:s22+$0x7A80];
	v4 =	vadd.f32 v10, v4  }
0x4d6: {  	v10 =	vld [tilespmem:s22+$0x7330];
	v3 =	vadd.f32 v5, v3  }
0x4d7: {  	v5 =	vld [tilespmem:s22+$0x7A90];
	v4 =	vadd.f32 v7, v4  }
0x4d8: {  	v2 =	vadd.f32 v6, v2;
	v6 =	vld [tilespmem:s22+$0x7470];
	v3 =	vmax.f32 v3, $1.000000000e+00  }
0x4d9: {  	v7 =	vld [tilespmem:s22+$0x7AA0];
	v4 =	vadd.f32 v9, v4;
	(erf) = vrcp.f32 v3  }
0x4da: {  	v0 =	vadd.f32 v8, v0;
	v3 =	vld [tilespmem:s22+$0x75B0]  }
0x4db: {  	v8 =	vld [tilespmem:s22+$0x7BC0];
	v4 =	vadd.f32 v10, v4  }
0x4dc: {  	v1 =	vadd.f32 v5, v1;
	v5 =	vld [tilespmem:s22+$0x76F0]  }
0x4dd: {  	v9 =	vld [tilespmem:s22+$0x7BD0];
	v4 =	vadd.f32 v6, v4  }
0x4de: {  	v2 =	vadd.f32 v7, v2;
	v6 =	vld [tilespmem:s22+$0x7BE0]  }
0x4df: {  	v7 =	vld [tilespmem:s22+$0x7D00];
	v3 =	vadd.f32 v3, v4  }
0x4e0: {  	v0 =	vadd.f32 v8, v0;
	v4 =	vld [tilespmem:s22+$0xA170]  }
0x4e1: {  	v8 =	vld [tilespmem:s22+$0x7D10];
	v3 =	vadd.f32 v5, v3  }
0x4e2: {  	v1 =	vadd.f32 v9, v1;
	v5 =	vld [tilespmem:s22+$0x7D20];
	v9 =	vpop (erf)  }
0x4e3: {  	v10 =	vld [tilespmem:s22+$0x7E40];
	v2 =	vadd.f32 v6, v2;
	v3 =	vmul.f32 v9, v3  }
0x4e4: {  	v0 =	vadd.f32 v7, v0;
	v6 =	vld [tilespmem:s22+$0x7E50]  }
0x4e5: {  	v7 =	vld [tilespmem:s22+$0x7E60];
	v3 =	vadd.f32 v3, v4  }
0x4e6: {  	v4 =	vld [tilespmem:s22+$0x5000];
	v1 =	vadd.f32 v8, v1  }
0x4e7: {  	v8 =	vld [tilespmem:s22+$0x5010];
	v2 =	vadd.f32 v5, v2;
	[tilespmem:s22+$0xA3F0] =	vst v3  }
0x4e8: {  	v0 =	vadd.f32 v10, v0;
	v3 =	vld [tilespmem:s22+$0x5020]  }
0x4e9: {  	v5 =	vld [tilespmem:s22+$0x7F80];
	v1 =	vadd.f32 v6, v1  }
0x4ea: {  	v6 =	vld [tilespmem:s22+$0x7F90];
	v2 =	vadd.f32 v7, v2  }
0x4eb: {  	v4 =	vadd.f32 $0.0e+00, v4;
	v7 =	vld [tilespmem:s22+$0x7FA0]  }
0x4ec: {  	v9 =	vld [tilespmem:s22+$0x5140];
	v8 =	vadd.f32 $0.0e+00, v8  }
0x4ed: {  	v10 =	vld [tilespmem:s22+$0x5150];
	v3 =	vadd.f32 $0.0e+00, v3  }
0x4ee: {  	v0 =	vadd.f32 v5, v0;
	v5 =	vld [tilespmem:s22+$0x5160]  }
0x4ef: {  	v11 =	vld [tilespmem:s22+$0x80C0];
	v1 =	vadd.f32 v6, v1  }
0x4f0: {  	v6 =	vld [tilespmem:s22+$0x80D0];
	v2 =	vadd.f32 v7, v2  }
0x4f1: {  	v4 =	vadd.f32 v9, v4;
	v7 =	vld [tilespmem:s22+$0x80E0]  }
0x4f2: {  	v9 =	vld [tilespmem:s22+$0x5280];
	v8 =	vadd.f32 v10, v8  }
0x4f3: {  	v10 =	vld [tilespmem:s22+$0x5290];
	v3 =	vadd.f32 v5, v3  }
0x4f4: {  	v0 =	vadd.f32 v11, v0;
	v5 =	vld [tilespmem:s22+$0x52A0]  }
0x4f5: {  	v11 =	vld [tilespmem:s22+$0x8200];
	v1 =	vadd.f32 v6, v1  }
0x4f6: {  	v6 =	vld [tilespmem:s22+$0x8210];
	v2 =	vadd.f32 v7, v2  }
0x4f7: {  	v4 =	vadd.f32 v9, v4;
	v7 =	vld [tilespmem:s22+$0x8220]  }
0x4f8: {  	v9 =	vld [tilespmem:s22+$0x53C0];
	v8 =	vadd.f32 v10, v8  }
0x4f9: {  	v10 =	vld [tilespmem:s22+$0x53D0];
	v3 =	vadd.f32 v5, v3  }
0x4fa: {  	v0 =	vadd.f32 v11, v0;
	v5 =	vld [tilespmem:s22+$0x53E0]  }
0x4fb: {  	v11 =	vld [tilespmem:s22+$0x8340];
	v1 =	vadd.f32 v6, v1  }
0x4fc: {  	v6 =	vld [tilespmem:s22+$0x8350];
	v2 =	vadd.f32 v7, v2  }
0x4fd: {  	v4 =	vadd.f32 v9, v4;
	v7 =	vld [tilespmem:s22+$0x8360]  }
0x4fe: {  	v9 =	vld [tilespmem:s22+$0x5500];
	v8 =	vadd.f32 v10, v8  }
0x4ff: {  	v10 =	vld [tilespmem:s22+$0x5510];
	v3 =	vadd.f32 v5, v3  }
0x500: {  	v0 =	vadd.f32 v11, v0;
	v5 =	vld [tilespmem:s22+$0x5520]  }
0x501: {  	v11 =	vld [tilespmem:s22+$0x8480];
	v1 =	vadd.f32 v6, v1  }
0x502: {  	v6 =	vld [tilespmem:s22+$0x8490];
	v2 =	vadd.f32 v7, v2  }
0x503: {  	v4 =	vadd.f32 v9, v4;
	v7 =	vld [tilespmem:s22+$0x84A0]  }
0x504: {  	v9 =	vld [tilespmem:s22+$0x5640];
	v8 =	vadd.f32 v10, v8  }
0x505: {  	v10 =	vld [tilespmem:s22+$0x5650];
	v3 =	vadd.f32 v5, v3  }
0x506: {  	v0 =	vadd.f32 v11, v0;
	v5 =	vld [tilespmem:s22+$0x5660]  }
0x507: {  	v11 =	vld [tilespmem:s22+$0x85C0];
	v1 =	vadd.f32 v6, v1  }
0x508: {  	v6 =	vld [tilespmem:s22+$0x85D0];
	v2 =	vadd.f32 v7, v2  }
0x509: {  	v4 =	vadd.f32 v9, v4;
	v7 =	vld [tilespmem:s22+$0x85E0]  }
0x50a: {  	v9 =	vld [tilespmem:s22+$0x5780];
	v8 =	vadd.f32 v10, v8  }
0x50b: {  	v10 =	vld [tilespmem:s22+$0x5790];
	v3 =	vadd.f32 v5, v3  }
0x50c: {  	v0 =	vadd.f32 v11, v0;
	v5 =	vld [tilespmem:s22+$0x57A0]  }
0x50d: {  	v11 =	vld [tilespmem:s22+$0x8700];
	v1 =	vadd.f32 v6, v1  }
0x50e: {  	v6 =	vld [tilespmem:s22+$0x8710];
	v2 =	vadd.f32 v7, v2  }
0x50f: {  	v4 =	vadd.f32 v9, v4;
	v7 =	vld [tilespmem:s22+$0x8720]  }
0x510: {  	v9 =	vld [tilespmem:s22+$0x58C0];
	v8 =	vadd.f32 v10, v8  }
0x511: {  	v10 =	vld [tilespmem:s22+$0x58D0];
	v3 =	vadd.f32 v5, v3  }
0x512: {  	v0 =	vadd.f32 v11, v0;
	v5 =	vld [tilespmem:s22+$0x58E0]  }
0x513: {  	v11 =	vld [tilespmem:s22+$0x8840];
	v1 =	vadd.f32 v6, v1  }
0x514: {  	v6 =	vld [tilespmem:s22+$0x8850];
	v2 =	vadd.f32 v7, v2  }
0x515: {  	v4 =	vadd.f32 v9, v4;
	v7 =	vld [tilespmem:s22+$0x8860]  }
0x516: {  	v9 =	vld [tilespmem:s22+$0x5A00];
	v8 =	vadd.f32 v10, v8  }
0x517: {  	v10 =	vld [tilespmem:s22+$0x5A10];
	v3 =	vadd.f32 v5, v3  }
0x518: {  	v0 =	vadd.f32 v11, v0;
	v5 =	vld [tilespmem:s22+$0x5A20]  }
0x519: {  	v11 =	vld [tilespmem:s22+$0x8980];
	v1 =	vadd.f32 v6, v1  }
0x51a: {  	v6 =	vld [tilespmem:s22+$0x8990];
	v2 =	vadd.f32 v7, v2  }
0x51b: {  	v4 =	vadd.f32 v9, v4;
	v7 =	vld [tilespmem:s22+$0x89A0]  }
0x51c: {  	v9 =	vld [tilespmem:s22+$0x5B40];
	v8 =	vadd.f32 v10, v8  }
0x51d: {  	v10 =	vld [tilespmem:s22+$0x5B50];
	v3 =	vadd.f32 v5, v3  }
0x51e: {  	v0 =	vadd.f32 v11, v0;
	v5 =	vld [tilespmem:s22+$0x5B60]  }
0x51f: {  	v11 =	vld [tilespmem:s22+$0x8AC0];
	v1 =	vadd.f32 v6, v1  }
0x520: {  	v6 =	vld [tilespmem:s22+$0x8AD0];
	v2 =	vadd.f32 v7, v2  }
0x521: {  	v4 =	vadd.f32 v9, v4;
	v7 =	vld [tilespmem:s22+$0x8AE0]  }
0x522: {  	v9 =	vld [tilespmem:s22+$0x5C80];
	v8 =	vadd.f32 v10, v8  }
0x523: {  	v10 =	vld [tilespmem:s22+$0x5C90];
	v3 =	vadd.f32 v5, v3  }
0x524: {  	v0 =	vadd.f32 v11, v0;
	v5 =	vld [tilespmem:s22+$0x5CA0]  }
0x525: {  	v11 =	vld [tilespmem:s22+$0x8C00];
	v1 =	vadd.f32 v6, v1  }
0x526: {  	v6 =	vld [tilespmem:s22+$0x8C10];
	v2 =	vadd.f32 v7, v2  }
0x527: {  	v4 =	vadd.f32 v9, v4;
	v7 =	vld [tilespmem:s22+$0x8C20]  }
0x528: {  	v9 =	vld [tilespmem:s22+$0x5DC0];
	v8 =	vadd.f32 v10, v8  }
0x529: {  	v10 =	vld [tilespmem:s22+$0x5DD0];
	v3 =	vadd.f32 v5, v3  }
0x52a: {  	v0 =	vadd.f32 v11, v0;
	v5 =	vld [tilespmem:s22+$0x5DE0]  }
0x52b: {  	v11 =	vld [tilespmem:s22+$0x8D40];
	v1 =	vadd.f32 v6, v1  }
0x52c: {  	v6 =	vld [tilespmem:s22+$0x8D50];
	v2 =	vadd.f32 v7, v2  }
0x52d: {  	v4 =	vadd.f32 v9, v4;
	v7 =	vld [tilespmem:s22+$0x8D60]  }
0x52e: {  	v9 =	vld [tilespmem:s22+$0x5F00];
	v8 =	vadd.f32 v10, v8  }
0x52f: {  	v10 =	vld [tilespmem:s22+$0x5F10];
	v3 =	vadd.f32 v5, v3  }
0x530: {  	v0 =	vadd.f32 v11, v0;
	v5 =	vld [tilespmem:s22+$0x5F20]  }
0x531: {  	v11 =	vld [tilespmem:s22+$0x8E80];
	v1 =	vadd.f32 v6, v1  }
0x532: {  	v6 =	vld [tilespmem:s22+$0x8E90];
	v2 =	vadd.f32 v7, v2  }
0x533: {  	v4 =	vadd.f32 v9, v4;
	v7 =	vld [tilespmem:s22+$0x8EA0]  }
0x534: {  	v9 =	vld [tilespmem:s22+$0x6040];
	v8 =	vadd.f32 v10, v8  }
0x535: {  	v10 =	vld [tilespmem:s22+$0x6050];
	v3 =	vadd.f32 v5, v3  }
0x536: {  	v0 =	vadd.f32 v11, v0;
	v5 =	vld [tilespmem:s22+$0x6060]  }
0x537: {  	v11 =	vld [tilespmem:s22+$0x8FC0];
	v1 =	vadd.f32 v6, v1  }
0x538: {  	v6 =	vld [tilespmem:s22+$0x8FD0];
	v2 =	vadd.f32 v7, v2  }
0x539: {  	v4 =	vadd.f32 v9, v4;
	v7 =	vld [tilespmem:s22+$0x8FE0]  }
0x53a: {  	v9 =	vld [tilespmem:s22+$0x6180];
	v8 =	vadd.f32 v10, v8  }
0x53b: {  	v10 =	vld [tilespmem:s22+$0x6190];
	v3 =	vadd.f32 v5, v3  }
0x53c: {  	v0 =	vadd.f32 v11, v0;
	v5 =	vld [tilespmem:s22+$0x61A0]  }
0x53d: {  	v11 =	vld [tilespmem:s22+$0x9100];
	v1 =	vadd.f32 v6, v1  }
0x53e: {  	v6 =	vld [tilespmem:s22+$0x9110];
	v2 =	vadd.f32 v7, v2  }
0x53f: {  	v4 =	vadd.f32 v9, v4;
	v7 =	vld [tilespmem:s22+$0x9120]  }
0x540: {  	v9 =	vld [tilespmem:s22+$0x62C0];
	v8 =	vadd.f32 v10, v8  }
0x541: {  	v10 =	vld [tilespmem:s22+$0x62D0];
	v3 =	vadd.f32 v5, v3  }
0x542: {  	v0 =	vadd.f32 v11, v0;
	v5 =	vld [tilespmem:s22+$0x62E0]  }
0x543: {  	v11 =	vld [tilespmem:s22+$0x9240];
	v1 =	vadd.f32 v6, v1  }
0x544: {  	v6 =	vld [tilespmem:s22+$0x9250];
	v2 =	vadd.f32 v7, v2  }
0x545: {  	v4 =	vadd.f32 v9, v4;
	v7 =	vld [tilespmem:s22+$0x9260]  }
0x546: {  	v9 =	vld [tilespmem:s22+$0x6400];
	v8 =	vadd.f32 v10, v8  }
0x547: {  	v10 =	vld [tilespmem:s22+$0x6410];
	v3 =	vadd.f32 v5, v3  }
0x548: {  	v0 =	vadd.f32 v11, v0;
	v5 =	vld [tilespmem:s22+$0x6420]  }
0x549: {  	v11 =	vld [tilespmem:s22+$0x9380];
	v1 =	vadd.f32 v6, v1  }
0x54a: {  	v6 =	vld [tilespmem:s22+$0x9390];
	v2 =	vadd.f32 v7, v2  }
0x54b: {  	v4 =	vadd.f32 v9, v4;
	v7 =	vld [tilespmem:s22+$0x93A0]  }
0x54c: {  	v9 =	vld [tilespmem:s22+$0x6540];
	v8 =	vadd.f32 v10, v8  }
0x54d: {  	v10 =	vld [tilespmem:s22+$0x6550];
	v3 =	vadd.f32 v5, v3  }
0x54e: {  	v0 =	vadd.f32 v11, v0;
	v5 =	vld [tilespmem:s22+$0x6560]  }
0x54f: {  	v11 =	vld [tilespmem:s22+$0x94C0];
	v1 =	vadd.f32 v6, v1  }
0x550: {  	v6 =	vld [tilespmem:s22+$0x94D0];
	v2 =	vadd.f32 v7, v2  }
0x551: {  	v4 =	vadd.f32 v9, v4;
	v7 =	vld [tilespmem:s22+$0x94E0]  }
0x552: {  	v9 =	vld [tilespmem:s22+$0x6680];
	v8 =	vadd.f32 v10, v8  }
0x553: {  	v10 =	vld [tilespmem:s22+$0x6690];
	v3 =	vadd.f32 v5, v3  }
0x554: {  	v0 =	vadd.f32 v11, v0;
	v5 =	vld [tilespmem:s22+$0x66A0]  }
0x555: {  	v11 =	vld [tilespmem:s22+$0x9600];
	v1 =	vadd.f32 v6, v1  }
0x556: {  	v6 =	vld [tilespmem:s22+$0x9610];
	v2 =	vadd.f32 v7, v2  }
0x557: {  	v4 =	vadd.f32 v9, v4;
	v7 =	vld [tilespmem:s22+$0x9620]  }
0x558: {  	v9 =	vld [tilespmem:s22+$0x67C0];
	v8 =	vadd.f32 v10, v8  }
0x559: {  	v10 =	vld [tilespmem:s22+$0x67D0];
	v3 =	vadd.f32 v5, v3  }
0x55a: {  	v0 =	vadd.f32 v11, v0;
	v5 =	vld [tilespmem:s22+$0x67E0]  }
0x55b: {  	v11 =	vld [tilespmem:s22+$0x9740];
	v1 =	vadd.f32 v6, v1  }
0x55c: {  	v6 =	vld [tilespmem:s22+$0x9750];
	v2 =	vadd.f32 v7, v2  }
0x55d: {  	v4 =	vadd.f32 v9, v4;
	v7 =	vld [tilespmem:s22+$0x9760]  }
0x55e: {  	v9 =	vld [tilespmem:s22+$0x6900];
	v8 =	vadd.f32 v10, v8  }
0x55f: {  	v10 =	vld [tilespmem:s22+$0x6910];
	v3 =	vadd.f32 v5, v3  }
0x560: {  	v0 =	vadd.f32 v11, v0;
	v5 =	vld [tilespmem:s22+$0x6920]  }
0x561: {  	v11 =	vld [tilespmem:s22+$0x9880];
	v1 =	vadd.f32 v6, v1  }
0x562: {  	v6 =	vld [tilespmem:s22+$0x9890];
	v2 =	vadd.f32 v7, v2  }
0x563: {  	v4 =	vadd.f32 v9, v4;
	v7 =	vld [tilespmem:s22+$0x98A0]  }
0x564: {  	v9 =	vld [tilespmem:s22+$0x6A40];
	v8 =	vadd.f32 v10, v8  }
0x565: {  	v10 =	vld [tilespmem:s22+$0x6A50];
	v3 =	vadd.f32 v5, v3  }
0x566: {  	v0 =	vadd.f32 v11, v0;
	v5 =	vld [tilespmem:s22+$0x6A60]  }
0x567: {  	v11 =	vld [tilespmem:s22+$0x99C0];
	v1 =	vadd.f32 v6, v1  }
0x568: {  	v6 =	vld [tilespmem:s22+$0x99D0];
	v2 =	vadd.f32 v7, v2  }
0x569: {  	v4 =	vadd.f32 v9, v4;
	v7 =	vld [tilespmem:s22+$0x99E0]  }
0x56a: {  	v9 =	vld [tilespmem:s22+$0x6B80];
	v8 =	vadd.f32 v10, v8  }
0x56b: {  	v10 =	vld [tilespmem:s22+$0x6B90];
	v3 =	vadd.f32 v5, v3  }
0x56c: {  	v0 =	vadd.f32 v11, v0;
	v5 =	vld [tilespmem:s22+$0x6BA0]  }
0x56d: {  	v11 =	vld [tilespmem:s22+$0x9B00];
	v1 =	vadd.f32 v6, v1  }
0x56e: {  	v6 =	vld [tilespmem:s22+$0x9B10];
	v2 =	vadd.f32 v7, v2  }
0x56f: {  	v4 =	vadd.f32 v9, v4;
	v7 =	vld [tilespmem:s22+$0x9B20]  }
0x570: {  	v9 =	vld [tilespmem:s22+$0x6CC0];
	v8 =	vadd.f32 v10, v8  }
0x571: {  	v10 =	vld [tilespmem:s22+$0x6CD0];
	v3 =	vadd.f32 v5, v3  }
0x572: {  	v0 =	vadd.f32 v11, v0;
	v5 =	vld [tilespmem:s22+$0x6CE0]  }
0x573: {  	v11 =	vld [tilespmem:s22+$0x9C40];
	v1 =	vadd.f32 v6, v1  }
0x574: {  	v6 =	vld [tilespmem:s22+$0x9C50];
	v2 =	vadd.f32 v7, v2  }
0x575: {  	v4 =	vadd.f32 v9, v4;
	v7 =	vld [tilespmem:s22+$0x9C60]  }
0x576: {  	v9 =	vld [tilespmem:s22+$0x6E00];
	v8 =	vadd.f32 v10, v8  }
0x577: {  	v10 =	vld [tilespmem:s22+$0x6E10];
	v3 =	vadd.f32 v5, v3  }
0x578: {  	v0 =	vadd.f32 v11, v0;
	v5 =	vld [tilespmem:s22+$0x6E20]  }
0x579: {  	v11 =	vld [tilespmem:s22+$0x9D80];
	v1 =	vadd.f32 v6, v1  }
0x57a: {  	v6 =	vld [tilespmem:s22+$0x9D90];
	v2 =	vadd.f32 v7, v2  }
0x57b: {  	v4 =	vadd.f32 v9, v4;
	v7 =	vld [tilespmem:s22+$0x9DA0]  }
0x57c: {  	v9 =	vld [tilespmem:s22+$0x6F40];
	v8 =	vadd.f32 v10, v8  }
0x57d: {  	v10 =	vld [tilespmem:s22+$0x6F50];
	v3 =	vadd.f32 v5, v3  }
0x57e: {  	v0 =	vadd.f32 v11, v0;
	v5 =	vld [tilespmem:s22+$0x6F60]  }
0x57f: {  	v11 =	vld [tilespmem:s22+$0x9EC0];
	v1 =	vadd.f32 v6, v1  }
0x580: {  	v6 =	vld [tilespmem:s22+$0x9ED0];
	v2 =	vadd.f32 v7, v2  }
0x581: {  	v4 =	vadd.f32 v9, v4;
	v7 =	vld [tilespmem:s22+$0x9EE0]  }
0x582: {  	v9 =	vld [tilespmem:s22+$0x7080];
	v8 =	vadd.f32 v10, v8  }
0x583: {  	v10 =	vld [tilespmem:s22+$0x7090];
	v3 =	vadd.f32 v5, v3  }
0x584: {  	v0 =	vadd.f32 v11, v0;
	v5 =	vld [tilespmem:s22+$0x70A0]  }
0x585: {  	v11 =	vld [tilespmem:s22+$0x71C0];
	v1 =	vadd.f32 v6, v1  }
0x586: {  	v0 =	vmax.f32 v0, $1.000000000e+00;
	v6 =	vld [tilespmem:s22+$0x71D0];
	v2 =	vadd.f32 v7, v2  }
0x587: {  	v4 =	vadd.f32 v9, v4;
	v1 =	vmax.f32 v1, $1.000000000e+00;
	v7 =	vld [tilespmem:s22+$0x71E0];
	(erf) = vrcp.f32 v0  }
0x588: {  	v0 =	vld [tilespmem:s22+$0x7300];
	v8 =	vadd.f32 v10, v8;
	v2 =	vmax.f32 v2, $1.000000000e+00;
	(erf) = vrcp.f32 v1  }
0x589: {  	v1 =	vld [tilespmem:s22+$0x7310];
	v3 =	vadd.f32 v5, v3;
	(erf) = vrcp.f32 v2  }
0x58a: {  	v2 =	vadd.f32 v11, v4;
	v4 =	vld [tilespmem:s22+$0x7320]  }
0x58b: {  	v5 =	vld [tilespmem:s22+$0x7440];
	v6 =	vadd.f32 v6, v8  }
0x58c: {  	v8 =	vld [tilespmem:s22+$0x7450];
	v3 =	vadd.f32 v7, v3  }
0x58d: {  	v10 =	vadd.f32 v0, v2;
	v2 =	vld [tilespmem:s22+$0x7460]  }
0x58e: {  	v7 =	vld [tilespmem:s22+$0x7580];
	v12 =	vadd.f32 v1, v6  }
0x58f: {  	v6 =	vld [tilespmem:s22+$0x7590];
	v9 =	vadd.f32 v4, v3  }
0x590: {  	v5 =	vadd.f32 v5, v10;
	v11 =	vld [tilespmem:s22+$0x75A0];
	v0 =	vpop (erf)  }
.Ltmp1:
0x591: {  	v3 =	vld [tilespmem:s22+$0x76C0];
	v10 =	vadd.f32 v8, v12;
	v1 =	vpop (erf);
	(pc) =	sbr.rel @p0 .LBB2_4-.Ltmp1, $4  }
0x592: {  	v4 =	vld [tilespmem:s22+$0x76D0];
	v9 =	vadd.f32 v2, v9;
	v2 =	vpop (erf)  }
0x593: {  	v8 =	vadd.f32 v7, v5;
	v7 =	vld [tilespmem:s22+$0x76E0]  }
0x594: {  	v5 =	vld [tilespmem:s22+$0xA140];
	v10 =	vadd.f32 v6, v10  }
0x595: {  	s23 =	sadd.s32 $0x4, s23;
	v6 =	vld [tilespmem:s22+$0xA150];
	v9 =	vadd.f32 v11, v9  }
0x596: {  	v3 =	vadd.f32 v3, v8  }
0x597: {  	v61 =	vld [tilespmem:s22+$0xA160];
	v4 =	vadd.f32 v4, v10  }
0x598: {  	v0 =	vmul.f32 v0, v3;
	v62 =	vadd.f32 v7, v9  }
0x599: {  	v1 =	vmul.f32 v1, v4  }
0x59a: {  	v0 =	vadd.f32 v0, v5;
	v2 =	vmul.f32 v2, v62  }
0x59b: {  	v1 =	vadd.f32 v1, v6  }
0x59c: {  	[tilespmem:s22+$0xA3C0] =	vst v0;
	v63 =	vadd.f32 v2, v61  }
0x59d: {  	[tilespmem:s22+$0xA3D0] =	vst v1  }
0x59e: {  	[tilespmem:s22+$0xA3E0] =	vst v63  }
0x59f: {  	[hbm4b:s9+s2] =	stream.linear.scatter [tilespmem:s19], [sflag:$0x1], $0x140, $0x38;
	[tilespmem:$0xA500] =	vst v63  }
0x5a0: {  	s21 =	sadd.s32 $0x1, s21  }
0x5a1: {  	[hbm4b:s10+s2] =	stream.linear.scatter [tilespmem:s20], [sflag:$0x1], $0x140, $0x38;
	[tilespmem:$0xA500] =	vst v63  }
0x5a2: {  	p0 =	sne.s32 s21, s11;
	_ =	swait.ge [sflag:s18], $0x140  }
.Ltmp2:
0x5a3: {  	[sflag:s18] =	ssyncset.done $0x0;
	(pc) =	sbr.rel @p0 .LBB2_1-.Ltmp2, $4  }
0x5a4: {  	[sflag:s18] =	ssyncadd.s32 $0xFFFFFEC0  }
0x5a5: {  	_ =	swait.ge [sflag:s18], $0x140  }
0x5a6: {  	[sflag:s18] =	ssyncset.done $0x0  }
0x5a7: {  	[sflag:s18] =	ssyncadd.s32 $0xFFFFFEC0  }
0x5a8: {  	_ =	sfence.sel $0x180000  }
0x5a9: {  	[bflag:$0x0] =	sbarrier.arrive $0xFFFF  }
0x5aa: {  	_ =	strace $0x9000004A  }
0x5ab: {  	s0 =	stileid.u32;
	[bflag:$0x2] =	sbarrier.arrive $0xFFFF  }
0x5ac: {  	p0 =	sne.s32 s0, $0x0;
	s0 =	rddreg [dreg:$0x2]  }
0x5ad: {  	s0 =	sadd.s32 @!p0 $0x100000, s0  }
0x5ae: {  	[sflag:s0] =	ssyncadd.tile.s32 @!p0 $0x1;
	_ =	shalt  }
.Lfunc_end2:
_tile_overlayer_lowered:
.L_overlay_start_2:
0x5af: {  	(tag) =	ssettag $0x2  }
0x5b0: {  	s0 =	rddreg [dreg:$0x0];
	s2 =	stileid.u32  }
0x5b1: {  	s1 =	rddreg [dreg:$0x1];
	p0 =	sne.s32 s2, $0x0  }
0x5b2: {  	s3 =	rddreg [dreg:$0x2];
	[bflag:$0x3] =	sbarrier.arrive $0xFFFF;
	s2 =	simm.s32 @!p0 $0x1C02  }
0x5b3: {  	[timem:s3], [sflag:s2] =	dma.local @!p0 [hbm:s0], s1  }
0x5b4: {  	s0 =	simm.s32 @!p0 $0x2  }
0x5b5: {  	_ =	swait.ge @!p0 [sflag:s0], s1  }
0x5b6: {  	s1 =	ssub.s32 @!p0 $0x0, s1;
	[sflag:s0] =	ssyncset.done @!p0 $0x0  }
0x5b7: {  	[sflag:s0] =	ssyncadd.s32 @!p0 s1  }
0x5b8: {  	[bflag:$0x3] =	sbarrier.arrive $0xFFFF  }
0x5b9: {  	_ =	shalt  }

</sc_bundles>
